<compile_context>
chip_gen: v7x
topology: tpu7x:2x2x1
jax: 0.10.2.dev20260603
libtpu: 0.0.44.dev20260713+nightly
codegen_flags: <defaults>
</compile_context>

<pallas_src>
import functools

import jax
import jax.numpy as jnp
from jax import lax
from jax.experimental import pallas as pl
from jax.experimental.pallas import tpu as pltpu
from jax.experimental.pallas import tpu_sc as plsc

_D = 128
_NC = 8
_NTRAIN = 100000
_K = 10

_RB = 6272
_GRID = 16
_NPAD = _RB * _GRID
_NVEC = _RB // 16


def _tc_kernel(te_s_ref, c_ref, te_ref, cl_ref, w_ref, b_ref,
               norm_ref, dots_ref, y_ref, scal_ref):
    i = pl.program_id(0)
    blk = te_s_ref[...]
    cc = c_ref[...]
    dots = lax.dot_general(cc, blk, (((0,), (1,)), ((), ())),
                           preferred_element_type=jnp.float32)
    sq = blk * blk
    ones = jnp.ones((1, _D), jnp.float32)
    norms = lax.dot_general(ones, sq, (((1,), (1,)), ((), ())),
                            preferred_element_type=jnp.float32)
    colid = i * _RB + lax.broadcasted_iota(jnp.int32, (_NC, _RB), 1)
    valid = colid < _NTRAIN
    norm_ref[...] = jnp.where(valid[:1], norms, jnp.inf)
    dots_ref[...] = jnp.where(valid, dots, 0.0)

    @pl.when(i == 0)
    def _():
        _dense_stage(te_ref, c_ref, cl_ref, w_ref, b_ref, y_ref, scal_ref)


def _dense_stage(te_ref, c_ref, cl_ref, w_ref, b_ref, y_ref, scal_ref):
    c = c_ref[...]
    gram = lax.dot_general(c, c, (((0,), (0,)), ((), ())),
                           preferred_element_type=jnp.float32,
                           precision=lax.Precision.HIGHEST)

    eye8 = jnp.eye(8, dtype=jnp.float32)
    aug = jnp.concatenate([gram, eye8], axis=1)
    rid = lax.broadcasted_iota(jnp.int32, (8, 16), 0)
    for j in range(8):
        pv = jnp.sum(aug[j:j + 1, j:j + 1])
        row = aug[j:j + 1, :] / pv
        fac = aug[:, j:j + 1]
        aug = jnp.where(rid == j, row, aug - fac * row)
    inv = aug[:, 8:]
    gx = jnp.dot(gram, inv, preferred_element_type=jnp.float32,
                           precision=lax.Precision.HIGHEST)
    inv = jnp.dot(inv, 2.0 * eye8 - gx, preferred_element_type=jnp.float32,
                           precision=lax.Precision.HIGHEST)

    te = te_ref[...]
    a = jnp.dot(te, c, preferred_element_type=jnp.float32,
                           precision=lax.Precision.HIGHEST)
    m = lax.dot_general(c, w_ref[...], (((0,), (0,)), ((), ())),
                        preferred_element_type=jnp.float32,
                           precision=lax.Precision.HIGHEST)
    y = jnp.dot(jnp.dot(a, inv, preferred_element_type=jnp.float32,
                           precision=lax.Precision.HIGHEST), m,
                preferred_element_type=jnp.float32,
                           precision=lax.Precision.HIGHEST) + b_ref[...]
    y_ref[...] = y

    cm = cl_ref[:, 0, :]
    for s in range(1, 50):
        cm = cm + cl_ref[:, s, :]
    cm = cm * (1.0 / 50.0)

    cnorm = jnp.sqrt(jnp.sum(c * c, axis=0, keepdims=True))
    cn = c / jnp.maximum(cnorm, 1e-12)
    score = jnp.abs(jnp.dot(cm, cn, preferred_element_type=jnp.float32,
                           precision=lax.Precision.HIGHEST))
    sden = jnp.sqrt(jnp.sum(score * score, axis=0, keepdims=True))
    sn = score / jnp.maximum(sden, 1e-12)
    l1_old = jnp.sum(sn)
    g = lax.dot_general(sn, sn, (((0,), (0,)), ((), ())),
                        preferred_element_type=jnp.float32,
                           precision=lax.Precision.HIGHEST)
    r8 = lax.broadcasted_iota(jnp.int32, (8, 8), 0)
    c8 = lax.broadcasted_iota(jnp.int32, (8, 8), 1)
    l2_old = jnp.sum(jnp.where(r8 == c8, 0.0, g))
    l2_new = jnp.sum(jnp.where(r8 == c8, 0.0, gram)) * (1.0 / 64.0)

    scal_ref[...] = jnp.concatenate(
        [jnp.full((1, 1), l1_old, jnp.float32),
         jnp.full((1, 1), l2_old, jnp.float32),
         jnp.full((1, 1), l2_new, jnp.float32),
         jnp.zeros((1, 5), jnp.float32)], axis=1)


def _merge_sorted16(bk, bv, nk, nv):
    nk = lax.rev(nk, (0,))
    nv = lax.rev(nv, (0,))
    m = bk <= nk
    lk = jnp.where(m, bk, nk)
    lv = jnp.where(m, bv, nv)
    sk, sv = plsc.sort_key_val(lk, lv)
    return sk, sv


def _sc_topk_body(norm_hbm, dots_hbm, out_hbm, ck_hbm, cv_hbm,
                  nbuf, vbuf, pbk, pbv, mkbuf, mvbuf, obuf):
    core = lax.axis_index("c")
    sub = lax.axis_index("s")
    base = sub * _RB

    lanes = lax.iota(jnp.int32, 16)
    inf16 = jnp.full((16,), jnp.inf, jnp.float32)
    zero16 = jnp.zeros((16,), jnp.float32)

    pltpu.sync_copy(norm_hbm.at[0, pl.ds(base, _RB)], nbuf)
    for j in range(4):
        cglob = core * 4 + j
        pltpu.sync_copy(dots_hbm.at[cglob, pl.ds(base, _RB)], vbuf.at[j])

    for j in range(4):
        def body(it, carry, _j=j):
            new = []
            for s in range(8):
                bk, bv = carry[2 * s], carry[2 * s + 1]
                off = (it * 8 + s) * 16
                nv = vbuf[_j, pl.ds(off, 16)]
                nk = nbuf[pl.ds(off, 16)] - 2.0 * nv
                sk, sv = plsc.sort_key_val(nk, nv)
                bk, bv = _merge_sorted16(bk, bv, sk, sv)
                new += [bk, bv]
            return tuple(new)

        st = lax.fori_loop(0, _NVEC // 8, body, (inf16, zero16) * 8)
        m = []
        for s in range(4):
            m += list(_merge_sorted16(st[4 * s], st[4 * s + 1],
                                      st[4 * s + 2], st[4 * s + 3]))
        bk0, bv0 = _merge_sorted16(m[0], m[1], m[2], m[3])
        bk1, bv1 = _merge_sorted16(m[4], m[5], m[6], m[7])
        bk, bv = _merge_sorted16(bk0, bv0, bk1, bv1)
        pbk[j, :] = bk
        pbv[j, :] = bv

    for j in range(4):
        pltpu.sync_copy(pbk.at[j], ck_hbm.at[core, j, sub])
        pltpu.sync_copy(pbv.at[j], cv_hbm.at[core, j, sub])

    plsc.subcore_barrier()

    @pl.when(sub < 4)
    def _():
        pltpu.sync_copy(ck_hbm.at[core, sub], mkbuf)
        pltpu.sync_copy(cv_hbm.at[core, sub], mvbuf)
        bk, bv = inf16, zero16
        for t in range(16):
            bk, bv = _merge_sorted16(bk, bv, mkbuf[t, :], mvbuf[t, :])
        top10 = jnp.sum(jnp.where(lanes < _K, bv, 0.0))
        obuf[...] = jnp.full((16,), top10, jnp.float32)
        pltpu.sync_copy(obuf, out_hbm.at[core * 4 + sub])


@functools.lru_cache(maxsize=1)
def _sc_topk():
    cand_t = jax.ShapeDtypeStruct((2, 4, 16, 16), jnp.float32)
    return pl.kernel(
        _sc_topk_body,
        mesh=plsc.VectorSubcoreMesh(core_axis_name="c", subcore_axis_name="s"),
        out_type=[jax.ShapeDtypeStruct((_NC, 16), jnp.float32),
                  cand_t, cand_t],
        compiler_params=pltpu.CompilerParams(needs_layout_passes=False),
        scratch_types=[
            pltpu.VMEM((_RB,), jnp.float32),
            pltpu.VMEM((4, _RB), jnp.float32),
            pltpu.VMEM((4, 16), jnp.float32),
            pltpu.VMEM((4, 16), jnp.float32),
            pltpu.VMEM((16, 16), jnp.float32),
            pltpu.VMEM((16, 16), jnp.float32),
            pltpu.VMEM((16,), jnp.float32),
        ],
    )


def kernel(train_embedding, concept, clusters, train_embeddings, W_hx, b_hx):
    norms, dots, y_pred, scal = pl.pallas_call(
        _tc_kernel,
        grid=(_GRID,),
        in_specs=[
            pl.BlockSpec((_RB, _D), lambda i: (i, 0)),
            pl.BlockSpec((_D, _NC), lambda i: (0, 0)),
            pl.BlockSpec((1024, _D), lambda i: (0, 0)),
            pl.BlockSpec((100, 50, _D), lambda i: (0, 0, 0)),
            pl.BlockSpec((_D, 10), lambda i: (0, 0)),
            pl.BlockSpec((1, 10), lambda i: (0, 0)),
        ],
        out_specs=[
            pl.BlockSpec((1, _RB), lambda i: (0, i)),
            pl.BlockSpec((_NC, _RB), lambda i: (0, i)),
            pl.BlockSpec((1024, 10), lambda i: (0, 0)),
            pl.BlockSpec((1, 8), lambda i: (0, 0)),
        ],
        out_shape=[
            jax.ShapeDtypeStruct((1, _NPAD), jnp.float32),
            jax.ShapeDtypeStruct((_NC, _NPAD), jnp.float32),
            jax.ShapeDtypeStruct((1024, 10), jnp.float32),
            jax.ShapeDtypeStruct((1, 8), jnp.float32),
        ],
    )(train_embeddings, concept, train_embedding, clusters, W_hx,
      b_hx.reshape(1, 10))

    knn, _, _ = _sc_topk()(norms, dots)

    l1_new = jnp.sum(knn[:, 0]) * (1.0 / (_K * _NC))
    return (y_pred, scal[0, 0], scal[0, 1], l1_new, scal[0, 2])

# --- scband reference (transcript-rebuilt; emitter-appended) ---
"""Pipeline reference for scband-concept-net-new-70385924047534 (READ-ONLY COPY).

The authoritative reference and input builder live on the scoring server;
editing this copy changes nothing except your own understanding.
"""

import jax, jax.numpy as jnp
import numpy as np

D = 128
NC = 8
NTRAIN = 100000
NCLUST = 100
CSIZE = 50
BS = 1024
NCLASS = 10
K = 10


def _l2_normalize(x, axis):
    n = jnp.linalg.norm(x, ord=2, axis=axis, keepdims=True)
    return x / jnp.maximum(n, 1e-12)


def setup_inputs(seed: int = 0) -> dict:
    key = jax.random.key(seed)
    k1, k2, k3, k4, k5 = jax.random.split(key, 5)
    train_embedding = jax.random.normal(k1, (BS, D), dtype=jnp.float32)
    # concept initialized uniform in [-0.5, 0.5] as in init_concept
    concept = jax.random.uniform(k2, (D, NC), dtype=jnp.float32, minval=-0.5, maxval=0.5)
    clusters = jax.random.normal(k3, (NCLUST, CSIZE, D), dtype=jnp.float32)
    train_embeddings = jax.random.normal(k4, (NTRAIN, D), dtype=jnp.float32)
    # h_x is modeled as a linear classifier head: D -> NCLASS
    W_hx = jax.random.normal(k5, (D, NCLASS), dtype=jnp.float32) * 0.02
    b_hx = jnp.zeros((NCLASS,), dtype=jnp.float32)
    return {
        "train_embedding": train_embedding,
        "concept": concept,
        "clusters": clusters,
        "train_embeddings": train_embeddings,
        "W_hx": W_hx,
        "b_hx": b_hx,
    }


def reference(train_embedding, concept, clusters, train_embeddings, W_hx, b_hx):
    te_T = train_embeddings.T  # (D, NTRAIN) -- self.train_embeddings after transpose(0,1)
    concept_normalized = _l2_normalize(concept, axis=0)
    gram = concept.T @ concept
    proj_matrix = concept @ jnp.linalg.inv(gram) @ concept.T
    proj = proj_matrix @ train_embedding.T  # (D, BS)
    cluster_mean = jnp.mean(clusters, axis=1)  # (NCLUST, D)
    score_matrix = jnp.abs(cluster_mean @ concept_normalized)  # (NCLUST, NC)
    score_norm = _l2_normalize(score_matrix, axis=0)
    L_sparse_1_old = jnp.sum(score_norm)
    # sum over i != j of dot(score_norm[:, i], score_norm[:, j])
    G = score_norm.T @ score_norm
    L_sparse_2_old = jnp.sum(G) - jnp.trace(G)
    y_pred = proj.T @ W_hx + b_hx  # h_x(proj.T)
    k = K
    L_sparse_1_new = 0.0
    for concept_idx in range(NC):
        c = concept[:, concept_idx:concept_idx + 1]  # (D, 1)
        distance = jnp.linalg.norm(te_T - c, axis=0)  # (NTRAIN,)
        _, indices = jax.lax.top_k(-distance, k)  # k smallest distances
        c_knn = te_T[:, indices]  # (D, k)
        L_sparse_1_new = L_sparse_1_new + jnp.sum(c * c_knn) / k
    L_sparse_1_new = L_sparse_1_new / NC
    all_concept_dot = concept.T @ concept
    mask = 1.0 - jnp.eye(NC, dtype=concept.dtype)
    L_sparse_2_new = jnp.mean(all_concept_dot * mask)
    return (y_pred, L_sparse_1_old, L_sparse_2_old, L_sparse_1_new, L_sparse_2_new)

if __name__ == "__main__":
    import jax
    _d = setup_inputs()
    print(jax.jit(kernel)(*tuple(_d.values())))

</pallas_src>

<mosaic_0001>
#map = affine_map<(d0, d1) -> (0, 0)>
#map1 = affine_map<(d0, d1) -> (0, 0, 0, 0)>
module attributes {stable_mosaic.version = 14 : i64} {
  func.func @_sc_topk_body(%arg0: i32, %arg1: i32, %arg2: memref<1x100352xf32, #tpu.memory_space<hbm>>, %arg3: memref<8x100352xf32, #tpu.memory_space<hbm>>, %arg4: memref<8x16xf32, #tpu.memory_space<hbm>>, %arg5: memref<2x4x16x16xf32, #tpu.memory_space<hbm>>, %arg6: memref<2x4x16x16xf32, #tpu.memory_space<hbm>>, %arg7: memref<6272xf32, #tpu.memory_space<vmem>>, %arg8: memref<4x6272xf32, #tpu.memory_space<vmem>>, %arg9: memref<4x16xf32, #tpu.memory_space<vmem>>, %arg10: memref<4x16xf32, #tpu.memory_space<vmem>>, %arg11: memref<16x16xf32, #tpu.memory_space<vmem>>, %arg12: memref<16x16xf32, #tpu.memory_space<vmem>>, %arg13: memref<16xf32, #tpu.memory_space<vmem>>) attributes {dimension_semantics = [#tpu.dimension_semantics<core_parallel>, #tpu.dimension_semantics<subcore_parallel>], iteration_bounds = array<i64: 2, 16>, scalar_prefetch = 0 : i64, scratch_operands = 7 : i64, tpu.core_type = #tpu.core_type<sc_vector_subcore>, window_params = [{transform_indices = #map}, {transform_indices = #map}, {transform_indices = #map}, {transform_indices = #map1}, {transform_indices = #map1}]} {
    %mul3A = arith.constant 6272 : i32
    %mul3A_0 = arith.muli %arg1, %mul3A : i32
    %iota3A = tpu.iota {dimensions = array<i32: 0>} : vector<16xi32>
    %broadcast_in_dim3A = arith.constant 0x7F800000 : f32
    %broadcast_in_dim3A_1 = vector.broadcast %broadcast_in_dim3A : f32 to vector<16xf32>
    %broadcast_in_dim3A_2 = arith.constant 0.000000e+00 : f32
    %broadcast_in_dim3A_3 = vector.broadcast %broadcast_in_dim3A_2 : f32 to vector<16xf32>
    %run_scoped3A = arith.constant 0 : i32
    "tpu.region"() ({
      %run_scoped3A_567 = tpu.sem_alloc : memref<!tpu.dma_semaphore, #tpu.memory_space<semaphore_mem>>
      %dma_start3A = tpu.memref_slice %arg2[%run_scoped3A, %mul3A_0] : memref<1x100352xf32, #tpu.memory_space<hbm>> -> memref<1x6272xf32, #tpu.memory_space<hbm>>
      %dma_start3A_568 = tpu.memref_squeeze %dma_start3A : memref<1x6272xf32, #tpu.memory_space<hbm>> -> memref<6272xf32, #tpu.memory_space<hbm>>
      %dma_start3A_569 = tpu.memref_slice %arg2[%run_scoped3A, %mul3A_0] : memref<1x100352xf32, #tpu.memory_space<hbm>> -> memref<1x6272xf32, #tpu.memory_space<hbm>>
      %dma_start3A_570 = tpu.memref_squeeze %dma_start3A_569 : memref<1x6272xf32, #tpu.memory_space<hbm>> -> memref<6272xf32, #tpu.memory_space<hbm>>
      tpu.enqueue_dma source(%dma_start3A_570 : memref<6272xf32, #tpu.memory_space<hbm>>) target(%arg7 : memref<6272xf32, #tpu.memory_space<vmem>>) target_semaphore(%run_scoped3A_567 : memref<!tpu.dma_semaphore, #tpu.memory_space<semaphore_mem>>)
      %dma_wait3A = tpu.memref_slice %arg2[%run_scoped3A, %mul3A_0] : memref<1x100352xf32, #tpu.memory_space<hbm>> -> memref<1x6272xf32, #tpu.memory_space<hbm>>
      %dma_wait3A_571 = tpu.memref_squeeze %dma_wait3A : memref<1x6272xf32, #tpu.memory_space<hbm>> -> memref<6272xf32, #tpu.memory_space<hbm>>
      %dma_wait3A_572 = tpu.memref_slice %arg2[%run_scoped3A, %mul3A_0] : memref<1x100352xf32, #tpu.memory_space<hbm>> -> memref<1x6272xf32, #tpu.memory_space<hbm>>
      %dma_wait3A_573 = tpu.memref_squeeze %dma_wait3A_572 : memref<1x6272xf32, #tpu.memory_space<hbm>> -> memref<6272xf32, #tpu.memory_space<hbm>>
      tpu.wait_dma2 semaphore(%run_scoped3A_567 : memref<!tpu.dma_semaphore, #tpu.memory_space<semaphore_mem>>) src(%dma_wait3A_573 : memref<6272xf32, #tpu.memory_space<hbm>>) dst(%arg7 : memref<6272xf32, #tpu.memory_space<vmem>>)
      tpu.yield
    }) : () -> ()
    %mul3A_4 = arith.constant 4 : i32
    %mul3A_5 = arith.muli %arg0, %mul3A_4 : i32
    %add3A = arith.constant 0 : i32
    %add3A_6 = arith.addi %mul3A_5, %add3A : i32
    %run_scoped3A_7 = arith.constant 0 : i32
    "tpu.region"() ({
      %run_scoped3A_567 = tpu.sem_alloc : memref<!tpu.dma_semaphore, #tpu.memory_space<semaphore_mem>>
      %dma_start3A = arith.constant 0 : i32
      %dma_start3A_568 = tpu.memref_slice %arg8[%run_scoped3A_7, %dma_start3A] : memref<4x6272xf32, #tpu.memory_space<vmem>> -> memref<1x6272xf32, #tpu.memory_space<vmem>>
      %dma_start3A_569 = tpu.memref_squeeze %dma_start3A_568 : memref<1x6272xf32, #tpu.memory_space<vmem>> -> memref<6272xf32, #tpu.memory_space<vmem>>
      %dma_start3A_570 = tpu.memref_slice %arg3[%add3A_6, %mul3A_0] : memref<8x100352xf32, #tpu.memory_space<hbm>> -> memref<1x6272xf32, #tpu.memory_space<hbm>>
      %dma_start3A_571 = tpu.memref_squeeze %dma_start3A_570 : memref<1x6272xf32, #tpu.memory_space<hbm>> -> memref<6272xf32, #tpu.memory_space<hbm>>
      %dma_start3A_572 = arith.constant 0 : i32
      %dma_start3A_573 = tpu.memref_slice %arg8[%run_scoped3A_7, %dma_start3A_572] : memref<4x6272xf32, #tpu.memory_space<vmem>> -> memref<1x6272xf32, #tpu.memory_space<vmem>>
      %dma_start3A_574 = tpu.memref_squeeze %dma_start3A_573 : memref<1x6272xf32, #tpu.memory_space<vmem>> -> memref<6272xf32, #tpu.memory_space<vmem>>
      %dma_start3A_575 = tpu.memref_slice %arg3[%add3A_6, %mul3A_0] : memref<8x100352xf32, #tpu.memory_space<hbm>> -> memref<1x6272xf32, #tpu.memory_space<hbm>>
      %dma_start3A_576 = tpu.memref_squeeze %dma_start3A_575 : memref<1x6272xf32, #tpu.memory_space<hbm>> -> memref<6272xf32, #tpu.memory_space<hbm>>
      tpu.enqueue_dma source(%dma_start3A_576 : memref<6272xf32, #tpu.memory_space<hbm>>) target(%dma_start3A_574 : memref<6272xf32, #tpu.memory_space<vmem>>) target_semaphore(%run_scoped3A_567 : memref<!tpu.dma_semaphore, #tpu.memory_space<semaphore_mem>>)
      %dma_wait3A = arith.constant 0 : i32
      %dma_wait3A_577 = tpu.memref_slice %arg8[%run_scoped3A_7, %dma_wait3A] : memref<4x6272xf32, #tpu.memory_space<vmem>> -> memref<1x6272xf32, #tpu.memory_space<vmem>>
      %dma_wait3A_578 = tpu.memref_squeeze %dma_wait3A_577 : memref<1x6272xf32, #tpu.memory_space<vmem>> -> memref<6272xf32, #tpu.memory_space<vmem>>
      %dma_wait3A_579 = tpu.memref_slice %arg3[%add3A_6, %mul3A_0] : memref<8x100352xf32, #tpu.memory_space<hbm>> -> memref<1x6272xf32, #tpu.memory_space<hbm>>
      %dma_wait3A_580 = tpu.memref_squeeze %dma_wait3A_579 : memref<1x6272xf32, #tpu.memory_space<hbm>> -> memref<6272xf32, #tpu.memory_space<hbm>>
      %dma_wait3A_581 = arith.constant 0 : i32
      %dma_wait3A_582 = tpu.memref_slice %arg8[%run_scoped3A_7, %dma_wait3A_581] : memref<4x6272xf32, #tpu.memory_space<vmem>> -> memref<1x6272xf32, #tpu.memory_space<vmem>>
      %dma_wait3A_583 = tpu.memref_squeeze %dma_wait3A_582 : memref<1x6272xf32, #tpu.memory_space<vmem>> -> memref<6272xf32, #tpu.memory_space<vmem>>
      %dma_wait3A_584 = tpu.memref_slice %arg3[%add3A_6, %mul3A_0] : memref<8x100352xf32, #tpu.memory_space<hbm>> -> memref<1x6272xf32, #tpu.memory_space<hbm>>
      %dma_wait3A_585 = tpu.memref_squeeze %dma_wait3A_584 : memref<1x6272xf32, #tpu.memory_space<hbm>> -> memref<6272xf32, #tpu.memory_space<hbm>>
      tpu.wait_dma2 semaphore(%run_scoped3A_567 : memref<!tpu.dma_semaphore, #tpu.memory_space<semaphore_mem>>) src(%dma_wait3A_585 : memref<6272xf32, #tpu.memory_space<hbm>>) dst(%dma_wait3A_583 : memref<6272xf32, #tpu.memory_space<vmem>>)
      tpu.yield
    }) : () -> ()
    %mul3A_8 = arith.constant 4 : i32
    %mul3A_9 = arith.muli %arg0, %mul3A_8 : i32
    %add3A_10 = arith.constant 1 : i32
    %add3A_11 = arith.addi %mul3A_9, %add3A_10 : i32
    %run_scoped3A_12 = arith.constant 1 : i32
    "tpu.region"() ({
      %run_scoped3A_567 = tpu.sem_alloc : memref<!tpu.dma_semaphore, #tpu.memory_space<semaphore_mem>>
      %dma_start3A = arith.constant 0 : i32
      %dma_start3A_568 = tpu.memref_slice %arg8[%run_scoped3A_12, %dma_start3A] : memref<4x6272xf32, #tpu.memory_space<vmem>> -> memref<1x6272xf32, #tpu.memory_space<vmem>>
      %dma_start3A_569 = tpu.memref_squeeze %dma_start3A_568 : memref<1x6272xf32, #tpu.memory_space<vmem>> -> memref<6272xf32, #tpu.memory_space<vmem>>
      %dma_start3A_570 = tpu.memref_slice %arg3[%add3A_11, %mul3A_0] : memref<8x100352xf32, #tpu.memory_space<hbm>> -> memref<1x6272xf32, #tpu.memory_space<hbm>>
      %dma_start3A_571 = tpu.memref_squeeze %dma_start3A_570 : memref<1x6272xf32, #tpu.memory_space<hbm>> -> memref<6272xf32, #tpu.memory_space<hbm>>
      %dma_start3A_572 = arith.constant 0 : i32
      %dma_start3A_573 = tpu.memref_slice %arg8[%run_scoped3A_12, %dma_start3A_572] : memref<4x6272xf32, #tpu.memory_space<vmem>> -> memref<1x6272xf32, #tpu.memory_space<vmem>>
      %dma_start3A_574 = tpu.memref_squeeze %dma_start3A_573 : memref<1x6272xf32, #tpu.memory_space<vmem>> -> memref<6272xf32, #tpu.memory_space<vmem>>
      %dma_start3A_575 = tpu.memref_slice %arg3[%add3A_11, %mul3A_0] : memref<8x100352xf32, #tpu.memory_space<hbm>> -> memref<1x6272xf32, #tpu.memory_space<hbm>>
      %dma_start3A_576 = tpu.memref_squeeze %dma_start3A_575 : memref<1x6272xf32, #tpu.memory_space<hbm>> -> memref<6272xf32, #tpu.memory_space<hbm>>
      tpu.enqueue_dma source(%dma_start3A_576 : memref<6272xf32, #tpu.memory_space<hbm>>) target(%dma_start3A_574 : memref<6272xf32, #tpu.memory_space<vmem>>) target_semaphore(%run_scoped3A_567 : memref<!tpu.dma_semaphore, #tpu.memory_space<semaphore_mem>>)
      %dma_wait3A = arith.constant 0 : i32
      %dma_wait3A_577 = tpu.memref_slice %arg8[%run_scoped3A_12, %dma_wait3A] : memref<4x6272xf32, #tpu.memory_space<vmem>> -> memref<1x6272xf32, #tpu.memory_space<vmem>>
      %dma_wait3A_578 = tpu.memref_squeeze %dma_wait3A_577 : memref<1x6272xf32, #tpu.memory_space<vmem>> -> memref<6272xf32, #tpu.memory_space<vmem>>
      %dma_wait3A_579 = tpu.memref_slice %arg3[%add3A_11, %mul3A_0] : memref<8x100352xf32, #tpu.memory_space<hbm>> -> memref<1x6272xf32, #tpu.memory_space<hbm>>
      %dma_wait3A_580 = tpu.memref_squeeze %dma_wait3A_579 : memref<1x6272xf32, #tpu.memory_space<hbm>> -> memref<6272xf32, #tpu.memory_space<hbm>>
      %dma_wait3A_581 = arith.constant 0 : i32
      %dma_wait3A_582 = tpu.memref_slice %arg8[%run_scoped3A_12, %dma_wait3A_581] : memref<4x6272xf32, #tpu.memory_space<vmem>> -> memref<1x6272xf32, #tpu.memory_space<vmem>>
      %dma_wait3A_583 = tpu.memref_squeeze %dma_wait3A_582 : memref<1x6272xf32, #tpu.memory_space<vmem>> -> memref<6272xf32, #tpu.memory_space<vmem>>
      %dma_wait3A_584 = tpu.memref_slice %arg3[%add3A_11, %mul3A_0] : memref<8x100352xf32, #tpu.memory_space<hbm>> -> memref<1x6272xf32, #tpu.memory_space<hbm>>
      %dma_wait3A_585 = tpu.memref_squeeze %dma_wait3A_584 : memref<1x6272xf32, #tpu.memory_space<hbm>> -> memref<6272xf32, #tpu.memory_space<hbm>>
      tpu.wait_dma2 semaphore(%run_scoped3A_567 : memref<!tpu.dma_semaphore, #tpu.memory_space<semaphore_mem>>) src(%dma_wait3A_585 : memref<6272xf32, #tpu.memory_space<hbm>>) dst(%dma_wait3A_583 : memref<6272xf32, #tpu.memory_space<vmem>>)
      tpu.yield
    }) : () -> ()
    %mul3A_13 = arith.constant 4 : i32
    %mul3A_14 = arith.muli %arg0, %mul3A_13 : i32
    %add3A_15 = arith.constant 2 : i32
    %add3A_16 = arith.addi %mul3A_14, %add3A_15 : i32
    %run_scoped3A_17 = arith.constant 2 : i32
    "tpu.region"() ({
      %run_scoped3A_567 = tpu.sem_alloc : memref<!tpu.dma_semaphore, #tpu.memory_space<semaphore_mem>>
      %dma_start3A = arith.constant 0 : i32
      %dma_start3A_568 = tpu.memref_slice %arg8[%run_scoped3A_17, %dma_start3A] : memref<4x6272xf32, #tpu.memory_space<vmem>> -> memref<1x6272xf32, #tpu.memory_space<vmem>>
      %dma_start3A_569 = tpu.memref_squeeze %dma_start3A_568 : memref<1x6272xf32, #tpu.memory_space<vmem>> -> memref<6272xf32, #tpu.memory_space<vmem>>
      %dma_start3A_570 = tpu.memref_slice %arg3[%add3A_16, %mul3A_0] : memref<8x100352xf32, #tpu.memory_space<hbm>> -> memref<1x6272xf32, #tpu.memory_space<hbm>>
      %dma_start3A_571 = tpu.memref_squeeze %dma_start3A_570 : memref<1x6272xf32, #tpu.memory_space<hbm>> -> memref<6272xf32, #tpu.memory_space<hbm>>
      %dma_start3A_572 = arith.constant 0 : i32
      %dma_start3A_573 = tpu.memref_slice %arg8[%run_scoped3A_17, %dma_start3A_572] : memref<4x6272xf32, #tpu.memory_space<vmem>> -> memref<1x6272xf32, #tpu.memory_space<vmem>>
      %dma_start3A_574 = tpu.memref_squeeze %dma_start3A_573 : memref<1x6272xf32, #tpu.memory_space<vmem>> -> memref<6272xf32, #tpu.memory_space<vmem>>
      %dma_start3A_575 = tpu.memref_slice %arg3[%add3A_16, %mul3A_0] : memref<8x100352xf32, #tpu.memory_space<hbm>> -> memref<1x6272xf32, #tpu.memory_space<hbm>>
      %dma_start3A_576 = tpu.memref_squeeze %dma_start3A_575 : memref<1x6272xf32, #tpu.memory_space<hbm>> -> memref<6272xf32, #tpu.memory_space<hbm>>
      tpu.enqueue_dma source(%dma_start3A_576 : memref<6272xf32, #tpu.memory_space<hbm>>) target(%dma_start3A_574 : memref<6272xf32, #tpu.memory_space<vmem>>) target_semaphore(%run_scoped3A_567 : memref<!tpu.dma_semaphore, #tpu.memory_space<semaphore_mem>>)
      %dma_wait3A = arith.constant 0 : i32
      %dma_wait3A_577 = tpu.memref_slice %arg8[%run_scoped3A_17, %dma_wait3A] : memref<4x6272xf32, #tpu.memory_space<vmem>> -> memref<1x6272xf32, #tpu.memory_space<vmem>>
      %dma_wait3A_578 = tpu.memref_squeeze %dma_wait3A_577 : memref<1x6272xf32, #tpu.memory_space<vmem>> -> memref<6272xf32, #tpu.memory_space<vmem>>
      %dma_wait3A_579 = tpu.memref_slice %arg3[%add3A_16, %mul3A_0] : memref<8x100352xf32, #tpu.memory_space<hbm>> -> memref<1x6272xf32, #tpu.memory_space<hbm>>
      %dma_wait3A_580 = tpu.memref_squeeze %dma_wait3A_579 : memref<1x6272xf32, #tpu.memory_space<hbm>> -> memref<6272xf32, #tpu.memory_space<hbm>>
      %dma_wait3A_581 = arith.constant 0 : i32
      %dma_wait3A_582 = tpu.memref_slice %arg8[%run_scoped3A_17, %dma_wait3A_581] : memref<4x6272xf32, #tpu.memory_space<vmem>> -> memref<1x6272xf32, #tpu.memory_space<vmem>>
      %dma_wait3A_583 = tpu.memref_squeeze %dma_wait3A_582 : memref<1x6272xf32, #tpu.memory_space<vmem>> -> memref<6272xf32, #tpu.memory_space<vmem>>
      %dma_wait3A_584 = tpu.memref_slice %arg3[%add3A_16, %mul3A_0] : memref<8x100352xf32, #tpu.memory_space<hbm>> -> memref<1x6272xf32, #tpu.memory_space<hbm>>
      %dma_wait3A_585 = tpu.memref_squeeze %dma_wait3A_584 : memref<1x6272xf32, #tpu.memory_space<hbm>> -> memref<6272xf32, #tpu.memory_space<hbm>>
      tpu.wait_dma2 semaphore(%run_scoped3A_567 : memref<!tpu.dma_semaphore, #tpu.memory_space<semaphore_mem>>) src(%dma_wait3A_585 : memref<6272xf32, #tpu.memory_space<hbm>>) dst(%dma_wait3A_583 : memref<6272xf32, #tpu.memory_space<vmem>>)
      tpu.yield
    }) : () -> ()
    %mul3A_18 = arith.constant 4 : i32
    %mul3A_19 = arith.muli %arg0, %mul3A_18 : i32
    %add3A_20 = arith.constant 3 : i32
    %add3A_21 = arith.addi %mul3A_19, %add3A_20 : i32
    %run_scoped3A_22 = arith.constant 3 : i32
    "tpu.region"() ({
      %run_scoped3A_567 = tpu.sem_alloc : memref<!tpu.dma_semaphore, #tpu.memory_space<semaphore_mem>>
      %dma_start3A = arith.constant 0 : i32
      %dma_start3A_568 = tpu.memref_slice %arg8[%run_scoped3A_22, %dma_start3A] : memref<4x6272xf32, #tpu.memory_space<vmem>> -> memref<1x6272xf32, #tpu.memory_space<vmem>>
      %dma_start3A_569 = tpu.memref_squeeze %dma_start3A_568 : memref<1x6272xf32, #tpu.memory_space<vmem>> -> memref<6272xf32, #tpu.memory_space<vmem>>
      %dma_start3A_570 = tpu.memref_slice %arg3[%add3A_21, %mul3A_0] : memref<8x100352xf32, #tpu.memory_space<hbm>> -> memref<1x6272xf32, #tpu.memory_space<hbm>>
      %dma_start3A_571 = tpu.memref_squeeze %dma_start3A_570 : memref<1x6272xf32, #tpu.memory_space<hbm>> -> memref<6272xf32, #tpu.memory_space<hbm>>
      %dma_start3A_572 = arith.constant 0 : i32
      %dma_start3A_573 = tpu.memref_slice %arg8[%run_scoped3A_22, %dma_start3A_572] : memref<4x6272xf32, #tpu.memory_space<vmem>> -> memref<1x6272xf32, #tpu.memory_space<vmem>>
      %dma_start3A_574 = tpu.memref_squeeze %dma_start3A_573 : memref<1x6272xf32, #tpu.memory_space<vmem>> -> memref<6272xf32, #tpu.memory_space<vmem>>
      %dma_start3A_575 = tpu.memref_slice %arg3[%add3A_21, %mul3A_0] : memref<8x100352xf32, #tpu.memory_space<hbm>> -> memref<1x6272xf32, #tpu.memory_space<hbm>>
      %dma_start3A_576 = tpu.memref_squeeze %dma_start3A_575 : memref<1x6272xf32, #tpu.memory_space<hbm>> -> memref<6272xf32, #tpu.memory_space<hbm>>
      tpu.enqueue_dma source(%dma_start3A_576 : memref<6272xf32, #tpu.memory_space<hbm>>) target(%dma_start3A_574 : memref<6272xf32, #tpu.memory_space<vmem>>) target_semaphore(%run_scoped3A_567 : memref<!tpu.dma_semaphore, #tpu.memory_space<semaphore_mem>>)
      %dma_wait3A = arith.constant 0 : i32
      %dma_wait3A_577 = tpu.memref_slice %arg8[%run_scoped3A_22, %dma_wait3A] : memref<4x6272xf32, #tpu.memory_space<vmem>> -> memref<1x6272xf32, #tpu.memory_space<vmem>>
      %dma_wait3A_578 = tpu.memref_squeeze %dma_wait3A_577 : memref<1x6272xf32, #tpu.memory_space<vmem>> -> memref<6272xf32, #tpu.memory_space<vmem>>
      %dma_wait3A_579 = tpu.memref_slice %arg3[%add3A_21, %mul3A_0] : memref<8x100352xf32, #tpu.memory_space<hbm>> -> memref<1x6272xf32, #tpu.memory_space<hbm>>
      %dma_wait3A_580 = tpu.memref_squeeze %dma_wait3A_579 : memref<1x6272xf32, #tpu.memory_space<hbm>> -> memref<6272xf32, #tpu.memory_space<hbm>>
      %dma_wait3A_581 = arith.constant 0 : i32
      %dma_wait3A_582 = tpu.memref_slice %arg8[%run_scoped3A_22, %dma_wait3A_581] : memref<4x6272xf32, #tpu.memory_space<vmem>> -> memref<1x6272xf32, #tpu.memory_space<vmem>>
      %dma_wait3A_583 = tpu.memref_squeeze %dma_wait3A_582 : memref<1x6272xf32, #tpu.memory_space<vmem>> -> memref<6272xf32, #tpu.memory_space<vmem>>
      %dma_wait3A_584 = tpu.memref_slice %arg3[%add3A_21, %mul3A_0] : memref<8x100352xf32, #tpu.memory_space<hbm>> -> memref<1x6272xf32, #tpu.memory_space<hbm>>
      %dma_wait3A_585 = tpu.memref_squeeze %dma_wait3A_584 : memref<1x6272xf32, #tpu.memory_space<hbm>> -> memref<6272xf32, #tpu.memory_space<hbm>>
      tpu.wait_dma2 semaphore(%run_scoped3A_567 : memref<!tpu.dma_semaphore, #tpu.memory_space<semaphore_mem>>) src(%dma_wait3A_585 : memref<6272xf32, #tpu.memory_space<hbm>>) dst(%dma_wait3A_583 : memref<6272xf32, #tpu.memory_space<vmem>>)
      tpu.yield
    }) : () -> ()
    %scan3A = arith.constant 0 : i32
    %scan3A_23 = arith.constant 49 : i32
    %scan3A_24 = arith.addi %scan3A, %scan3A_23 : i32
    %scan3A_25 = arith.constant 1 : i32
    %scan3A_26:16 = scf.for %scan3A_567 = %scan3A to %scan3A_24 step %scan3A_25 iter_args(%scan3A_568 = %broadcast_in_dim3A_1, %scan3A_569 = %broadcast_in_dim3A_3, %scan3A_570 = %broadcast_in_dim3A_1, %scan3A_571 = %broadcast_in_dim3A_3, %scan3A_572 = %broadcast_in_dim3A_1, %scan3A_573 = %broadcast_in_dim3A_3, %scan3A_574 = %broadcast_in_dim3A_1, %scan3A_575 = %broadcast_in_dim3A_3, %scan3A_576 = %broadcast_in_dim3A_1, %scan3A_577 = %broadcast_in_dim3A_3, %scan3A_578 = %broadcast_in_dim3A_1, %scan3A_579 = %broadcast_in_dim3A_3, %scan3A_580 = %broadcast_in_dim3A_1, %scan3A_581 = %broadcast_in_dim3A_3, %scan3A_582 = %broadcast_in_dim3A_1, %scan3A_583 = %broadcast_in_dim3A_3) -> (vector<16xf32>, vector<16xf32>, vector<16xf32>, vector<16xf32>, vector<16xf32>, vector<16xf32>, vector<16xf32>, vector<16xf32>, vector<16xf32>, vector<16xf32>, vector<16xf32>, vector<16xf32>, vector<16xf32>, vector<16xf32>, vector<16xf32>, vector<16xf32>)  : i32 {
      %mul3A_584 = arith.constant 8 : i32
      %mul3A_585 = arith.muli %scan3A_567, %mul3A_584 : i32
      %add3A_586 = arith.constant 0 : i32
      %add3A_587 = arith.addi %mul3A_585, %add3A_586 : i32
      %mul3A_588 = arith.constant 16 : i32
      %mul3A_589 = arith.muli %add3A_587, %mul3A_588 : i32
      %get3A = arith.constant 0 : i32
      %get3A_590 = arith.index_cast %get3A : i32 to index
      %get3A_591 = arith.index_cast %mul3A_589 : i32 to index
      %get3A_592 = tpu.vector_load %arg8[%get3A_590, %get3A_591] {strides = array<i32>} : memref<4x6272xf32, #tpu.memory_space<vmem>>, vector<16xf32>,
      %get3A_593 = arith.index_cast %mul3A_589 : i32 to index
      %get3A_594 = tpu.vector_load %arg7[%get3A_593] {strides = array<i32>} : memref<6272xf32, #tpu.memory_space<vmem>>, vector<16xf32>,
      %mul3A_595 = arith.constant 2.000000e+00 : f32
      %mul3A_596 = vector.broadcast %mul3A_595 : f32 to vector<16xf32>
      %mul3A_597 = arith.mulf %mul3A_596, %get3A_592 : vector<16xf32>
      %sub3A = arith.subf %get3A_594, %mul3A_597 : vector<16xf32>
      %masked_sort3A_598 = arith.constant dense<true> : vector<16xi1>
      %masked_sort3A_599, %masked_sort3A_600, %masked_sort3A_601 = tpu.sort %sub3A, %get3A_592 masked %masked_sort3A_598 : (vector<16xf32>, vector<16xf32>, vector<16xi1>) -> (vector<16xi1>, vector<16xf32>, vector<16xf32>)
      %rev3A_602 = arith.constant 15 : i32
      %rev3A_603 = vector.broadcast %rev3A_602 : i32 to vector<16xi32>
      %rev3A_604 = tpu.iota {dimensions = array<i32: 0>} : vector<16xi32>
      %rev3A_605 = arith.subi %rev3A_603, %rev3A_604 : vector<16xi32>
      %rev3A_606 = tpu.dynamic_gather %masked_sort3A_600[%rev3A_605] in [0] : vector<16xf32>, vector<16xi32> -> vector<16xf32>
      %rev3A_607 = arith.constant 15 : i32
      %rev3A_608 = vector.broadcast %rev3A_607 : i32 to vector<16xi32>
      %rev3A_609 = tpu.iota {dimensions = array<i32: 0>} : vector<16xi32>
      %rev3A_610 = arith.subi %rev3A_608, %rev3A_609 : vector<16xi32>
      %rev3A_611 = tpu.dynamic_gather %masked_sort3A_601[%rev3A_610] in [0] : vector<16xf32>, vector<16xi32> -> vector<16xf32>
      %le3A_612 = arith.cmpf ole, %scan3A_568, %rev3A_606 : vector<16xf32>
      %select_n3A_613 = arith.select %le3A_612, %scan3A_568, %rev3A_606 : vector<16xi1>, vector<16xf32>
      %select_n3A_614 = arith.select %le3A_612, %scan3A_569, %rev3A_611 : vector<16xi1>, vector<16xf32>
      %masked_sort3A_615 = arith.constant dense<true> : vector<16xi1>
      %masked_sort3A_616, %masked_sort3A_617, %masked_sort3A_618 = tpu.sort %select_n3A_613, %select_n3A_614 masked %masked_sort3A_615 : (vector<16xf32>, vector<16xf32>, vector<16xi1>) -> (vector<16xi1>, vector<16xf32>, vector<16xf32>)
      %mul3A_619 = arith.constant 8 : i32
      %mul3A_620 = arith.muli %scan3A_567, %mul3A_619 : i32
      %add3A_621 = arith.constant 1 : i32
      %add3A_622 = arith.addi %mul3A_620, %add3A_621 : i32
      %mul3A_623 = arith.constant 16 : i32
      %mul3A_624 = arith.muli %add3A_622, %mul3A_623 : i32
      %get3A_625 = arith.constant 0 : i32
      %get3A_626 = arith.index_cast %get3A_625 : i32 to index
      %get3A_627 = arith.index_cast %mul3A_624 : i32 to index
      %get3A_628 = tpu.vector_load %arg8[%get3A_626, %get3A_627] {strides = array<i32>} : memref<4x6272xf32, #tpu.memory_space<vmem>>, vector<16xf32>,
      %get3A_629 = arith.index_cast %mul3A_624 : i32 to index
      %get3A_630 = tpu.vector_load %arg7[%get3A_629] {strides = array<i32>} : memref<6272xf32, #tpu.memory_space<vmem>>, vector<16xf32>,
      %mul3A_631 = arith.constant 2.000000e+00 : f32
      %mul3A_632 = vector.broadcast %mul3A_631 : f32 to vector<16xf32>
      %mul3A_633 = arith.mulf %mul3A_632, %get3A_628 : vector<16xf32>
      %sub3A_634 = arith.subf %get3A_630, %mul3A_633 : vector<16xf32>
      %masked_sort3A_635 = arith.constant dense<true> : vector<16xi1>
      %masked_sort3A_636, %masked_sort3A_637, %masked_sort3A_638 = tpu.sort %sub3A_634, %get3A_628 masked %masked_sort3A_635 : (vector<16xf32>, vector<16xf32>, vector<16xi1>) -> (vector<16xi1>, vector<16xf32>, vector<16xf32>)
      %rev3A_639 = arith.constant 15 : i32
      %rev3A_640 = vector.broadcast %rev3A_639 : i32 to vector<16xi32>
      %rev3A_641 = tpu.iota {dimensions = array<i32: 0>} : vector<16xi32>
      %rev3A_642 = arith.subi %rev3A_640, %rev3A_641 : vector<16xi32>
      %rev3A_643 = tpu.dynamic_gather %masked_sort3A_637[%rev3A_642] in [0] : vector<16xf32>, vector<16xi32> -> vector<16xf32>
      %rev3A_644 = arith.constant 15 : i32
      %rev3A_645 = vector.broadcast %rev3A_644 : i32 to vector<16xi32>
      %rev3A_646 = tpu.iota {dimensions = array<i32: 0>} : vector<16xi32>
      %rev3A_647 = arith.subi %rev3A_645, %rev3A_646 : vector<16xi32>
      %rev3A_648 = tpu.dynamic_gather %masked_sort3A_638[%rev3A_647] in [0] : vector<16xf32>, vector<16xi32> -> vector<16xf32>
      %le3A_649 = arith.cmpf ole, %scan3A_570, %rev3A_643 : vector<16xf32>
      %select_n3A_650 = arith.select %le3A_649, %scan3A_570, %rev3A_643 : vector<16xi1>, vector<16xf32>
      %select_n3A_651 = arith.select %le3A_649, %scan3A_571, %rev3A_648 : vector<16xi1>, vector<16xf32>
      %masked_sort3A_652 = arith.constant dense<true> : vector<16xi1>
      %masked_sort3A_653, %masked_sort3A_654, %masked_sort3A_655 = tpu.sort %select_n3A_650, %select_n3A_651 masked %masked_sort3A_652 : (vector<16xf32>, vector<16xf32>, vector<16xi1>) -> (vector<16xi1>, vector<16xf32>, vector<16xf32>)
      %mul3A_656 = arith.constant 8 : i32
      %mul3A_657 = arith.muli %scan3A_567, %mul3A_656 : i32
      %add3A_658 = arith.constant 2 : i32
      %add3A_659 = arith.addi %mul3A_657, %add3A_658 : i32
      %mul3A_660 = arith.constant 16 : i32
      %mul3A_661 = arith.muli %add3A_659, %mul3A_660 : i32
      %get3A_662 = arith.constant 0 : i32
      %get3A_663 = arith.index_cast %get3A_662 : i32 to index
      %get3A_664 = arith.index_cast %mul3A_661 : i32 to index
      %get3A_665 = tpu.vector_load %arg8[%get3A_663, %get3A_664] {strides = array<i32>} : memref<4x6272xf32, #tpu.memory_space<vmem>>, vector<16xf32>,
      %get3A_666 = arith.index_cast %mul3A_661 : i32 to index
      %get3A_667 = tpu.vector_load %arg7[%get3A_666] {strides = array<i32>} : memref<6272xf32, #tpu.memory_space<vmem>>, vector<16xf32>,
      %mul3A_668 = arith.constant 2.000000e+00 : f32
      %mul3A_669 = vector.broadcast %mul3A_668 : f32 to vector<16xf32>
      %mul3A_670 = arith.mulf %mul3A_669, %get3A_665 : vector<16xf32>
      %sub3A_671 = arith.subf %get3A_667, %mul3A_670 : vector<16xf32>
      %masked_sort3A_672 = arith.constant dense<true> : vector<16xi1>
      %masked_sort3A_673, %masked_sort3A_674, %masked_sort3A_675 = tpu.sort %sub3A_671, %get3A_665 masked %masked_sort3A_672 : (vector<16xf32>, vector<16xf32>, vector<16xi1>) -> (vector<16xi1>, vector<16xf32>, vector<16xf32>)
      %rev3A_676 = arith.constant 15 : i32
      %rev3A_677 = vector.broadcast %rev3A_676 : i32 to vector<16xi32>
      %rev3A_678 = tpu.iota {dimensions = array<i32: 0>} : vector<16xi32>
      %rev3A_679 = arith.subi %rev3A_677, %rev3A_678 : vector<16xi32>
      %rev3A_680 = tpu.dynamic_gather %masked_sort3A_674[%rev3A_679] in [0] : vector<16xf32>, vector<16xi32> -> vector<16xf32>
      %rev3A_681 = arith.constant 15 : i32
      %rev3A_682 = vector.broadcast %rev3A_681 : i32 to vector<16xi32>
      %rev3A_683 = tpu.iota {dimensions = array<i32: 0>} : vector<16xi32>
      %rev3A_684 = arith.subi %rev3A_682, %rev3A_683 : vector<16xi32>
      %rev3A_685 = tpu.dynamic_gather %masked_sort3A_675[%rev3A_684] in [0] : vector<16xf32>, vector<16xi32> -> vector<16xf32>
      %le3A_686 = arith.cmpf ole, %scan3A_572, %rev3A_680 : vector<16xf32>
      %select_n3A_687 = arith.select %le3A_686, %scan3A_572, %rev3A_680 : vector<16xi1>, vector<16xf32>
      %select_n3A_688 = arith.select %le3A_686, %scan3A_573, %rev3A_685 : vector<16xi1>, vector<16xf32>
      %masked_sort3A_689 = arith.constant dense<true> : vector<16xi1>
      %masked_sort3A_690, %masked_sort3A_691, %masked_sort3A_692 = tpu.sort %select_n3A_687, %select_n3A_688 masked %masked_sort3A_689 : (vector<16xf32>, vector<16xf32>, vector<16xi1>) -> (vector<16xi1>, vector<16xf32>, vector<16xf32>)
      %mul3A_693 = arith.constant 8 : i32
      %mul3A_694 = arith.muli %scan3A_567, %mul3A_693 : i32
      %add3A_695 = arith.constant 3 : i32
      %add3A_696 = arith.addi %mul3A_694, %add3A_695 : i32
      %mul3A_697 = arith.constant 16 : i32
      %mul3A_698 = arith.muli %add3A_696, %mul3A_697 : i32
      %get3A_699 = arith.constant 0 : i32
      %get3A_700 = arith.index_cast %get3A_699 : i32 to index
      %get3A_701 = arith.index_cast %mul3A_698 : i32 to index
      %get3A_702 = tpu.vector_load %arg8[%get3A_700, %get3A_701] {strides = array<i32>} : memref<4x6272xf32, #tpu.memory_space<vmem>>, vector<16xf32>,
      %get3A_703 = arith.index_cast %mul3A_698 : i32 to index
      %get3A_704 = tpu.vector_load %arg7[%get3A_703] {strides = array<i32>} : memref<6272xf32, #tpu.memory_space<vmem>>, vector<16xf32>,
      %mul3A_705 = arith.constant 2.000000e+00 : f32
      %mul3A_706 = vector.broadcast %mul3A_705 : f32 to vector<16xf32>
      %mul3A_707 = arith.mulf %mul3A_706, %get3A_702 : vector<16xf32>
      %sub3A_708 = arith.subf %get3A_704, %mul3A_707 : vector<16xf32>
      %masked_sort3A_709 = arith.constant dense<true> : vector<16xi1>
      %masked_sort3A_710, %masked_sort3A_711, %masked_sort3A_712 = tpu.sort %sub3A_708, %get3A_702 masked %masked_sort3A_709 : (vector<16xf32>, vector<16xf32>, vector<16xi1>) -> (vector<16xi1>, vector<16xf32>, vector<16xf32>)
      %rev3A_713 = arith.constant 15 : i32
      %rev3A_714 = vector.broadcast %rev3A_713 : i32 to vector<16xi32>
      %rev3A_715 = tpu.iota {dimensions = array<i32: 0>} : vector<16xi32>
      %rev3A_716 = arith.subi %rev3A_714, %rev3A_715 : vector<16xi32>
      %rev3A_717 = tpu.dynamic_gather %masked_sort3A_711[%rev3A_716] in [0] : vector<16xf32>, vector<16xi32> -> vector<16xf32>
      %rev3A_718 = arith.constant 15 : i32
      %rev3A_719 = vector.broadcast %rev3A_718 : i32 to vector<16xi32>
      %rev3A_720 = tpu.iota {dimensions = array<i32: 0>} : vector<16xi32>
      %rev3A_721 = arith.subi %rev3A_719, %rev3A_720 : vector<16xi32>
      %rev3A_722 = tpu.dynamic_gather %masked_sort3A_712[%rev3A_721] in [0] : vector<16xf32>, vector<16xi32> -> vector<16xf32>
      %le3A_723 = arith.cmpf ole, %scan3A_574, %rev3A_717 : vector<16xf32>
      %select_n3A_724 = arith.select %le3A_723, %scan3A_574, %rev3A_717 : vector<16xi1>, vector<16xf32>
      %select_n3A_725 = arith.select %le3A_723, %scan3A_575, %rev3A_722 : vector<16xi1>, vector<16xf32>
      %masked_sort3A_726 = arith.constant dense<true> : vector<16xi1>
      %masked_sort3A_727, %masked_sort3A_728, %masked_sort3A_729 = tpu.sort %select_n3A_724, %select_n3A_725 masked %masked_sort3A_726 : (vector<16xf32>, vector<16xf32>, vector<16xi1>) -> (vector<16xi1>, vector<16xf32>, vector<16xf32>)
      %mul3A_730 = arith.constant 8 : i32
      %mul3A_731 = arith.muli %scan3A_567, %mul3A_730 : i32
      %add3A_732 = arith.constant 4 : i32
      %add3A_733 = arith.addi %mul3A_731, %add3A_732 : i32
      %mul3A_734 = arith.constant 16 : i32
      %mul3A_735 = arith.muli %add3A_733, %mul3A_734 : i32
      %get3A_736 = arith.constant 0 : i32
      %get3A_737 = arith.index_cast %get3A_736 : i32 to index
      %get3A_738 = arith.index_cast %mul3A_735 : i32 to index
      %get3A_739 = tpu.vector_load %arg8[%get3A_737, %get3A_738] {strides = array<i32>} : memref<4x6272xf32, #tpu.memory_space<vmem>>, vector<16xf32>,
      %get3A_740 = arith.index_cast %mul3A_735 : i32 to index
      %get3A_741 = tpu.vector_load %arg7[%get3A_740] {strides = array<i32>} : memref<6272xf32, #tpu.memory_space<vmem>>, vector<16xf32>,
      %mul3A_742 = arith.constant 2.000000e+00 : f32
      %mul3A_743 = vector.broadcast %mul3A_742 : f32 to vector<16xf32>
      %mul3A_744 = arith.mulf %mul3A_743, %get3A_739 : vector<16xf32>
      %sub3A_745 = arith.subf %get3A_741, %mul3A_744 : vector<16xf32>
      %masked_sort3A_746 = arith.constant dense<true> : vector<16xi1>
      %masked_sort3A_747, %masked_sort3A_748, %masked_sort3A_749 = tpu.sort %sub3A_745, %get3A_739 masked %masked_sort3A_746 : (vector<16xf32>, vector<16xf32>, vector<16xi1>) -> (vector<16xi1>, vector<16xf32>, vector<16xf32>)
      %rev3A_750 = arith.constant 15 : i32
      %rev3A_751 = vector.broadcast %rev3A_750 : i32 to vector<16xi32>
      %rev3A_752 = tpu.iota {dimensions = array<i32: 0>} : vector<16xi32>
      %rev3A_753 = arith.subi %rev3A_751, %rev3A_752 : vector<16xi32>
      %rev3A_754 = tpu.dynamic_gather %masked_sort3A_748[%rev3A_753] in [0] : vector<16xf32>, vector<16xi32> -> vector<16xf32>
      %rev3A_755 = arith.constant 15 : i32
      %rev3A_756 = vector.broadcast %rev3A_755 : i32 to vector<16xi32>
      %rev3A_757 = tpu.iota {dimensions = array<i32: 0>} : vector<16xi32>
      %rev3A_758 = arith.subi %rev3A_756, %rev3A_757 : vector<16xi32>
      %rev3A_759 = tpu.dynamic_gather %masked_sort3A_749[%rev3A_758] in [0] : vector<16xf32>, vector<16xi32> -> vector<16xf32>
      %le3A_760 = arith.cmpf ole, %scan3A_576, %rev3A_754 : vector<16xf32>
      %select_n3A_761 = arith.select %le3A_760, %scan3A_576, %rev3A_754 : vector<16xi1>, vector<16xf32>
      %select_n3A_762 = arith.select %le3A_760, %scan3A_577, %rev3A_759 : vector<16xi1>, vector<16xf32>
      %masked_sort3A_763 = arith.constant dense<true> : vector<16xi1>
      %masked_sort3A_764, %masked_sort3A_765, %masked_sort3A_766 = tpu.sort %select_n3A_761, %select_n3A_762 masked %masked_sort3A_763 : (vector<16xf32>, vector<16xf32>, vector<16xi1>) -> (vector<16xi1>, vector<16xf32>, vector<16xf32>)
      %mul3A_767 = arith.constant 8 : i32
      %mul3A_768 = arith.muli %scan3A_567, %mul3A_767 : i32
      %add3A_769 = arith.constant 5 : i32
      %add3A_770 = arith.addi %mul3A_768, %add3A_769 : i32
      %mul3A_771 = arith.constant 16 : i32
      %mul3A_772 = arith.muli %add3A_770, %mul3A_771 : i32
      %get3A_773 = arith.constant 0 : i32
      %get3A_774 = arith.index_cast %get3A_773 : i32 to index
      %get3A_775 = arith.index_cast %mul3A_772 : i32 to index
      %get3A_776 = tpu.vector_load %arg8[%get3A_774, %get3A_775] {strides = array<i32>} : memref<4x6272xf32, #tpu.memory_space<vmem>>, vector<16xf32>,
      %get3A_777 = arith.index_cast %mul3A_772 : i32 to index
      %get3A_778 = tpu.vector_load %arg7[%get3A_777] {strides = array<i32>} : memref<6272xf32, #tpu.memory_space<vmem>>, vector<16xf32>,
      %mul3A_779 = arith.constant 2.000000e+00 : f32
      %mul3A_780 = vector.broadcast %mul3A_779 : f32 to vector<16xf32>
      %mul3A_781 = arith.mulf %mul3A_780, %get3A_776 : vector<16xf32>
      %sub3A_782 = arith.subf %get3A_778, %mul3A_781 : vector<16xf32>
      %masked_sort3A_783 = arith.constant dense<true> : vector<16xi1>
      %masked_sort3A_784, %masked_sort3A_785, %masked_sort3A_786 = tpu.sort %sub3A_782, %get3A_776 masked %masked_sort3A_783 : (vector<16xf32>, vector<16xf32>, vector<16xi1>) -> (vector<16xi1>, vector<16xf32>, vector<16xf32>)
      %rev3A_787 = arith.constant 15 : i32
      %rev3A_788 = vector.broadcast %rev3A_787 : i32 to vector<16xi32>
      %rev3A_789 = tpu.iota {dimensions = array<i32: 0>} : vector<16xi32>
      %rev3A_790 = arith.subi %rev3A_788, %rev3A_789 : vector<16xi32>
      %rev3A_791 = tpu.dynamic_gather %masked_sort3A_785[%rev3A_790] in [0] : vector<16xf32>, vector<16xi32> -> vector<16xf32>
      %rev3A_792 = arith.constant 15 : i32
      %rev3A_793 = vector.broadcast %rev3A_792 : i32 to vector<16xi32>
      %rev3A_794 = tpu.iota {dimensions = array<i32: 0>} : vector<16xi32>
      %rev3A_795 = arith.subi %rev3A_793, %rev3A_794 : vector<16xi32>
      %rev3A_796 = tpu.dynamic_gather %masked_sort3A_786[%rev3A_795] in [0] : vector<16xf32>, vector<16xi32> -> vector<16xf32>
      %le3A_797 = arith.cmpf ole, %scan3A_578, %rev3A_791 : vector<16xf32>
      %select_n3A_798 = arith.select %le3A_797, %scan3A_578, %rev3A_791 : vector<16xi1>, vector<16xf32>
      %select_n3A_799 = arith.select %le3A_797, %scan3A_579, %rev3A_796 : vector<16xi1>, vector<16xf32>
      %masked_sort3A_800 = arith.constant dense<true> : vector<16xi1>
      %masked_sort3A_801, %masked_sort3A_802, %masked_sort3A_803 = tpu.sort %select_n3A_798, %select_n3A_799 masked %masked_sort3A_800 : (vector<16xf32>, vector<16xf32>, vector<16xi1>) -> (vector<16xi1>, vector<16xf32>, vector<16xf32>)
      %mul3A_804 = arith.constant 8 : i32
      %mul3A_805 = arith.muli %scan3A_567, %mul3A_804 : i32
      %add3A_806 = arith.constant 6 : i32
      %add3A_807 = arith.addi %mul3A_805, %add3A_806 : i32
      %mul3A_808 = arith.constant 16 : i32
      %mul3A_809 = arith.muli %add3A_807, %mul3A_808 : i32
      %get3A_810 = arith.constant 0 : i32
      %get3A_811 = arith.index_cast %get3A_810 : i32 to index
      %get3A_812 = arith.index_cast %mul3A_809 : i32 to index
      %get3A_813 = tpu.vector_load %arg8[%get3A_811, %get3A_812] {strides = array<i32>} : memref<4x6272xf32, #tpu.memory_space<vmem>>, vector<16xf32>,
      %get3A_814 = arith.index_cast %mul3A_809 : i32 to index
      %get3A_815 = tpu.vector_load %arg7[%get3A_814] {strides = array<i32>} : memref<6272xf32, #tpu.memory_space<vmem>>, vector<16xf32>,
      %mul3A_816 = arith.constant 2.000000e+00 : f32
      %mul3A_817 = vector.broadcast %mul3A_816 : f32 to vector<16xf32>
      %mul3A_818 = arith.mulf %mul3A_817, %get3A_813 : vector<16xf32>
      %sub3A_819 = arith.subf %get3A_815, %mul3A_818 : vector<16xf32>
      %masked_sort3A_820 = arith.constant dense<true> : vector<16xi1>
      %masked_sort3A_821, %masked_sort3A_822, %masked_sort3A_823 = tpu.sort %sub3A_819, %get3A_813 masked %masked_sort3A_820 : (vector<16xf32>, vector<16xf32>, vector<16xi1>) -> (vector<16xi1>, vector<16xf32>, vector<16xf32>)
      %rev3A_824 = arith.constant 15 : i32
      %rev3A_825 = vector.broadcast %rev3A_824 : i32 to vector<16xi32>
      %rev3A_826 = tpu.iota {dimensions = array<i32: 0>} : vector<16xi32>
      %rev3A_827 = arith.subi %rev3A_825, %rev3A_826 : vector<16xi32>
      %rev3A_828 = tpu.dynamic_gather %masked_sort3A_822[%rev3A_827] in [0] : vector<16xf32>, vector<16xi32> -> vector<16xf32>
      %rev3A_829 = arith.constant 15 : i32
      %rev3A_830 = vector.broadcast %rev3A_829 : i32 to vector<16xi32>
      %rev3A_831 = tpu.iota {dimensions = array<i32: 0>} : vector<16xi32>
      %rev3A_832 = arith.subi %rev3A_830, %rev3A_831 : vector<16xi32>
      %rev3A_833 = tpu.dynamic_gather %masked_sort3A_823[%rev3A_832] in [0] : vector<16xf32>, vector<16xi32> -> vector<16xf32>
      %le3A_834 = arith.cmpf ole, %scan3A_580, %rev3A_828 : vector<16xf32>
      %select_n3A_835 = arith.select %le3A_834, %scan3A_580, %rev3A_828 : vector<16xi1>, vector<16xf32>
      %select_n3A_836 = arith.select %le3A_834, %scan3A_581, %rev3A_833 : vector<16xi1>, vector<16xf32>
      %masked_sort3A_837 = arith.constant dense<true> : vector<16xi1>
      %masked_sort3A_838, %masked_sort3A_839, %masked_sort3A_840 = tpu.sort %select_n3A_835, %select_n3A_836 masked %masked_sort3A_837 : (vector<16xf32>, vector<16xf32>, vector<16xi1>) -> (vector<16xi1>, vector<16xf32>, vector<16xf32>)
      %mul3A_841 = arith.constant 8 : i32
      %mul3A_842 = arith.muli %scan3A_567, %mul3A_841 : i32
      %add3A_843 = arith.constant 7 : i32
      %add3A_844 = arith.addi %mul3A_842, %add3A_843 : i32
      %mul3A_845 = arith.constant 16 : i32
      %mul3A_846 = arith.muli %add3A_844, %mul3A_845 : i32
      %get3A_847 = arith.constant 0 : i32
      %get3A_848 = arith.index_cast %get3A_847 : i32 to index
      %get3A_849 = arith.index_cast %mul3A_846 : i32 to index
      %get3A_850 = tpu.vector_load %arg8[%get3A_848, %get3A_849] {strides = array<i32>} : memref<4x6272xf32, #tpu.memory_space<vmem>>, vector<16xf32>,
      %get3A_851 = arith.index_cast %mul3A_846 : i32 to index
      %get3A_852 = tpu.vector_load %arg7[%get3A_851] {strides = array<i32>} : memref<6272xf32, #tpu.memory_space<vmem>>, vector<16xf32>,
      %mul3A_853 = arith.constant 2.000000e+00 : f32
      %mul3A_854 = vector.broadcast %mul3A_853 : f32 to vector<16xf32>
      %mul3A_855 = arith.mulf %mul3A_854, %get3A_850 : vector<16xf32>
      %sub3A_856 = arith.subf %get3A_852, %mul3A_855 : vector<16xf32>
      %masked_sort3A_857 = arith.constant dense<true> : vector<16xi1>
      %masked_sort3A_858, %masked_sort3A_859, %masked_sort3A_860 = tpu.sort %sub3A_856, %get3A_850 masked %masked_sort3A_857 : (vector<16xf32>, vector<16xf32>, vector<16xi1>) -> (vector<16xi1>, vector<16xf32>, vector<16xf32>)
      %rev3A_861 = arith.constant 15 : i32
      %rev3A_862 = vector.broadcast %rev3A_861 : i32 to vector<16xi32>
      %rev3A_863 = tpu.iota {dimensions = array<i32: 0>} : vector<16xi32>
      %rev3A_864 = arith.subi %rev3A_862, %rev3A_863 : vector<16xi32>
      %rev3A_865 = tpu.dynamic_gather %masked_sort3A_859[%rev3A_864] in [0] : vector<16xf32>, vector<16xi32> -> vector<16xf32>
      %rev3A_866 = arith.constant 15 : i32
      %rev3A_867 = vector.broadcast %rev3A_866 : i32 to vector<16xi32>
      %rev3A_868 = tpu.iota {dimensions = array<i32: 0>} : vector<16xi32>
      %rev3A_869 = arith.subi %rev3A_867, %rev3A_868 : vector<16xi32>
      %rev3A_870 = tpu.dynamic_gather %masked_sort3A_860[%rev3A_869] in [0] : vector<16xf32>, vector<16xi32> -> vector<16xf32>
      %le3A_871 = arith.cmpf ole, %scan3A_582, %rev3A_865 : vector<16xf32>
      %select_n3A_872 = arith.select %le3A_871, %scan3A_582, %rev3A_865 : vector<16xi1>, vector<16xf32>
      %select_n3A_873 = arith.select %le3A_871, %scan3A_583, %rev3A_870 : vector<16xi1>, vector<16xf32>
      %masked_sort3A_874 = arith.constant dense<true> : vector<16xi1>
      %masked_sort3A_875, %masked_sort3A_876, %masked_sort3A_877 = tpu.sort %select_n3A_872, %select_n3A_873 masked %masked_sort3A_874 : (vector<16xf32>, vector<16xf32>, vector<16xi1>) -> (vector<16xi1>, vector<16xf32>, vector<16xf32>)
      scf.yield %masked_sort3A_617, %masked_sort3A_618, %masked_sort3A_654, %masked_sort3A_655, %masked_sort3A_691, %masked_sort3A_692, %masked_sort3A_728, %masked_sort3A_729, %masked_sort3A_765, %masked_sort3A_766, %masked_sort3A_802, %masked_sort3A_803, %masked_sort3A_839, %masked_sort3A_840, %masked_sort3A_876, %masked_sort3A_877 : vector<16xf32>, vector<16xf32>, vector<16xf32>, vector<16xf32>, vector<16xf32>, vector<16xf32>, vector<16xf32>, vector<16xf32>, vector<16xf32>, vector<16xf32>, vector<16xf32>, vector<16xf32>, vector<16xf32>, vector<16xf32>, vector<16xf32>, vector<16xf32>
    }
    %scan3A_27 = arith.constant 49 : i32
    %rev3A = arith.constant 15 : i32
    %rev3A_28 = vector.broadcast %rev3A : i32 to vector<16xi32>
    %rev3A_29 = tpu.iota {dimensions = array<i32: 0>} : vector<16xi32>
    %rev3A_30 = arith.subi %rev3A_28, %rev3A_29 : vector<16xi32>
    %rev3A_31 = tpu.dynamic_gather %scan3A_26#2[%rev3A_30] in [0] : vector<16xf32>, vector<16xi32> -> vector<16xf32>
    %rev3A_32 = arith.constant 15 : i32
    %rev3A_33 = vector.broadcast %rev3A_32 : i32 to vector<16xi32>
    %rev3A_34 = tpu.iota {dimensions = array<i32: 0>} : vector<16xi32>
    %rev3A_35 = arith.subi %rev3A_33, %rev3A_34 : vector<16xi32>
    %rev3A_36 = tpu.dynamic_gather %scan3A_26#3[%rev3A_35] in [0] : vector<16xf32>, vector<16xi32> -> vector<16xf32>
    %le3A = arith.cmpf ole, %scan3A_26#0, %rev3A_31 : vector<16xf32>
    %select_n3A = arith.select %le3A, %scan3A_26#0, %rev3A_31 : vector<16xi1>, vector<16xf32>
    %select_n3A_37 = arith.select %le3A, %scan3A_26#1, %rev3A_36 : vector<16xi1>, vector<16xf32>
    %masked_sort3A = arith.constant dense<true> : vector<16xi1>
    %masked_sort3A_38, %masked_sort3A_39, %masked_sort3A_40 = tpu.sort %select_n3A, %select_n3A_37 masked %masked_sort3A : (vector<16xf32>, vector<16xf32>, vector<16xi1>) -> (vector<16xi1>, vector<16xf32>, vector<16xf32>)
    %rev3A_41 = arith.constant 15 : i32
    %rev3A_42 = vector.broadcast %rev3A_41 : i32 to vector<16xi32>
    %rev3A_43 = tpu.iota {dimensions = array<i32: 0>} : vector<16xi32>
    %rev3A_44 = arith.subi %rev3A_42, %rev3A_43 : vector<16xi32>
    %rev3A_45 = tpu.dynamic_gather %scan3A_26#6[%rev3A_44] in [0] : vector<16xf32>, vector<16xi32> -> vector<16xf32>
    %rev3A_46 = arith.constant 15 : i32
    %rev3A_47 = vector.broadcast %rev3A_46 : i32 to vector<16xi32>
    %rev3A_48 = tpu.iota {dimensions = array<i32: 0>} : vector<16xi32>
    %rev3A_49 = arith.subi %rev3A_47, %rev3A_48 : vector<16xi32>
    %rev3A_50 = tpu.dynamic_gather %scan3A_26#7[%rev3A_49] in [0] : vector<16xf32>, vector<16xi32> -> vector<16xf32>
    %le3A_51 = arith.cmpf ole, %scan3A_26#4, %rev3A_45 : vector<16xf32>
    %select_n3A_52 = arith.select %le3A_51, %scan3A_26#4, %rev3A_45 : vector<16xi1>, vector<16xf32>
    %select_n3A_53 = arith.select %le3A_51, %scan3A_26#5, %rev3A_50 : vector<16xi1>, vector<16xf32>
    %masked_sort3A_54 = arith.constant dense<true> : vector<16xi1>
    %masked_sort3A_55, %masked_sort3A_56, %masked_sort3A_57 = tpu.sort %select_n3A_52, %select_n3A_53 masked %masked_sort3A_54 : (vector<16xf32>, vector<16xf32>, vector<16xi1>) -> (vector<16xi1>, vector<16xf32>, vector<16xf32>)
    %rev3A_58 = arith.constant 15 : i32
    %rev3A_59 = vector.broadcast %rev3A_58 : i32 to vector<16xi32>
    %rev3A_60 = tpu.iota {dimensions = array<i32: 0>} : vector<16xi32>
    %rev3A_61 = arith.subi %rev3A_59, %rev3A_60 : vector<16xi32>
    %rev3A_62 = tpu.dynamic_gather %scan3A_26#10[%rev3A_61] in [0] : vector<16xf32>, vector<16xi32> -> vector<16xf32>
    %rev3A_63 = arith.constant 15 : i32
    %rev3A_64 = vector.broadcast %rev3A_63 : i32 to vector<16xi32>
    %rev3A_65 = tpu.iota {dimensions = array<i32: 0>} : vector<16xi32>
    %rev3A_66 = arith.subi %rev3A_64, %rev3A_65 : vector<16xi32>
    %rev3A_67 = tpu.dynamic_gather %scan3A_26#11[%rev3A_66] in [0] : vector<16xf32>, vector<16xi32> -> vector<16xf32>
    %le3A_68 = arith.cmpf ole, %scan3A_26#8, %rev3A_62 : vector<16xf32>
    %select_n3A_69 = arith.select %le3A_68, %scan3A_26#8, %rev3A_62 : vector<16xi1>, vector<16xf32>
    %select_n3A_70 = arith.select %le3A_68, %scan3A_26#9, %rev3A_67 : vector<16xi1>, vector<16xf32>
    %masked_sort3A_71 = arith.constant dense<true> : vector<16xi1>
    %masked_sort3A_72, %masked_sort3A_73, %masked_sort3A_74 = tpu.sort %select_n3A_69, %select_n3A_70 masked %masked_sort3A_71 : (vector<16xf32>, vector<16xf32>, vector<16xi1>) -> (vector<16xi1>, vector<16xf32>, vector<16xf32>)
    %rev3A_75 = arith.constant 15 : i32
    %rev3A_76 = vector.broadcast %rev3A_75 : i32 to vector<16xi32>
    %rev3A_77 = tpu.iota {dimensions = array<i32: 0>} : vector<16xi32>
    %rev3A_78 = arith.subi %rev3A_76, %rev3A_77 : vector<16xi32>
    %rev3A_79 = tpu.dynamic_gather %scan3A_26#14[%rev3A_78] in [0] : vector<16xf32>, vector<16xi32> -> vector<16xf32>
    %rev3A_80 = arith.constant 15 : i32
    %rev3A_81 = vector.broadcast %rev3A_80 : i32 to vector<16xi32>
    %rev3A_82 = tpu.iota {dimensions = array<i32: 0>} : vector<16xi32>
    %rev3A_83 = arith.subi %rev3A_81, %rev3A_82 : vector<16xi32>
    %rev3A_84 = tpu.dynamic_gather %scan3A_26#15[%rev3A_83] in [0] : vector<16xf32>, vector<16xi32> -> vector<16xf32>
    %le3A_85 = arith.cmpf ole, %scan3A_26#12, %rev3A_79 : vector<16xf32>
    %select_n3A_86 = arith.select %le3A_85, %scan3A_26#12, %rev3A_79 : vector<16xi1>, vector<16xf32>
    %select_n3A_87 = arith.select %le3A_85, %scan3A_26#13, %rev3A_84 : vector<16xi1>, vector<16xf32>
    %masked_sort3A_88 = arith.constant dense<true> : vector<16xi1>
    %masked_sort3A_89, %masked_sort3A_90, %masked_sort3A_91 = tpu.sort %select_n3A_86, %select_n3A_87 masked %masked_sort3A_88 : (vector<16xf32>, vector<16xf32>, vector<16xi1>) -> (vector<16xi1>, vector<16xf32>, vector<16xf32>)
    %rev3A_92 = arith.constant 15 : i32
    %rev3A_93 = vector.broadcast %rev3A_92 : i32 to vector<16xi32>
    %rev3A_94 = tpu.iota {dimensions = array<i32: 0>} : vector<16xi32>
    %rev3A_95 = arith.subi %rev3A_93, %rev3A_94 : vector<16xi32>
    %rev3A_96 = tpu.dynamic_gather %masked_sort3A_56[%rev3A_95] in [0] : vector<16xf32>, vector<16xi32> -> vector<16xf32>
    %rev3A_97 = arith.constant 15 : i32
    %rev3A_98 = vector.broadcast %rev3A_97 : i32 to vector<16xi32>
    %rev3A_99 = tpu.iota {dimensions = array<i32: 0>} : vector<16xi32>
    %rev3A_100 = arith.subi %rev3A_98, %rev3A_99 : vector<16xi32>
    %rev3A_101 = tpu.dynamic_gather %masked_sort3A_57[%rev3A_100] in [0] : vector<16xf32>, vector<16xi32> -> vector<16xf32>
    %le3A_102 = arith.cmpf ole, %masked_sort3A_39, %rev3A_96 : vector<16xf32>
    %select_n3A_103 = arith.select %le3A_102, %masked_sort3A_39, %rev3A_96 : vector<16xi1>, vector<16xf32>
    %select_n3A_104 = arith.select %le3A_102, %masked_sort3A_40, %rev3A_101 : vector<16xi1>, vector<16xf32>
    %masked_sort3A_105 = arith.constant dense<true> : vector<16xi1>
    %masked_sort3A_106, %masked_sort3A_107, %masked_sort3A_108 = tpu.sort %select_n3A_103, %select_n3A_104 masked %masked_sort3A_105 : (vector<16xf32>, vector<16xf32>, vector<16xi1>) -> (vector<16xi1>, vector<16xf32>, vector<16xf32>)
    %rev3A_109 = arith.constant 15 : i32
    %rev3A_110 = vector.broadcast %rev3A_109 : i32 to vector<16xi32>
    %rev3A_111 = tpu.iota {dimensions = array<i32: 0>} : vector<16xi32>
    %rev3A_112 = arith.subi %rev3A_110, %rev3A_111 : vector<16xi32>
    %rev3A_113 = tpu.dynamic_gather %masked_sort3A_90[%rev3A_112] in [0] : vector<16xf32>, vector<16xi32> -> vector<16xf32>
    %rev3A_114 = arith.constant 15 : i32
    %rev3A_115 = vector.broadcast %rev3A_114 : i32 to vector<16xi32>
    %rev3A_116 = tpu.iota {dimensions = array<i32: 0>} : vector<16xi32>
    %rev3A_117 = arith.subi %rev3A_115, %rev3A_116 : vector<16xi32>
    %rev3A_118 = tpu.dynamic_gather %masked_sort3A_91[%rev3A_117] in [0] : vector<16xf32>, vector<16xi32> -> vector<16xf32>
    %le3A_119 = arith.cmpf ole, %masked_sort3A_73, %rev3A_113 : vector<16xf32>
    %select_n3A_120 = arith.select %le3A_119, %masked_sort3A_73, %rev3A_113 : vector<16xi1>, vector<16xf32>
    %select_n3A_121 = arith.select %le3A_119, %masked_sort3A_74, %rev3A_118 : vector<16xi1>, vector<16xf32>
    %masked_sort3A_122 = arith.constant dense<true> : vector<16xi1>
    %masked_sort3A_123, %masked_sort3A_124, %masked_sort3A_125 = tpu.sort %select_n3A_120, %select_n3A_121 masked %masked_sort3A_122 : (vector<16xf32>, vector<16xf32>, vector<16xi1>) -> (vector<16xi1>, vector<16xf32>, vector<16xf32>)
    %rev3A_126 = arith.constant 15 : i32
    %rev3A_127 = vector.broadcast %rev3A_126 : i32 to vector<16xi32>
    %rev3A_128 = tpu.iota {dimensions = array<i32: 0>} : vector<16xi32>
    %rev3A_129 = arith.subi %rev3A_127, %rev3A_128 : vector<16xi32>
    %rev3A_130 = tpu.dynamic_gather %masked_sort3A_124[%rev3A_129] in [0] : vector<16xf32>, vector<16xi32> -> vector<16xf32>
    %rev3A_131 = arith.constant 15 : i32
    %rev3A_132 = vector.broadcast %rev3A_131 : i32 to vector<16xi32>
    %rev3A_133 = tpu.iota {dimensions = array<i32: 0>} : vector<16xi32>
    %rev3A_134 = arith.subi %rev3A_132, %rev3A_133 : vector<16xi32>
    %rev3A_135 = tpu.dynamic_gather %masked_sort3A_125[%rev3A_134] in [0] : vector<16xf32>, vector<16xi32> -> vector<16xf32>
    %le3A_136 = arith.cmpf ole, %masked_sort3A_107, %rev3A_130 : vector<16xf32>
    %select_n3A_137 = arith.select %le3A_136, %masked_sort3A_107, %rev3A_130 : vector<16xi1>, vector<16xf32>
    %select_n3A_138 = arith.select %le3A_136, %masked_sort3A_108, %rev3A_135 : vector<16xi1>, vector<16xf32>
    %masked_sort3A_139 = arith.constant dense<true> : vector<16xi1>
    %masked_sort3A_140, %masked_sort3A_141, %masked_sort3A_142 = tpu.sort %select_n3A_137, %select_n3A_138 masked %masked_sort3A_139 : (vector<16xf32>, vector<16xf32>, vector<16xi1>) -> (vector<16xi1>, vector<16xf32>, vector<16xf32>)
    %swap3A = arith.constant 0 : i32
    %swap3A_143 = arith.index_cast %swap3A : i32 to index
    %swap3A_144 = arith.constant 0 : index
    %swap3A_145 = tpu.vector_load %arg9[%swap3A_143, %swap3A_144] {strides = array<i32>} : memref<4x16xf32, #tpu.memory_space<vmem>>, vector<16xf32>,
    tpu.vector_store %arg9[%swap3A_143, %swap3A_144], %masked_sort3A_141 {strides = array<i32>} : memref<4x16xf32, #tpu.memory_space<vmem>>, vector<16xf32>,
    %swap3A_146 = arith.constant 0 : i32
    %swap3A_147 = arith.index_cast %swap3A_146 : i32 to index
    %swap3A_148 = arith.constant 0 : index
    %swap3A_149 = tpu.vector_load %arg10[%swap3A_147, %swap3A_148] {strides = array<i32>} : memref<4x16xf32, #tpu.memory_space<vmem>>, vector<16xf32>,
    tpu.vector_store %arg10[%swap3A_147, %swap3A_148], %masked_sort3A_142 {strides = array<i32>} : memref<4x16xf32, #tpu.memory_space<vmem>>, vector<16xf32>,
    %scan3A_150 = arith.constant 0 : i32
    %scan3A_151 = arith.constant 49 : i32
    %scan3A_152 = arith.addi %scan3A_150, %scan3A_151 : i32
    %scan3A_153 = arith.constant 1 : i32
    %scan3A_154:16 = scf.for %scan3A_567 = %scan3A_150 to %scan3A_152 step %scan3A_153 iter_args(%scan3A_568 = %broadcast_in_dim3A_1, %scan3A_569 = %broadcast_in_dim3A_3, %scan3A_570 = %broadcast_in_dim3A_1, %scan3A_571 = %broadcast_in_dim3A_3, %scan3A_572 = %broadcast_in_dim3A_1, %scan3A_573 = %broadcast_in_dim3A_3, %scan3A_574 = %broadcast_in_dim3A_1, %scan3A_575 = %broadcast_in_dim3A_3, %scan3A_576 = %broadcast_in_dim3A_1, %scan3A_577 = %broadcast_in_dim3A_3, %scan3A_578 = %broadcast_in_dim3A_1, %scan3A_579 = %broadcast_in_dim3A_3, %scan3A_580 = %broadcast_in_dim3A_1, %scan3A_581 = %broadcast_in_dim3A_3, %scan3A_582 = %broadcast_in_dim3A_1, %scan3A_583 = %broadcast_in_dim3A_3) -> (vector<16xf32>, vector<16xf32>, vector<16xf32>, vector<16xf32>, vector<16xf32>, vector<16xf32>, vector<16xf32>, vector<16xf32>, vector<16xf32>, vector<16xf32>, vector<16xf32>, vector<16xf32>, vector<16xf32>, vector<16xf32>, vector<16xf32>, vector<16xf32>)  : i32 {
      %mul3A_584 = arith.constant 8 : i32
      %mul3A_585 = arith.muli %scan3A_567, %mul3A_584 : i32
      %add3A_586 = arith.constant 0 : i32
      %add3A_587 = arith.addi %mul3A_585, %add3A_586 : i32
      %mul3A_588 = arith.constant 16 : i32
      %mul3A_589 = arith.muli %add3A_587, %mul3A_588 : i32
      %get3A = arith.constant 1 : i32
      %get3A_590 = arith.index_cast %get3A : i32 to index
      %get3A_591 = arith.index_cast %mul3A_589 : i32 to index
      %get3A_592 = tpu.vector_load %arg8[%get3A_590, %get3A_591] {strides = array<i32>} : memref<4x6272xf32, #tpu.memory_space<vmem>>, vector<16xf32>,
      %get3A_593 = arith.index_cast %mul3A_589 : i32 to index
      %get3A_594 = tpu.vector_load %arg7[%get3A_593] {strides = array<i32>} : memref<6272xf32, #tpu.memory_space<vmem>>, vector<16xf32>,
      %mul3A_595 = arith.constant 2.000000e+00 : f32
      %mul3A_596 = vector.broadcast %mul3A_595 : f32 to vector<16xf32>
      %mul3A_597 = arith.mulf %mul3A_596, %get3A_592 : vector<16xf32>
      %sub3A = arith.subf %get3A_594, %mul3A_597 : vector<16xf32>
      %masked_sort3A_598 = arith.constant dense<true> : vector<16xi1>
      %masked_sort3A_599, %masked_sort3A_600, %masked_sort3A_601 = tpu.sort %sub3A, %get3A_592 masked %masked_sort3A_598 : (vector<16xf32>, vector<16xf32>, vector<16xi1>) -> (vector<16xi1>, vector<16xf32>, vector<16xf32>)
      %rev3A_602 = arith.constant 15 : i32
      %rev3A_603 = vector.broadcast %rev3A_602 : i32 to vector<16xi32>
      %rev3A_604 = tpu.iota {dimensions = array<i32: 0>} : vector<16xi32>
      %rev3A_605 = arith.subi %rev3A_603, %rev3A_604 : vector<16xi32>
      %rev3A_606 = tpu.dynamic_gather %masked_sort3A_600[%rev3A_605] in [0] : vector<16xf32>, vector<16xi32> -> vector<16xf32>
      %rev3A_607 = arith.constant 15 : i32
      %rev3A_608 = vector.broadcast %rev3A_607 : i32 to vector<16xi32>
      %rev3A_609 = tpu.iota {dimensions = array<i32: 0>} : vector<16xi32>
      %rev3A_610 = arith.subi %rev3A_608, %rev3A_609 : vector<16xi32>
      %rev3A_611 = tpu.dynamic_gather %masked_sort3A_601[%rev3A_610] in [0] : vector<16xf32>, vector<16xi32> -> vector<16xf32>
      %le3A_612 = arith.cmpf ole, %scan3A_568, %rev3A_606 : vector<16xf32>
      %select_n3A_613 = arith.select %le3A_612, %scan3A_568, %rev3A_606 : vector<16xi1>, vector<16xf32>
      %select_n3A_614 = arith.select %le3A_612, %scan3A_569, %rev3A_611 : vector<16xi1>, vector<16xf32>
      %masked_sort3A_615 = arith.constant dense<true> : vector<16xi1>
      %masked_sort3A_616, %masked_sort3A_617, %masked_sort3A_618 = tpu.sort %select_n3A_613, %select_n3A_614 masked %masked_sort3A_615 : (vector<16xf32>, vector<16xf32>, vector<16xi1>) -> (vector<16xi1>, vector<16xf32>, vector<16xf32>)
      %mul3A_619 = arith.constant 8 : i32
      %mul3A_620 = arith.muli %scan3A_567, %mul3A_619 : i32
      %add3A_621 = arith.constant 1 : i32
      %add3A_622 = arith.addi %mul3A_620, %add3A_621 : i32
      %mul3A_623 = arith.constant 16 : i32
      %mul3A_624 = arith.muli %add3A_622, %mul3A_623 : i32
      %get3A_625 = arith.constant 1 : i32
      %get3A_626 = arith.index_cast %get3A_625 : i32 to index
      %get3A_627 = arith.index_cast %mul3A_624 : i32 to index
      %get3A_628 = tpu.vector_load %arg8[%get3A_626, %get3A_627] {strides = array<i32>} : memref<4x6272xf32, #tpu.memory_space<vmem>>, vector<16xf32>,
      %get3A_629 = arith.index_cast %mul3A_624 : i32 to index
      %get3A_630 = tpu.vector_load %arg7[%get3A_629] {strides = array<i32>} : memref<6272xf32, #tpu.memory_space<vmem>>, vector<16xf32>,
      %mul3A_631 = arith.constant 2.000000e+00 : f32
      %mul3A_632 = vector.broadcast %mul3A_631 : f32 to vector<16xf32>
      %mul3A_633 = arith.mulf %mul3A_632, %get3A_628 : vector<16xf32>
      %sub3A_634 = arith.subf %get3A_630, %mul3A_633 : vector<16xf32>
      %masked_sort3A_635 = arith.constant dense<true> : vector<16xi1>
      %masked_sort3A_636, %masked_sort3A_637, %masked_sort3A_638 = tpu.sort %sub3A_634, %get3A_628 masked %masked_sort3A_635 : (vector<16xf32>, vector<16xf32>, vector<16xi1>) -> (vector<16xi1>, vector<16xf32>, vector<16xf32>)
      %rev3A_639 = arith.constant 15 : i32
      %rev3A_640 = vector.broadcast %rev3A_639 : i32 to vector<16xi32>
      %rev3A_641 = tpu.iota {dimensions = array<i32: 0>} : vector<16xi32>
      %rev3A_642 = arith.subi %rev3A_640, %rev3A_641 : vector<16xi32>
      %rev3A_643 = tpu.dynamic_gather %masked_sort3A_637[%rev3A_642] in [0] : vector<16xf32>, vector<16xi32> -> vector<16xf32>
      %rev3A_644 = arith.constant 15 : i32
      %rev3A_645 = vector.broadcast %rev3A_644 : i32 to vector<16xi32>
      %rev3A_646 = tpu.iota {dimensions = array<i32: 0>} : vector<16xi32>
      %rev3A_647 = arith.subi %rev3A_645, %rev3A_646 : vector<16xi32>
      %rev3A_648 = tpu.dynamic_gather %masked_sort3A_638[%rev3A_647] in [0] : vector<16xf32>, vector<16xi32> -> vector<16xf32>
      %le3A_649 = arith.cmpf ole, %scan3A_570, %rev3A_643 : vector<16xf32>
      %select_n3A_650 = arith.select %le3A_649, %scan3A_570, %rev3A_643 : vector<16xi1>, vector<16xf32>
      %select_n3A_651 = arith.select %le3A_649, %scan3A_571, %rev3A_648 : vector<16xi1>, vector<16xf32>
      %masked_sort3A_652 = arith.constant dense<true> : vector<16xi1>
      %masked_sort3A_653, %masked_sort3A_654, %masked_sort3A_655 = tpu.sort %select_n3A_650, %select_n3A_651 masked %masked_sort3A_652 : (vector<16xf32>, vector<16xf32>, vector<16xi1>) -> (vector<16xi1>, vector<16xf32>, vector<16xf32>)
      %mul3A_656 = arith.constant 8 : i32
      %mul3A_657 = arith.muli %scan3A_567, %mul3A_656 : i32
      %add3A_658 = arith.constant 2 : i32
      %add3A_659 = arith.addi %mul3A_657, %add3A_658 : i32
      %mul3A_660 = arith.constant 16 : i32
      %mul3A_661 = arith.muli %add3A_659, %mul3A_660 : i32
      %get3A_662 = arith.constant 1 : i32
      %get3A_663 = arith.index_cast %get3A_662 : i32 to index
      %get3A_664 = arith.index_cast %mul3A_661 : i32 to index
      %get3A_665 = tpu.vector_load %arg8[%get3A_663, %get3A_664] {strides = array<i32>} : memref<4x6272xf32, #tpu.memory_space<vmem>>, vector<16xf32>,
      %get3A_666 = arith.index_cast %mul3A_661 : i32 to index
      %get3A_667 = tpu.vector_load %arg7[%get3A_666] {strides = array<i32>} : memref<6272xf32, #tpu.memory_space<vmem>>, vector<16xf32>,
      %mul3A_668 = arith.constant 2.000000e+00 : f32
      %mul3A_669 = vector.broadcast %mul3A_668 : f32 to vector<16xf32>
      %mul3A_670 = arith.mulf %mul3A_669, %get3A_665 : vector<16xf32>
      %sub3A_671 = arith.subf %get3A_667, %mul3A_670 : vector<16xf32>
      %masked_sort3A_672 = arith.constant dense<true> : vector<16xi1>
      %masked_sort3A_673, %masked_sort3A_674, %masked_sort3A_675 = tpu.sort %sub3A_671, %get3A_665 masked %masked_sort3A_672 : (vector<16xf32>, vector<16xf32>, vector<16xi1>) -> (vector<16xi1>, vector<16xf32>, vector<16xf32>)
      %rev3A_676 = arith.constant 15 : i32
      %rev3A_677 = vector.broadcast %rev3A_676 : i32 to vector<16xi32>
      %rev3A_678 = tpu.iota {dimensions = array<i32: 0>} : vector<16xi32>
      %rev3A_679 = arith.subi %rev3A_677, %rev3A_678 : vector<16xi32>
      %rev3A_680 = tpu.dynamic_gather %masked_sort3A_674[%rev3A_679] in [0] : vector<16xf32>, vector<16xi32> -> vector<16xf32>
      %rev3A_681 = arith.constant 15 : i32
      %rev3A_682 = vector.broadcast %rev3A_681 : i32 to vector<16xi32>
      %rev3A_683 = tpu.iota {dimensions = array<i32: 0>} : vector<16xi32>
      %rev3A_684 = arith.subi %rev3A_682, %rev3A_683 : vector<16xi32>
      %rev3A_685 = tpu.dynamic_gather %masked_sort3A_675[%rev3A_684] in [0] : vector<16xf32>, vector<16xi32> -> vector<16xf32>
      %le3A_686 = arith.cmpf ole, %scan3A_572, %rev3A_680 : vector<16xf32>
      %select_n3A_687 = arith.select %le3A_686, %scan3A_572, %rev3A_680 : vector<16xi1>, vector<16xf32>
      %select_n3A_688 = arith.select %le3A_686, %scan3A_573, %rev3A_685 : vector<16xi1>, vector<16xf32>
      %masked_sort3A_689 = arith.constant dense<true> : vector<16xi1>
      %masked_sort3A_690, %masked_sort3A_691, %masked_sort3A_692 = tpu.sort %select_n3A_687, %select_n3A_688 masked %masked_sort3A_689 : (vector<16xf32>, vector<16xf32>, vector<16xi1>) -> (vector<16xi1>, vector<16xf32>, vector<16xf32>)
      %mul3A_693 = arith.constant 8 : i32
      %mul3A_694 = arith.muli %scan3A_567, %mul3A_693 : i32
      %add3A_695 = arith.constant 3 : i32
      %add3A_696 = arith.addi %mul3A_694, %add3A_695 : i32
      %mul3A_697 = arith.constant 16 : i32
      %mul3A_698 = arith.muli %add3A_696, %mul3A_697 : i32
      %get3A_699 = arith.constant 1 : i32
      %get3A_700 = arith.index_cast %get3A_699 : i32 to index
      %get3A_701 = arith.index_cast %mul3A_698 : i32 to index
      %get3A_702 = tpu.vector_load %arg8[%get3A_700, %get3A_701] {strides = array<i32>} : memref<4x6272xf32, #tpu.memory_space<vmem>>, vector<16xf32>,
      %get3A_703 = arith.index_cast %mul3A_698 : i32 to index
      %get3A_704 = tpu.vector_load %arg7[%get3A_703] {strides = array<i32>} : memref<6272xf32, #tpu.memory_space<vmem>>, vector<16xf32>,
      %mul3A_705 = arith.constant 2.000000e+00 : f32
      %mul3A_706 = vector.broadcast %mul3A_705 : f32 to vector<16xf32>
      %mul3A_707 = arith.mulf %mul3A_706, %get3A_702 : vector<16xf32>
      %sub3A_708 = arith.subf %get3A_704, %mul3A_707 : vector<16xf32>
      %masked_sort3A_709 = arith.constant dense<true> : vector<16xi1>
      %masked_sort3A_710, %masked_sort3A_711, %masked_sort3A_712 = tpu.sort %sub3A_708, %get3A_702 masked %masked_sort3A_709 : (vector<16xf32>, vector<16xf32>, vector<16xi1>) -> (vector<16xi1>, vector<16xf32>, vector<16xf32>)
      %rev3A_713 = arith.constant 15 : i32
      %rev3A_714 = vector.broadcast %rev3A_713 : i32 to vector<16xi32>
      %rev3A_715 = tpu.iota {dimensions = array<i32: 0>} : vector<16xi32>
      %rev3A_716 = arith.subi %rev3A_714, %rev3A_715 : vector<16xi32>
      %rev3A_717 = tpu.dynamic_gather %masked_sort3A_711[%rev3A_716] in [0] : vector<16xf32>, vector<16xi32> -> vector<16xf32>
      %rev3A_718 = arith.constant 15 : i32
      %rev3A_719 = vector.broadcast %rev3A_718 : i32 to vector<16xi32>
      %rev3A_720 = tpu.iota {dimensions = array<i32: 0>} : vector<16xi32>
      %rev3A_721 = arith.subi %rev3A_719, %rev3A_720 : vector<16xi32>
      %rev3A_722 = tpu.dynamic_gather %masked_sort3A_712[%rev3A_721] in [0] : vector<16xf32>, vector<16xi32> -> vector<16xf32>
      %le3A_723 = arith.cmpf ole, %scan3A_574, %rev3A_717 : vector<16xf32>
      %select_n3A_724 = arith.select %le3A_723, %scan3A_574, %rev3A_717 : vector<16xi1>, vector<16xf32>
      %select_n3A_725 = arith.select %le3A_723, %scan3A_575, %rev3A_722 : vector<16xi1>, vector<16xf32>
      %masked_sort3A_726 = arith.constant dense<true> : vector<16xi1>
      %masked_sort3A_727, %masked_sort3A_728, %masked_sort3A_729 = tpu.sort %select_n3A_724, %select_n3A_725 masked %masked_sort3A_726 : (vector<16xf32>, vector<16xf32>, vector<16xi1>) -> (vector<16xi1>, vector<16xf32>, vector<16xf32>)
      %mul3A_730 = arith.constant 8 : i32
      %mul3A_731 = arith.muli %scan3A_567, %mul3A_730 : i32
      %add3A_732 = arith.constant 4 : i32
      %add3A_733 = arith.addi %mul3A_731, %add3A_732 : i32
      %mul3A_734 = arith.constant 16 : i32
      %mul3A_735 = arith.muli %add3A_733, %mul3A_734 : i32
      %get3A_736 = arith.constant 1 : i32
      %get3A_737 = arith.index_cast %get3A_736 : i32 to index
      %get3A_738 = arith.index_cast %mul3A_735 : i32 to index
      %get3A_739 = tpu.vector_load %arg8[%get3A_737, %get3A_738] {strides = array<i32>} : memref<4x6272xf32, #tpu.memory_space<vmem>>, vector<16xf32>,
      %get3A_740 = arith.index_cast %mul3A_735 : i32 to index
      %get3A_741 = tpu.vector_load %arg7[%get3A_740] {strides = array<i32>} : memref<6272xf32, #tpu.memory_space<vmem>>, vector<16xf32>,
      %mul3A_742 = arith.constant 2.000000e+00 : f32
      %mul3A_743 = vector.broadcast %mul3A_742 : f32 to vector<16xf32>
      %mul3A_744 = arith.mulf %mul3A_743, %get3A_739 : vector<16xf32>
      %sub3A_745 = arith.subf %get3A_741, %mul3A_744 : vector<16xf32>
      %masked_sort3A_746 = arith.constant dense<true> : vector<16xi1>
      %masked_sort3A_747, %masked_sort3A_748, %masked_sort3A_749 = tpu.sort %sub3A_745, %get3A_739 masked %masked_sort3A_746 : (vector<16xf32>, vector<16xf32>, vector<16xi1>) -> (vector<16xi1>, vector<16xf32>, vector<16xf32>)
      %rev3A_750 = arith.constant 15 : i32
      %rev3A_751 = vector.broadcast %rev3A_750 : i32 to vector<16xi32>
      %rev3A_752 = tpu.iota {dimensions = array<i32: 0>} : vector<16xi32>
      %rev3A_753 = arith.subi %rev3A_751, %rev3A_752 : vector<16xi32>
      %rev3A_754 = tpu.dynamic_gather %masked_sort3A_748[%rev3A_753] in [0] : vector<16xf32>, vector<16xi32> -> vector<16xf32>
      %rev3A_755 = arith.constant 15 : i32
      %rev3A_756 = vector.broadcast %rev3A_755 : i32 to vector<16xi32>
      %rev3A_757 = tpu.iota {dimensions = array<i32: 0>} : vector<16xi32>
      %rev3A_758 = arith.subi %rev3A_756, %rev3A_757 : vector<16xi32>
      %rev3A_759 = tpu.dynamic_gather %masked_sort3A_749[%rev3A_758] in [0] : vector<16xf32>, vector<16xi32> -> vector<16xf32>
      %le3A_760 = arith.cmpf ole, %scan3A_576, %rev3A_754 : vector<16xf32>
      %select_n3A_761 = arith.select %le3A_760, %scan3A_576, %rev3A_754 : vector<16xi1>, vector<16xf32>
      %select_n3A_762 = arith.select %le3A_760, %scan3A_577, %rev3A_759 : vector<16xi1>, vector<16xf32>
      %masked_sort3A_763 = arith.constant dense<true> : vector<16xi1>
      %masked_sort3A_764, %masked_sort3A_765, %masked_sort3A_766 = tpu.sort %select_n3A_761, %select_n3A_762 masked %masked_sort3A_763 : (vector<16xf32>, vector<16xf32>, vector<16xi1>) -> (vector<16xi1>, vector<16xf32>, vector<16xf32>)
      %mul3A_767 = arith.constant 8 : i32
      %mul3A_768 = arith.muli %scan3A_567, %mul3A_767 : i32
      %add3A_769 = arith.constant 5 : i32
      %add3A_770 = arith.addi %mul3A_768, %add3A_769 : i32
      %mul3A_771 = arith.constant 16 : i32
      %mul3A_772 = arith.muli %add3A_770, %mul3A_771 : i32
      %get3A_773 = arith.constant 1 : i32
      %get3A_774 = arith.index_cast %get3A_773 : i32 to index
      %get3A_775 = arith.index_cast %mul3A_772 : i32 to index
      %get3A_776 = tpu.vector_load %arg8[%get3A_774, %get3A_775] {strides = array<i32>} : memref<4x6272xf32, #tpu.memory_space<vmem>>, vector<16xf32>,
      %get3A_777 = arith.index_cast %mul3A_772 : i32 to index
      %get3A_778 = tpu.vector_load %arg7[%get3A_777] {strides = array<i32>} : memref<6272xf32, #tpu.memory_space<vmem>>, vector<16xf32>,
      %mul3A_779 = arith.constant 2.000000e+00 : f32
      %mul3A_780 = vector.broadcast %mul3A_779 : f32 to vector<16xf32>
      %mul3A_781 = arith.mulf %mul3A_780, %get3A_776 : vector<16xf32>
      %sub3A_782 = arith.subf %get3A_778, %mul3A_781 : vector<16xf32>
      %masked_sort3A_783 = arith.constant dense<true> : vector<16xi1>
      %masked_sort3A_784, %masked_sort3A_785, %masked_sort3A_786 = tpu.sort %sub3A_782, %get3A_776 masked %masked_sort3A_783 : (vector<16xf32>, vector<16xf32>, vector<16xi1>) -> (vector<16xi1>, vector<16xf32>, vector<16xf32>)
      %rev3A_787 = arith.constant 15 : i32
      %rev3A_788 = vector.broadcast %rev3A_787 : i32 to vector<16xi32>
      %rev3A_789 = tpu.iota {dimensions = array<i32: 0>} : vector<16xi32>
      %rev3A_790 = arith.subi %rev3A_788, %rev3A_789 : vector<16xi32>
      %rev3A_791 = tpu.dynamic_gather %masked_sort3A_785[%rev3A_790] in [0] : vector<16xf32>, vector<16xi32> -> vector<16xf32>
      %rev3A_792 = arith.constant 15 : i32
      %rev3A_793 = vector.broadcast %rev3A_792 : i32 to vector<16xi32>
      %rev3A_794 = tpu.iota {dimensions = array<i32: 0>} : vector<16xi32>
      %rev3A_795 = arith.subi %rev3A_793, %rev3A_794 : vector<16xi32>
      %rev3A_796 = tpu.dynamic_gather %masked_sort3A_786[%rev3A_795] in [0] : vector<16xf32>, vector<16xi32> -> vector<16xf32>
      %le3A_797 = arith.cmpf ole, %scan3A_578, %rev3A_791 : vector<16xf32>
      %select_n3A_798 = arith.select %le3A_797, %scan3A_578, %rev3A_791 : vector<16xi1>, vector<16xf32>
      %select_n3A_799 = arith.select %le3A_797, %scan3A_579, %rev3A_796 : vector<16xi1>, vector<16xf32>
      %masked_sort3A_800 = arith.constant dense<true> : vector<16xi1>
      %masked_sort3A_801, %masked_sort3A_802, %masked_sort3A_803 = tpu.sort %select_n3A_798, %select_n3A_799 masked %masked_sort3A_800 : (vector<16xf32>, vector<16xf32>, vector<16xi1>) -> (vector<16xi1>, vector<16xf32>, vector<16xf32>)
      %mul3A_804 = arith.constant 8 : i32
      %mul3A_805 = arith.muli %scan3A_567, %mul3A_804 : i32
      %add3A_806 = arith.constant 6 : i32
      %add3A_807 = arith.addi %mul3A_805, %add3A_806 : i32
      %mul3A_808 = arith.constant 16 : i32
      %mul3A_809 = arith.muli %add3A_807, %mul3A_808 : i32
      %get3A_810 = arith.constant 1 : i32
      %get3A_811 = arith.index_cast %get3A_810 : i32 to index
      %get3A_812 = arith.index_cast %mul3A_809 : i32 to index
      %get3A_813 = tpu.vector_load %arg8[%get3A_811, %get3A_812] {strides = array<i32>} : memref<4x6272xf32, #tpu.memory_space<vmem>>, vector<16xf32>,
      %get3A_814 = arith.index_cast %mul3A_809 : i32 to index
      %get3A_815 = tpu.vector_load %arg7[%get3A_814] {strides = array<i32>} : memref<6272xf32, #tpu.memory_space<vmem>>, vector<16xf32>,
      %mul3A_816 = arith.constant 2.000000e+00 : f32
      %mul3A_817 = vector.broadcast %mul3A_816 : f32 to vector<16xf32>
      %mul3A_818 = arith.mulf %mul3A_817, %get3A_813 : vector<16xf32>
      %sub3A_819 = arith.subf %get3A_815, %mul3A_818 : vector<16xf32>
      %masked_sort3A_820 = arith.constant dense<true> : vector<16xi1>
      %masked_sort3A_821, %masked_sort3A_822, %masked_sort3A_823 = tpu.sort %sub3A_819, %get3A_813 masked %masked_sort3A_820 : (vector<16xf32>, vector<16xf32>, vector<16xi1>) -> (vector<16xi1>, vector<16xf32>, vector<16xf32>)
      %rev3A_824 = arith.constant 15 : i32
      %rev3A_825 = vector.broadcast %rev3A_824 : i32 to vector<16xi32>
      %rev3A_826 = tpu.iota {dimensions = array<i32: 0>} : vector<16xi32>
      %rev3A_827 = arith.subi %rev3A_825, %rev3A_826 : vector<16xi32>
      %rev3A_828 = tpu.dynamic_gather %masked_sort3A_822[%rev3A_827] in [0] : vector<16xf32>, vector<16xi32> -> vector<16xf32>
      %rev3A_829 = arith.constant 15 : i32
      %rev3A_830 = vector.broadcast %rev3A_829 : i32 to vector<16xi32>
      %rev3A_831 = tpu.iota {dimensions = array<i32: 0>} : vector<16xi32>
      %rev3A_832 = arith.subi %rev3A_830, %rev3A_831 : vector<16xi32>
      %rev3A_833 = tpu.dynamic_gather %masked_sort3A_823[%rev3A_832] in [0] : vector<16xf32>, vector<16xi32> -> vector<16xf32>
      %le3A_834 = arith.cmpf ole, %scan3A_580, %rev3A_828 : vector<16xf32>
      %select_n3A_835 = arith.select %le3A_834, %scan3A_580, %rev3A_828 : vector<16xi1>, vector<16xf32>
      %select_n3A_836 = arith.select %le3A_834, %scan3A_581, %rev3A_833 : vector<16xi1>, vector<16xf32>
      %masked_sort3A_837 = arith.constant dense<true> : vector<16xi1>
      %masked_sort3A_838, %masked_sort3A_839, %masked_sort3A_840 = tpu.sort %select_n3A_835, %select_n3A_836 masked %masked_sort3A_837 : (vector<16xf32>, vector<16xf32>, vector<16xi1>) -> (vector<16xi1>, vector<16xf32>, vector<16xf32>)
      %mul3A_841 = arith.constant 8 : i32
      %mul3A_842 = arith.muli %scan3A_567, %mul3A_841 : i32
      %add3A_843 = arith.constant 7 : i32
      %add3A_844 = arith.addi %mul3A_842, %add3A_843 : i32
      %mul3A_845 = arith.constant 16 : i32
      %mul3A_846 = arith.muli %add3A_844, %mul3A_845 : i32
      %get3A_847 = arith.constant 1 : i32
      %get3A_848 = arith.index_cast %get3A_847 : i32 to index
      %get3A_849 = arith.index_cast %mul3A_846 : i32 to index
      %get3A_850 = tpu.vector_load %arg8[%get3A_848, %get3A_849] {strides = array<i32>} : memref<4x6272xf32, #tpu.memory_space<vmem>>, vector<16xf32>,
      %get3A_851 = arith.index_cast %mul3A_846 : i32 to index
      %get3A_852 = tpu.vector_load %arg7[%get3A_851] {strides = array<i32>} : memref<6272xf32, #tpu.memory_space<vmem>>, vector<16xf32>,
      %mul3A_853 = arith.constant 2.000000e+00 : f32
      %mul3A_854 = vector.broadcast %mul3A_853 : f32 to vector<16xf32>
      %mul3A_855 = arith.mulf %mul3A_854, %get3A_850 : vector<16xf32>
      %sub3A_856 = arith.subf %get3A_852, %mul3A_855 : vector<16xf32>
      %masked_sort3A_857 = arith.constant dense<true> : vector<16xi1>
      %masked_sort3A_858, %masked_sort3A_859, %masked_sort3A_860 = tpu.sort %sub3A_856, %get3A_850 masked %masked_sort3A_857 : (vector<16xf32>, vector<16xf32>, vector<16xi1>) -> (vector<16xi1>, vector<16xf32>, vector<16xf32>)
      %rev3A_861 = arith.constant 15 : i32
      %rev3A_862 = vector.broadcast %rev3A_861 : i32 to vector<16xi32>
      %rev3A_863 = tpu.iota {dimensions = array<i32: 0>} : vector<16xi32>
      %rev3A_864 = arith.subi %rev3A_862, %rev3A_863 : vector<16xi32>
      %rev3A_865 = tpu.dynamic_gather %masked_sort3A_859[%rev3A_864] in [0] : vector<16xf32>, vector<16xi32> -> vector<16xf32>
      %rev3A_866 = arith.constant 15 : i32
      %rev3A_867 = vector.broadcast %rev3A_866 : i32 to vector<16xi32>
      %rev3A_868 = tpu.iota {dimensions = array<i32: 0>} : vector<16xi32>
      %rev3A_869 = arith.subi %rev3A_867, %rev3A_868 : vector<16xi32>
      %rev3A_870 = tpu.dynamic_gather %masked_sort3A_860[%rev3A_869] in [0] : vector<16xf32>, vector<16xi32> -> vector<16xf32>
      %le3A_871 = arith.cmpf ole, %scan3A_582, %rev3A_865 : vector<16xf32>
      %select_n3A_872 = arith.select %le3A_871, %scan3A_582, %rev3A_865 : vector<16xi1>, vector<16xf32>
      %select_n3A_873 = arith.select %le3A_871, %scan3A_583, %rev3A_870 : vector<16xi1>, vector<16xf32>
      %masked_sort3A_874 = arith.constant dense<true> : vector<16xi1>
      %masked_sort3A_875, %masked_sort3A_876, %masked_sort3A_877 = tpu.sort %select_n3A_872, %select_n3A_873 masked %masked_sort3A_874 : (vector<16xf32>, vector<16xf32>, vector<16xi1>) -> (vector<16xi1>, vector<16xf32>, vector<16xf32>)
      scf.yield %masked_sort3A_617, %masked_sort3A_618, %masked_sort3A_654, %masked_sort3A_655, %masked_sort3A_691, %masked_sort3A_692, %masked_sort3A_728, %masked_sort3A_729, %masked_sort3A_765, %masked_sort3A_766, %masked_sort3A_802, %masked_sort3A_803, %masked_sort3A_839, %masked_sort3A_840, %masked_sort3A_876, %masked_sort3A_877 : vector<16xf32>, vector<16xf32>, vector<16xf32>, vector<16xf32>, vector<16xf32>, vector<16xf32>, vector<16xf32>, vector<16xf32>, vector<16xf32>, vector<16xf32>, vector<16xf32>, vector<16xf32>, vector<16xf32>, vector<16xf32>, vector<16xf32>, vector<16xf32>
    }
    %scan3A_155 = arith.constant 49 : i32
    %rev3A_156 = arith.constant 15 : i32
    %rev3A_157 = vector.broadcast %rev3A_156 : i32 to vector<16xi32>
    %rev3A_158 = tpu.iota {dimensions = array<i32: 0>} : vector<16xi32>
    %rev3A_159 = arith.subi %rev3A_157, %rev3A_158 : vector<16xi32>
    %rev3A_160 = tpu.dynamic_gather %scan3A_154#2[%rev3A_159] in [0] : vector<16xf32>, vector<16xi32> -> vector<16xf32>
    %rev3A_161 = arith.constant 15 : i32
    %rev3A_162 = vector.broadcast %rev3A_161 : i32 to vector<16xi32>
    %rev3A_163 = tpu.iota {dimensions = array<i32: 0>} : vector<16xi32>
    %rev3A_164 = arith.subi %rev3A_162, %rev3A_163 : vector<16xi32>
    %rev3A_165 = tpu.dynamic_gather %scan3A_154#3[%rev3A_164] in [0] : vector<16xf32>, vector<16xi32> -> vector<16xf32>
    %le3A_166 = arith.cmpf ole, %scan3A_154#0, %rev3A_160 : vector<16xf32>
    %select_n3A_167 = arith.select %le3A_166, %scan3A_154#0, %rev3A_160 : vector<16xi1>, vector<16xf32>
    %select_n3A_168 = arith.select %le3A_166, %scan3A_154#1, %rev3A_165 : vector<16xi1>, vector<16xf32>
    %masked_sort3A_169 = arith.constant dense<true> : vector<16xi1>
    %masked_sort3A_170, %masked_sort3A_171, %masked_sort3A_172 = tpu.sort %select_n3A_167, %select_n3A_168 masked %masked_sort3A_169 : (vector<16xf32>, vector<16xf32>, vector<16xi1>) -> (vector<16xi1>, vector<16xf32>, vector<16xf32>)
    %rev3A_173 = arith.constant 15 : i32
    %rev3A_174 = vector.broadcast %rev3A_173 : i32 to vector<16xi32>
    %rev3A_175 = tpu.iota {dimensions = array<i32: 0>} : vector<16xi32>
    %rev3A_176 = arith.subi %rev3A_174, %rev3A_175 : vector<16xi32>
    %rev3A_177 = tpu.dynamic_gather %scan3A_154#6[%rev3A_176] in [0] : vector<16xf32>, vector<16xi32> -> vector<16xf32>
    %rev3A_178 = arith.constant 15 : i32
    %rev3A_179 = vector.broadcast %rev3A_178 : i32 to vector<16xi32>
    %rev3A_180 = tpu.iota {dimensions = array<i32: 0>} : vector<16xi32>
    %rev3A_181 = arith.subi %rev3A_179, %rev3A_180 : vector<16xi32>
    %rev3A_182 = tpu.dynamic_gather %scan3A_154#7[%rev3A_181] in [0] : vector<16xf32>, vector<16xi32> -> vector<16xf32>
    %le3A_183 = arith.cmpf ole, %scan3A_154#4, %rev3A_177 : vector<16xf32>
    %select_n3A_184 = arith.select %le3A_183, %scan3A_154#4, %rev3A_177 : vector<16xi1>, vector<16xf32>
    %select_n3A_185 = arith.select %le3A_183, %scan3A_154#5, %rev3A_182 : vector<16xi1>, vector<16xf32>
    %masked_sort3A_186 = arith.constant dense<true> : vector<16xi1>
    %masked_sort3A_187, %masked_sort3A_188, %masked_sort3A_189 = tpu.sort %select_n3A_184, %select_n3A_185 masked %masked_sort3A_186 : (vector<16xf32>, vector<16xf32>, vector<16xi1>) -> (vector<16xi1>, vector<16xf32>, vector<16xf32>)
    %rev3A_190 = arith.constant 15 : i32
    %rev3A_191 = vector.broadcast %rev3A_190 : i32 to vector<16xi32>
    %rev3A_192 = tpu.iota {dimensions = array<i32: 0>} : vector<16xi32>
    %rev3A_193 = arith.subi %rev3A_191, %rev3A_192 : vector<16xi32>
    %rev3A_194 = tpu.dynamic_gather %scan3A_154#10[%rev3A_193] in [0] : vector<16xf32>, vector<16xi32> -> vector<16xf32>
    %rev3A_195 = arith.constant 15 : i32
    %rev3A_196 = vector.broadcast %rev3A_195 : i32 to vector<16xi32>
    %rev3A_197 = tpu.iota {dimensions = array<i32: 0>} : vector<16xi32>
    %rev3A_198 = arith.subi %rev3A_196, %rev3A_197 : vector<16xi32>
    %rev3A_199 = tpu.dynamic_gather %scan3A_154#11[%rev3A_198] in [0] : vector<16xf32>, vector<16xi32> -> vector<16xf32>
    %le3A_200 = arith.cmpf ole, %scan3A_154#8, %rev3A_194 : vector<16xf32>
    %select_n3A_201 = arith.select %le3A_200, %scan3A_154#8, %rev3A_194 : vector<16xi1>, vector<16xf32>
    %select_n3A_202 = arith.select %le3A_200, %scan3A_154#9, %rev3A_199 : vector<16xi1>, vector<16xf32>
    %masked_sort3A_203 = arith.constant dense<true> : vector<16xi1>
    %masked_sort3A_204, %masked_sort3A_205, %masked_sort3A_206 = tpu.sort %select_n3A_201, %select_n3A_202 masked %masked_sort3A_203 : (vector<16xf32>, vector<16xf32>, vector<16xi1>) -> (vector<16xi1>, vector<16xf32>, vector<16xf32>)
    %rev3A_207 = arith.constant 15 : i32
    %rev3A_208 = vector.broadcast %rev3A_207 : i32 to vector<16xi32>
    %rev3A_209 = tpu.iota {dimensions = array<i32: 0>} : vector<16xi32>
    %rev3A_210 = arith.subi %rev3A_208, %rev3A_209 : vector<16xi32>
    %rev3A_211 = tpu.dynamic_gather %scan3A_154#14[%rev3A_210] in [0] : vector<16xf32>, vector<16xi32> -> vector<16xf32>
    %rev3A_212 = arith.constant 15 : i32
    %rev3A_213 = vector.broadcast %rev3A_212 : i32 to vector<16xi32>
    %rev3A_214 = tpu.iota {dimensions = array<i32: 0>} : vector<16xi32>
    %rev3A_215 = arith.subi %rev3A_213, %rev3A_214 : vector<16xi32>
    %rev3A_216 = tpu.dynamic_gather %scan3A_154#15[%rev3A_215] in [0] : vector<16xf32>, vector<16xi32> -> vector<16xf32>
    %le3A_217 = arith.cmpf ole, %scan3A_154#12, %rev3A_211 : vector<16xf32>
    %select_n3A_218 = arith.select %le3A_217, %scan3A_154#12, %rev3A_211 : vector<16xi1>, vector<16xf32>
    %select_n3A_219 = arith.select %le3A_217, %scan3A_154#13, %rev3A_216 : vector<16xi1>, vector<16xf32>
    %masked_sort3A_220 = arith.constant dense<true> : vector<16xi1>
    %masked_sort3A_221, %masked_sort3A_222, %masked_sort3A_223 = tpu.sort %select_n3A_218, %select_n3A_219 masked %masked_sort3A_220 : (vector<16xf32>, vector<16xf32>, vector<16xi1>) -> (vector<16xi1>, vector<16xf32>, vector<16xf32>)
    %rev3A_224 = arith.constant 15 : i32
    %rev3A_225 = vector.broadcast %rev3A_224 : i32 to vector<16xi32>
    %rev3A_226 = tpu.iota {dimensions = array<i32: 0>} : vector<16xi32>
    %rev3A_227 = arith.subi %rev3A_225, %rev3A_226 : vector<16xi32>
    %rev3A_228 = tpu.dynamic_gather %masked_sort3A_188[%rev3A_227] in [0] : vector<16xf32>, vector<16xi32> -> vector<16xf32>
    %rev3A_229 = arith.constant 15 : i32
    %rev3A_230 = vector.broadcast %rev3A_229 : i32 to vector<16xi32>
    %rev3A_231 = tpu.iota {dimensions = array<i32: 0>} : vector<16xi32>
    %rev3A_232 = arith.subi %rev3A_230, %rev3A_231 : vector<16xi32>
    %rev3A_233 = tpu.dynamic_gather %masked_sort3A_189[%rev3A_232] in [0] : vector<16xf32>, vector<16xi32> -> vector<16xf32>
    %le3A_234 = arith.cmpf ole, %masked_sort3A_171, %rev3A_228 : vector<16xf32>
    %select_n3A_235 = arith.select %le3A_234, %masked_sort3A_171, %rev3A_228 : vector<16xi1>, vector<16xf32>
    %select_n3A_236 = arith.select %le3A_234, %masked_sort3A_172, %rev3A_233 : vector<16xi1>, vector<16xf32>
    %masked_sort3A_237 = arith.constant dense<true> : vector<16xi1>
    %masked_sort3A_238, %masked_sort3A_239, %masked_sort3A_240 = tpu.sort %select_n3A_235, %select_n3A_236 masked %masked_sort3A_237 : (vector<16xf32>, vector<16xf32>, vector<16xi1>) -> (vector<16xi1>, vector<16xf32>, vector<16xf32>)
    %rev3A_241 = arith.constant 15 : i32
    %rev3A_242 = vector.broadcast %rev3A_241 : i32 to vector<16xi32>
    %rev3A_243 = tpu.iota {dimensions = array<i32: 0>} : vector<16xi32>
    %rev3A_244 = arith.subi %rev3A_242, %rev3A_243 : vector<16xi32>
    %rev3A_245 = tpu.dynamic_gather %masked_sort3A_222[%rev3A_244] in [0] : vector<16xf32>, vector<16xi32> -> vector<16xf32>
    %rev3A_246 = arith.constant 15 : i32
    %rev3A_247 = vector.broadcast %rev3A_246 : i32 to vector<16xi32>
    %rev3A_248 = tpu.iota {dimensions = array<i32: 0>} : vector<16xi32>
    %rev3A_249 = arith.subi %rev3A_247, %rev3A_248 : vector<16xi32>
    %rev3A_250 = tpu.dynamic_gather %masked_sort3A_223[%rev3A_249] in [0] : vector<16xf32>, vector<16xi32> -> vector<16xf32>
    %le3A_251 = arith.cmpf ole, %masked_sort3A_205, %rev3A_245 : vector<16xf32>
    %select_n3A_252 = arith.select %le3A_251, %masked_sort3A_205, %rev3A_245 : vector<16xi1>, vector<16xf32>
    %select_n3A_253 = arith.select %le3A_251, %masked_sort3A_206, %rev3A_250 : vector<16xi1>, vector<16xf32>
    %masked_sort3A_254 = arith.constant dense<true> : vector<16xi1>
    %masked_sort3A_255, %masked_sort3A_256, %masked_sort3A_257 = tpu.sort %select_n3A_252, %select_n3A_253 masked %masked_sort3A_254 : (vector<16xf32>, vector<16xf32>, vector<16xi1>) -> (vector<16xi1>, vector<16xf32>, vector<16xf32>)
    %rev3A_258 = arith.constant 15 : i32
    %rev3A_259 = vector.broadcast %rev3A_258 : i32 to vector<16xi32>
    %rev3A_260 = tpu.iota {dimensions = array<i32: 0>} : vector<16xi32>
    %rev3A_261 = arith.subi %rev3A_259, %rev3A_260 : vector<16xi32>
    %rev3A_262 = tpu.dynamic_gather %masked_sort3A_256[%rev3A_261] in [0] : vector<16xf32>, vector<16xi32> -> vector<16xf32>
    %rev3A_263 = arith.constant 15 : i32
    %rev3A_264 = vector.broadcast %rev3A_263 : i32 to vector<16xi32>
    %rev3A_265 = tpu.iota {dimensions = array<i32: 0>} : vector<16xi32>
    %rev3A_266 = arith.subi %rev3A_264, %rev3A_265 : vector<16xi32>
    %rev3A_267 = tpu.dynamic_gather %masked_sort3A_257[%rev3A_266] in [0] : vector<16xf32>, vector<16xi32> -> vector<16xf32>
    %le3A_268 = arith.cmpf ole, %masked_sort3A_239, %rev3A_262 : vector<16xf32>
    %select_n3A_269 = arith.select %le3A_268, %masked_sort3A_239, %rev3A_262 : vector<16xi1>, vector<16xf32>
    %select_n3A_270 = arith.select %le3A_268, %masked_sort3A_240, %rev3A_267 : vector<16xi1>, vector<16xf32>
    %masked_sort3A_271 = arith.constant dense<true> : vector<16xi1>
    %masked_sort3A_272, %masked_sort3A_273, %masked_sort3A_274 = tpu.sort %select_n3A_269, %select_n3A_270 masked %masked_sort3A_271 : (vector<16xf32>, vector<16xf32>, vector<16xi1>) -> (vector<16xi1>, vector<16xf32>, vector<16xf32>)
    %swap3A_275 = arith.constant 1 : i32
    %swap3A_276 = arith.index_cast %swap3A_275 : i32 to index
    %swap3A_277 = arith.constant 0 : index
    %swap3A_278 = tpu.vector_load %arg9[%swap3A_276, %swap3A_277] {strides = array<i32>} : memref<4x16xf32, #tpu.memory_space<vmem>>, vector<16xf32>,
    tpu.vector_store %arg9[%swap3A_276, %swap3A_277], %masked_sort3A_273 {strides = array<i32>} : memref<4x16xf32, #tpu.memory_space<vmem>>, vector<16xf32>,
    %swap3A_279 = arith.constant 1 : i32
    %swap3A_280 = arith.index_cast %swap3A_279 : i32 to index
    %swap3A_281 = arith.constant 0 : index
    %swap3A_282 = tpu.vector_load %arg10[%swap3A_280, %swap3A_281] {strides = array<i32>} : memref<4x16xf32, #tpu.memory_space<vmem>>, vector<16xf32>,
    tpu.vector_store %arg10[%swap3A_280, %swap3A_281], %masked_sort3A_274 {strides = array<i32>} : memref<4x16xf32, #tpu.memory_space<vmem>>, vector<16xf32>,
    %scan3A_283 = arith.constant 0 : i32
    %scan3A_284 = arith.constant 49 : i32
    %scan3A_285 = arith.addi %scan3A_283, %scan3A_284 : i32
    %scan3A_286 = arith.constant 1 : i32
    %scan3A_287:16 = scf.for %scan3A_567 = %scan3A_283 to %scan3A_285 step %scan3A_286 iter_args(%scan3A_568 = %broadcast_in_dim3A_1, %scan3A_569 = %broadcast_in_dim3A_3, %scan3A_570 = %broadcast_in_dim3A_1, %scan3A_571 = %broadcast_in_dim3A_3, %scan3A_572 = %broadcast_in_dim3A_1, %scan3A_573 = %broadcast_in_dim3A_3, %scan3A_574 = %broadcast_in_dim3A_1, %scan3A_575 = %broadcast_in_dim3A_3, %scan3A_576 = %broadcast_in_dim3A_1, %scan3A_577 = %broadcast_in_dim3A_3, %scan3A_578 = %broadcast_in_dim3A_1, %scan3A_579 = %broadcast_in_dim3A_3, %scan3A_580 = %broadcast_in_dim3A_1, %scan3A_581 = %broadcast_in_dim3A_3, %scan3A_582 = %broadcast_in_dim3A_1, %scan3A_583 = %broadcast_in_dim3A_3) -> (vector<16xf32>, vector<16xf32>, vector<16xf32>, vector<16xf32>, vector<16xf32>, vector<16xf32>, vector<16xf32>, vector<16xf32>, vector<16xf32>, vector<16xf32>, vector<16xf32>, vector<16xf32>, vector<16xf32>, vector<16xf32>, vector<16xf32>, vector<16xf32>)  : i32 {
      %mul3A_584 = arith.constant 8 : i32
      %mul3A_585 = arith.muli %scan3A_567, %mul3A_584 : i32
      %add3A_586 = arith.constant 0 : i32
      %add3A_587 = arith.addi %mul3A_585, %add3A_586 : i32
      %mul3A_588 = arith.constant 16 : i32
      %mul3A_589 = arith.muli %add3A_587, %mul3A_588 : i32
      %get3A = arith.constant 2 : i32
      %get3A_590 = arith.index_cast %get3A : i32 to index
      %get3A_591 = arith.index_cast %mul3A_589 : i32 to index
      %get3A_592 = tpu.vector_load %arg8[%get3A_590, %get3A_591] {strides = array<i32>} : memref<4x6272xf32, #tpu.memory_space<vmem>>, vector<16xf32>,
      %get3A_593 = arith.index_cast %mul3A_589 : i32 to index
      %get3A_594 = tpu.vector_load %arg7[%get3A_593] {strides = array<i32>} : memref<6272xf32, #tpu.memory_space<vmem>>, vector<16xf32>,
      %mul3A_595 = arith.constant 2.000000e+00 : f32
      %mul3A_596 = vector.broadcast %mul3A_595 : f32 to vector<16xf32>
      %mul3A_597 = arith.mulf %mul3A_596, %get3A_592 : vector<16xf32>
      %sub3A = arith.subf %get3A_594, %mul3A_597 : vector<16xf32>
      %masked_sort3A_598 = arith.constant dense<true> : vector<16xi1>
      %masked_sort3A_599, %masked_sort3A_600, %masked_sort3A_601 = tpu.sort %sub3A, %get3A_592 masked %masked_sort3A_598 : (vector<16xf32>, vector<16xf32>, vector<16xi1>) -> (vector<16xi1>, vector<16xf32>, vector<16xf32>)
      %rev3A_602 = arith.constant 15 : i32
      %rev3A_603 = vector.broadcast %rev3A_602 : i32 to vector<16xi32>
      %rev3A_604 = tpu.iota {dimensions = array<i32: 0>} : vector<16xi32>
      %rev3A_605 = arith.subi %rev3A_603, %rev3A_604 : vector<16xi32>
      %rev3A_606 = tpu.dynamic_gather %masked_sort3A_600[%rev3A_605] in [0] : vector<16xf32>, vector<16xi32> -> vector<16xf32>
      %rev3A_607 = arith.constant 15 : i32
      %rev3A_608 = vector.broadcast %rev3A_607 : i32 to vector<16xi32>
      %rev3A_609 = tpu.iota {dimensions = array<i32: 0>} : vector<16xi32>
      %rev3A_610 = arith.subi %rev3A_608, %rev3A_609 : vector<16xi32>
      %rev3A_611 = tpu.dynamic_gather %masked_sort3A_601[%rev3A_610] in [0] : vector<16xf32>, vector<16xi32> -> vector<16xf32>
      %le3A_612 = arith.cmpf ole, %scan3A_568, %rev3A_606 : vector<16xf32>
      %select_n3A_613 = arith.select %le3A_612, %scan3A_568, %rev3A_606 : vector<16xi1>, vector<16xf32>
      %select_n3A_614 = arith.select %le3A_612, %scan3A_569, %rev3A_611 : vector<16xi1>, vector<16xf32>
      %masked_sort3A_615 = arith.constant dense<true> : vector<16xi1>
      %masked_sort3A_616, %masked_sort3A_617, %masked_sort3A_618 = tpu.sort %select_n3A_613, %select_n3A_614 masked %masked_sort3A_615 : (vector<16xf32>, vector<16xf32>, vector<16xi1>) -> (vector<16xi1>, vector<16xf32>, vector<16xf32>)
      %mul3A_619 = arith.constant 8 : i32
      %mul3A_620 = arith.muli %scan3A_567, %mul3A_619 : i32
      %add3A_621 = arith.constant 1 : i32
      %add3A_622 = arith.addi %mul3A_620, %add3A_621 : i32
      %mul3A_623 = arith.constant 16 : i32
      %mul3A_624 = arith.muli %add3A_622, %mul3A_623 : i32
      %get3A_625 = arith.constant 2 : i32
      %get3A_626 = arith.index_cast %get3A_625 : i32 to index
      %get3A_627 = arith.index_cast %mul3A_624 : i32 to index
      %get3A_628 = tpu.vector_load %arg8[%get3A_626, %get3A_627] {strides = array<i32>} : memref<4x6272xf32, #tpu.memory_space<vmem>>, vector<16xf32>,
      %get3A_629 = arith.index_cast %mul3A_624 : i32 to index
      %get3A_630 = tpu.vector_load %arg7[%get3A_629] {strides = array<i32>} : memref<6272xf32, #tpu.memory_space<vmem>>, vector<16xf32>,
      %mul3A_631 = arith.constant 2.000000e+00 : f32
      %mul3A_632 = vector.broadcast %mul3A_631 : f32 to vector<16xf32>
      %mul3A_633 = arith.mulf %mul3A_632, %get3A_628 : vector<16xf32>
      %sub3A_634 = arith.subf %get3A_630, %mul3A_633 : vector<16xf32>
      %masked_sort3A_635 = arith.constant dense<true> : vector<16xi1>
      %masked_sort3A_636, %masked_sort3A_637, %masked_sort3A_638 = tpu.sort %sub3A_634, %get3A_628 masked %masked_sort3A_635 : (vector<16xf32>, vector<16xf32>, vector<16xi1>) -> (vector<16xi1>, vector<16xf32>, vector<16xf32>)
      %rev3A_639 = arith.constant 15 : i32
      %rev3A_640 = vector.broadcast %rev3A_639 : i32 to vector<16xi32>
      %rev3A_641 = tpu.iota {dimensions = array<i32: 0>} : vector<16xi32>
      %rev3A_642 = arith.subi %rev3A_640, %rev3A_641 : vector<16xi32>
      %rev3A_643 = tpu.dynamic_gather %masked_sort3A_637[%rev3A_642] in [0] : vector<16xf32>, vector<16xi32> -> vector<16xf32>
      %rev3A_644 = arith.constant 15 : i32
      %rev3A_645 = vector.broadcast %rev3A_644 : i32 to vector<16xi32>
      %rev3A_646 = tpu.iota {dimensions = array<i32: 0>} : vector<16xi32>
      %rev3A_647 = arith.subi %rev3A_645, %rev3A_646 : vector<16xi32>
      %rev3A_648 = tpu.dynamic_gather %masked_sort3A_638[%rev3A_647] in [0] : vector<16xf32>, vector<16xi32> -> vector<16xf32>
      %le3A_649 = arith.cmpf ole, %scan3A_570, %rev3A_643 : vector<16xf32>
      %select_n3A_650 = arith.select %le3A_649, %scan3A_570, %rev3A_643 : vector<16xi1>, vector<16xf32>
      %select_n3A_651 = arith.select %le3A_649, %scan3A_571, %rev3A_648 : vector<16xi1>, vector<16xf32>
      %masked_sort3A_652 = arith.constant dense<true> : vector<16xi1>
      %masked_sort3A_653, %masked_sort3A_654, %masked_sort3A_655 = tpu.sort %select_n3A_650, %select_n3A_651 masked %masked_sort3A_652 : (vector<16xf32>, vector<16xf32>, vector<16xi1>) -> (vector<16xi1>, vector<16xf32>, vector<16xf32>)
      %mul3A_656 = arith.constant 8 : i32
      %mul3A_657 = arith.muli %scan3A_567, %mul3A_656 : i32
      %add3A_658 = arith.constant 2 : i32
      %add3A_659 = arith.addi %mul3A_657, %add3A_658 : i32
      %mul3A_660 = arith.constant 16 : i32
      %mul3A_661 = arith.muli %add3A_659, %mul3A_660 : i32
      %get3A_662 = arith.constant 2 : i32
      %get3A_663 = arith.index_cast %get3A_662 : i32 to index
      %get3A_664 = arith.index_cast %mul3A_661 : i32 to index
      %get3A_665 = tpu.vector_load %arg8[%get3A_663, %get3A_664] {strides = array<i32>} : memref<4x6272xf32, #tpu.memory_space<vmem>>, vector<16xf32>,
      %get3A_666 = arith.index_cast %mul3A_661 : i32 to index
      %get3A_667 = tpu.vector_load %arg7[%get3A_666] {strides = array<i32>} : memref<6272xf32, #tpu.memory_space<vmem>>, vector<16xf32>,
      %mul3A_668 = arith.constant 2.000000e+00 : f32
      %mul3A_669 = vector.broadcast %mul3A_668 : f32 to vector<16xf32>
      %mul3A_670 = arith.mulf %mul3A_669, %get3A_665 : vector<16xf32>
      %sub3A_671 = arith.subf %get3A_667, %mul3A_670 : vector<16xf32>
      %masked_sort3A_672 = arith.constant dense<true> : vector<16xi1>
      %masked_sort3A_673, %masked_sort3A_674, %masked_sort3A_675 = tpu.sort %sub3A_671, %get3A_665 masked %masked_sort3A_672 : (vector<16xf32>, vector<16xf32>, vector<16xi1>) -> (vector<16xi1>, vector<16xf32>, vector<16xf32>)
      %rev3A_676 = arith.constant 15 : i32
      %rev3A_677 = vector.broadcast %rev3A_676 : i32 to vector<16xi32>
      %rev3A_678 = tpu.iota {dimensions = array<i32: 0>} : vector<16xi32>
      %rev3A_679 = arith.subi %rev3A_677, %rev3A_678 : vector<16xi32>
      %rev3A_680 = tpu.dynamic_gather %masked_sort3A_674[%rev3A_679] in [0] : vector<16xf32>, vector<16xi32> -> vector<16xf32>
      %rev3A_681 = arith.constant 15 : i32
      %rev3A_682 = vector.broadcast %rev3A_681 : i32 to vector<16xi32>
      %rev3A_683 = tpu.iota {dimensions = array<i32: 0>} : vector<16xi32>
      %rev3A_684 = arith.subi %rev3A_682, %rev3A_683 : vector<16xi32>
      %rev3A_685 = tpu.dynamic_gather %masked_sort3A_675[%rev3A_684] in [0] : vector<16xf32>, vector<16xi32> -> vector<16xf32>
      %le3A_686 = arith.cmpf ole, %scan3A_572, %rev3A_680 : vector<16xf32>
      %select_n3A_687 = arith.select %le3A_686, %scan3A_572, %rev3A_680 : vector<16xi1>, vector<16xf32>
      %select_n3A_688 = arith.select %le3A_686, %scan3A_573, %rev3A_685 : vector<16xi1>, vector<16xf32>
      %masked_sort3A_689 = arith.constant dense<true> : vector<16xi1>
      %masked_sort3A_690, %masked_sort3A_691, %masked_sort3A_692 = tpu.sort %select_n3A_687, %select_n3A_688 masked %masked_sort3A_689 : (vector<16xf32>, vector<16xf32>, vector<16xi1>) -> (vector<16xi1>, vector<16xf32>, vector<16xf32>)
      %mul3A_693 = arith.constant 8 : i32
      %mul3A_694 = arith.muli %scan3A_567, %mul3A_693 : i32
      %add3A_695 = arith.constant 3 : i32
      %add3A_696 = arith.addi %mul3A_694, %add3A_695 : i32
      %mul3A_697 = arith.constant 16 : i32
      %mul3A_698 = arith.muli %add3A_696, %mul3A_697 : i32
      %get3A_699 = arith.constant 2 : i32
      %get3A_700 = arith.index_cast %get3A_699 : i32 to index
      %get3A_701 = arith.index_cast %mul3A_698 : i32 to index
      %get3A_702 = tpu.vector_load %arg8[%get3A_700, %get3A_701] {strides = array<i32>} : memref<4x6272xf32, #tpu.memory_space<vmem>>, vector<16xf32>,
      %get3A_703 = arith.index_cast %mul3A_698 : i32 to index
      %get3A_704 = tpu.vector_load %arg7[%get3A_703] {strides = array<i32>} : memref<6272xf32, #tpu.memory_space<vmem>>, vector<16xf32>,
      %mul3A_705 = arith.constant 2.000000e+00 : f32
      %mul3A_706 = vector.broadcast %mul3A_705 : f32 to vector<16xf32>
      %mul3A_707 = arith.mulf %mul3A_706, %get3A_702 : vector<16xf32>
      %sub3A_708 = arith.subf %get3A_704, %mul3A_707 : vector<16xf32>
      %masked_sort3A_709 = arith.constant dense<true> : vector<16xi1>
      %masked_sort3A_710, %masked_sort3A_711, %masked_sort3A_712 = tpu.sort %sub3A_708, %get3A_702 masked %masked_sort3A_709 : (vector<16xf32>, vector<16xf32>, vector<16xi1>) -> (vector<16xi1>, vector<16xf32>, vector<16xf32>)
      %rev3A_713 = arith.constant 15 : i32
      %rev3A_714 = vector.broadcast %rev3A_713 : i32 to vector<16xi32>
      %rev3A_715 = tpu.iota {dimensions = array<i32: 0>} : vector<16xi32>
      %rev3A_716 = arith.subi %rev3A_714, %rev3A_715 : vector<16xi32>
      %rev3A_717 = tpu.dynamic_gather %masked_sort3A_711[%rev3A_716] in [0] : vector<16xf32>, vector<16xi32> -> vector<16xf32>
      %rev3A_718 = arith.constant 15 : i32
      %rev3A_719 = vector.broadcast %rev3A_718 : i32 to vector<16xi32>
      %rev3A_720 = tpu.iota {dimensions = array<i32: 0>} : vector<16xi32>
      %rev3A_721 = arith.subi %rev3A_719, %rev3A_720 : vector<16xi32>
      %rev3A_722 = tpu.dynamic_gather %masked_sort3A_712[%rev3A_721] in [0] : vector<16xf32>, vector<16xi32> -> vector<16xf32>
      %le3A_723 = arith.cmpf ole, %scan3A_574, %rev3A_717 : vector<16xf32>
      %select_n3A_724 = arith.select %le3A_723, %scan3A_574, %rev3A_717 : vector<16xi1>, vector<16xf32>
      %select_n3A_725 = arith.select %le3A_723, %scan3A_575, %rev3A_722 : vector<16xi1>, vector<16xf32>
      %masked_sort3A_726 = arith.constant dense<true> : vector<16xi1>
      %masked_sort3A_727, %masked_sort3A_728, %masked_sort3A_729 = tpu.sort %select_n3A_724, %select_n3A_725 masked %masked_sort3A_726 : (vector<16xf32>, vector<16xf32>, vector<16xi1>) -> (vector<16xi1>, vector<16xf32>, vector<16xf32>)
      %mul3A_730 = arith.constant 8 : i32
      %mul3A_731 = arith.muli %scan3A_567, %mul3A_730 : i32
      %add3A_732 = arith.constant 4 : i32
      %add3A_733 = arith.addi %mul3A_731, %add3A_732 : i32
      %mul3A_734 = arith.constant 16 : i32
      %mul3A_735 = arith.muli %add3A_733, %mul3A_734 : i32
      %get3A_736 = arith.constant 2 : i32
      %get3A_737 = arith.index_cast %get3A_736 : i32 to index
      %get3A_738 = arith.index_cast %mul3A_735 : i32 to index
      %get3A_739 = tpu.vector_load %arg8[%get3A_737, %get3A_738] {strides = array<i32>} : memref<4x6272xf32, #tpu.memory_space<vmem>>, vector<16xf32>,
      %get3A_740 = arith.index_cast %mul3A_735 : i32 to index
      %get3A_741 = tpu.vector_load %arg7[%get3A_740] {strides = array<i32>} : memref<6272xf32, #tpu.memory_space<vmem>>, vector<16xf32>,
      %mul3A_742 = arith.constant 2.000000e+00 : f32
      %mul3A_743 = vector.broadcast %mul3A_742 : f32 to vector<16xf32>
      %mul3A_744 = arith.mulf %mul3A_743, %get3A_739 : vector<16xf32>
      %sub3A_745 = arith.subf %get3A_741, %mul3A_744 : vector<16xf32>
      %masked_sort3A_746 = arith.constant dense<true> : vector<16xi1>
      %masked_sort3A_747, %masked_sort3A_748, %masked_sort3A_749 = tpu.sort %sub3A_745, %get3A_739 masked %masked_sort3A_746 : (vector<16xf32>, vector<16xf32>, vector<16xi1>) -> (vector<16xi1>, vector<16xf32>, vector<16xf32>)
      %rev3A_750 = arith.constant 15 : i32
      %rev3A_751 = vector.broadcast %rev3A_750 : i32 to vector<16xi32>
      %rev3A_752 = tpu.iota {dimensions = array<i32: 0>} : vector<16xi32>
      %rev3A_753 = arith.subi %rev3A_751, %rev3A_752 : vector<16xi32>
      %rev3A_754 = tpu.dynamic_gather %masked_sort3A_748[%rev3A_753] in [0] : vector<16xf32>, vector<16xi32> -> vector<16xf32>
      %rev3A_755 = arith.constant 15 : i32
      %rev3A_756 = vector.broadcast %rev3A_755 : i32 to vector<16xi32>
      %rev3A_757 = tpu.iota {dimensions = array<i32: 0>} : vector<16xi32>
      %rev3A_758 = arith.subi %rev3A_756, %rev3A_757 : vector<16xi32>
      %rev3A_759 = tpu.dynamic_gather %masked_sort3A_749[%rev3A_758] in [0] : vector<16xf32>, vector<16xi32> -> vector<16xf32>
      %le3A_760 = arith.cmpf ole, %scan3A_576, %rev3A_754 : vector<16xf32>
      %select_n3A_761 = arith.select %le3A_760, %scan3A_576, %rev3A_754 : vector<16xi1>, vector<16xf32>
      %select_n3A_762 = arith.select %le3A_760, %scan3A_577, %rev3A_759 : vector<16xi1>, vector<16xf32>
      %masked_sort3A_763 = arith.constant dense<true> : vector<16xi1>
      %masked_sort3A_764, %masked_sort3A_765, %masked_sort3A_766 = tpu.sort %select_n3A_761, %select_n3A_762 masked %masked_sort3A_763 : (vector<16xf32>, vector<16xf32>, vector<16xi1>) -> (vector<16xi1>, vector<16xf32>, vector<16xf32>)
      %mul3A_767 = arith.constant 8 : i32
      %mul3A_768 = arith.muli %scan3A_567, %mul3A_767 : i32
      %add3A_769 = arith.constant 5 : i32
      %add3A_770 = arith.addi %mul3A_768, %add3A_769 : i32
      %mul3A_771 = arith.constant 16 : i32
      %mul3A_772 = arith.muli %add3A_770, %mul3A_771 : i32
      %get3A_773 = arith.constant 2 : i32
      %get3A_774 = arith.index_cast %get3A_773 : i32 to index
      %get3A_775 = arith.index_cast %mul3A_772 : i32 to index
      %get3A_776 = tpu.vector_load %arg8[%get3A_774, %get3A_775] {strides = array<i32>} : memref<4x6272xf32, #tpu.memory_space<vmem>>, vector<16xf32>,
      %get3A_777 = arith.index_cast %mul3A_772 : i32 to index
      %get3A_778 = tpu.vector_load %arg7[%get3A_777] {strides = array<i32>} : memref<6272xf32, #tpu.memory_space<vmem>>, vector<16xf32>,
      %mul3A_779 = arith.constant 2.000000e+00 : f32
      %mul3A_780 = vector.broadcast %mul3A_779 : f32 to vector<16xf32>
      %mul3A_781 = arith.mulf %mul3A_780, %get3A_776 : vector<16xf32>
      %sub3A_782 = arith.subf %get3A_778, %mul3A_781 : vector<16xf32>
      %masked_sort3A_783 = arith.constant dense<true> : vector<16xi1>
      %masked_sort3A_784, %masked_sort3A_785, %masked_sort3A_786 = tpu.sort %sub3A_782, %get3A_776 masked %masked_sort3A_783 : (vector<16xf32>, vector<16xf32>, vector<16xi1>) -> (vector<16xi1>, vector<16xf32>, vector<16xf32>)
      %rev3A_787 = arith.constant 15 : i32
      %rev3A_788 = vector.broadcast %rev3A_787 : i32 to vector<16xi32>
      %rev3A_789 = tpu.iota {dimensions = array<i32: 0>} : vector<16xi32>
      %rev3A_790 = arith.subi %rev3A_788, %rev3A_789 : vector<16xi32>
      %rev3A_791 = tpu.dynamic_gather %masked_sort3A_785[%rev3A_790] in [0] : vector<16xf32>, vector<16xi32> -> vector<16xf32>
      %rev3A_792 = arith.constant 15 : i32
      %rev3A_793 = vector.broadcast %rev3A_792 : i32 to vector<16xi32>
      %rev3A_794 = tpu.iota {dimensions = array<i32: 0>} : vector<16xi32>
      %rev3A_795 = arith.subi %rev3A_793, %rev3A_794 : vector<16xi32>
      %rev3A_796 = tpu.dynamic_gather %masked_sort3A_786[%rev3A_795] in [0] : vector<16xf32>, vector<16xi32> -> vector<16xf32>
      %le3A_797 = arith.cmpf ole, %scan3A_578, %rev3A_791 : vector<16xf32>
      %select_n3A_798 = arith.select %le3A_797, %scan3A_578, %rev3A_791 : vector<16xi1>, vector<16xf32>
      %select_n3A_799 = arith.select %le3A_797, %scan3A_579, %rev3A_796 : vector<16xi1>, vector<16xf32>
      %masked_sort3A_800 = arith.constant dense<true> : vector<16xi1>
      %masked_sort3A_801, %masked_sort3A_802, %masked_sort3A_803 = tpu.sort %select_n3A_798, %select_n3A_799 masked %masked_sort3A_800 : (vector<16xf32>, vector<16xf32>, vector<16xi1>) -> (vector<16xi1>, vector<16xf32>, vector<16xf32>)
      %mul3A_804 = arith.constant 8 : i32
      %mul3A_805 = arith.muli %scan3A_567, %mul3A_804 : i32
      %add3A_806 = arith.constant 6 : i32
      %add3A_807 = arith.addi %mul3A_805, %add3A_806 : i32
      %mul3A_808 = arith.constant 16 : i32
      %mul3A_809 = arith.muli %add3A_807, %mul3A_808 : i32
      %get3A_810 = arith.constant 2 : i32
      %get3A_811 = arith.index_cast %get3A_810 : i32 to index
      %get3A_812 = arith.index_cast %mul3A_809 : i32 to index
      %get3A_813 = tpu.vector_load %arg8[%get3A_811, %get3A_812] {strides = array<i32>} : memref<4x6272xf32, #tpu.memory_space<vmem>>, vector<16xf32>,
      %get3A_814 = arith.index_cast %mul3A_809 : i32 to index
      %get3A_815 = tpu.vector_load %arg7[%get3A_814] {strides = array<i32>} : memref<6272xf32, #tpu.memory_space<vmem>>, vector<16xf32>,
      %mul3A_816 = arith.constant 2.000000e+00 : f32
      %mul3A_817 = vector.broadcast %mul3A_816 : f32 to vector<16xf32>
      %mul3A_818 = arith.mulf %mul3A_817, %get3A_813 : vector<16xf32>
      %sub3A_819 = arith.subf %get3A_815, %mul3A_818 : vector<16xf32>
      %masked_sort3A_820 = arith.constant dense<true> : vector<16xi1>
      %masked_sort3A_821, %masked_sort3A_822, %masked_sort3A_823 = tpu.sort %sub3A_819, %get3A_813 masked %masked_sort3A_820 : (vector<16xf32>, vector<16xf32>, vector<16xi1>) -> (vector<16xi1>, vector<16xf32>, vector<16xf32>)
      %rev3A_824 = arith.constant 15 : i32
      %rev3A_825 = vector.broadcast %rev3A_824 : i32 to vector<16xi32>
      %rev3A_826 = tpu.iota {dimensions = array<i32: 0>} : vector<16xi32>
      %rev3A_827 = arith.subi %rev3A_825, %rev3A_826 : vector<16xi32>
      %rev3A_828 = tpu.dynamic_gather %masked_sort3A_822[%rev3A_827] in [0] : vector<16xf32>, vector<16xi32> -> vector<16xf32>
      %rev3A_829 = arith.constant 15 : i32
      %rev3A_830 = vector.broadcast %rev3A_829 : i32 to vector<16xi32>
      %rev3A_831 = tpu.iota {dimensions = array<i32: 0>} : vector<16xi32>
      %rev3A_832 = arith.subi %rev3A_830, %rev3A_831 : vector<16xi32>
      %rev3A_833 = tpu.dynamic_gather %masked_sort3A_823[%rev3A_832] in [0] : vector<16xf32>, vector<16xi32> -> vector<16xf32>
      %le3A_834 = arith.cmpf ole, %scan3A_580, %rev3A_828 : vector<16xf32>
      %select_n3A_835 = arith.select %le3A_834, %scan3A_580, %rev3A_828 : vector<16xi1>, vector<16xf32>
      %select_n3A_836 = arith.select %le3A_834, %scan3A_581, %rev3A_833 : vector<16xi1>, vector<16xf32>
      %masked_sort3A_837 = arith.constant dense<true> : vector<16xi1>
      %masked_sort3A_838, %masked_sort3A_839, %masked_sort3A_840 = tpu.sort %select_n3A_835, %select_n3A_836 masked %masked_sort3A_837 : (vector<16xf32>, vector<16xf32>, vector<16xi1>) -> (vector<16xi1>, vector<16xf32>, vector<16xf32>)
      %mul3A_841 = arith.constant 8 : i32
      %mul3A_842 = arith.muli %scan3A_567, %mul3A_841 : i32
      %add3A_843 = arith.constant 7 : i32
      %add3A_844 = arith.addi %mul3A_842, %add3A_843 : i32
      %mul3A_845 = arith.constant 16 : i32
      %mul3A_846 = arith.muli %add3A_844, %mul3A_845 : i32
      %get3A_847 = arith.constant 2 : i32
      %get3A_848 = arith.index_cast %get3A_847 : i32 to index
      %get3A_849 = arith.index_cast %mul3A_846 : i32 to index
      %get3A_850 = tpu.vector_load %arg8[%get3A_848, %get3A_849] {strides = array<i32>} : memref<4x6272xf32, #tpu.memory_space<vmem>>, vector<16xf32>,
      %get3A_851 = arith.index_cast %mul3A_846 : i32 to index
      %get3A_852 = tpu.vector_load %arg7[%get3A_851] {strides = array<i32>} : memref<6272xf32, #tpu.memory_space<vmem>>, vector<16xf32>,
      %mul3A_853 = arith.constant 2.000000e+00 : f32
      %mul3A_854 = vector.broadcast %mul3A_853 : f32 to vector<16xf32>
      %mul3A_855 = arith.mulf %mul3A_854, %get3A_850 : vector<16xf32>
      %sub3A_856 = arith.subf %get3A_852, %mul3A_855 : vector<16xf32>
      %masked_sort3A_857 = arith.constant dense<true> : vector<16xi1>
      %masked_sort3A_858, %masked_sort3A_859, %masked_sort3A_860 = tpu.sort %sub3A_856, %get3A_850 masked %masked_sort3A_857 : (vector<16xf32>, vector<16xf32>, vector<16xi1>) -> (vector<16xi1>, vector<16xf32>, vector<16xf32>)
      %rev3A_861 = arith.constant 15 : i32
      %rev3A_862 = vector.broadcast %rev3A_861 : i32 to vector<16xi32>
      %rev3A_863 = tpu.iota {dimensions = array<i32: 0>} : vector<16xi32>
      %rev3A_864 = arith.subi %rev3A_862, %rev3A_863 : vector<16xi32>
      %rev3A_865 = tpu.dynamic_gather %masked_sort3A_859[%rev3A_864] in [0] : vector<16xf32>, vector<16xi32> -> vector<16xf32>
      %rev3A_866 = arith.constant 15 : i32
      %rev3A_867 = vector.broadcast %rev3A_866 : i32 to vector<16xi32>
      %rev3A_868 = tpu.iota {dimensions = array<i32: 0>} : vector<16xi32>
      %rev3A_869 = arith.subi %rev3A_867, %rev3A_868 : vector<16xi32>
      %rev3A_870 = tpu.dynamic_gather %masked_sort3A_860[%rev3A_869] in [0] : vector<16xf32>, vector<16xi32> -> vector<16xf32>
      %le3A_871 = arith.cmpf ole, %scan3A_582, %rev3A_865 : vector<16xf32>
      %select_n3A_872 = arith.select %le3A_871, %scan3A_582, %rev3A_865 : vector<16xi1>, vector<16xf32>
      %select_n3A_873 = arith.select %le3A_871, %scan3A_583, %rev3A_870 : vector<16xi1>, vector<16xf32>
      %masked_sort3A_874 = arith.constant dense<true> : vector<16xi1>
      %masked_sort3A_875, %masked_sort3A_876, %masked_sort3A_877 = tpu.sort %select_n3A_872, %select_n3A_873 masked %masked_sort3A_874 : (vector<16xf32>, vector<16xf32>, vector<16xi1>) -> (vector<16xi1>, vector<16xf32>, vector<16xf32>)
      scf.yield %masked_sort3A_617, %masked_sort3A_618, %masked_sort3A_654, %masked_sort3A_655, %masked_sort3A_691, %masked_sort3A_692, %masked_sort3A_728, %masked_sort3A_729, %masked_sort3A_765, %masked_sort3A_766, %masked_sort3A_802, %masked_sort3A_803, %masked_sort3A_839, %masked_sort3A_840, %masked_sort3A_876, %masked_sort3A_877 : vector<16xf32>, vector<16xf32>, vector<16xf32>, vector<16xf32>, vector<16xf32>, vector<16xf32>, vector<16xf32>, vector<16xf32>, vector<16xf32>, vector<16xf32>, vector<16xf32>, vector<16xf32>, vector<16xf32>, vector<16xf32>, vector<16xf32>, vector<16xf32>
    }
    %scan3A_288 = arith.constant 49 : i32
    %rev3A_289 = arith.constant 15 : i32
    %rev3A_290 = vector.broadcast %rev3A_289 : i32 to vector<16xi32>
    %rev3A_291 = tpu.iota {dimensions = array<i32: 0>} : vector<16xi32>
    %rev3A_292 = arith.subi %rev3A_290, %rev3A_291 : vector<16xi32>
    %rev3A_293 = tpu.dynamic_gather %scan3A_287#2[%rev3A_292] in [0] : vector<16xf32>, vector<16xi32> -> vector<16xf32>
    %rev3A_294 = arith.constant 15 : i32
    %rev3A_295 = vector.broadcast %rev3A_294 : i32 to vector<16xi32>
    %rev3A_296 = tpu.iota {dimensions = array<i32: 0>} : vector<16xi32>
    %rev3A_297 = arith.subi %rev3A_295, %rev3A_296 : vector<16xi32>
    %rev3A_298 = tpu.dynamic_gather %scan3A_287#3[%rev3A_297] in [0] : vector<16xf32>, vector<16xi32> -> vector<16xf32>
    %le3A_299 = arith.cmpf ole, %scan3A_287#0, %rev3A_293 : vector<16xf32>
    %select_n3A_300 = arith.select %le3A_299, %scan3A_287#0, %rev3A_293 : vector<16xi1>, vector<16xf32>
    %select_n3A_301 = arith.select %le3A_299, %scan3A_287#1, %rev3A_298 : vector<16xi1>, vector<16xf32>
    %masked_sort3A_302 = arith.constant dense<true> : vector<16xi1>
    %masked_sort3A_303, %masked_sort3A_304, %masked_sort3A_305 = tpu.sort %select_n3A_300, %select_n3A_301 masked %masked_sort3A_302 : (vector<16xf32>, vector<16xf32>, vector<16xi1>) -> (vector<16xi1>, vector<16xf32>, vector<16xf32>)
    %rev3A_306 = arith.constant 15 : i32
    %rev3A_307 = vector.broadcast %rev3A_306 : i32 to vector<16xi32>
    %rev3A_308 = tpu.iota {dimensions = array<i32: 0>} : vector<16xi32>
    %rev3A_309 = arith.subi %rev3A_307, %rev3A_308 : vector<16xi32>
    %rev3A_310 = tpu.dynamic_gather %scan3A_287#6[%rev3A_309] in [0] : vector<16xf32>, vector<16xi32> -> vector<16xf32>
    %rev3A_311 = arith.constant 15 : i32
    %rev3A_312 = vector.broadcast %rev3A_311 : i32 to vector<16xi32>
    %rev3A_313 = tpu.iota {dimensions = array<i32: 0>} : vector<16xi32>
    %rev3A_314 = arith.subi %rev3A_312, %rev3A_313 : vector<16xi32>
    %rev3A_315 = tpu.dynamic_gather %scan3A_287#7[%rev3A_314] in [0] : vector<16xf32>, vector<16xi32> -> vector<16xf32>
    %le3A_316 = arith.cmpf ole, %scan3A_287#4, %rev3A_310 : vector<16xf32>
    %select_n3A_317 = arith.select %le3A_316, %scan3A_287#4, %rev3A_310 : vector<16xi1>, vector<16xf32>
    %select_n3A_318 = arith.select %le3A_316, %scan3A_287#5, %rev3A_315 : vector<16xi1>, vector<16xf32>
    %masked_sort3A_319 = arith.constant dense<true> : vector<16xi1>
    %masked_sort3A_320, %masked_sort3A_321, %masked_sort3A_322 = tpu.sort %select_n3A_317, %select_n3A_318 masked %masked_sort3A_319 : (vector<16xf32>, vector<16xf32>, vector<16xi1>) -> (vector<16xi1>, vector<16xf32>, vector<16xf32>)
    %rev3A_323 = arith.constant 15 : i32
    %rev3A_324 = vector.broadcast %rev3A_323 : i32 to vector<16xi32>
    %rev3A_325 = tpu.iota {dimensions = array<i32: 0>} : vector<16xi32>
    %rev3A_326 = arith.subi %rev3A_324, %rev3A_325 : vector<16xi32>
    %rev3A_327 = tpu.dynamic_gather %scan3A_287#10[%rev3A_326] in [0] : vector<16xf32>, vector<16xi32> -> vector<16xf32>
    %rev3A_328 = arith.constant 15 : i32
    %rev3A_329 = vector.broadcast %rev3A_328 : i32 to vector<16xi32>
    %rev3A_330 = tpu.iota {dimensions = array<i32: 0>} : vector<16xi32>
    %rev3A_331 = arith.subi %rev3A_329, %rev3A_330 : vector<16xi32>
    %rev3A_332 = tpu.dynamic_gather %scan3A_287#11[%rev3A_331] in [0] : vector<16xf32>, vector<16xi32> -> vector<16xf32>
    %le3A_333 = arith.cmpf ole, %scan3A_287#8, %rev3A_327 : vector<16xf32>
    %select_n3A_334 = arith.select %le3A_333, %scan3A_287#8, %rev3A_327 : vector<16xi1>, vector<16xf32>
    %select_n3A_335 = arith.select %le3A_333, %scan3A_287#9, %rev3A_332 : vector<16xi1>, vector<16xf32>
    %masked_sort3A_336 = arith.constant dense<true> : vector<16xi1>
    %masked_sort3A_337, %masked_sort3A_338, %masked_sort3A_339 = tpu.sort %select_n3A_334, %select_n3A_335 masked %masked_sort3A_336 : (vector<16xf32>, vector<16xf32>, vector<16xi1>) -> (vector<16xi1>, vector<16xf32>, vector<16xf32>)
    %rev3A_340 = arith.constant 15 : i32
    %rev3A_341 = vector.broadcast %rev3A_340 : i32 to vector<16xi32>
    %rev3A_342 = tpu.iota {dimensions = array<i32: 0>} : vector<16xi32>
    %rev3A_343 = arith.subi %rev3A_341, %rev3A_342 : vector<16xi32>
    %rev3A_344 = tpu.dynamic_gather %scan3A_287#14[%rev3A_343] in [0] : vector<16xf32>, vector<16xi32> -> vector<16xf32>
    %rev3A_345 = arith.constant 15 : i32
    %rev3A_346 = vector.broadcast %rev3A_345 : i32 to vector<16xi32>
    %rev3A_347 = tpu.iota {dimensions = array<i32: 0>} : vector<16xi32>
    %rev3A_348 = arith.subi %rev3A_346, %rev3A_347 : vector<16xi32>
    %rev3A_349 = tpu.dynamic_gather %scan3A_287#15[%rev3A_348] in [0] : vector<16xf32>, vector<16xi32> -> vector<16xf32>
    %le3A_350 = arith.cmpf ole, %scan3A_287#12, %rev3A_344 : vector<16xf32>
    %select_n3A_351 = arith.select %le3A_350, %scan3A_287#12, %rev3A_344 : vector<16xi1>, vector<16xf32>
    %select_n3A_352 = arith.select %le3A_350, %scan3A_287#13, %rev3A_349 : vector<16xi1>, vector<16xf32>
    %masked_sort3A_353 = arith.constant dense<true> : vector<16xi1>
    %masked_sort3A_354, %masked_sort3A_355, %masked_sort3A_356 = tpu.sort %select_n3A_351, %select_n3A_352 masked %masked_sort3A_353 : (vector<16xf32>, vector<16xf32>, vector<16xi1>) -> (vector<16xi1>, vector<16xf32>, vector<16xf32>)
    %rev3A_357 = arith.constant 15 : i32
    %rev3A_358 = vector.broadcast %rev3A_357 : i32 to vector<16xi32>
    %rev3A_359 = tpu.iota {dimensions = array<i32: 0>} : vector<16xi32>
    %rev3A_360 = arith.subi %rev3A_358, %rev3A_359 : vector<16xi32>
    %rev3A_361 = tpu.dynamic_gather %masked_sort3A_321[%rev3A_360] in [0] : vector<16xf32>, vector<16xi32> -> vector<16xf32>
    %rev3A_362 = arith.constant 15 : i32
    %rev3A_363 = vector.broadcast %rev3A_362 : i32 to vector<16xi32>
    %rev3A_364 = tpu.iota {dimensions = array<i32: 0>} : vector<16xi32>
    %rev3A_365 = arith.subi %rev3A_363, %rev3A_364 : vector<16xi32>
    %rev3A_366 = tpu.dynamic_gather %masked_sort3A_322[%rev3A_365] in [0] : vector<16xf32>, vector<16xi32> -> vector<16xf32>
    %le3A_367 = arith.cmpf ole, %masked_sort3A_304, %rev3A_361 : vector<16xf32>
    %select_n3A_368 = arith.select %le3A_367, %masked_sort3A_304, %rev3A_361 : vector<16xi1>, vector<16xf32>
    %select_n3A_369 = arith.select %le3A_367, %masked_sort3A_305, %rev3A_366 : vector<16xi1>, vector<16xf32>
    %masked_sort3A_370 = arith.constant dense<true> : vector<16xi1>
    %masked_sort3A_371, %masked_sort3A_372, %masked_sort3A_373 = tpu.sort %select_n3A_368, %select_n3A_369 masked %masked_sort3A_370 : (vector<16xf32>, vector<16xf32>, vector<16xi1>) -> (vector<16xi1>, vector<16xf32>, vector<16xf32>)
    %rev3A_374 = arith.constant 15 : i32
    %rev3A_375 = vector.broadcast %rev3A_374 : i32 to vector<16xi32>
    %rev3A_376 = tpu.iota {dimensions = array<i32: 0>} : vector<16xi32>
    %rev3A_377 = arith.subi %rev3A_375, %rev3A_376 : vector<16xi32>
    %rev3A_378 = tpu.dynamic_gather %masked_sort3A_355[%rev3A_377] in [0] : vector<16xf32>, vector<16xi32> -> vector<16xf32>
    %rev3A_379 = arith.constant 15 : i32
    %rev3A_380 = vector.broadcast %rev3A_379 : i32 to vector<16xi32>
    %rev3A_381 = tpu.iota {dimensions = array<i32: 0>} : vector<16xi32>
    %rev3A_382 = arith.subi %rev3A_380, %rev3A_381 : vector<16xi32>
    %rev3A_383 = tpu.dynamic_gather %masked_sort3A_356[%rev3A_382] in [0] : vector<16xf32>, vector<16xi32> -> vector<16xf32>
    %le3A_384 = arith.cmpf ole, %masked_sort3A_338, %rev3A_378 : vector<16xf32>
    %select_n3A_385 = arith.select %le3A_384, %masked_sort3A_338, %rev3A_378 : vector<16xi1>, vector<16xf32>
    %select_n3A_386 = arith.select %le3A_384, %masked_sort3A_339, %rev3A_383 : vector<16xi1>, vector<16xf32>
    %masked_sort3A_387 = arith.constant dense<true> : vector<16xi1>
    %masked_sort3A_388, %masked_sort3A_389, %masked_sort3A_390 = tpu.sort %select_n3A_385, %select_n3A_386 masked %masked_sort3A_387 : (vector<16xf32>, vector<16xf32>, vector<16xi1>) -> (vector<16xi1>, vector<16xf32>, vector<16xf32>)
    %rev3A_391 = arith.constant 15 : i32
    %rev3A_392 = vector.broadcast %rev3A_391 : i32 to vector<16xi32>
    %rev3A_393 = tpu.iota {dimensions = array<i32: 0>} : vector<16xi32>
    %rev3A_394 = arith.subi %rev3A_392, %rev3A_393 : vector<16xi32>
    %rev3A_395 = tpu.dynamic_gather %masked_sort3A_389[%rev3A_394] in [0] : vector<16xf32>, vector<16xi32> -> vector<16xf32>
    %rev3A_396 = arith.constant 15 : i32
    %rev3A_397 = vector.broadcast %rev3A_396 : i32 to vector<16xi32>
    %rev3A_398 = tpu.iota {dimensions = array<i32: 0>} : vector<16xi32>
    %rev3A_399 = arith.subi %rev3A_397, %rev3A_398 : vector<16xi32>
    %rev3A_400 = tpu.dynamic_gather %masked_sort3A_390[%rev3A_399] in [0] : vector<16xf32>, vector<16xi32> -> vector<16xf32>
    %le3A_401 = arith.cmpf ole, %masked_sort3A_372, %rev3A_395 : vector<16xf32>
    %select_n3A_402 = arith.select %le3A_401, %masked_sort3A_372, %rev3A_395 : vector<16xi1>, vector<16xf32>
    %select_n3A_403 = arith.select %le3A_401, %masked_sort3A_373, %rev3A_400 : vector<16xi1>, vector<16xf32>
    %masked_sort3A_404 = arith.constant dense<true> : vector<16xi1>
    %masked_sort3A_405, %masked_sort3A_406, %masked_sort3A_407 = tpu.sort %select_n3A_402, %select_n3A_403 masked %masked_sort3A_404 : (vector<16xf32>, vector<16xf32>, vector<16xi1>) -> (vector<16xi1>, vector<16xf32>, vector<16xf32>)
    %swap3A_408 = arith.constant 2 : i32
    %swap3A_409 = arith.index_cast %swap3A_408 : i32 to index
    %swap3A_410 = arith.constant 0 : index
    %swap3A_411 = tpu.vector_load %arg9[%swap3A_409, %swap3A_410] {strides = array<i32>} : memref<4x16xf32, #tpu.memory_space<vmem>>, vector<16xf32>,
    tpu.vector_store %arg9[%swap3A_409, %swap3A_410], %masked_sort3A_406 {strides = array<i32>} : memref<4x16xf32, #tpu.memory_space<vmem>>, vector<16xf32>,
    %swap3A_412 = arith.constant 2 : i32
    %swap3A_413 = arith.index_cast %swap3A_412 : i32 to index
    %swap3A_414 = arith.constant 0 : index
    %swap3A_415 = tpu.vector_load %arg10[%swap3A_413, %swap3A_414] {strides = array<i32>} : memref<4x16xf32, #tpu.memory_space<vmem>>, vector<16xf32>,
    tpu.vector_store %arg10[%swap3A_413, %swap3A_414], %masked_sort3A_407 {strides = array<i32>} : memref<4x16xf32, #tpu.memory_space<vmem>>, vector<16xf32>,
    %scan3A_416 = arith.constant 0 : i32
    %scan3A_417 = arith.constant 49 : i32
    %scan3A_418 = arith.addi %scan3A_416, %scan3A_417 : i32
    %scan3A_419 = arith.constant 1 : i32
    %scan3A_420:16 = scf.for %scan3A_567 = %scan3A_416 to %scan3A_418 step %scan3A_419 iter_args(%scan3A_568 = %broadcast_in_dim3A_1, %scan3A_569 = %broadcast_in_dim3A_3, %scan3A_570 = %broadcast_in_dim3A_1, %scan3A_571 = %broadcast_in_dim3A_3, %scan3A_572 = %broadcast_in_dim3A_1, %scan3A_573 = %broadcast_in_dim3A_3, %scan3A_574 = %broadcast_in_dim3A_1, %scan3A_575 = %broadcast_in_dim3A_3, %scan3A_576 = %broadcast_in_dim3A_1, %scan3A_577 = %broadcast_in_dim3A_3, %scan3A_578 = %broadcast_in_dim3A_1, %scan3A_579 = %broadcast_in_dim3A_3, %scan3A_580 = %broadcast_in_dim3A_1, %scan3A_581 = %broadcast_in_dim3A_3, %scan3A_582 = %broadcast_in_dim3A_1, %scan3A_583 = %broadcast_in_dim3A_3) -> (vector<16xf32>, vector<16xf32>, vector<16xf32>, vector<16xf32>, vector<16xf32>, vector<16xf32>, vector<16xf32>, vector<16xf32>, vector<16xf32>, vector<16xf32>, vector<16xf32>, vector<16xf32>, vector<16xf32>, vector<16xf32>, vector<16xf32>, vector<16xf32>)  : i32 {
      %mul3A_584 = arith.constant 8 : i32
      %mul3A_585 = arith.muli %scan3A_567, %mul3A_584 : i32
      %add3A_586 = arith.constant 0 : i32
      %add3A_587 = arith.addi %mul3A_585, %add3A_586 : i32
      %mul3A_588 = arith.constant 16 : i32
      %mul3A_589 = arith.muli %add3A_587, %mul3A_588 : i32
      %get3A = arith.constant 3 : i32
      %get3A_590 = arith.index_cast %get3A : i32 to index
      %get3A_591 = arith.index_cast %mul3A_589 : i32 to index
      %get3A_592 = tpu.vector_load %arg8[%get3A_590, %get3A_591] {strides = array<i32>} : memref<4x6272xf32, #tpu.memory_space<vmem>>, vector<16xf32>,
      %get3A_593 = arith.index_cast %mul3A_589 : i32 to index
      %get3A_594 = tpu.vector_load %arg7[%get3A_593] {strides = array<i32>} : memref<6272xf32, #tpu.memory_space<vmem>>, vector<16xf32>,
      %mul3A_595 = arith.constant 2.000000e+00 : f32
      %mul3A_596 = vector.broadcast %mul3A_595 : f32 to vector<16xf32>
      %mul3A_597 = arith.mulf %mul3A_596, %get3A_592 : vector<16xf32>
      %sub3A = arith.subf %get3A_594, %mul3A_597 : vector<16xf32>
      %masked_sort3A_598 = arith.constant dense<true> : vector<16xi1>
      %masked_sort3A_599, %masked_sort3A_600, %masked_sort3A_601 = tpu.sort %sub3A, %get3A_592 masked %masked_sort3A_598 : (vector<16xf32>, vector<16xf32>, vector<16xi1>) -> (vector<16xi1>, vector<16xf32>, vector<16xf32>)
      %rev3A_602 = arith.constant 15 : i32
      %rev3A_603 = vector.broadcast %rev3A_602 : i32 to vector<16xi32>
      %rev3A_604 = tpu.iota {dimensions = array<i32: 0>} : vector<16xi32>
      %rev3A_605 = arith.subi %rev3A_603, %rev3A_604 : vector<16xi32>
      %rev3A_606 = tpu.dynamic_gather %masked_sort3A_600[%rev3A_605] in [0] : vector<16xf32>, vector<16xi32> -> vector<16xf32>
      %rev3A_607 = arith.constant 15 : i32
      %rev3A_608 = vector.broadcast %rev3A_607 : i32 to vector<16xi32>
      %rev3A_609 = tpu.iota {dimensions = array<i32: 0>} : vector<16xi32>
      %rev3A_610 = arith.subi %rev3A_608, %rev3A_609 : vector<16xi32>
      %rev3A_611 = tpu.dynamic_gather %masked_sort3A_601[%rev3A_610] in [0] : vector<16xf32>, vector<16xi32> -> vector<16xf32>
      %le3A_612 = arith.cmpf ole, %scan3A_568, %rev3A_606 : vector<16xf32>
      %select_n3A_613 = arith.select %le3A_612, %scan3A_568, %rev3A_606 : vector<16xi1>, vector<16xf32>
      %select_n3A_614 = arith.select %le3A_612, %scan3A_569, %rev3A_611 : vector<16xi1>, vector<16xf32>
      %masked_sort3A_615 = arith.constant dense<true> : vector<16xi1>
      %masked_sort3A_616, %masked_sort3A_617, %masked_sort3A_618 = tpu.sort %select_n3A_613, %select_n3A_614 masked %masked_sort3A_615 : (vector<16xf32>, vector<16xf32>, vector<16xi1>) -> (vector<16xi1>, vector<16xf32>, vector<16xf32>)
      %mul3A_619 = arith.constant 8 : i32
      %mul3A_620 = arith.muli %scan3A_567, %mul3A_619 : i32
      %add3A_621 = arith.constant 1 : i32
      %add3A_622 = arith.addi %mul3A_620, %add3A_621 : i32
      %mul3A_623 = arith.constant 16 : i32
      %mul3A_624 = arith.muli %add3A_622, %mul3A_623 : i32
      %get3A_625 = arith.constant 3 : i32
      %get3A_626 = arith.index_cast %get3A_625 : i32 to index
      %get3A_627 = arith.index_cast %mul3A_624 : i32 to index
      %get3A_628 = tpu.vector_load %arg8[%get3A_626, %get3A_627] {strides = array<i32>} : memref<4x6272xf32, #tpu.memory_space<vmem>>, vector<16xf32>,
      %get3A_629 = arith.index_cast %mul3A_624 : i32 to index
      %get3A_630 = tpu.vector_load %arg7[%get3A_629] {strides = array<i32>} : memref<6272xf32, #tpu.memory_space<vmem>>, vector<16xf32>,
      %mul3A_631 = arith.constant 2.000000e+00 : f32
      %mul3A_632 = vector.broadcast %mul3A_631 : f32 to vector<16xf32>
      %mul3A_633 = arith.mulf %mul3A_632, %get3A_628 : vector<16xf32>
      %sub3A_634 = arith.subf %get3A_630, %mul3A_633 : vector<16xf32>
      %masked_sort3A_635 = arith.constant dense<true> : vector<16xi1>
      %masked_sort3A_636, %masked_sort3A_637, %masked_sort3A_638 = tpu.sort %sub3A_634, %get3A_628 masked %masked_sort3A_635 : (vector<16xf32>, vector<16xf32>, vector<16xi1>) -> (vector<16xi1>, vector<16xf32>, vector<16xf32>)
      %rev3A_639 = arith.constant 15 : i32
      %rev3A_640 = vector.broadcast %rev3A_639 : i32 to vector<16xi32>
      %rev3A_641 = tpu.iota {dimensions = array<i32: 0>} : vector<16xi32>
      %rev3A_642 = arith.subi %rev3A_640, %rev3A_641 : vector<16xi32>
      %rev3A_643 = tpu.dynamic_gather %masked_sort3A_637[%rev3A_642] in [0] : vector<16xf32>, vector<16xi32> -> vector<16xf32>
      %rev3A_644 = arith.constant 15 : i32
      %rev3A_645 = vector.broadcast %rev3A_644 : i32 to vector<16xi32>
      %rev3A_646 = tpu.iota {dimensions = array<i32: 0>} : vector<16xi32>
      %rev3A_647 = arith.subi %rev3A_645, %rev3A_646 : vector<16xi32>
      %rev3A_648 = tpu.dynamic_gather %masked_sort3A_638[%rev3A_647] in [0] : vector<16xf32>, vector<16xi32> -> vector<16xf32>
      %le3A_649 = arith.cmpf ole, %scan3A_570, %rev3A_643 : vector<16xf32>
      %select_n3A_650 = arith.select %le3A_649, %scan3A_570, %rev3A_643 : vector<16xi1>, vector<16xf32>
      %select_n3A_651 = arith.select %le3A_649, %scan3A_571, %rev3A_648 : vector<16xi1>, vector<16xf32>
      %masked_sort3A_652 = arith.constant dense<true> : vector<16xi1>
      %masked_sort3A_653, %masked_sort3A_654, %masked_sort3A_655 = tpu.sort %select_n3A_650, %select_n3A_651 masked %masked_sort3A_652 : (vector<16xf32>, vector<16xf32>, vector<16xi1>) -> (vector<16xi1>, vector<16xf32>, vector<16xf32>)
      %mul3A_656 = arith.constant 8 : i32
      %mul3A_657 = arith.muli %scan3A_567, %mul3A_656 : i32
      %add3A_658 = arith.constant 2 : i32
      %add3A_659 = arith.addi %mul3A_657, %add3A_658 : i32
      %mul3A_660 = arith.constant 16 : i32
      %mul3A_661 = arith.muli %add3A_659, %mul3A_660 : i32
      %get3A_662 = arith.constant 3 : i32
      %get3A_663 = arith.index_cast %get3A_662 : i32 to index
      %get3A_664 = arith.index_cast %mul3A_661 : i32 to index
      %get3A_665 = tpu.vector_load %arg8[%get3A_663, %get3A_664] {strides = array<i32>} : memref<4x6272xf32, #tpu.memory_space<vmem>>, vector<16xf32>,
      %get3A_666 = arith.index_cast %mul3A_661 : i32 to index
      %get3A_667 = tpu.vector_load %arg7[%get3A_666] {strides = array<i32>} : memref<6272xf32, #tpu.memory_space<vmem>>, vector<16xf32>,
      %mul3A_668 = arith.constant 2.000000e+00 : f32
      %mul3A_669 = vector.broadcast %mul3A_668 : f32 to vector<16xf32>
      %mul3A_670 = arith.mulf %mul3A_669, %get3A_665 : vector<16xf32>
      %sub3A_671 = arith.subf %get3A_667, %mul3A_670 : vector<16xf32>
      %masked_sort3A_672 = arith.constant dense<true> : vector<16xi1>
      %masked_sort3A_673, %masked_sort3A_674, %masked_sort3A_675 = tpu.sort %sub3A_671, %get3A_665 masked %masked_sort3A_672 : (vector<16xf32>, vector<16xf32>, vector<16xi1>) -> (vector<16xi1>, vector<16xf32>, vector<16xf32>)
      %rev3A_676 = arith.constant 15 : i32
      %rev3A_677 = vector.broadcast %rev3A_676 : i32 to vector<16xi32>
      %rev3A_678 = tpu.iota {dimensions = array<i32: 0>} : vector<16xi32>
      %rev3A_679 = arith.subi %rev3A_677, %rev3A_678 : vector<16xi32>
      %rev3A_680 = tpu.dynamic_gather %masked_sort3A_674[%rev3A_679] in [0] : vector<16xf32>, vector<16xi32> -> vector<16xf32>
      %rev3A_681 = arith.constant 15 : i32
      %rev3A_682 = vector.broadcast %rev3A_681 : i32 to vector<16xi32>
      %rev3A_683 = tpu.iota {dimensions = array<i32: 0>} : vector<16xi32>
      %rev3A_684 = arith.subi %rev3A_682, %rev3A_683 : vector<16xi32>
      %rev3A_685 = tpu.dynamic_gather %masked_sort3A_675[%rev3A_684] in [0] : vector<16xf32>, vector<16xi32> -> vector<16xf32>
      %le3A_686 = arith.cmpf ole, %scan3A_572, %rev3A_680 : vector<16xf32>
      %select_n3A_687 = arith.select %le3A_686, %scan3A_572, %rev3A_680 : vector<16xi1>, vector<16xf32>
      %select_n3A_688 = arith.select %le3A_686, %scan3A_573, %rev3A_685 : vector<16xi1>, vector<16xf32>
      %masked_sort3A_689 = arith.constant dense<true> : vector<16xi1>
      %masked_sort3A_690, %masked_sort3A_691, %masked_sort3A_692 = tpu.sort %select_n3A_687, %select_n3A_688 masked %masked_sort3A_689 : (vector<16xf32>, vector<16xf32>, vector<16xi1>) -> (vector<16xi1>, vector<16xf32>, vector<16xf32>)
      %mul3A_693 = arith.constant 8 : i32
      %mul3A_694 = arith.muli %scan3A_567, %mul3A_693 : i32
      %add3A_695 = arith.constant 3 : i32
      %add3A_696 = arith.addi %mul3A_694, %add3A_695 : i32
      %mul3A_697 = arith.constant 16 : i32
      %mul3A_698 = arith.muli %add3A_696, %mul3A_697 : i32
      %get3A_699 = arith.constant 3 : i32
      %get3A_700 = arith.index_cast %get3A_699 : i32 to index
      %get3A_701 = arith.index_cast %mul3A_698 : i32 to index
      %get3A_702 = tpu.vector_load %arg8[%get3A_700, %get3A_701] {strides = array<i32>} : memref<4x6272xf32, #tpu.memory_space<vmem>>, vector<16xf32>,
      %get3A_703 = arith.index_cast %mul3A_698 : i32 to index
      %get3A_704 = tpu.vector_load %arg7[%get3A_703] {strides = array<i32>} : memref<6272xf32, #tpu.memory_space<vmem>>, vector<16xf32>,
      %mul3A_705 = arith.constant 2.000000e+00 : f32
      %mul3A_706 = vector.broadcast %mul3A_705 : f32 to vector<16xf32>
      %mul3A_707 = arith.mulf %mul3A_706, %get3A_702 : vector<16xf32>
      %sub3A_708 = arith.subf %get3A_704, %mul3A_707 : vector<16xf32>
      %masked_sort3A_709 = arith.constant dense<true> : vector<16xi1>
      %masked_sort3A_710, %masked_sort3A_711, %masked_sort3A_712 = tpu.sort %sub3A_708, %get3A_702 masked %masked_sort3A_709 : (vector<16xf32>, vector<16xf32>, vector<16xi1>) -> (vector<16xi1>, vector<16xf32>, vector<16xf32>)
      %rev3A_713 = arith.constant 15 : i32
      %rev3A_714 = vector.broadcast %rev3A_713 : i32 to vector<16xi32>
      %rev3A_715 = tpu.iota {dimensions = array<i32: 0>} : vector<16xi32>
      %rev3A_716 = arith.subi %rev3A_714, %rev3A_715 : vector<16xi32>
      %rev3A_717 = tpu.dynamic_gather %masked_sort3A_711[%rev3A_716] in [0] : vector<16xf32>, vector<16xi32> -> vector<16xf32>
      %rev3A_718 = arith.constant 15 : i32
      %rev3A_719 = vector.broadcast %rev3A_718 : i32 to vector<16xi32>
      %rev3A_720 = tpu.iota {dimensions = array<i32: 0>} : vector<16xi32>
      %rev3A_721 = arith.subi %rev3A_719, %rev3A_720 : vector<16xi32>
      %rev3A_722 = tpu.dynamic_gather %masked_sort3A_712[%rev3A_721] in [0] : vector<16xf32>, vector<16xi32> -> vector<16xf32>
      %le3A_723 = arith.cmpf ole, %scan3A_574, %rev3A_717 : vector<16xf32>
      %select_n3A_724 = arith.select %le3A_723, %scan3A_574, %rev3A_717 : vector<16xi1>, vector<16xf32>
      %select_n3A_725 = arith.select %le3A_723, %scan3A_575, %rev3A_722 : vector<16xi1>, vector<16xf32>
      %masked_sort3A_726 = arith.constant dense<true> : vector<16xi1>
      %masked_sort3A_727, %masked_sort3A_728, %masked_sort3A_729 = tpu.sort %select_n3A_724, %select_n3A_725 masked %masked_sort3A_726 : (vector<16xf32>, vector<16xf32>, vector<16xi1>) -> (vector<16xi1>, vector<16xf32>, vector<16xf32>)
      %mul3A_730 = arith.constant 8 : i32
      %mul3A_731 = arith.muli %scan3A_567, %mul3A_730 : i32
      %add3A_732 = arith.constant 4 : i32
      %add3A_733 = arith.addi %mul3A_731, %add3A_732 : i32
      %mul3A_734 = arith.constant 16 : i32
      %mul3A_735 = arith.muli %add3A_733, %mul3A_734 : i32
      %get3A_736 = arith.constant 3 : i32
      %get3A_737 = arith.index_cast %get3A_736 : i32 to index
      %get3A_738 = arith.index_cast %mul3A_735 : i32 to index
      %get3A_739 = tpu.vector_load %arg8[%get3A_737, %get3A_738] {strides = array<i32>} : memref<4x6272xf32, #tpu.memory_space<vmem>>, vector<16xf32>,
      %get3A_740 = arith.index_cast %mul3A_735 : i32 to index
      %get3A_741 = tpu.vector_load %arg7[%get3A_740] {strides = array<i32>} : memref<6272xf32, #tpu.memory_space<vmem>>, vector<16xf32>,
      %mul3A_742 = arith.constant 2.000000e+00 : f32
      %mul3A_743 = vector.broadcast %mul3A_742 : f32 to vector<16xf32>
      %mul3A_744 = arith.mulf %mul3A_743, %get3A_739 : vector<16xf32>
      %sub3A_745 = arith.subf %get3A_741, %mul3A_744 : vector<16xf32>
      %masked_sort3A_746 = arith.constant dense<true> : vector<16xi1>
      %masked_sort3A_747, %masked_sort3A_748, %masked_sort3A_749 = tpu.sort %sub3A_745, %get3A_739 masked %masked_sort3A_746 : (vector<16xf32>, vector<16xf32>, vector<16xi1>) -> (vector<16xi1>, vector<16xf32>, vector<16xf32>)
      %rev3A_750 = arith.constant 15 : i32
      %rev3A_751 = vector.broadcast %rev3A_750 : i32 to vector<16xi32>
      %rev3A_752 = tpu.iota {dimensions = array<i32: 0>} : vector<16xi32>
      %rev3A_753 = arith.subi %rev3A_751, %rev3A_752 : vector<16xi32>
      %rev3A_754 = tpu.dynamic_gather %masked_sort3A_748[%rev3A_753] in [0] : vector<16xf32>, vector<16xi32> -> vector<16xf32>
      %rev3A_755 = arith.constant 15 : i32
      %rev3A_756 = vector.broadcast %rev3A_755 : i32 to vector<16xi32>
      %rev3A_757 = tpu.iota {dimensions = array<i32: 0>} : vector<16xi32>
      %rev3A_758 = arith.subi %rev3A_756, %rev3A_757 : vector<16xi32>
      %rev3A_759 = tpu.dynamic_gather %masked_sort3A_749[%rev3A_758] in [0] : vector<16xf32>, vector<16xi32> -> vector<16xf32>
      %le3A_760 = arith.cmpf ole, %scan3A_576, %rev3A_754 : vector<16xf32>
      %select_n3A_761 = arith.select %le3A_760, %scan3A_576, %rev3A_754 : vector<16xi1>, vector<16xf32>
      %select_n3A_762 = arith.select %le3A_760, %scan3A_577, %rev3A_759 : vector<16xi1>, vector<16xf32>
      %masked_sort3A_763 = arith.constant dense<true> : vector<16xi1>
      %masked_sort3A_764, %masked_sort3A_765, %masked_sort3A_766 = tpu.sort %select_n3A_761, %select_n3A_762 masked %masked_sort3A_763 : (vector<16xf32>, vector<16xf32>, vector<16xi1>) -> (vector<16xi1>, vector<16xf32>, vector<16xf32>)
      %mul3A_767 = arith.constant 8 : i32
      %mul3A_768 = arith.muli %scan3A_567, %mul3A_767 : i32
      %add3A_769 = arith.constant 5 : i32
      %add3A_770 = arith.addi %mul3A_768, %add3A_769 : i32
      %mul3A_771 = arith.constant 16 : i32
      %mul3A_772 = arith.muli %add3A_770, %mul3A_771 : i32
      %get3A_773 = arith.constant 3 : i32
      %get3A_774 = arith.index_cast %get3A_773 : i32 to index
      %get3A_775 = arith.index_cast %mul3A_772 : i32 to index
      %get3A_776 = tpu.vector_load %arg8[%get3A_774, %get3A_775] {strides = array<i32>} : memref<4x6272xf32, #tpu.memory_space<vmem>>, vector<16xf32>,
      %get3A_777 = arith.index_cast %mul3A_772 : i32 to index
      %get3A_778 = tpu.vector_load %arg7[%get3A_777] {strides = array<i32>} : memref<6272xf32, #tpu.memory_space<vmem>>, vector<16xf32>,
      %mul3A_779 = arith.constant 2.000000e+00 : f32
      %mul3A_780 = vector.broadcast %mul3A_779 : f32 to vector<16xf32>
      %mul3A_781 = arith.mulf %mul3A_780, %get3A_776 : vector<16xf32>
      %sub3A_782 = arith.subf %get3A_778, %mul3A_781 : vector<16xf32>
      %masked_sort3A_783 = arith.constant dense<true> : vector<16xi1>
      %masked_sort3A_784, %masked_sort3A_785, %masked_sort3A_786 = tpu.sort %sub3A_782, %get3A_776 masked %masked_sort3A_783 : (vector<16xf32>, vector<16xf32>, vector<16xi1>) -> (vector<16xi1>, vector<16xf32>, vector<16xf32>)
      %rev3A_787 = arith.constant 15 : i32
      %rev3A_788 = vector.broadcast %rev3A_787 : i32 to vector<16xi32>
      %rev3A_789 = tpu.iota {dimensions = array<i32: 0>} : vector<16xi32>
      %rev3A_790 = arith.subi %rev3A_788, %rev3A_789 : vector<16xi32>
      %rev3A_791 = tpu.dynamic_gather %masked_sort3A_785[%rev3A_790] in [0] : vector<16xf32>, vector<16xi32> -> vector<16xf32>
      %rev3A_792 = arith.constant 15 : i32
      %rev3A_793 = vector.broadcast %rev3A_792 : i32 to vector<16xi32>
      %rev3A_794 = tpu.iota {dimensions = array<i32: 0>} : vector<16xi32>
      %rev3A_795 = arith.subi %rev3A_793, %rev3A_794 : vector<16xi32>
      %rev3A_796 = tpu.dynamic_gather %masked_sort3A_786[%rev3A_795] in [0] : vector<16xf32>, vector<16xi32> -> vector<16xf32>
      %le3A_797 = arith.cmpf ole, %scan3A_578, %rev3A_791 : vector<16xf32>
      %select_n3A_798 = arith.select %le3A_797, %scan3A_578, %rev3A_791 : vector<16xi1>, vector<16xf32>
      %select_n3A_799 = arith.select %le3A_797, %scan3A_579, %rev3A_796 : vector<16xi1>, vector<16xf32>
      %masked_sort3A_800 = arith.constant dense<true> : vector<16xi1>
      %masked_sort3A_801, %masked_sort3A_802, %masked_sort3A_803 = tpu.sort %select_n3A_798, %select_n3A_799 masked %masked_sort3A_800 : (vector<16xf32>, vector<16xf32>, vector<16xi1>) -> (vector<16xi1>, vector<16xf32>, vector<16xf32>)
      %mul3A_804 = arith.constant 8 : i32
      %mul3A_805 = arith.muli %scan3A_567, %mul3A_804 : i32
      %add3A_806 = arith.constant 6 : i32
      %add3A_807 = arith.addi %mul3A_805, %add3A_806 : i32
      %mul3A_808 = arith.constant 16 : i32
      %mul3A_809 = arith.muli %add3A_807, %mul3A_808 : i32
      %get3A_810 = arith.constant 3 : i32
      %get3A_811 = arith.index_cast %get3A_810 : i32 to index
      %get3A_812 = arith.index_cast %mul3A_809 : i32 to index
      %get3A_813 = tpu.vector_load %arg8[%get3A_811, %get3A_812] {strides = array<i32>} : memref<4x6272xf32, #tpu.memory_space<vmem>>, vector<16xf32>,
      %get3A_814 = arith.index_cast %mul3A_809 : i32 to index
      %get3A_815 = tpu.vector_load %arg7[%get3A_814] {strides = array<i32>} : memref<6272xf32, #tpu.memory_space<vmem>>, vector<16xf32>,
      %mul3A_816 = arith.constant 2.000000e+00 : f32
      %mul3A_817 = vector.broadcast %mul3A_816 : f32 to vector<16xf32>
      %mul3A_818 = arith.mulf %mul3A_817, %get3A_813 : vector<16xf32>
      %sub3A_819 = arith.subf %get3A_815, %mul3A_818 : vector<16xf32>
      %masked_sort3A_820 = arith.constant dense<true> : vector<16xi1>
      %masked_sort3A_821, %masked_sort3A_822, %masked_sort3A_823 = tpu.sort %sub3A_819, %get3A_813 masked %masked_sort3A_820 : (vector<16xf32>, vector<16xf32>, vector<16xi1>) -> (vector<16xi1>, vector<16xf32>, vector<16xf32>)
      %rev3A_824 = arith.constant 15 : i32
      %rev3A_825 = vector.broadcast %rev3A_824 : i32 to vector<16xi32>
      %rev3A_826 = tpu.iota {dimensions = array<i32: 0>} : vector<16xi32>
      %rev3A_827 = arith.subi %rev3A_825, %rev3A_826 : vector<16xi32>
      %rev3A_828 = tpu.dynamic_gather %masked_sort3A_822[%rev3A_827] in [0] : vector<16xf32>, vector<16xi32> -> vector<16xf32>
      %rev3A_829 = arith.constant 15 : i32
      %rev3A_830 = vector.broadcast %rev3A_829 : i32 to vector<16xi32>
      %rev3A_831 = tpu.iota {dimensions = array<i32: 0>} : vector<16xi32>
      %rev3A_832 = arith.subi %rev3A_830, %rev3A_831 : vector<16xi32>
      %rev3A_833 = tpu.dynamic_gather %masked_sort3A_823[%rev3A_832] in [0] : vector<16xf32>, vector<16xi32> -> vector<16xf32>
      %le3A_834 = arith.cmpf ole, %scan3A_580, %rev3A_828 : vector<16xf32>
      %select_n3A_835 = arith.select %le3A_834, %scan3A_580, %rev3A_828 : vector<16xi1>, vector<16xf32>
      %select_n3A_836 = arith.select %le3A_834, %scan3A_581, %rev3A_833 : vector<16xi1>, vector<16xf32>
      %masked_sort3A_837 = arith.constant dense<true> : vector<16xi1>
      %masked_sort3A_838, %masked_sort3A_839, %masked_sort3A_840 = tpu.sort %select_n3A_835, %select_n3A_836 masked %masked_sort3A_837 : (vector<16xf32>, vector<16xf32>, vector<16xi1>) -> (vector<16xi1>, vector<16xf32>, vector<16xf32>)
      %mul3A_841 = arith.constant 8 : i32
      %mul3A_842 = arith.muli %scan3A_567, %mul3A_841 : i32
      %add3A_843 = arith.constant 7 : i32
      %add3A_844 = arith.addi %mul3A_842, %add3A_843 : i32
      %mul3A_845 = arith.constant 16 : i32
      %mul3A_846 = arith.muli %add3A_844, %mul3A_845 : i32
      %get3A_847 = arith.constant 3 : i32
      %get3A_848 = arith.index_cast %get3A_847 : i32 to index
      %get3A_849 = arith.index_cast %mul3A_846 : i32 to index
      %get3A_850 = tpu.vector_load %arg8[%get3A_848, %get3A_849] {strides = array<i32>} : memref<4x6272xf32, #tpu.memory_space<vmem>>, vector<16xf32>,
      %get3A_851 = arith.index_cast %mul3A_846 : i32 to index
      %get3A_852 = tpu.vector_load %arg7[%get3A_851] {strides = array<i32>} : memref<6272xf32, #tpu.memory_space<vmem>>, vector<16xf32>,
      %mul3A_853 = arith.constant 2.000000e+00 : f32
      %mul3A_854 = vector.broadcast %mul3A_853 : f32 to vector<16xf32>
      %mul3A_855 = arith.mulf %mul3A_854, %get3A_850 : vector<16xf32>
      %sub3A_856 = arith.subf %get3A_852, %mul3A_855 : vector<16xf32>
      %masked_sort3A_857 = arith.constant dense<true> : vector<16xi1>
      %masked_sort3A_858, %masked_sort3A_859, %masked_sort3A_860 = tpu.sort %sub3A_856, %get3A_850 masked %masked_sort3A_857 : (vector<16xf32>, vector<16xf32>, vector<16xi1>) -> (vector<16xi1>, vector<16xf32>, vector<16xf32>)
      %rev3A_861 = arith.constant 15 : i32
      %rev3A_862 = vector.broadcast %rev3A_861 : i32 to vector<16xi32>
      %rev3A_863 = tpu.iota {dimensions = array<i32: 0>} : vector<16xi32>
      %rev3A_864 = arith.subi %rev3A_862, %rev3A_863 : vector<16xi32>
      %rev3A_865 = tpu.dynamic_gather %masked_sort3A_859[%rev3A_864] in [0] : vector<16xf32>, vector<16xi32> -> vector<16xf32>
      %rev3A_866 = arith.constant 15 : i32
      %rev3A_867 = vector.broadcast %rev3A_866 : i32 to vector<16xi32>
      %rev3A_868 = tpu.iota {dimensions = array<i32: 0>} : vector<16xi32>
      %rev3A_869 = arith.subi %rev3A_867, %rev3A_868 : vector<16xi32>
      %rev3A_870 = tpu.dynamic_gather %masked_sort3A_860[%rev3A_869] in [0] : vector<16xf32>, vector<16xi32> -> vector<16xf32>
      %le3A_871 = arith.cmpf ole, %scan3A_582, %rev3A_865 : vector<16xf32>
      %select_n3A_872 = arith.select %le3A_871, %scan3A_582, %rev3A_865 : vector<16xi1>, vector<16xf32>
      %select_n3A_873 = arith.select %le3A_871, %scan3A_583, %rev3A_870 : vector<16xi1>, vector<16xf32>
      %masked_sort3A_874 = arith.constant dense<true> : vector<16xi1>
      %masked_sort3A_875, %masked_sort3A_876, %masked_sort3A_877 = tpu.sort %select_n3A_872, %select_n3A_873 masked %masked_sort3A_874 : (vector<16xf32>, vector<16xf32>, vector<16xi1>) -> (vector<16xi1>, vector<16xf32>, vector<16xf32>)
      scf.yield %masked_sort3A_617, %masked_sort3A_618, %masked_sort3A_654, %masked_sort3A_655, %masked_sort3A_691, %masked_sort3A_692, %masked_sort3A_728, %masked_sort3A_729, %masked_sort3A_765, %masked_sort3A_766, %masked_sort3A_802, %masked_sort3A_803, %masked_sort3A_839, %masked_sort3A_840, %masked_sort3A_876, %masked_sort3A_877 : vector<16xf32>, vector<16xf32>, vector<16xf32>, vector<16xf32>, vector<16xf32>, vector<16xf32>, vector<16xf32>, vector<16xf32>, vector<16xf32>, vector<16xf32>, vector<16xf32>, vector<16xf32>, vector<16xf32>, vector<16xf32>, vector<16xf32>, vector<16xf32>
    }
    %scan3A_421 = arith.constant 49 : i32
    %rev3A_422 = arith.constant 15 : i32
    %rev3A_423 = vector.broadcast %rev3A_422 : i32 to vector<16xi32>
    %rev3A_424 = tpu.iota {dimensions = array<i32: 0>} : vector<16xi32>
    %rev3A_425 = arith.subi %rev3A_423, %rev3A_424 : vector<16xi32>
    %rev3A_426 = tpu.dynamic_gather %scan3A_420#2[%rev3A_425] in [0] : vector<16xf32>, vector<16xi32> -> vector<16xf32>
    %rev3A_427 = arith.constant 15 : i32
    %rev3A_428 = vector.broadcast %rev3A_427 : i32 to vector<16xi32>
    %rev3A_429 = tpu.iota {dimensions = array<i32: 0>} : vector<16xi32>
    %rev3A_430 = arith.subi %rev3A_428, %rev3A_429 : vector<16xi32>
    %rev3A_431 = tpu.dynamic_gather %scan3A_420#3[%rev3A_430] in [0] : vector<16xf32>, vector<16xi32> -> vector<16xf32>
    %le3A_432 = arith.cmpf ole, %scan3A_420#0, %rev3A_426 : vector<16xf32>
    %select_n3A_433 = arith.select %le3A_432, %scan3A_420#0, %rev3A_426 : vector<16xi1>, vector<16xf32>
    %select_n3A_434 = arith.select %le3A_432, %scan3A_420#1, %rev3A_431 : vector<16xi1>, vector<16xf32>
    %masked_sort3A_435 = arith.constant dense<true> : vector<16xi1>
    %masked_sort3A_436, %masked_sort3A_437, %masked_sort3A_438 = tpu.sort %select_n3A_433, %select_n3A_434 masked %masked_sort3A_435 : (vector<16xf32>, vector<16xf32>, vector<16xi1>) -> (vector<16xi1>, vector<16xf32>, vector<16xf32>)
    %rev3A_439 = arith.constant 15 : i32
    %rev3A_440 = vector.broadcast %rev3A_439 : i32 to vector<16xi32>
    %rev3A_441 = tpu.iota {dimensions = array<i32: 0>} : vector<16xi32>
    %rev3A_442 = arith.subi %rev3A_440, %rev3A_441 : vector<16xi32>
    %rev3A_443 = tpu.dynamic_gather %scan3A_420#6[%rev3A_442] in [0] : vector<16xf32>, vector<16xi32> -> vector<16xf32>
    %rev3A_444 = arith.constant 15 : i32
    %rev3A_445 = vector.broadcast %rev3A_444 : i32 to vector<16xi32>
    %rev3A_446 = tpu.iota {dimensions = array<i32: 0>} : vector<16xi32>
    %rev3A_447 = arith.subi %rev3A_445, %rev3A_446 : vector<16xi32>
    %rev3A_448 = tpu.dynamic_gather %scan3A_420#7[%rev3A_447] in [0] : vector<16xf32>, vector<16xi32> -> vector<16xf32>
    %le3A_449 = arith.cmpf ole, %scan3A_420#4, %rev3A_443 : vector<16xf32>
    %select_n3A_450 = arith.select %le3A_449, %scan3A_420#4, %rev3A_443 : vector<16xi1>, vector<16xf32>
    %select_n3A_451 = arith.select %le3A_449, %scan3A_420#5, %rev3A_448 : vector<16xi1>, vector<16xf32>
    %masked_sort3A_452 = arith.constant dense<true> : vector<16xi1>
    %masked_sort3A_453, %masked_sort3A_454, %masked_sort3A_455 = tpu.sort %select_n3A_450, %select_n3A_451 masked %masked_sort3A_452 : (vector<16xf32>, vector<16xf32>, vector<16xi1>) -> (vector<16xi1>, vector<16xf32>, vector<16xf32>)
    %rev3A_456 = arith.constant 15 : i32
    %rev3A_457 = vector.broadcast %rev3A_456 : i32 to vector<16xi32>
    %rev3A_458 = tpu.iota {dimensions = array<i32: 0>} : vector<16xi32>
    %rev3A_459 = arith.subi %rev3A_457, %rev3A_458 : vector<16xi32>
    %rev3A_460 = tpu.dynamic_gather %scan3A_420#10[%rev3A_459] in [0] : vector<16xf32>, vector<16xi32> -> vector<16xf32>
    %rev3A_461 = arith.constant 15 : i32
    %rev3A_462 = vector.broadcast %rev3A_461 : i32 to vector<16xi32>
    %rev3A_463 = tpu.iota {dimensions = array<i32: 0>} : vector<16xi32>
    %rev3A_464 = arith.subi %rev3A_462, %rev3A_463 : vector<16xi32>
    %rev3A_465 = tpu.dynamic_gather %scan3A_420#11[%rev3A_464] in [0] : vector<16xf32>, vector<16xi32> -> vector<16xf32>
    %le3A_466 = arith.cmpf ole, %scan3A_420#8, %rev3A_460 : vector<16xf32>
    %select_n3A_467 = arith.select %le3A_466, %scan3A_420#8, %rev3A_460 : vector<16xi1>, vector<16xf32>
    %select_n3A_468 = arith.select %le3A_466, %scan3A_420#9, %rev3A_465 : vector<16xi1>, vector<16xf32>
    %masked_sort3A_469 = arith.constant dense<true> : vector<16xi1>
    %masked_sort3A_470, %masked_sort3A_471, %masked_sort3A_472 = tpu.sort %select_n3A_467, %select_n3A_468 masked %masked_sort3A_469 : (vector<16xf32>, vector<16xf32>, vector<16xi1>) -> (vector<16xi1>, vector<16xf32>, vector<16xf32>)
    %rev3A_473 = arith.constant 15 : i32
    %rev3A_474 = vector.broadcast %rev3A_473 : i32 to vector<16xi32>
    %rev3A_475 = tpu.iota {dimensions = array<i32: 0>} : vector<16xi32>
    %rev3A_476 = arith.subi %rev3A_474, %rev3A_475 : vector<16xi32>
    %rev3A_477 = tpu.dynamic_gather %scan3A_420#14[%rev3A_476] in [0] : vector<16xf32>, vector<16xi32> -> vector<16xf32>
    %rev3A_478 = arith.constant 15 : i32
    %rev3A_479 = vector.broadcast %rev3A_478 : i32 to vector<16xi32>
    %rev3A_480 = tpu.iota {dimensions = array<i32: 0>} : vector<16xi32>
    %rev3A_481 = arith.subi %rev3A_479, %rev3A_480 : vector<16xi32>
    %rev3A_482 = tpu.dynamic_gather %scan3A_420#15[%rev3A_481] in [0] : vector<16xf32>, vector<16xi32> -> vector<16xf32>
    %le3A_483 = arith.cmpf ole, %scan3A_420#12, %rev3A_477 : vector<16xf32>
    %select_n3A_484 = arith.select %le3A_483, %scan3A_420#12, %rev3A_477 : vector<16xi1>, vector<16xf32>
    %select_n3A_485 = arith.select %le3A_483, %scan3A_420#13, %rev3A_482 : vector<16xi1>, vector<16xf32>
    %masked_sort3A_486 = arith.constant dense<true> : vector<16xi1>
    %masked_sort3A_487, %masked_sort3A_488, %masked_sort3A_489 = tpu.sort %select_n3A_484, %select_n3A_485 masked %masked_sort3A_486 : (vector<16xf32>, vector<16xf32>, vector<16xi1>) -> (vector<16xi1>, vector<16xf32>, vector<16xf32>)
    %rev3A_490 = arith.constant 15 : i32
    %rev3A_491 = vector.broadcast %rev3A_490 : i32 to vector<16xi32>
    %rev3A_492 = tpu.iota {dimensions = array<i32: 0>} : vector<16xi32>
    %rev3A_493 = arith.subi %rev3A_491, %rev3A_492 : vector<16xi32>
    %rev3A_494 = tpu.dynamic_gather %masked_sort3A_454[%rev3A_493] in [0] : vector<16xf32>, vector<16xi32> -> vector<16xf32>
    %rev3A_495 = arith.constant 15 : i32
    %rev3A_496 = vector.broadcast %rev3A_495 : i32 to vector<16xi32>
    %rev3A_497 = tpu.iota {dimensions = array<i32: 0>} : vector<16xi32>
    %rev3A_498 = arith.subi %rev3A_496, %rev3A_497 : vector<16xi32>
    %rev3A_499 = tpu.dynamic_gather %masked_sort3A_455[%rev3A_498] in [0] : vector<16xf32>, vector<16xi32> -> vector<16xf32>
    %le3A_500 = arith.cmpf ole, %masked_sort3A_437, %rev3A_494 : vector<16xf32>
    %select_n3A_501 = arith.select %le3A_500, %masked_sort3A_437, %rev3A_494 : vector<16xi1>, vector<16xf32>
    %select_n3A_502 = arith.select %le3A_500, %masked_sort3A_438, %rev3A_499 : vector<16xi1>, vector<16xf32>
    %masked_sort3A_503 = arith.constant dense<true> : vector<16xi1>
    %masked_sort3A_504, %masked_sort3A_505, %masked_sort3A_506 = tpu.sort %select_n3A_501, %select_n3A_502 masked %masked_sort3A_503 : (vector<16xf32>, vector<16xf32>, vector<16xi1>) -> (vector<16xi1>, vector<16xf32>, vector<16xf32>)
    %rev3A_507 = arith.constant 15 : i32
    %rev3A_508 = vector.broadcast %rev3A_507 : i32 to vector<16xi32>
    %rev3A_509 = tpu.iota {dimensions = array<i32: 0>} : vector<16xi32>
    %rev3A_510 = arith.subi %rev3A_508, %rev3A_509 : vector<16xi32>
    %rev3A_511 = tpu.dynamic_gather %masked_sort3A_488[%rev3A_510] in [0] : vector<16xf32>, vector<16xi32> -> vector<16xf32>
    %rev3A_512 = arith.constant 15 : i32
    %rev3A_513 = vector.broadcast %rev3A_512 : i32 to vector<16xi32>
    %rev3A_514 = tpu.iota {dimensions = array<i32: 0>} : vector<16xi32>
    %rev3A_515 = arith.subi %rev3A_513, %rev3A_514 : vector<16xi32>
    %rev3A_516 = tpu.dynamic_gather %masked_sort3A_489[%rev3A_515] in [0] : vector<16xf32>, vector<16xi32> -> vector<16xf32>
    %le3A_517 = arith.cmpf ole, %masked_sort3A_471, %rev3A_511 : vector<16xf32>
    %select_n3A_518 = arith.select %le3A_517, %masked_sort3A_471, %rev3A_511 : vector<16xi1>, vector<16xf32>
    %select_n3A_519 = arith.select %le3A_517, %masked_sort3A_472, %rev3A_516 : vector<16xi1>, vector<16xf32>
    %masked_sort3A_520 = arith.constant dense<true> : vector<16xi1>
    %masked_sort3A_521, %masked_sort3A_522, %masked_sort3A_523 = tpu.sort %select_n3A_518, %select_n3A_519 masked %masked_sort3A_520 : (vector<16xf32>, vector<16xf32>, vector<16xi1>) -> (vector<16xi1>, vector<16xf32>, vector<16xf32>)
    %rev3A_524 = arith.constant 15 : i32
    %rev3A_525 = vector.broadcast %rev3A_524 : i32 to vector<16xi32>
    %rev3A_526 = tpu.iota {dimensions = array<i32: 0>} : vector<16xi32>
    %rev3A_527 = arith.subi %rev3A_525, %rev3A_526 : vector<16xi32>
    %rev3A_528 = tpu.dynamic_gather %masked_sort3A_522[%rev3A_527] in [0] : vector<16xf32>, vector<16xi32> -> vector<16xf32>
    %rev3A_529 = arith.constant 15 : i32
    %rev3A_530 = vector.broadcast %rev3A_529 : i32 to vector<16xi32>
    %rev3A_531 = tpu.iota {dimensions = array<i32: 0>} : vector<16xi32>
    %rev3A_532 = arith.subi %rev3A_530, %rev3A_531 : vector<16xi32>
    %rev3A_533 = tpu.dynamic_gather %masked_sort3A_523[%rev3A_532] in [0] : vector<16xf32>, vector<16xi32> -> vector<16xf32>
    %le3A_534 = arith.cmpf ole, %masked_sort3A_505, %rev3A_528 : vector<16xf32>
    %select_n3A_535 = arith.select %le3A_534, %masked_sort3A_505, %rev3A_528 : vector<16xi1>, vector<16xf32>
    %select_n3A_536 = arith.select %le3A_534, %masked_sort3A_506, %rev3A_533 : vector<16xi1>, vector<16xf32>
    %masked_sort3A_537 = arith.constant dense<true> : vector<16xi1>
    %masked_sort3A_538, %masked_sort3A_539, %masked_sort3A_540 = tpu.sort %select_n3A_535, %select_n3A_536 masked %masked_sort3A_537 : (vector<16xf32>, vector<16xf32>, vector<16xi1>) -> (vector<16xi1>, vector<16xf32>, vector<16xf32>)
    %swap3A_541 = arith.constant 3 : i32
    %swap3A_542 = arith.index_cast %swap3A_541 : i32 to index
    %swap3A_543 = arith.constant 0 : index
    %swap3A_544 = tpu.vector_load %arg9[%swap3A_542, %swap3A_543] {strides = array<i32>} : memref<4x16xf32, #tpu.memory_space<vmem>>, vector<16xf32>,
    tpu.vector_store %arg9[%swap3A_542, %swap3A_543], %masked_sort3A_539 {strides = array<i32>} : memref<4x16xf32, #tpu.memory_space<vmem>>, vector<16xf32>,
    %swap3A_545 = arith.constant 3 : i32
    %swap3A_546 = arith.index_cast %swap3A_545 : i32 to index
    %swap3A_547 = arith.constant 0 : index
    %swap3A_548 = tpu.vector_load %arg10[%swap3A_546, %swap3A_547] {strides = array<i32>} : memref<4x16xf32, #tpu.memory_space<vmem>>, vector<16xf32>,
    tpu.vector_store %arg10[%swap3A_546, %swap3A_547], %masked_sort3A_540 {strides = array<i32>} : memref<4x16xf32, #tpu.memory_space<vmem>>, vector<16xf32>,
    %run_scoped3A_549 = arith.constant 0 : i32
    %run_scoped3A_550 = arith.constant 0 : i32
    "tpu.region"() ({
      %run_scoped3A_567 = tpu.sem_alloc : memref<!tpu.dma_semaphore, #tpu.memory_space<semaphore_mem>>
      %dma_start3A = arith.constant 0 : i32
      %dma_start3A_568 = tpu.memref_slice %arg9[%run_scoped3A_549, %dma_start3A] : memref<4x16xf32, #tpu.memory_space<vmem>> -> memref<1x16xf32, #tpu.memory_space<vmem>>
      %dma_start3A_569 = tpu.memref_squeeze %dma_start3A_568 : memref<1x16xf32, #tpu.memory_space<vmem>> -> memref<16xf32, #tpu.memory_space<vmem>>
      %dma_start3A_570 = arith.constant 0 : i32
      %dma_start3A_571 = tpu.memref_slice %arg5[%arg0, %run_scoped3A_550, %arg1, %dma_start3A_570] : memref<2x4x16x16xf32, #tpu.memory_space<hbm>> -> memref<1x1x1x16xf32, #tpu.memory_space<hbm>>
      %dma_start3A_572 = tpu.memref_squeeze %dma_start3A_571 : memref<1x1x1x16xf32, #tpu.memory_space<hbm>> -> memref<16xf32, #tpu.memory_space<hbm>>
      %dma_start3A_573 = arith.constant 0 : i32
      %dma_start3A_574 = tpu.memref_slice %arg5[%arg0, %run_scoped3A_550, %arg1, %dma_start3A_573] : memref<2x4x16x16xf32, #tpu.memory_space<hbm>> -> memref<1x1x1x16xf32, #tpu.memory_space<hbm>>
      %dma_start3A_575 = tpu.memref_squeeze %dma_start3A_574 : memref<1x1x1x16xf32, #tpu.memory_space<hbm>> -> memref<16xf32, #tpu.memory_space<hbm>>
      %dma_start3A_576 = arith.constant 0 : i32
      %dma_start3A_577 = tpu.memref_slice %arg9[%run_scoped3A_549, %dma_start3A_576] : memref<4x16xf32, #tpu.memory_space<vmem>> -> memref<1x16xf32, #tpu.memory_space<vmem>>
      %dma_start3A_578 = tpu.memref_squeeze %dma_start3A_577 : memref<1x16xf32, #tpu.memory_space<vmem>> -> memref<16xf32, #tpu.memory_space<vmem>>
      tpu.enqueue_dma source(%dma_start3A_578 : memref<16xf32, #tpu.memory_space<vmem>>) target(%dma_start3A_575 : memref<16xf32, #tpu.memory_space<hbm>>) target_semaphore(%run_scoped3A_567 : memref<!tpu.dma_semaphore, #tpu.memory_space<semaphore_mem>>)
      %dma_wait3A = arith.constant 0 : i32
      %dma_wait3A_579 = tpu.memref_slice %arg9[%run_scoped3A_549, %dma_wait3A] : memref<4x16xf32, #tpu.memory_space<vmem>> -> memref<1x16xf32, #tpu.memory_space<vmem>>
      %dma_wait3A_580 = tpu.memref_squeeze %dma_wait3A_579 : memref<1x16xf32, #tpu.memory_space<vmem>> -> memref<16xf32, #tpu.memory_space<vmem>>
      %dma_wait3A_581 = arith.constant 0 : i32
      %dma_wait3A_582 = tpu.memref_slice %arg5[%arg0, %run_scoped3A_550, %arg1, %dma_wait3A_581] : memref<2x4x16x16xf32, #tpu.memory_space<hbm>> -> memref<1x1x1x16xf32, #tpu.memory_space<hbm>>
      %dma_wait3A_583 = tpu.memref_squeeze %dma_wait3A_582 : memref<1x1x1x16xf32, #tpu.memory_space<hbm>> -> memref<16xf32, #tpu.memory_space<hbm>>
      %dma_wait3A_584 = arith.constant 0 : i32
      %dma_wait3A_585 = tpu.memref_slice %arg5[%arg0, %run_scoped3A_550, %arg1, %dma_wait3A_584] : memref<2x4x16x16xf32, #tpu.memory_space<hbm>> -> memref<1x1x1x16xf32, #tpu.memory_space<hbm>>
      %dma_wait3A_586 = tpu.memref_squeeze %dma_wait3A_585 : memref<1x1x1x16xf32, #tpu.memory_space<hbm>> -> memref<16xf32, #tpu.memory_space<hbm>>
      %dma_wait3A_587 = arith.constant 0 : i32
      %dma_wait3A_588 = tpu.memref_slice %arg9[%run_scoped3A_549, %dma_wait3A_587] : memref<4x16xf32, #tpu.memory_space<vmem>> -> memref<1x16xf32, #tpu.memory_space<vmem>>
      %dma_wait3A_589 = tpu.memref_squeeze %dma_wait3A_588 : memref<1x16xf32, #tpu.memory_space<vmem>> -> memref<16xf32, #tpu.memory_space<vmem>>
      tpu.wait_dma2 semaphore(%run_scoped3A_567 : memref<!tpu.dma_semaphore, #tpu.memory_space<semaphore_mem>>) src(%dma_wait3A_589 : memref<16xf32, #tpu.memory_space<vmem>>) dst(%dma_wait3A_586 : memref<16xf32, #tpu.memory_space<hbm>>)
      tpu.yield
    }) : () -> ()
    %run_scoped3A_551 = arith.constant 0 : i32
    %run_scoped3A_552 = arith.constant 0 : i32
    "tpu.region"() ({
      %run_scoped3A_567 = tpu.sem_alloc : memref<!tpu.dma_semaphore, #tpu.memory_space<semaphore_mem>>
      %dma_start3A = arith.constant 0 : i32
      %dma_start3A_568 = tpu.memref_slice %arg10[%run_scoped3A_551, %dma_start3A] : memref<4x16xf32, #tpu.memory_space<vmem>> -> memref<1x16xf32, #tpu.memory_space<vmem>>
      %dma_start3A_569 = tpu.memref_squeeze %dma_start3A_568 : memref<1x16xf32, #tpu.memory_space<vmem>> -> memref<16xf32, #tpu.memory_space<vmem>>
      %dma_start3A_570 = arith.constant 0 : i32
      %dma_start3A_571 = tpu.memref_slice %arg6[%arg0, %run_scoped3A_552, %arg1, %dma_start3A_570] : memref<2x4x16x16xf32, #tpu.memory_space<hbm>> -> memref<1x1x1x16xf32, #tpu.memory_space<hbm>>
      %dma_start3A_572 = tpu.memref_squeeze %dma_start3A_571 : memref<1x1x1x16xf32, #tpu.memory_space<hbm>> -> memref<16xf32, #tpu.memory_space<hbm>>
      %dma_start3A_573 = arith.constant 0 : i32
      %dma_start3A_574 = tpu.memref_slice %arg6[%arg0, %run_scoped3A_552, %arg1, %dma_start3A_573] : memref<2x4x16x16xf32, #tpu.memory_space<hbm>> -> memref<1x1x1x16xf32, #tpu.memory_space<hbm>>
      %dma_start3A_575 = tpu.memref_squeeze %dma_start3A_574 : memref<1x1x1x16xf32, #tpu.memory_space<hbm>> -> memref<16xf32, #tpu.memory_space<hbm>>
      %dma_start3A_576 = arith.constant 0 : i32
      %dma_start3A_577 = tpu.memref_slice %arg10[%run_scoped3A_551, %dma_start3A_576] : memref<4x16xf32, #tpu.memory_space<vmem>> -> memref<1x16xf32, #tpu.memory_space<vmem>>
      %dma_start3A_578 = tpu.memref_squeeze %dma_start3A_577 : memref<1x16xf32, #tpu.memory_space<vmem>> -> memref<16xf32, #tpu.memory_space<vmem>>
      tpu.enqueue_dma source(%dma_start3A_578 : memref<16xf32, #tpu.memory_space<vmem>>) target(%dma_start3A_575 : memref<16xf32, #tpu.memory_space<hbm>>) target_semaphore(%run_scoped3A_567 : memref<!tpu.dma_semaphore, #tpu.memory_space<semaphore_mem>>)
      %dma_wait3A = arith.constant 0 : i32
      %dma_wait3A_579 = tpu.memref_slice %arg10[%run_scoped3A_551, %dma_wait3A] : memref<4x16xf32, #tpu.memory_space<vmem>> -> memref<1x16xf32, #tpu.memory_space<vmem>>
      %dma_wait3A_580 = tpu.memref_squeeze %dma_wait3A_579 : memref<1x16xf32, #tpu.memory_space<vmem>> -> memref<16xf32, #tpu.memory_space<vmem>>
      %dma_wait3A_581 = arith.constant 0 : i32
      %dma_wait3A_582 = tpu.memref_slice %arg6[%arg0, %run_scoped3A_552, %arg1, %dma_wait3A_581] : memref<2x4x16x16xf32, #tpu.memory_space<hbm>> -> memref<1x1x1x16xf32, #tpu.memory_space<hbm>>
      %dma_wait3A_583 = tpu.memref_squeeze %dma_wait3A_582 : memref<1x1x1x16xf32, #tpu.memory_space<hbm>> -> memref<16xf32, #tpu.memory_space<hbm>>
      %dma_wait3A_584 = arith.constant 0 : i32
      %dma_wait3A_585 = tpu.memref_slice %arg6[%arg0, %run_scoped3A_552, %arg1, %dma_wait3A_584] : memref<2x4x16x16xf32, #tpu.memory_space<hbm>> -> memref<1x1x1x16xf32, #tpu.memory_space<hbm>>
      %dma_wait3A_586 = tpu.memref_squeeze %dma_wait3A_585 : memref<1x1x1x16xf32, #tpu.memory_space<hbm>> -> memref<16xf32, #tpu.memory_space<hbm>>
      %dma_wait3A_587 = arith.constant 0 : i32
      %dma_wait3A_588 = tpu.memref_slice %arg10[%run_scoped3A_551, %dma_wait3A_587] : memref<4x16xf32, #tpu.memory_space<vmem>> -> memref<1x16xf32, #tpu.memory_space<vmem>>
      %dma_wait3A_589 = tpu.memref_squeeze %dma_wait3A_588 : memref<1x16xf32, #tpu.memory_space<vmem>> -> memref<16xf32, #tpu.memory_space<vmem>>
      tpu.wait_dma2 semaphore(%run_scoped3A_567 : memref<!tpu.dma_semaphore, #tpu.memory_space<semaphore_mem>>) src(%dma_wait3A_589 : memref<16xf32, #tpu.memory_space<vmem>>) dst(%dma_wait3A_586 : memref<16xf32, #tpu.memory_space<hbm>>)
      tpu.yield
    }) : () -> ()
    %run_scoped3A_553 = arith.constant 1 : i32
    %run_scoped3A_554 = arith.constant 1 : i32
    "tpu.region"() ({
      %run_scoped3A_567 = tpu.sem_alloc : memref<!tpu.dma_semaphore, #tpu.memory_space<semaphore_mem>>
      %dma_start3A = arith.constant 0 : i32
      %dma_start3A_568 = tpu.memref_slice %arg9[%run_scoped3A_553, %dma_start3A] : memref<4x16xf32, #tpu.memory_space<vmem>> -> memref<1x16xf32, #tpu.memory_space<vmem>>
      %dma_start3A_569 = tpu.memref_squeeze %dma_start3A_568 : memref<1x16xf32, #tpu.memory_space<vmem>> -> memref<16xf32, #tpu.memory_space<vmem>>
      %dma_start3A_570 = arith.constant 0 : i32
      %dma_start3A_571 = tpu.memref_slice %arg5[%arg0, %run_scoped3A_554, %arg1, %dma_start3A_570] : memref<2x4x16x16xf32, #tpu.memory_space<hbm>> -> memref<1x1x1x16xf32, #tpu.memory_space<hbm>>
      %dma_start3A_572 = tpu.memref_squeeze %dma_start3A_571 : memref<1x1x1x16xf32, #tpu.memory_space<hbm>> -> memref<16xf32, #tpu.memory_space<hbm>>
      %dma_start3A_573 = arith.constant 0 : i32
      %dma_start3A_574 = tpu.memref_slice %arg5[%arg0, %run_scoped3A_554, %arg1, %dma_start3A_573] : memref<2x4x16x16xf32, #tpu.memory_space<hbm>> -> memref<1x1x1x16xf32, #tpu.memory_space<hbm>>
      %dma_start3A_575 = tpu.memref_squeeze %dma_start3A_574 : memref<1x1x1x16xf32, #tpu.memory_space<hbm>> -> memref<16xf32, #tpu.memory_space<hbm>>
      %dma_start3A_576 = arith.constant 0 : i32
      %dma_start3A_577 = tpu.memref_slice %arg9[%run_scoped3A_553, %dma_start3A_576] : memref<4x16xf32, #tpu.memory_space<vmem>> -> memref<1x16xf32, #tpu.memory_space<vmem>>
      %dma_start3A_578 = tpu.memref_squeeze %dma_start3A_577 : memref<1x16xf32, #tpu.memory_space<vmem>> -> memref<16xf32, #tpu.memory_space<vmem>>
      tpu.enqueue_dma source(%dma_start3A_578 : memref<16xf32, #tpu.memory_space<vmem>>) target(%dma_start3A_575 : memref<16xf32, #tpu.memory_space<hbm>>) target_semaphore(%run_scoped3A_567 : memref<!tpu.dma_semaphore, #tpu.memory_space<semaphore_mem>>)
      %dma_wait3A = arith.constant 0 : i32
      %dma_wait3A_579 = tpu.memref_slice %arg9[%run_scoped3A_553, %dma_wait3A] : memref<4x16xf32, #tpu.memory_space<vmem>> -> memref<1x16xf32, #tpu.memory_space<vmem>>
      %dma_wait3A_580 = tpu.memref_squeeze %dma_wait3A_579 : memref<1x16xf32, #tpu.memory_space<vmem>> -> memref<16xf32, #tpu.memory_space<vmem>>
      %dma_wait3A_581 = arith.constant 0 : i32
      %dma_wait3A_582 = tpu.memref_slice %arg5[%arg0, %run_scoped3A_554, %arg1, %dma_wait3A_581] : memref<2x4x16x16xf32, #tpu.memory_space<hbm>> -> memref<1x1x1x16xf32, #tpu.memory_space<hbm>>
      %dma_wait3A_583 = tpu.memref_squeeze %dma_wait3A_582 : memref<1x1x1x16xf32, #tpu.memory_space<hbm>> -> memref<16xf32, #tpu.memory_space<hbm>>
      %dma_wait3A_584 = arith.constant 0 : i32
      %dma_wait3A_585 = tpu.memref_slice %arg5[%arg0, %run_scoped3A_554, %arg1, %dma_wait3A_584] : memref<2x4x16x16xf32, #tpu.memory_space<hbm>> -> memref<1x1x1x16xf32, #tpu.memory_space<hbm>>
      %dma_wait3A_586 = tpu.memref_squeeze %dma_wait3A_585 : memref<1x1x1x16xf32, #tpu.memory_space<hbm>> -> memref<16xf32, #tpu.memory_space<hbm>>
      %dma_wait3A_587 = arith.constant 0 : i32
      %dma_wait3A_588 = tpu.memref_slice %arg9[%run_scoped3A_553, %dma_wait3A_587] : memref<4x16xf32, #tpu.memory_space<vmem>> -> memref<1x16xf32, #tpu.memory_space<vmem>>
      %dma_wait3A_589 = tpu.memref_squeeze %dma_wait3A_588 : memref<1x16xf32, #tpu.memory_space<vmem>> -> memref<16xf32, #tpu.memory_space<vmem>>
      tpu.wait_dma2 semaphore(%run_scoped3A_567 : memref<!tpu.dma_semaphore, #tpu.memory_space<semaphore_mem>>) src(%dma_wait3A_589 : memref<16xf32, #tpu.memory_space<vmem>>) dst(%dma_wait3A_586 : memref<16xf32, #tpu.memory_space<hbm>>)
      tpu.yield
    }) : () -> ()
    %run_scoped3A_555 = arith.constant 1 : i32
    %run_scoped3A_556 = arith.constant 1 : i32
    "tpu.region"() ({
      %run_scoped3A_567 = tpu.sem_alloc : memref<!tpu.dma_semaphore, #tpu.memory_space<semaphore_mem>>
      %dma_start3A = arith.constant 0 : i32
      %dma_start3A_568 = tpu.memref_slice %arg10[%run_scoped3A_555, %dma_start3A] : memref<4x16xf32, #tpu.memory_space<vmem>> -> memref<1x16xf32, #tpu.memory_space<vmem>>
      %dma_start3A_569 = tpu.memref_squeeze %dma_start3A_568 : memref<1x16xf32, #tpu.memory_space<vmem>> -> memref<16xf32, #tpu.memory_space<vmem>>
      %dma_start3A_570 = arith.constant 0 : i32
      %dma_start3A_571 = tpu.memref_slice %arg6[%arg0, %run_scoped3A_556, %arg1, %dma_start3A_570] : memref<2x4x16x16xf32, #tpu.memory_space<hbm>> -> memref<1x1x1x16xf32, #tpu.memory_space<hbm>>
      %dma_start3A_572 = tpu.memref_squeeze %dma_start3A_571 : memref<1x1x1x16xf32, #tpu.memory_space<hbm>> -> memref<16xf32, #tpu.memory_space<hbm>>
      %dma_start3A_573 = arith.constant 0 : i32
      %dma_start3A_574 = tpu.memref_slice %arg6[%arg0, %run_scoped3A_556, %arg1, %dma_start3A_573] : memref<2x4x16x16xf32, #tpu.memory_space<hbm>> -> memref<1x1x1x16xf32, #tpu.memory_space<hbm>>
      %dma_start3A_575 = tpu.memref_squeeze %dma_start3A_574 : memref<1x1x1x16xf32, #tpu.memory_space<hbm>> -> memref<16xf32, #tpu.memory_space<hbm>>
      %dma_start3A_576 = arith.constant 0 : i32
      %dma_start3A_577 = tpu.memref_slice %arg10[%run_scoped3A_555, %dma_start3A_576] : memref<4x16xf32, #tpu.memory_space<vmem>> -> memref<1x16xf32, #tpu.memory_space<vmem>>
      %dma_start3A_578 = tpu.memref_squeeze %dma_start3A_577 : memref<1x16xf32, #tpu.memory_space<vmem>> -> memref<16xf32, #tpu.memory_space<vmem>>
      tpu.enqueue_dma source(%dma_start3A_578 : memref<16xf32, #tpu.memory_space<vmem>>) target(%dma_start3A_575 : memref<16xf32, #tpu.memory_space<hbm>>) target_semaphore(%run_scoped3A_567 : memref<!tpu.dma_semaphore, #tpu.memory_space<semaphore_mem>>)
      %dma_wait3A = arith.constant 0 : i32
      %dma_wait3A_579 = tpu.memref_slice %arg10[%run_scoped3A_555, %dma_wait3A] : memref<4x16xf32, #tpu.memory_space<vmem>> -> memref<1x16xf32, #tpu.memory_space<vmem>>
      %dma_wait3A_580 = tpu.memref_squeeze %dma_wait3A_579 : memref<1x16xf32, #tpu.memory_space<vmem>> -> memref<16xf32, #tpu.memory_space<vmem>>
      %dma_wait3A_581 = arith.constant 0 : i32
      %dma_wait3A_582 = tpu.memref_slice %arg6[%arg0, %run_scoped3A_556, %arg1, %dma_wait3A_581] : memref<2x4x16x16xf32, #tpu.memory_space<hbm>> -> memref<1x1x1x16xf32, #tpu.memory_space<hbm>>
      %dma_wait3A_583 = tpu.memref_squeeze %dma_wait3A_582 : memref<1x1x1x16xf32, #tpu.memory_space<hbm>> -> memref<16xf32, #tpu.memory_space<hbm>>
      %dma_wait3A_584 = arith.constant 0 : i32
      %dma_wait3A_585 = tpu.memref_slice %arg6[%arg0, %run_scoped3A_556, %arg1, %dma_wait3A_584] : memref<2x4x16x16xf32, #tpu.memory_space<hbm>> -> memref<1x1x1x16xf32, #tpu.memory_space<hbm>>
      %dma_wait3A_586 = tpu.memref_squeeze %dma_wait3A_585 : memref<1x1x1x16xf32, #tpu.memory_space<hbm>> -> memref<16xf32, #tpu.memory_space<hbm>>
      %dma_wait3A_587 = arith.constant 0 : i32
      %dma_wait3A_588 = tpu.memref_slice %arg10[%run_scoped3A_555, %dma_wait3A_587] : memref<4x16xf32, #tpu.memory_space<vmem>> -> memref<1x16xf32, #tpu.memory_space<vmem>>
      %dma_wait3A_589 = tpu.memref_squeeze %dma_wait3A_588 : memref<1x16xf32, #tpu.memory_space<vmem>> -> memref<16xf32, #tpu.memory_space<vmem>>
      tpu.wait_dma2 semaphore(%run_scoped3A_567 : memref<!tpu.dma_semaphore, #tpu.memory_space<semaphore_mem>>) src(%dma_wait3A_589 : memref<16xf32, #tpu.memory_space<vmem>>) dst(%dma_wait3A_586 : memref<16xf32, #tpu.memory_space<hbm>>)
      tpu.yield
    }) : () -> ()
    %run_scoped3A_557 = arith.constant 2 : i32
    %run_scoped3A_558 = arith.constant 2 : i32
    "tpu.region"() ({
      %run_scoped3A_567 = tpu.sem_alloc : memref<!tpu.dma_semaphore, #tpu.memory_space<semaphore_mem>>
      %dma_start3A = arith.constant 0 : i32
      %dma_start3A_568 = tpu.memref_slice %arg9[%run_scoped3A_557, %dma_start3A] : memref<4x16xf32, #tpu.memory_space<vmem>> -> memref<1x16xf32, #tpu.memory_space<vmem>>
      %dma_start3A_569 = tpu.memref_squeeze %dma_start3A_568 : memref<1x16xf32, #tpu.memory_space<vmem>> -> memref<16xf32, #tpu.memory_space<vmem>>
      %dma_start3A_570 = arith.constant 0 : i32
      %dma_start3A_571 = tpu.memref_slice %arg5[%arg0, %run_scoped3A_558, %arg1, %dma_start3A_570] : memref<2x4x16x16xf32, #tpu.memory_space<hbm>> -> memref<1x1x1x16xf32, #tpu.memory_space<hbm>>
      %dma_start3A_572 = tpu.memref_squeeze %dma_start3A_571 : memref<1x1x1x16xf32, #tpu.memory_space<hbm>> -> memref<16xf32, #tpu.memory_space<hbm>>
      %dma_start3A_573 = arith.constant 0 : i32
      %dma_start3A_574 = tpu.memref_slice %arg5[%arg0, %run_scoped3A_558, %arg1, %dma_start3A_573] : memref<2x4x16x16xf32, #tpu.memory_space<hbm>> -> memref<1x1x1x16xf32, #tpu.memory_space<hbm>>
      %dma_start3A_575 = tpu.memref_squeeze %dma_start3A_574 : memref<1x1x1x16xf32, #tpu.memory_space<hbm>> -> memref<16xf32, #tpu.memory_space<hbm>>
      %dma_start3A_576 = arith.constant 0 : i32
      %dma_start3A_577 = tpu.memref_slice %arg9[%run_scoped3A_557, %dma_start3A_576] : memref<4x16xf32, #tpu.memory_space<vmem>> -> memref<1x16xf32, #tpu.memory_space<vmem>>
      %dma_start3A_578 = tpu.memref_squeeze %dma_start3A_577 : memref<1x16xf32, #tpu.memory_space<vmem>> -> memref<16xf32, #tpu.memory_space<vmem>>
      tpu.enqueue_dma source(%dma_start3A_578 : memref<16xf32, #tpu.memory_space<vmem>>) target(%dma_start3A_575 : memref<16xf32, #tpu.memory_space<hbm>>) target_semaphore(%run_scoped3A_567 : memref<!tpu.dma_semaphore, #tpu.memory_space<semaphore_mem>>)
      %dma_wait3A = arith.constant 0 : i32
      %dma_wait3A_579 = tpu.memref_slice %arg9[%run_scoped3A_557, %dma_wait3A] : memref<4x16xf32, #tpu.memory_space<vmem>> -> memref<1x16xf32, #tpu.memory_space<vmem>>
      %dma_wait3A_580 = tpu.memref_squeeze %dma_wait3A_579 : memref<1x16xf32, #tpu.memory_space<vmem>> -> memref<16xf32, #tpu.memory_space<vmem>>
      %dma_wait3A_581 = arith.constant 0 : i32
      %dma_wait3A_582 = tpu.memref_slice %arg5[%arg0, %run_scoped3A_558, %arg1, %dma_wait3A_581] : memref<2x4x16x16xf32, #tpu.memory_space<hbm>> -> memref<1x1x1x16xf32, #tpu.memory_space<hbm>>
      %dma_wait3A_583 = tpu.memref_squeeze %dma_wait3A_582 : memref<1x1x1x16xf32, #tpu.memory_space<hbm>> -> memref<16xf32, #tpu.memory_space<hbm>>
      %dma_wait3A_584 = arith.constant 0 : i32
      %dma_wait3A_585 = tpu.memref_slice %arg5[%arg0, %run_scoped3A_558, %arg1, %dma_wait3A_584] : memref<2x4x16x16xf32, #tpu.memory_space<hbm>> -> memref<1x1x1x16xf32, #tpu.memory_space<hbm>>
      %dma_wait3A_586 = tpu.memref_squeeze %dma_wait3A_585 : memref<1x1x1x16xf32, #tpu.memory_space<hbm>> -> memref<16xf32, #tpu.memory_space<hbm>>
      %dma_wait3A_587 = arith.constant 0 : i32
      %dma_wait3A_588 = tpu.memref_slice %arg9[%run_scoped3A_557, %dma_wait3A_587] : memref<4x16xf32, #tpu.memory_space<vmem>> -> memref<1x16xf32, #tpu.memory_space<vmem>>
      %dma_wait3A_589 = tpu.memref_squeeze %dma_wait3A_588 : memref<1x16xf32, #tpu.memory_space<vmem>> -> memref<16xf32, #tpu.memory_space<vmem>>
      tpu.wait_dma2 semaphore(%run_scoped3A_567 : memref<!tpu.dma_semaphore, #tpu.memory_space<semaphore_mem>>) src(%dma_wait3A_589 : memref<16xf32, #tpu.memory_space<vmem>>) dst(%dma_wait3A_586 : memref<16xf32, #tpu.memory_space<hbm>>)
      tpu.yield
    }) : () -> ()
    %run_scoped3A_559 = arith.constant 2 : i32
    %run_scoped3A_560 = arith.constant 2 : i32
    "tpu.region"() ({
      %run_scoped3A_567 = tpu.sem_alloc : memref<!tpu.dma_semaphore, #tpu.memory_space<semaphore_mem>>
      %dma_start3A = arith.constant 0 : i32
      %dma_start3A_568 = tpu.memref_slice %arg10[%run_scoped3A_559, %dma_start3A] : memref<4x16xf32, #tpu.memory_space<vmem>> -> memref<1x16xf32, #tpu.memory_space<vmem>>
      %dma_start3A_569 = tpu.memref_squeeze %dma_start3A_568 : memref<1x16xf32, #tpu.memory_space<vmem>> -> memref<16xf32, #tpu.memory_space<vmem>>
      %dma_start3A_570 = arith.constant 0 : i32
      %dma_start3A_571 = tpu.memref_slice %arg6[%arg0, %run_scoped3A_560, %arg1, %dma_start3A_570] : memref<2x4x16x16xf32, #tpu.memory_space<hbm>> -> memref<1x1x1x16xf32, #tpu.memory_space<hbm>>
      %dma_start3A_572 = tpu.memref_squeeze %dma_start3A_571 : memref<1x1x1x16xf32, #tpu.memory_space<hbm>> -> memref<16xf32, #tpu.memory_space<hbm>>
      %dma_start3A_573 = arith.constant 0 : i32
      %dma_start3A_574 = tpu.memref_slice %arg6[%arg0, %run_scoped3A_560, %arg1, %dma_start3A_573] : memref<2x4x16x16xf32, #tpu.memory_space<hbm>> -> memref<1x1x1x16xf32, #tpu.memory_space<hbm>>
      %dma_start3A_575 = tpu.memref_squeeze %dma_start3A_574 : memref<1x1x1x16xf32, #tpu.memory_space<hbm>> -> memref<16xf32, #tpu.memory_space<hbm>>
      %dma_start3A_576 = arith.constant 0 : i32
      %dma_start3A_577 = tpu.memref_slice %arg10[%run_scoped3A_559, %dma_start3A_576] : memref<4x16xf32, #tpu.memory_space<vmem>> -> memref<1x16xf32, #tpu.memory_space<vmem>>
      %dma_start3A_578 = tpu.memref_squeeze %dma_start3A_577 : memref<1x16xf32, #tpu.memory_space<vmem>> -> memref<16xf32, #tpu.memory_space<vmem>>
      tpu.enqueue_dma source(%dma_start3A_578 : memref<16xf32, #tpu.memory_space<vmem>>) target(%dma_start3A_575 : memref<16xf32, #tpu.memory_space<hbm>>) target_semaphore(%run_scoped3A_567 : memref<!tpu.dma_semaphore, #tpu.memory_space<semaphore_mem>>)
      %dma_wait3A = arith.constant 0 : i32
      %dma_wait3A_579 = tpu.memref_slice %arg10[%run_scoped3A_559, %dma_wait3A] : memref<4x16xf32, #tpu.memory_space<vmem>> -> memref<1x16xf32, #tpu.memory_space<vmem>>
      %dma_wait3A_580 = tpu.memref_squeeze %dma_wait3A_579 : memref<1x16xf32, #tpu.memory_space<vmem>> -> memref<16xf32, #tpu.memory_space<vmem>>
      %dma_wait3A_581 = arith.constant 0 : i32
      %dma_wait3A_582 = tpu.memref_slice %arg6[%arg0, %run_scoped3A_560, %arg1, %dma_wait3A_581] : memref<2x4x16x16xf32, #tpu.memory_space<hbm>> -> memref<1x1x1x16xf32, #tpu.memory_space<hbm>>
      %dma_wait3A_583 = tpu.memref_squeeze %dma_wait3A_582 : memref<1x1x1x16xf32, #tpu.memory_space<hbm>> -> memref<16xf32, #tpu.memory_space<hbm>>
      %dma_wait3A_584 = arith.constant 0 : i32
      %dma_wait3A_585 = tpu.memref_slice %arg6[%arg0, %run_scoped3A_560, %arg1, %dma_wait3A_584] : memref<2x4x16x16xf32, #tpu.memory_space<hbm>> -> memref<1x1x1x16xf32, #tpu.memory_space<hbm>>
      %dma_wait3A_586 = tpu.memref_squeeze %dma_wait3A_585 : memref<1x1x1x16xf32, #tpu.memory_space<hbm>> -> memref<16xf32, #tpu.memory_space<hbm>>
      %dma_wait3A_587 = arith.constant 0 : i32
      %dma_wait3A_588 = tpu.memref_slice %arg10[%run_scoped3A_559, %dma_wait3A_587] : memref<4x16xf32, #tpu.memory_space<vmem>> -> memref<1x16xf32, #tpu.memory_space<vmem>>
      %dma_wait3A_589 = tpu.memref_squeeze %dma_wait3A_588 : memref<1x16xf32, #tpu.memory_space<vmem>> -> memref<16xf32, #tpu.memory_space<vmem>>
      tpu.wait_dma2 semaphore(%run_scoped3A_567 : memref<!tpu.dma_semaphore, #tpu.memory_space<semaphore_mem>>) src(%dma_wait3A_589 : memref<16xf32, #tpu.memory_space<vmem>>) dst(%dma_wait3A_586 : memref<16xf32, #tpu.memory_space<hbm>>)
      tpu.yield
    }) : () -> ()
    %run_scoped3A_561 = arith.constant 3 : i32
    %run_scoped3A_562 = arith.constant 3 : i32
    "tpu.region"() ({
      %run_scoped3A_567 = tpu.sem_alloc : memref<!tpu.dma_semaphore, #tpu.memory_space<semaphore_mem>>
      %dma_start3A = arith.constant 0 : i32
      %dma_start3A_568 = tpu.memref_slice %arg9[%run_scoped3A_561, %dma_start3A] : memref<4x16xf32, #tpu.memory_space<vmem>> -> memref<1x16xf32, #tpu.memory_space<vmem>>
      %dma_start3A_569 = tpu.memref_squeeze %dma_start3A_568 : memref<1x16xf32, #tpu.memory_space<vmem>> -> memref<16xf32, #tpu.memory_space<vmem>>
      %dma_start3A_570 = arith.constant 0 : i32
      %dma_start3A_571 = tpu.memref_slice %arg5[%arg0, %run_scoped3A_562, %arg1, %dma_start3A_570] : memref<2x4x16x16xf32, #tpu.memory_space<hbm>> -> memref<1x1x1x16xf32, #tpu.memory_space<hbm>>
      %dma_start3A_572 = tpu.memref_squeeze %dma_start3A_571 : memref<1x1x1x16xf32, #tpu.memory_space<hbm>> -> memref<16xf32, #tpu.memory_space<hbm>>
      %dma_start3A_573 = arith.constant 0 : i32
      %dma_start3A_574 = tpu.memref_slice %arg5[%arg0, %run_scoped3A_562, %arg1, %dma_start3A_573] : memref<2x4x16x16xf32, #tpu.memory_space<hbm>> -> memref<1x1x1x16xf32, #tpu.memory_space<hbm>>
      %dma_start3A_575 = tpu.memref_squeeze %dma_start3A_574 : memref<1x1x1x16xf32, #tpu.memory_space<hbm>> -> memref<16xf32, #tpu.memory_space<hbm>>
      %dma_start3A_576 = arith.constant 0 : i32
      %dma_start3A_577 = tpu.memref_slice %arg9[%run_scoped3A_561, %dma_start3A_576] : memref<4x16xf32, #tpu.memory_space<vmem>> -> memref<1x16xf32, #tpu.memory_space<vmem>>
      %dma_start3A_578 = tpu.memref_squeeze %dma_start3A_577 : memref<1x16xf32, #tpu.memory_space<vmem>> -> memref<16xf32, #tpu.memory_space<vmem>>
      tpu.enqueue_dma source(%dma_start3A_578 : memref<16xf32, #tpu.memory_space<vmem>>) target(%dma_start3A_575 : memref<16xf32, #tpu.memory_space<hbm>>) target_semaphore(%run_scoped3A_567 : memref<!tpu.dma_semaphore, #tpu.memory_space<semaphore_mem>>)
      %dma_wait3A = arith.constant 0 : i32
      %dma_wait3A_579 = tpu.memref_slice %arg9[%run_scoped3A_561, %dma_wait3A] : memref<4x16xf32, #tpu.memory_space<vmem>> -> memref<1x16xf32, #tpu.memory_space<vmem>>
      %dma_wait3A_580 = tpu.memref_squeeze %dma_wait3A_579 : memref<1x16xf32, #tpu.memory_space<vmem>> -> memref<16xf32, #tpu.memory_space<vmem>>
      %dma_wait3A_581 = arith.constant 0 : i32
      %dma_wait3A_582 = tpu.memref_slice %arg5[%arg0, %run_scoped3A_562, %arg1, %dma_wait3A_581] : memref<2x4x16x16xf32, #tpu.memory_space<hbm>> -> memref<1x1x1x16xf32, #tpu.memory_space<hbm>>
      %dma_wait3A_583 = tpu.memref_squeeze %dma_wait3A_582 : memref<1x1x1x16xf32, #tpu.memory_space<hbm>> -> memref<16xf32, #tpu.memory_space<hbm>>
      %dma_wait3A_584 = arith.constant 0 : i32
      %dma_wait3A_585 = tpu.memref_slice %arg5[%arg0, %run_scoped3A_562, %arg1, %dma_wait3A_584] : memref<2x4x16x16xf32, #tpu.memory_space<hbm>> -> memref<1x1x1x16xf32, #tpu.memory_space<hbm>>
      %dma_wait3A_586 = tpu.memref_squeeze %dma_wait3A_585 : memref<1x1x1x16xf32, #tpu.memory_space<hbm>> -> memref<16xf32, #tpu.memory_space<hbm>>
      %dma_wait3A_587 = arith.constant 0 : i32
      %dma_wait3A_588 = tpu.memref_slice %arg9[%run_scoped3A_561, %dma_wait3A_587] : memref<4x16xf32, #tpu.memory_space<vmem>> -> memref<1x16xf32, #tpu.memory_space<vmem>>
      %dma_wait3A_589 = tpu.memref_squeeze %dma_wait3A_588 : memref<1x16xf32, #tpu.memory_space<vmem>> -> memref<16xf32, #tpu.memory_space<vmem>>
      tpu.wait_dma2 semaphore(%run_scoped3A_567 : memref<!tpu.dma_semaphore, #tpu.memory_space<semaphore_mem>>) src(%dma_wait3A_589 : memref<16xf32, #tpu.memory_space<vmem>>) dst(%dma_wait3A_586 : memref<16xf32, #tpu.memory_space<hbm>>)
      tpu.yield
    }) : () -> ()
    %run_scoped3A_563 = arith.constant 3 : i32
    %run_scoped3A_564 = arith.constant 3 : i32
    "tpu.region"() ({
      %run_scoped3A_567 = tpu.sem_alloc : memref<!tpu.dma_semaphore, #tpu.memory_space<semaphore_mem>>
      %dma_start3A = arith.constant 0 : i32
      %dma_start3A_568 = tpu.memref_slice %arg10[%run_scoped3A_563, %dma_start3A] : memref<4x16xf32, #tpu.memory_space<vmem>> -> memref<1x16xf32, #tpu.memory_space<vmem>>
      %dma_start3A_569 = tpu.memref_squeeze %dma_start3A_568 : memref<1x16xf32, #tpu.memory_space<vmem>> -> memref<16xf32, #tpu.memory_space<vmem>>
      %dma_start3A_570 = arith.constant 0 : i32
      %dma_start3A_571 = tpu.memref_slice %arg6[%arg0, %run_scoped3A_564, %arg1, %dma_start3A_570] : memref<2x4x16x16xf32, #tpu.memory_space<hbm>> -> memref<1x1x1x16xf32, #tpu.memory_space<hbm>>
      %dma_start3A_572 = tpu.memref_squeeze %dma_start3A_571 : memref<1x1x1x16xf32, #tpu.memory_space<hbm>> -> memref<16xf32, #tpu.memory_space<hbm>>
      %dma_start3A_573 = arith.constant 0 : i32
      %dma_start3A_574 = tpu.memref_slice %arg6[%arg0, %run_scoped3A_564, %arg1, %dma_start3A_573] : memref<2x4x16x16xf32, #tpu.memory_space<hbm>> -> memref<1x1x1x16xf32, #tpu.memory_space<hbm>>
      %dma_start3A_575 = tpu.memref_squeeze %dma_start3A_574 : memref<1x1x1x16xf32, #tpu.memory_space<hbm>> -> memref<16xf32, #tpu.memory_space<hbm>>
      %dma_start3A_576 = arith.constant 0 : i32
      %dma_start3A_577 = tpu.memref_slice %arg10[%run_scoped3A_563, %dma_start3A_576] : memref<4x16xf32, #tpu.memory_space<vmem>> -> memref<1x16xf32, #tpu.memory_space<vmem>>
      %dma_start3A_578 = tpu.memref_squeeze %dma_start3A_577 : memref<1x16xf32, #tpu.memory_space<vmem>> -> memref<16xf32, #tpu.memory_space<vmem>>
      tpu.enqueue_dma source(%dma_start3A_578 : memref<16xf32, #tpu.memory_space<vmem>>) target(%dma_start3A_575 : memref<16xf32, #tpu.memory_space<hbm>>) target_semaphore(%run_scoped3A_567 : memref<!tpu.dma_semaphore, #tpu.memory_space<semaphore_mem>>)
      %dma_wait3A = arith.constant 0 : i32
      %dma_wait3A_579 = tpu.memref_slice %arg10[%run_scoped3A_563, %dma_wait3A] : memref<4x16xf32, #tpu.memory_space<vmem>> -> memref<1x16xf32, #tpu.memory_space<vmem>>
      %dma_wait3A_580 = tpu.memref_squeeze %dma_wait3A_579 : memref<1x16xf32, #tpu.memory_space<vmem>> -> memref<16xf32, #tpu.memory_space<vmem>>
      %dma_wait3A_581 = arith.constant 0 : i32
      %dma_wait3A_582 = tpu.memref_slice %arg6[%arg0, %run_scoped3A_564, %arg1, %dma_wait3A_581] : memref<2x4x16x16xf32, #tpu.memory_space<hbm>> -> memref<1x1x1x16xf32, #tpu.memory_space<hbm>>
      %dma_wait3A_583 = tpu.memref_squeeze %dma_wait3A_582 : memref<1x1x1x16xf32, #tpu.memory_space<hbm>> -> memref<16xf32, #tpu.memory_space<hbm>>
      %dma_wait3A_584 = arith.constant 0 : i32
      %dma_wait3A_585 = tpu.memref_slice %arg6[%arg0, %run_scoped3A_564, %arg1, %dma_wait3A_584] : memref<2x4x16x16xf32, #tpu.memory_space<hbm>> -> memref<1x1x1x16xf32, #tpu.memory_space<hbm>>
      %dma_wait3A_586 = tpu.memref_squeeze %dma_wait3A_585 : memref<1x1x1x16xf32, #tpu.memory_space<hbm>> -> memref<16xf32, #tpu.memory_space<hbm>>
      %dma_wait3A_587 = arith.constant 0 : i32
      %dma_wait3A_588 = tpu.memref_slice %arg10[%run_scoped3A_563, %dma_wait3A_587] : memref<4x16xf32, #tpu.memory_space<vmem>> -> memref<1x16xf32, #tpu.memory_space<vmem>>
      %dma_wait3A_589 = tpu.memref_squeeze %dma_wait3A_588 : memref<1x16xf32, #tpu.memory_space<vmem>> -> memref<16xf32, #tpu.memory_space<vmem>>
      tpu.wait_dma2 semaphore(%run_scoped3A_567 : memref<!tpu.dma_semaphore, #tpu.memory_space<semaphore_mem>>) src(%dma_wait3A_589 : memref<16xf32, #tpu.memory_space<vmem>>) dst(%dma_wait3A_586 : memref<16xf32, #tpu.memory_space<hbm>>)
      tpu.yield
    }) : () -> ()
    %barrier3A = arith.constant 0 : index
    tpu.barrier barrier_id(%barrier3A)
    %lt3A = arith.constant 4 : i32
    %lt3A_565 = arith.cmpi slt, %arg1, %lt3A : i32
    %convert_element_type3A = arith.extui %lt3A_565 : i1 to i32
    %cond3A = arith.constant 0 : i32
    %cond3A_566 = arith.cmpi ne, %convert_element_type3A, %cond3A : i32
    scf.if %cond3A_566 {
      "tpu.region"() ({
        %run_scoped3A_980 = tpu.sem_alloc : memref<!tpu.dma_semaphore, #tpu.memory_space<semaphore_mem>>
        %dma_start3A = arith.constant 0 : i32
        %dma_start3A_981 = arith.constant 0 : i32
        %dma_start3A_982 = tpu.memref_slice %arg5[%arg0, %arg1, %dma_start3A, %dma_start3A_981] : memref<2x4x16x16xf32, #tpu.memory_space<hbm>> -> memref<1x1x16x16xf32, #tpu.memory_space<hbm>>
        %dma_start3A_983 = tpu.memref_squeeze %dma_start3A_982 : memref<1x1x16x16xf32, #tpu.memory_space<hbm>> -> memref<16x16xf32, #tpu.memory_space<hbm>>
        %dma_start3A_984 = arith.constant 0 : i32
        %dma_start3A_985 = arith.constant 0 : i32
        %dma_start3A_986 = tpu.memref_slice %arg5[%arg0, %arg1, %dma_start3A_984, %dma_start3A_985] : memref<2x4x16x16xf32, #tpu.memory_space<hbm>> -> memref<1x1x16x16xf32, #tpu.memory_space<hbm>>
        %dma_start3A_987 = tpu.memref_squeeze %dma_start3A_986 : memref<1x1x16x16xf32, #tpu.memory_space<hbm>> -> memref<16x16xf32, #tpu.memory_space<hbm>>
        tpu.enqueue_dma source(%dma_start3A_987 : memref<16x16xf32, #tpu.memory_space<hbm>>) target(%arg11 : memref<16x16xf32, #tpu.memory_space<vmem>>) target_semaphore(%run_scoped3A_980 : memref<!tpu.dma_semaphore, #tpu.memory_space<semaphore_mem>>)
        %dma_wait3A = arith.constant 0 : i32
        %dma_wait3A_988 = arith.constant 0 : i32
        %dma_wait3A_989 = tpu.memref_slice %arg5[%arg0, %arg1, %dma_wait3A, %dma_wait3A_988] : memref<2x4x16x16xf32, #tpu.memory_space<hbm>> -> memref<1x1x16x16xf32, #tpu.memory_space<hbm>>
        %dma_wait3A_990 = tpu.memref_squeeze %dma_wait3A_989 : memref<1x1x16x16xf32, #tpu.memory_space<hbm>> -> memref<16x16xf32, #tpu.memory_space<hbm>>
        %dma_wait3A_991 = arith.constant 0 : i32
        %dma_wait3A_992 = arith.constant 0 : i32
        %dma_wait3A_993 = tpu.memref_slice %arg5[%arg0, %arg1, %dma_wait3A_991, %dma_wait3A_992] : memref<2x4x16x16xf32, #tpu.memory_space<hbm>> -> memref<1x1x16x16xf32, #tpu.memory_space<hbm>>
        %dma_wait3A_994 = tpu.memref_squeeze %dma_wait3A_993 : memref<1x1x16x16xf32, #tpu.memory_space<hbm>> -> memref<16x16xf32, #tpu.memory_space<hbm>>
        tpu.wait_dma2 semaphore(%run_scoped3A_980 : memref<!tpu.dma_semaphore, #tpu.memory_space<semaphore_mem>>) src(%dma_wait3A_994 : memref<16x16xf32, #tpu.memory_space<hbm>>) dst(%arg11 : memref<16x16xf32, #tpu.memory_space<vmem>>)
        tpu.yield
      }) : () -> ()
      "tpu.region"() ({
        %run_scoped3A_980 = tpu.sem_alloc : memref<!tpu.dma_semaphore, #tpu.memory_space<semaphore_mem>>
        %dma_start3A = arith.constant 0 : i32
        %dma_start3A_981 = arith.constant 0 : i32
        %dma_start3A_982 = tpu.memref_slice %arg6[%arg0, %arg1, %dma_start3A, %dma_start3A_981] : memref<2x4x16x16xf32, #tpu.memory_space<hbm>> -> memref<1x1x16x16xf32, #tpu.memory_space<hbm>>
        %dma_start3A_983 = tpu.memref_squeeze %dma_start3A_982 : memref<1x1x16x16xf32, #tpu.memory_space<hbm>> -> memref<16x16xf32, #tpu.memory_space<hbm>>
        %dma_start3A_984 = arith.constant 0 : i32
        %dma_start3A_985 = arith.constant 0 : i32
        %dma_start3A_986 = tpu.memref_slice %arg6[%arg0, %arg1, %dma_start3A_984, %dma_start3A_985] : memref<2x4x16x16xf32, #tpu.memory_space<hbm>> -> memref<1x1x16x16xf32, #tpu.memory_space<hbm>>
        %dma_start3A_987 = tpu.memref_squeeze %dma_start3A_986 : memref<1x1x16x16xf32, #tpu.memory_space<hbm>> -> memref<16x16xf32, #tpu.memory_space<hbm>>
        tpu.enqueue_dma source(%dma_start3A_987 : memref<16x16xf32, #tpu.memory_space<hbm>>) target(%arg12 : memref<16x16xf32, #tpu.memory_space<vmem>>) target_semaphore(%run_scoped3A_980 : memref<!tpu.dma_semaphore, #tpu.memory_space<semaphore_mem>>)
        %dma_wait3A = arith.constant 0 : i32
        %dma_wait3A_988 = arith.constant 0 : i32
        %dma_wait3A_989 = tpu.memref_slice %arg6[%arg0, %arg1, %dma_wait3A, %dma_wait3A_988] : memref<2x4x16x16xf32, #tpu.memory_space<hbm>> -> memref<1x1x16x16xf32, #tpu.memory_space<hbm>>
        %dma_wait3A_990 = tpu.memref_squeeze %dma_wait3A_989 : memref<1x1x16x16xf32, #tpu.memory_space<hbm>> -> memref<16x16xf32, #tpu.memory_space<hbm>>
        %dma_wait3A_991 = arith.constant 0 : i32
        %dma_wait3A_992 = arith.constant 0 : i32
        %dma_wait3A_993 = tpu.memref_slice %arg6[%arg0, %arg1, %dma_wait3A_991, %dma_wait3A_992] : memref<2x4x16x16xf32, #tpu.memory_space<hbm>> -> memref<1x1x16x16xf32, #tpu.memory_space<hbm>>
        %dma_wait3A_994 = tpu.memref_squeeze %dma_wait3A_993 : memref<1x1x16x16xf32, #tpu.memory_space<hbm>> -> memref<16x16xf32, #tpu.memory_space<hbm>>
        tpu.wait_dma2 semaphore(%run_scoped3A_980 : memref<!tpu.dma_semaphore, #tpu.memory_space<semaphore_mem>>) src(%dma_wait3A_994 : memref<16x16xf32, #tpu.memory_space<hbm>>) dst(%arg12 : memref<16x16xf32, #tpu.memory_space<vmem>>)
        tpu.yield
      }) : () -> ()
      %get3A = arith.constant 0 : i32
      %get3A_567 = arith.index_cast %get3A : i32 to index
      %get3A_568 = arith.constant 0 : index
      %get3A_569 = tpu.vector_load %arg11[%get3A_567, %get3A_568] {strides = array<i32>} : memref<16x16xf32, #tpu.memory_space<vmem>>, vector<16xf32>,
      %get3A_570 = arith.constant 0 : i32
      %get3A_571 = arith.index_cast %get3A_570 : i32 to index
      %get3A_572 = arith.constant 0 : index
      %get3A_573 = tpu.vector_load %arg12[%get3A_571, %get3A_572] {strides = array<i32>} : memref<16x16xf32, #tpu.memory_space<vmem>>, vector<16xf32>,
      %rev3A_574 = arith.constant 15 : i32
      %rev3A_575 = vector.broadcast %rev3A_574 : i32 to vector<16xi32>
      %rev3A_576 = tpu.iota {dimensions = array<i32: 0>} : vector<16xi32>
      %rev3A_577 = arith.subi %rev3A_575, %rev3A_576 : vector<16xi32>
      %rev3A_578 = tpu.dynamic_gather %get3A_569[%rev3A_577] in [0] : vector<16xf32>, vector<16xi32> -> vector<16xf32>
      %rev3A_579 = arith.constant 15 : i32
      %rev3A_580 = vector.broadcast %rev3A_579 : i32 to vector<16xi32>
      %rev3A_581 = tpu.iota {dimensions = array<i32: 0>} : vector<16xi32>
      %rev3A_582 = arith.subi %rev3A_580, %rev3A_581 : vector<16xi32>
      %rev3A_583 = tpu.dynamic_gather %get3A_573[%rev3A_582] in [0] : vector<16xf32>, vector<16xi32> -> vector<16xf32>
      %le3A_584 = arith.cmpf ole, %broadcast_in_dim3A_1, %rev3A_578 : vector<16xf32>
      %select_n3A_585 = arith.select %le3A_584, %broadcast_in_dim3A_1, %rev3A_578 : vector<16xi1>, vector<16xf32>
      %select_n3A_586 = arith.select %le3A_584, %broadcast_in_dim3A_3, %rev3A_583 : vector<16xi1>, vector<16xf32>
      %masked_sort3A_587 = arith.constant dense<true> : vector<16xi1>
      %masked_sort3A_588, %masked_sort3A_589, %masked_sort3A_590 = tpu.sort %select_n3A_585, %select_n3A_586 masked %masked_sort3A_587 : (vector<16xf32>, vector<16xf32>, vector<16xi1>) -> (vector<16xi1>, vector<16xf32>, vector<16xf32>)
      %get3A_591 = arith.constant 1 : i32
      %get3A_592 = arith.index_cast %get3A_591 : i32 to index
      %get3A_593 = arith.constant 0 : index
      %get3A_594 = tpu.vector_load %arg11[%get3A_592, %get3A_593] {strides = array<i32>} : memref<16x16xf32, #tpu.memory_space<vmem>>, vector<16xf32>,
      %get3A_595 = arith.constant 1 : i32
      %get3A_596 = arith.index_cast %get3A_595 : i32 to index
      %get3A_597 = arith.constant 0 : index
      %get3A_598 = tpu.vector_load %arg12[%get3A_596, %get3A_597] {strides = array<i32>} : memref<16x16xf32, #tpu.memory_space<vmem>>, vector<16xf32>,
      %rev3A_599 = arith.constant 15 : i32
      %rev3A_600 = vector.broadcast %rev3A_599 : i32 to vector<16xi32>
      %rev3A_601 = tpu.iota {dimensions = array<i32: 0>} : vector<16xi32>
      %rev3A_602 = arith.subi %rev3A_600, %rev3A_601 : vector<16xi32>
      %rev3A_603 = tpu.dynamic_gather %get3A_594[%rev3A_602] in [0] : vector<16xf32>, vector<16xi32> -> vector<16xf32>
      %rev3A_604 = arith.constant 15 : i32
      %rev3A_605 = vector.broadcast %rev3A_604 : i32 to vector<16xi32>
      %rev3A_606 = tpu.iota {dimensions = array<i32: 0>} : vector<16xi32>
      %rev3A_607 = arith.subi %rev3A_605, %rev3A_606 : vector<16xi32>
      %rev3A_608 = tpu.dynamic_gather %get3A_598[%rev3A_607] in [0] : vector<16xf32>, vector<16xi32> -> vector<16xf32>
      %le3A_609 = arith.cmpf ole, %masked_sort3A_589, %rev3A_603 : vector<16xf32>
      %select_n3A_610 = arith.select %le3A_609, %masked_sort3A_589, %rev3A_603 : vector<16xi1>, vector<16xf32>
      %select_n3A_611 = arith.select %le3A_609, %masked_sort3A_590, %rev3A_608 : vector<16xi1>, vector<16xf32>
      %masked_sort3A_612 = arith.constant dense<true> : vector<16xi1>
      %masked_sort3A_613, %masked_sort3A_614, %masked_sort3A_615 = tpu.sort %select_n3A_610, %select_n3A_611 masked %masked_sort3A_612 : (vector<16xf32>, vector<16xf32>, vector<16xi1>) -> (vector<16xi1>, vector<16xf32>, vector<16xf32>)
      %get3A_616 = arith.constant 2 : i32
      %get3A_617 = arith.index_cast %get3A_616 : i32 to index
      %get3A_618 = arith.constant 0 : index
      %get3A_619 = tpu.vector_load %arg11[%get3A_617, %get3A_618] {strides = array<i32>} : memref<16x16xf32, #tpu.memory_space<vmem>>, vector<16xf32>,
      %get3A_620 = arith.constant 2 : i32
      %get3A_621 = arith.index_cast %get3A_620 : i32 to index
      %get3A_622 = arith.constant 0 : index
      %get3A_623 = tpu.vector_load %arg12[%get3A_621, %get3A_622] {strides = array<i32>} : memref<16x16xf32, #tpu.memory_space<vmem>>, vector<16xf32>,
      %rev3A_624 = arith.constant 15 : i32
      %rev3A_625 = vector.broadcast %rev3A_624 : i32 to vector<16xi32>
      %rev3A_626 = tpu.iota {dimensions = array<i32: 0>} : vector<16xi32>
      %rev3A_627 = arith.subi %rev3A_625, %rev3A_626 : vector<16xi32>
      %rev3A_628 = tpu.dynamic_gather %get3A_619[%rev3A_627] in [0] : vector<16xf32>, vector<16xi32> -> vector<16xf32>
      %rev3A_629 = arith.constant 15 : i32
      %rev3A_630 = vector.broadcast %rev3A_629 : i32 to vector<16xi32>
      %rev3A_631 = tpu.iota {dimensions = array<i32: 0>} : vector<16xi32>
      %rev3A_632 = arith.subi %rev3A_630, %rev3A_631 : vector<16xi32>
      %rev3A_633 = tpu.dynamic_gather %get3A_623[%rev3A_632] in [0] : vector<16xf32>, vector<16xi32> -> vector<16xf32>
      %le3A_634 = arith.cmpf ole, %masked_sort3A_614, %rev3A_628 : vector<16xf32>
      %select_n3A_635 = arith.select %le3A_634, %masked_sort3A_614, %rev3A_628 : vector<16xi1>, vector<16xf32>
      %select_n3A_636 = arith.select %le3A_634, %masked_sort3A_615, %rev3A_633 : vector<16xi1>, vector<16xf32>
      %masked_sort3A_637 = arith.constant dense<true> : vector<16xi1>
      %masked_sort3A_638, %masked_sort3A_639, %masked_sort3A_640 = tpu.sort %select_n3A_635, %select_n3A_636 masked %masked_sort3A_637 : (vector<16xf32>, vector<16xf32>, vector<16xi1>) -> (vector<16xi1>, vector<16xf32>, vector<16xf32>)
      %get3A_641 = arith.constant 3 : i32
      %get3A_642 = arith.index_cast %get3A_641 : i32 to index
      %get3A_643 = arith.constant 0 : index
      %get3A_644 = tpu.vector_load %arg11[%get3A_642, %get3A_643] {strides = array<i32>} : memref<16x16xf32, #tpu.memory_space<vmem>>, vector<16xf32>,
      %get3A_645 = arith.constant 3 : i32
      %get3A_646 = arith.index_cast %get3A_645 : i32 to index
      %get3A_647 = arith.constant 0 : index
      %get3A_648 = tpu.vector_load %arg12[%get3A_646, %get3A_647] {strides = array<i32>} : memref<16x16xf32, #tpu.memory_space<vmem>>, vector<16xf32>,
      %rev3A_649 = arith.constant 15 : i32
      %rev3A_650 = vector.broadcast %rev3A_649 : i32 to vector<16xi32>
      %rev3A_651 = tpu.iota {dimensions = array<i32: 0>} : vector<16xi32>
      %rev3A_652 = arith.subi %rev3A_650, %rev3A_651 : vector<16xi32>
      %rev3A_653 = tpu.dynamic_gather %get3A_644[%rev3A_652] in [0] : vector<16xf32>, vector<16xi32> -> vector<16xf32>
      %rev3A_654 = arith.constant 15 : i32
      %rev3A_655 = vector.broadcast %rev3A_654 : i32 to vector<16xi32>
      %rev3A_656 = tpu.iota {dimensions = array<i32: 0>} : vector<16xi32>
      %rev3A_657 = arith.subi %rev3A_655, %rev3A_656 : vector<16xi32>
      %rev3A_658 = tpu.dynamic_gather %get3A_648[%rev3A_657] in [0] : vector<16xf32>, vector<16xi32> -> vector<16xf32>
      %le3A_659 = arith.cmpf ole, %masked_sort3A_639, %rev3A_653 : vector<16xf32>
      %select_n3A_660 = arith.select %le3A_659, %masked_sort3A_639, %rev3A_653 : vector<16xi1>, vector<16xf32>
      %select_n3A_661 = arith.select %le3A_659, %masked_sort3A_640, %rev3A_658 : vector<16xi1>, vector<16xf32>
      %masked_sort3A_662 = arith.constant dense<true> : vector<16xi1>
      %masked_sort3A_663, %masked_sort3A_664, %masked_sort3A_665 = tpu.sort %select_n3A_660, %select_n3A_661 masked %masked_sort3A_662 : (vector<16xf32>, vector<16xf32>, vector<16xi1>) -> (vector<16xi1>, vector<16xf32>, vector<16xf32>)
      %get3A_666 = arith.constant 4 : i32
      %get3A_667 = arith.index_cast %get3A_666 : i32 to index
      %get3A_668 = arith.constant 0 : index
      %get3A_669 = tpu.vector_load %arg11[%get3A_667, %get3A_668] {strides = array<i32>} : memref<16x16xf32, #tpu.memory_space<vmem>>, vector<16xf32>,
      %get3A_670 = arith.constant 4 : i32
      %get3A_671 = arith.index_cast %get3A_670 : i32 to index
      %get3A_672 = arith.constant 0 : index
      %get3A_673 = tpu.vector_load %arg12[%get3A_671, %get3A_672] {strides = array<i32>} : memref<16x16xf32, #tpu.memory_space<vmem>>, vector<16xf32>,
      %rev3A_674 = arith.constant 15 : i32
      %rev3A_675 = vector.broadcast %rev3A_674 : i32 to vector<16xi32>
      %rev3A_676 = tpu.iota {dimensions = array<i32: 0>} : vector<16xi32>
      %rev3A_677 = arith.subi %rev3A_675, %rev3A_676 : vector<16xi32>
      %rev3A_678 = tpu.dynamic_gather %get3A_669[%rev3A_677] in [0] : vector<16xf32>, vector<16xi32> -> vector<16xf32>
      %rev3A_679 = arith.constant 15 : i32
      %rev3A_680 = vector.broadcast %rev3A_679 : i32 to vector<16xi32>
      %rev3A_681 = tpu.iota {dimensions = array<i32: 0>} : vector<16xi32>
      %rev3A_682 = arith.subi %rev3A_680, %rev3A_681 : vector<16xi32>
      %rev3A_683 = tpu.dynamic_gather %get3A_673[%rev3A_682] in [0] : vector<16xf32>, vector<16xi32> -> vector<16xf32>
      %le3A_684 = arith.cmpf ole, %masked_sort3A_664, %rev3A_678 : vector<16xf32>
      %select_n3A_685 = arith.select %le3A_684, %masked_sort3A_664, %rev3A_678 : vector<16xi1>, vector<16xf32>
      %select_n3A_686 = arith.select %le3A_684, %masked_sort3A_665, %rev3A_683 : vector<16xi1>, vector<16xf32>
      %masked_sort3A_687 = arith.constant dense<true> : vector<16xi1>
      %masked_sort3A_688, %masked_sort3A_689, %masked_sort3A_690 = tpu.sort %select_n3A_685, %select_n3A_686 masked %masked_sort3A_687 : (vector<16xf32>, vector<16xf32>, vector<16xi1>) -> (vector<16xi1>, vector<16xf32>, vector<16xf32>)
      %get3A_691 = arith.constant 5 : i32
      %get3A_692 = arith.index_cast %get3A_691 : i32 to index
      %get3A_693 = arith.constant 0 : index
      %get3A_694 = tpu.vector_load %arg11[%get3A_692, %get3A_693] {strides = array<i32>} : memref<16x16xf32, #tpu.memory_space<vmem>>, vector<16xf32>,
      %get3A_695 = arith.constant 5 : i32
      %get3A_696 = arith.index_cast %get3A_695 : i32 to index
      %get3A_697 = arith.constant 0 : index
      %get3A_698 = tpu.vector_load %arg12[%get3A_696, %get3A_697] {strides = array<i32>} : memref<16x16xf32, #tpu.memory_space<vmem>>, vector<16xf32>,
      %rev3A_699 = arith.constant 15 : i32
      %rev3A_700 = vector.broadcast %rev3A_699 : i32 to vector<16xi32>
      %rev3A_701 = tpu.iota {dimensions = array<i32: 0>} : vector<16xi32>
      %rev3A_702 = arith.subi %rev3A_700, %rev3A_701 : vector<16xi32>
      %rev3A_703 = tpu.dynamic_gather %get3A_694[%rev3A_702] in [0] : vector<16xf32>, vector<16xi32> -> vector<16xf32>
      %rev3A_704 = arith.constant 15 : i32
      %rev3A_705 = vector.broadcast %rev3A_704 : i32 to vector<16xi32>
      %rev3A_706 = tpu.iota {dimensions = array<i32: 0>} : vector<16xi32>
      %rev3A_707 = arith.subi %rev3A_705, %rev3A_706 : vector<16xi32>
      %rev3A_708 = tpu.dynamic_gather %get3A_698[%rev3A_707] in [0] : vector<16xf32>, vector<16xi32> -> vector<16xf32>
      %le3A_709 = arith.cmpf ole, %masked_sort3A_689, %rev3A_703 : vector<16xf32>
      %select_n3A_710 = arith.select %le3A_709, %masked_sort3A_689, %rev3A_703 : vector<16xi1>, vector<16xf32>
      %select_n3A_711 = arith.select %le3A_709, %masked_sort3A_690, %rev3A_708 : vector<16xi1>, vector<16xf32>
      %masked_sort3A_712 = arith.constant dense<true> : vector<16xi1>
      %masked_sort3A_713, %masked_sort3A_714, %masked_sort3A_715 = tpu.sort %select_n3A_710, %select_n3A_711 masked %masked_sort3A_712 : (vector<16xf32>, vector<16xf32>, vector<16xi1>) -> (vector<16xi1>, vector<16xf32>, vector<16xf32>)
      %get3A_716 = arith.constant 6 : i32
      %get3A_717 = arith.index_cast %get3A_716 : i32 to index
      %get3A_718 = arith.constant 0 : index
      %get3A_719 = tpu.vector_load %arg11[%get3A_717, %get3A_718] {strides = array<i32>} : memref<16x16xf32, #tpu.memory_space<vmem>>, vector<16xf32>,
      %get3A_720 = arith.constant 6 : i32
      %get3A_721 = arith.index_cast %get3A_720 : i32 to index
      %get3A_722 = arith.constant 0 : index
      %get3A_723 = tpu.vector_load %arg12[%get3A_721, %get3A_722] {strides = array<i32>} : memref<16x16xf32, #tpu.memory_space<vmem>>, vector<16xf32>,
      %rev3A_724 = arith.constant 15 : i32
      %rev3A_725 = vector.broadcast %rev3A_724 : i32 to vector<16xi32>
      %rev3A_726 = tpu.iota {dimensions = array<i32: 0>} : vector<16xi32>
      %rev3A_727 = arith.subi %rev3A_725, %rev3A_726 : vector<16xi32>
      %rev3A_728 = tpu.dynamic_gather %get3A_719[%rev3A_727] in [0] : vector<16xf32>, vector<16xi32> -> vector<16xf32>
      %rev3A_729 = arith.constant 15 : i32
      %rev3A_730 = vector.broadcast %rev3A_729 : i32 to vector<16xi32>
      %rev3A_731 = tpu.iota {dimensions = array<i32: 0>} : vector<16xi32>
      %rev3A_732 = arith.subi %rev3A_730, %rev3A_731 : vector<16xi32>
      %rev3A_733 = tpu.dynamic_gather %get3A_723[%rev3A_732] in [0] : vector<16xf32>, vector<16xi32> -> vector<16xf32>
      %le3A_734 = arith.cmpf ole, %masked_sort3A_714, %rev3A_728 : vector<16xf32>
      %select_n3A_735 = arith.select %le3A_734, %masked_sort3A_714, %rev3A_728 : vector<16xi1>, vector<16xf32>
      %select_n3A_736 = arith.select %le3A_734, %masked_sort3A_715, %rev3A_733 : vector<16xi1>, vector<16xf32>
      %masked_sort3A_737 = arith.constant dense<true> : vector<16xi1>
      %masked_sort3A_738, %masked_sort3A_739, %masked_sort3A_740 = tpu.sort %select_n3A_735, %select_n3A_736 masked %masked_sort3A_737 : (vector<16xf32>, vector<16xf32>, vector<16xi1>) -> (vector<16xi1>, vector<16xf32>, vector<16xf32>)
      %get3A_741 = arith.constant 7 : i32
      %get3A_742 = arith.index_cast %get3A_741 : i32 to index
      %get3A_743 = arith.constant 0 : index
      %get3A_744 = tpu.vector_load %arg11[%get3A_742, %get3A_743] {strides = array<i32>} : memref<16x16xf32, #tpu.memory_space<vmem>>, vector<16xf32>,
      %get3A_745 = arith.constant 7 : i32
      %get3A_746 = arith.index_cast %get3A_745 : i32 to index
      %get3A_747 = arith.constant 0 : index
      %get3A_748 = tpu.vector_load %arg12[%get3A_746, %get3A_747] {strides = array<i32>} : memref<16x16xf32, #tpu.memory_space<vmem>>, vector<16xf32>,
      %rev3A_749 = arith.constant 15 : i32
      %rev3A_750 = vector.broadcast %rev3A_749 : i32 to vector<16xi32>
      %rev3A_751 = tpu.iota {dimensions = array<i32: 0>} : vector<16xi32>
      %rev3A_752 = arith.subi %rev3A_750, %rev3A_751 : vector<16xi32>
      %rev3A_753 = tpu.dynamic_gather %get3A_744[%rev3A_752] in [0] : vector<16xf32>, vector<16xi32> -> vector<16xf32>
      %rev3A_754 = arith.constant 15 : i32
      %rev3A_755 = vector.broadcast %rev3A_754 : i32 to vector<16xi32>
      %rev3A_756 = tpu.iota {dimensions = array<i32: 0>} : vector<16xi32>
      %rev3A_757 = arith.subi %rev3A_755, %rev3A_756 : vector<16xi32>
      %rev3A_758 = tpu.dynamic_gather %get3A_748[%rev3A_757] in [0] : vector<16xf32>, vector<16xi32> -> vector<16xf32>
      %le3A_759 = arith.cmpf ole, %masked_sort3A_739, %rev3A_753 : vector<16xf32>
      %select_n3A_760 = arith.select %le3A_759, %masked_sort3A_739, %rev3A_753 : vector<16xi1>, vector<16xf32>
      %select_n3A_761 = arith.select %le3A_759, %masked_sort3A_740, %rev3A_758 : vector<16xi1>, vector<16xf32>
      %masked_sort3A_762 = arith.constant dense<true> : vector<16xi1>
      %masked_sort3A_763, %masked_sort3A_764, %masked_sort3A_765 = tpu.sort %select_n3A_760, %select_n3A_761 masked %masked_sort3A_762 : (vector<16xf32>, vector<16xf32>, vector<16xi1>) -> (vector<16xi1>, vector<16xf32>, vector<16xf32>)
      %get3A_766 = arith.constant 8 : i32
      %get3A_767 = arith.index_cast %get3A_766 : i32 to index
      %get3A_768 = arith.constant 0 : index
      %get3A_769 = tpu.vector_load %arg11[%get3A_767, %get3A_768] {strides = array<i32>} : memref<16x16xf32, #tpu.memory_space<vmem>>, vector<16xf32>,
      %get3A_770 = arith.constant 8 : i32
      %get3A_771 = arith.index_cast %get3A_770 : i32 to index
      %get3A_772 = arith.constant 0 : index
      %get3A_773 = tpu.vector_load %arg12[%get3A_771, %get3A_772] {strides = array<i32>} : memref<16x16xf32, #tpu.memory_space<vmem>>, vector<16xf32>,
      %rev3A_774 = arith.constant 15 : i32
      %rev3A_775 = vector.broadcast %rev3A_774 : i32 to vector<16xi32>
      %rev3A_776 = tpu.iota {dimensions = array<i32: 0>} : vector<16xi32>
      %rev3A_777 = arith.subi %rev3A_775, %rev3A_776 : vector<16xi32>
      %rev3A_778 = tpu.dynamic_gather %get3A_769[%rev3A_777] in [0] : vector<16xf32>, vector<16xi32> -> vector<16xf32>
      %rev3A_779 = arith.constant 15 : i32
      %rev3A_780 = vector.broadcast %rev3A_779 : i32 to vector<16xi32>
      %rev3A_781 = tpu.iota {dimensions = array<i32: 0>} : vector<16xi32>
      %rev3A_782 = arith.subi %rev3A_780, %rev3A_781 : vector<16xi32>
      %rev3A_783 = tpu.dynamic_gather %get3A_773[%rev3A_782] in [0] : vector<16xf32>, vector<16xi32> -> vector<16xf32>
      %le3A_784 = arith.cmpf ole, %masked_sort3A_764, %rev3A_778 : vector<16xf32>
      %select_n3A_785 = arith.select %le3A_784, %masked_sort3A_764, %rev3A_778 : vector<16xi1>, vector<16xf32>
      %select_n3A_786 = arith.select %le3A_784, %masked_sort3A_765, %rev3A_783 : vector<16xi1>, vector<16xf32>
      %masked_sort3A_787 = arith.constant dense<true> : vector<16xi1>
      %masked_sort3A_788, %masked_sort3A_789, %masked_sort3A_790 = tpu.sort %select_n3A_785, %select_n3A_786 masked %masked_sort3A_787 : (vector<16xf32>, vector<16xf32>, vector<16xi1>) -> (vector<16xi1>, vector<16xf32>, vector<16xf32>)
      %get3A_791 = arith.constant 9 : i32
      %get3A_792 = arith.index_cast %get3A_791 : i32 to index
      %get3A_793 = arith.constant 0 : index
      %get3A_794 = tpu.vector_load %arg11[%get3A_792, %get3A_793] {strides = array<i32>} : memref<16x16xf32, #tpu.memory_space<vmem>>, vector<16xf32>,
      %get3A_795 = arith.constant 9 : i32
      %get3A_796 = arith.index_cast %get3A_795 : i32 to index
      %get3A_797 = arith.constant 0 : index
      %get3A_798 = tpu.vector_load %arg12[%get3A_796, %get3A_797] {strides = array<i32>} : memref<16x16xf32, #tpu.memory_space<vmem>>, vector<16xf32>,
      %rev3A_799 = arith.constant 15 : i32
      %rev3A_800 = vector.broadcast %rev3A_799 : i32 to vector<16xi32>
      %rev3A_801 = tpu.iota {dimensions = array<i32: 0>} : vector<16xi32>
      %rev3A_802 = arith.subi %rev3A_800, %rev3A_801 : vector<16xi32>
      %rev3A_803 = tpu.dynamic_gather %get3A_794[%rev3A_802] in [0] : vector<16xf32>, vector<16xi32> -> vector<16xf32>
      %rev3A_804 = arith.constant 15 : i32
      %rev3A_805 = vector.broadcast %rev3A_804 : i32 to vector<16xi32>
      %rev3A_806 = tpu.iota {dimensions = array<i32: 0>} : vector<16xi32>
      %rev3A_807 = arith.subi %rev3A_805, %rev3A_806 : vector<16xi32>
      %rev3A_808 = tpu.dynamic_gather %get3A_798[%rev3A_807] in [0] : vector<16xf32>, vector<16xi32> -> vector<16xf32>
      %le3A_809 = arith.cmpf ole, %masked_sort3A_789, %rev3A_803 : vector<16xf32>
      %select_n3A_810 = arith.select %le3A_809, %masked_sort3A_789, %rev3A_803 : vector<16xi1>, vector<16xf32>
      %select_n3A_811 = arith.select %le3A_809, %masked_sort3A_790, %rev3A_808 : vector<16xi1>, vector<16xf32>
      %masked_sort3A_812 = arith.constant dense<true> : vector<16xi1>
      %masked_sort3A_813, %masked_sort3A_814, %masked_sort3A_815 = tpu.sort %select_n3A_810, %select_n3A_811 masked %masked_sort3A_812 : (vector<16xf32>, vector<16xf32>, vector<16xi1>) -> (vector<16xi1>, vector<16xf32>, vector<16xf32>)
      %get3A_816 = arith.constant 10 : i32
      %get3A_817 = arith.index_cast %get3A_816 : i32 to index
      %get3A_818 = arith.constant 0 : index
      %get3A_819 = tpu.vector_load %arg11[%get3A_817, %get3A_818] {strides = array<i32>} : memref<16x16xf32, #tpu.memory_space<vmem>>, vector<16xf32>,
      %get3A_820 = arith.constant 10 : i32
      %get3A_821 = arith.index_cast %get3A_820 : i32 to index
      %get3A_822 = arith.constant 0 : index
      %get3A_823 = tpu.vector_load %arg12[%get3A_821, %get3A_822] {strides = array<i32>} : memref<16x16xf32, #tpu.memory_space<vmem>>, vector<16xf32>,
      %rev3A_824 = arith.constant 15 : i32
      %rev3A_825 = vector.broadcast %rev3A_824 : i32 to vector<16xi32>
      %rev3A_826 = tpu.iota {dimensions = array<i32: 0>} : vector<16xi32>
      %rev3A_827 = arith.subi %rev3A_825, %rev3A_826 : vector<16xi32>
      %rev3A_828 = tpu.dynamic_gather %get3A_819[%rev3A_827] in [0] : vector<16xf32>, vector<16xi32> -> vector<16xf32>
      %rev3A_829 = arith.constant 15 : i32
      %rev3A_830 = vector.broadcast %rev3A_829 : i32 to vector<16xi32>
      %rev3A_831 = tpu.iota {dimensions = array<i32: 0>} : vector<16xi32>
      %rev3A_832 = arith.subi %rev3A_830, %rev3A_831 : vector<16xi32>
      %rev3A_833 = tpu.dynamic_gather %get3A_823[%rev3A_832] in [0] : vector<16xf32>, vector<16xi32> -> vector<16xf32>
      %le3A_834 = arith.cmpf ole, %masked_sort3A_814, %rev3A_828 : vector<16xf32>
      %select_n3A_835 = arith.select %le3A_834, %masked_sort3A_814, %rev3A_828 : vector<16xi1>, vector<16xf32>
      %select_n3A_836 = arith.select %le3A_834, %masked_sort3A_815, %rev3A_833 : vector<16xi1>, vector<16xf32>
      %masked_sort3A_837 = arith.constant dense<true> : vector<16xi1>
      %masked_sort3A_838, %masked_sort3A_839, %masked_sort3A_840 = tpu.sort %select_n3A_835, %select_n3A_836 masked %masked_sort3A_837 : (vector<16xf32>, vector<16xf32>, vector<16xi1>) -> (vector<16xi1>, vector<16xf32>, vector<16xf32>)
      %get3A_841 = arith.constant 11 : i32
      %get3A_842 = arith.index_cast %get3A_841 : i32 to index
      %get3A_843 = arith.constant 0 : index
      %get3A_844 = tpu.vector_load %arg11[%get3A_842, %get3A_843] {strides = array<i32>} : memref<16x16xf32, #tpu.memory_space<vmem>>, vector<16xf32>,
      %get3A_845 = arith.constant 11 : i32
      %get3A_846 = arith.index_cast %get3A_845 : i32 to index
      %get3A_847 = arith.constant 0 : index
      %get3A_848 = tpu.vector_load %arg12[%get3A_846, %get3A_847] {strides = array<i32>} : memref<16x16xf32, #tpu.memory_space<vmem>>, vector<16xf32>,
      %rev3A_849 = arith.constant 15 : i32
      %rev3A_850 = vector.broadcast %rev3A_849 : i32 to vector<16xi32>
      %rev3A_851 = tpu.iota {dimensions = array<i32: 0>} : vector<16xi32>
      %rev3A_852 = arith.subi %rev3A_850, %rev3A_851 : vector<16xi32>
      %rev3A_853 = tpu.dynamic_gather %get3A_844[%rev3A_852] in [0] : vector<16xf32>, vector<16xi32> -> vector<16xf32>
      %rev3A_854 = arith.constant 15 : i32
      %rev3A_855 = vector.broadcast %rev3A_854 : i32 to vector<16xi32>
      %rev3A_856 = tpu.iota {dimensions = array<i32: 0>} : vector<16xi32>
      %rev3A_857 = arith.subi %rev3A_855, %rev3A_856 : vector<16xi32>
      %rev3A_858 = tpu.dynamic_gather %get3A_848[%rev3A_857] in [0] : vector<16xf32>, vector<16xi32> -> vector<16xf32>
      %le3A_859 = arith.cmpf ole, %masked_sort3A_839, %rev3A_853 : vector<16xf32>
      %select_n3A_860 = arith.select %le3A_859, %masked_sort3A_839, %rev3A_853 : vector<16xi1>, vector<16xf32>
      %select_n3A_861 = arith.select %le3A_859, %masked_sort3A_840, %rev3A_858 : vector<16xi1>, vector<16xf32>
      %masked_sort3A_862 = arith.constant dense<true> : vector<16xi1>
      %masked_sort3A_863, %masked_sort3A_864, %masked_sort3A_865 = tpu.sort %select_n3A_860, %select_n3A_861 masked %masked_sort3A_862 : (vector<16xf32>, vector<16xf32>, vector<16xi1>) -> (vector<16xi1>, vector<16xf32>, vector<16xf32>)
      %get3A_866 = arith.constant 12 : i32
      %get3A_867 = arith.index_cast %get3A_866 : i32 to index
      %get3A_868 = arith.constant 0 : index
      %get3A_869 = tpu.vector_load %arg11[%get3A_867, %get3A_868] {strides = array<i32>} : memref<16x16xf32, #tpu.memory_space<vmem>>, vector<16xf32>,
      %get3A_870 = arith.constant 12 : i32
      %get3A_871 = arith.index_cast %get3A_870 : i32 to index
      %get3A_872 = arith.constant 0 : index
      %get3A_873 = tpu.vector_load %arg12[%get3A_871, %get3A_872] {strides = array<i32>} : memref<16x16xf32, #tpu.memory_space<vmem>>, vector<16xf32>,
      %rev3A_874 = arith.constant 15 : i32
      %rev3A_875 = vector.broadcast %rev3A_874 : i32 to vector<16xi32>
      %rev3A_876 = tpu.iota {dimensions = array<i32: 0>} : vector<16xi32>
      %rev3A_877 = arith.subi %rev3A_875, %rev3A_876 : vector<16xi32>
      %rev3A_878 = tpu.dynamic_gather %get3A_869[%rev3A_877] in [0] : vector<16xf32>, vector<16xi32> -> vector<16xf32>
      %rev3A_879 = arith.constant 15 : i32
      %rev3A_880 = vector.broadcast %rev3A_879 : i32 to vector<16xi32>
      %rev3A_881 = tpu.iota {dimensions = array<i32: 0>} : vector<16xi32>
      %rev3A_882 = arith.subi %rev3A_880, %rev3A_881 : vector<16xi32>
      %rev3A_883 = tpu.dynamic_gather %get3A_873[%rev3A_882] in [0] : vector<16xf32>, vector<16xi32> -> vector<16xf32>
      %le3A_884 = arith.cmpf ole, %masked_sort3A_864, %rev3A_878 : vector<16xf32>
      %select_n3A_885 = arith.select %le3A_884, %masked_sort3A_864, %rev3A_878 : vector<16xi1>, vector<16xf32>
      %select_n3A_886 = arith.select %le3A_884, %masked_sort3A_865, %rev3A_883 : vector<16xi1>, vector<16xf32>
      %masked_sort3A_887 = arith.constant dense<true> : vector<16xi1>
      %masked_sort3A_888, %masked_sort3A_889, %masked_sort3A_890 = tpu.sort %select_n3A_885, %select_n3A_886 masked %masked_sort3A_887 : (vector<16xf32>, vector<16xf32>, vector<16xi1>) -> (vector<16xi1>, vector<16xf32>, vector<16xf32>)
      %get3A_891 = arith.constant 13 : i32
      %get3A_892 = arith.index_cast %get3A_891 : i32 to index
      %get3A_893 = arith.constant 0 : index
      %get3A_894 = tpu.vector_load %arg11[%get3A_892, %get3A_893] {strides = array<i32>} : memref<16x16xf32, #tpu.memory_space<vmem>>, vector<16xf32>,
      %get3A_895 = arith.constant 13 : i32
      %get3A_896 = arith.index_cast %get3A_895 : i32 to index
      %get3A_897 = arith.constant 0 : index
      %get3A_898 = tpu.vector_load %arg12[%get3A_896, %get3A_897] {strides = array<i32>} : memref<16x16xf32, #tpu.memory_space<vmem>>, vector<16xf32>,
      %rev3A_899 = arith.constant 15 : i32
      %rev3A_900 = vector.broadcast %rev3A_899 : i32 to vector<16xi32>
      %rev3A_901 = tpu.iota {dimensions = array<i32: 0>} : vector<16xi32>
      %rev3A_902 = arith.subi %rev3A_900, %rev3A_901 : vector<16xi32>
      %rev3A_903 = tpu.dynamic_gather %get3A_894[%rev3A_902] in [0] : vector<16xf32>, vector<16xi32> -> vector<16xf32>
      %rev3A_904 = arith.constant 15 : i32
      %rev3A_905 = vector.broadcast %rev3A_904 : i32 to vector<16xi32>
      %rev3A_906 = tpu.iota {dimensions = array<i32: 0>} : vector<16xi32>
      %rev3A_907 = arith.subi %rev3A_905, %rev3A_906 : vector<16xi32>
      %rev3A_908 = tpu.dynamic_gather %get3A_898[%rev3A_907] in [0] : vector<16xf32>, vector<16xi32> -> vector<16xf32>
      %le3A_909 = arith.cmpf ole, %masked_sort3A_889, %rev3A_903 : vector<16xf32>
      %select_n3A_910 = arith.select %le3A_909, %masked_sort3A_889, %rev3A_903 : vector<16xi1>, vector<16xf32>
      %select_n3A_911 = arith.select %le3A_909, %masked_sort3A_890, %rev3A_908 : vector<16xi1>, vector<16xf32>
      %masked_sort3A_912 = arith.constant dense<true> : vector<16xi1>
      %masked_sort3A_913, %masked_sort3A_914, %masked_sort3A_915 = tpu.sort %select_n3A_910, %select_n3A_911 masked %masked_sort3A_912 : (vector<16xf32>, vector<16xf32>, vector<16xi1>) -> (vector<16xi1>, vector<16xf32>, vector<16xf32>)
      %get3A_916 = arith.constant 14 : i32
      %get3A_917 = arith.index_cast %get3A_916 : i32 to index
      %get3A_918 = arith.constant 0 : index
      %get3A_919 = tpu.vector_load %arg11[%get3A_917, %get3A_918] {strides = array<i32>} : memref<16x16xf32, #tpu.memory_space<vmem>>, vector<16xf32>,
      %get3A_920 = arith.constant 14 : i32
      %get3A_921 = arith.index_cast %get3A_920 : i32 to index
      %get3A_922 = arith.constant 0 : index
      %get3A_923 = tpu.vector_load %arg12[%get3A_921, %get3A_922] {strides = array<i32>} : memref<16x16xf32, #tpu.memory_space<vmem>>, vector<16xf32>,
      %rev3A_924 = arith.constant 15 : i32
      %rev3A_925 = vector.broadcast %rev3A_924 : i32 to vector<16xi32>
      %rev3A_926 = tpu.iota {dimensions = array<i32: 0>} : vector<16xi32>
      %rev3A_927 = arith.subi %rev3A_925, %rev3A_926 : vector<16xi32>
      %rev3A_928 = tpu.dynamic_gather %get3A_919[%rev3A_927] in [0] : vector<16xf32>, vector<16xi32> -> vector<16xf32>
      %rev3A_929 = arith.constant 15 : i32
      %rev3A_930 = vector.broadcast %rev3A_929 : i32 to vector<16xi32>
      %rev3A_931 = tpu.iota {dimensions = array<i32: 0>} : vector<16xi32>
      %rev3A_932 = arith.subi %rev3A_930, %rev3A_931 : vector<16xi32>
      %rev3A_933 = tpu.dynamic_gather %get3A_923[%rev3A_932] in [0] : vector<16xf32>, vector<16xi32> -> vector<16xf32>
      %le3A_934 = arith.cmpf ole, %masked_sort3A_914, %rev3A_928 : vector<16xf32>
      %select_n3A_935 = arith.select %le3A_934, %masked_sort3A_914, %rev3A_928 : vector<16xi1>, vector<16xf32>
      %select_n3A_936 = arith.select %le3A_934, %masked_sort3A_915, %rev3A_933 : vector<16xi1>, vector<16xf32>
      %masked_sort3A_937 = arith.constant dense<true> : vector<16xi1>
      %masked_sort3A_938, %masked_sort3A_939, %masked_sort3A_940 = tpu.sort %select_n3A_935, %select_n3A_936 masked %masked_sort3A_937 : (vector<16xf32>, vector<16xf32>, vector<16xi1>) -> (vector<16xi1>, vector<16xf32>, vector<16xf32>)
      %get3A_941 = arith.constant 15 : i32
      %get3A_942 = arith.index_cast %get3A_941 : i32 to index
      %get3A_943 = arith.constant 0 : index
      %get3A_944 = tpu.vector_load %arg11[%get3A_942, %get3A_943] {strides = array<i32>} : memref<16x16xf32, #tpu.memory_space<vmem>>, vector<16xf32>,
      %get3A_945 = arith.constant 15 : i32
      %get3A_946 = arith.index_cast %get3A_945 : i32 to index
      %get3A_947 = arith.constant 0 : index
      %get3A_948 = tpu.vector_load %arg12[%get3A_946, %get3A_947] {strides = array<i32>} : memref<16x16xf32, #tpu.memory_space<vmem>>, vector<16xf32>,
      %rev3A_949 = arith.constant 15 : i32
      %rev3A_950 = vector.broadcast %rev3A_949 : i32 to vector<16xi32>
      %rev3A_951 = tpu.iota {dimensions = array<i32: 0>} : vector<16xi32>
      %rev3A_952 = arith.subi %rev3A_950, %rev3A_951 : vector<16xi32>
      %rev3A_953 = tpu.dynamic_gather %get3A_944[%rev3A_952] in [0] : vector<16xf32>, vector<16xi32> -> vector<16xf32>
      %rev3A_954 = arith.constant 15 : i32
      %rev3A_955 = vector.broadcast %rev3A_954 : i32 to vector<16xi32>
      %rev3A_956 = tpu.iota {dimensions = array<i32: 0>} : vector<16xi32>
      %rev3A_957 = arith.subi %rev3A_955, %rev3A_956 : vector<16xi32>
      %rev3A_958 = tpu.dynamic_gather %get3A_948[%rev3A_957] in [0] : vector<16xf32>, vector<16xi32> -> vector<16xf32>
      %le3A_959 = arith.cmpf ole, %masked_sort3A_939, %rev3A_953 : vector<16xf32>
      %select_n3A_960 = arith.select %le3A_959, %masked_sort3A_939, %rev3A_953 : vector<16xi1>, vector<16xf32>
      %select_n3A_961 = arith.select %le3A_959, %masked_sort3A_940, %rev3A_958 : vector<16xi1>, vector<16xf32>
      %masked_sort3A_962 = arith.constant dense<true> : vector<16xi1>
      %masked_sort3A_963, %masked_sort3A_964, %masked_sort3A_965 = tpu.sort %select_n3A_960, %select_n3A_961 masked %masked_sort3A_962 : (vector<16xf32>, vector<16xf32>, vector<16xi1>) -> (vector<16xi1>, vector<16xf32>, vector<16xf32>)
      %lt3A_966 = arith.constant 10 : i32
      %lt3A_967 = vector.broadcast %lt3A_966 : i32 to vector<16xi32>
      %lt3A_968 = arith.cmpi slt, %iota3A, %lt3A_967 : vector<16xi32>
      %jit3A = arith.constant 0.000000e+00 : f32
      %broadcast_in_dim3A_969 = vector.broadcast %jit3A : f32 to vector<16xf32>
      %select_n3A_970 = arith.select %lt3A_968, %masked_sort3A_965, %broadcast_in_dim3A_969 : vector<16xi1>, vector<16xf32>
      %reduce_sum3A = arith.constant true
      %reduce_sum3A_971 = vector.broadcast %reduce_sum3A : i1 to vector<16xi1>
      %reduce_sum3A_972 = tpu.scan <sum>, %select_n3A_970 masked %reduce_sum3A_971 : vector<16xf32>, vector<16xi1> -> vector<16xf32>
      %reduce_sum3A_973 = vector.extract %reduce_sum3A_972[15] : f32 from vector<16xf32>
      %broadcast_in_dim3A_974 = vector.broadcast %reduce_sum3A_973 : f32 to vector<16xf32>
      %swap3A_975 = arith.constant 0 : index
      %swap3A_976 = tpu.vector_load %arg13[%swap3A_975] {strides = array<i32>} : memref<16xf32, #tpu.memory_space<vmem>>, vector<16xf32>,
      tpu.vector_store %arg13[%swap3A_975], %broadcast_in_dim3A_974 {strides = array<i32>} : memref<16xf32, #tpu.memory_space<vmem>>, vector<16xf32>,
      %mul3A_977 = arith.constant 4 : i32
      %mul3A_978 = arith.muli %arg0, %mul3A_977 : i32
      %add3A_979 = arith.addi %mul3A_978, %arg1 : i32
      "tpu.region"() ({
        %run_scoped3A_980 = tpu.sem_alloc : memref<!tpu.dma_semaphore, #tpu.memory_space<semaphore_mem>>
        %dma_start3A = arith.constant 0 : i32
        %dma_start3A_981 = tpu.memref_slice %arg4[%add3A_979, %dma_start3A] : memref<8x16xf32, #tpu.memory_space<hbm>> -> memref<1x16xf32, #tpu.memory_space<hbm>>
        %dma_start3A_982 = tpu.memref_squeeze %dma_start3A_981 : memref<1x16xf32, #tpu.memory_space<hbm>> -> memref<16xf32, #tpu.memory_space<hbm>>
        %dma_start3A_983 = arith.constant 0 : i32
        %dma_start3A_984 = tpu.memref_slice %arg4[%add3A_979, %dma_start3A_983] : memref<8x16xf32, #tpu.memory_space<hbm>> -> memref<1x16xf32, #tpu.memory_space<hbm>>
        %dma_start3A_985 = tpu.memref_squeeze %dma_start3A_984 : memref<1x16xf32, #tpu.memory_space<hbm>> -> memref<16xf32, #tpu.memory_space<hbm>>
        tpu.enqueue_dma source(%arg13 : memref<16xf32, #tpu.memory_space<vmem>>) target(%dma_start3A_985 : memref<16xf32, #tpu.memory_space<hbm>>) target_semaphore(%run_scoped3A_980 : memref<!tpu.dma_semaphore, #tpu.memory_space<semaphore_mem>>)
        %dma_wait3A = arith.constant 0 : i32
        %dma_wait3A_986 = tpu.memref_slice %arg4[%add3A_979, %dma_wait3A] : memref<8x16xf32, #tpu.memory_space<hbm>> -> memref<1x16xf32, #tpu.memory_space<hbm>>
        %dma_wait3A_987 = tpu.memref_squeeze %dma_wait3A_986 : memref<1x16xf32, #tpu.memory_space<hbm>> -> memref<16xf32, #tpu.memory_space<hbm>>
        %dma_wait3A_988 = arith.constant 0 : i32
        %dma_wait3A_989 = tpu.memref_slice %arg4[%add3A_979, %dma_wait3A_988] : memref<8x16xf32, #tpu.memory_space<hbm>> -> memref<1x16xf32, #tpu.memory_space<hbm>>
        %dma_wait3A_990 = tpu.memref_squeeze %dma_wait3A_989 : memref<1x16xf32, #tpu.memory_space<hbm>> -> memref<16xf32, #tpu.memory_space<hbm>>
        tpu.wait_dma2 semaphore(%run_scoped3A_980 : memref<!tpu.dma_semaphore, #tpu.memory_space<semaphore_mem>>) src(%arg13 : memref<16xf32, #tpu.memory_space<vmem>>) dst(%dma_wait3A_990 : memref<16xf32, #tpu.memory_space<hbm>>)
        tpu.yield
      }) : () -> ()
    } else {
    }
    return
  }
}

module attributes {stable_mosaic.version = 14 : i64} {
  func.func @_tc_kernel(%arg0: i32, %arg1: memref<6272x128xf32, #tpu.memory_space<vmem>>, %arg2: memref<128x8xf32, #tpu.memory_space<vmem>>, %arg3: memref<1024x128xf32, #tpu.memory_space<vmem>>, %arg4: memref<100x50x128xf32, #tpu.memory_space<vmem>>, %arg5: memref<128x10xf32, #tpu.memory_space<vmem>>, %arg6: memref<1x10xf32, #tpu.memory_space<vmem>>, %arg7: memref<1x6272xf32, #tpu.memory_space<vmem>>, %arg8: memref<8x6272xf32, #tpu.memory_space<vmem>>, %arg9: memref<1024x10xf32, #tpu.memory_space<vmem>>, %arg10: memref<1x8xf32, #tpu.memory_space<vmem>>) attributes {dimension_semantics = [#tpu.dimension_semantics<arbitrary>], iteration_bounds = array<i64: 16>, scalar_prefetch = 0 : i64, scratch_operands = 0 : i64, tpu.core_type = #tpu.core_type<tc>, window_params = [{transform_indices = @transform_0, window_bounds = array<i64: 6272, 128>}, {pipeline_mode = #tpu.pipeline_mode<synchronous>, transform_indices = @transform_1, window_bounds = array<i64: 128, 8>}, {pipeline_mode = #tpu.pipeline_mode<synchronous>, transform_indices = @transform_2, window_bounds = array<i64: 1024, 128>}, {pipeline_mode = #tpu.pipeline_mode<synchronous>, transform_indices = @transform_3, window_bounds = array<i64: 100, 50, 128>}, {pipeline_mode = #tpu.pipeline_mode<synchronous>, transform_indices = @transform_4, window_bounds = array<i64: 128, 10>}, {pipeline_mode = #tpu.pipeline_mode<synchronous>, transform_indices = @transform_5, window_bounds = array<i64: 1, 10>}, {transform_indices = @transform_6, window_bounds = array<i64: 1, 6272>}, {transform_indices = @transform_7, window_bounds = array<i64: 8, 6272>}, {pipeline_mode = #tpu.pipeline_mode<synchronous>, transform_indices = @transform_8, window_bounds = array<i64: 1024, 10>}, {pipeline_mode = #tpu.pipeline_mode<synchronous>, transform_indices = @transform_9, window_bounds = array<i64: 1, 8>}]} {
    %get3A = arith.constant 0 : index
    %get3A_0 = arith.constant 0 : index
    %get3A_1 = vector.load %arg1[%get3A, %get3A_0] : memref<6272x128xf32, #tpu.memory_space<vmem>>, vector<6272x128xf32>
    %get3A_2 = arith.constant 0 : index
    %get3A_3 = arith.constant 0 : index
    %get3A_4 = vector.load %arg2[%get3A_2, %get3A_3] : memref<128x8xf32, #tpu.memory_space<vmem>>, vector<128x8xf32>
    %dot_general3A = arith.constant dense<0.000000e+00> : vector<8x6272xf32>
    %dot_general3A_5 = tpu.matmul %get3A_4, %get3A_1, %dot_general3A {dimension_numbers = #tpu.dot_dimension_numbers<[0], [1], [1], [0], [0, 1, 1, 0], [], []>, transpose_lhs_hint = false} : vector<128x8xf32>, vector<6272x128xf32>, vector<8x6272xf32> -> vector<8x6272xf32>
    %mul3A = arith.mulf %get3A_1, %get3A_1 : vector<6272x128xf32>
    %broadcast_in_dim3A = arith.constant 1.000000e+00 : f32
    %broadcast_in_dim3A_6 = vector.broadcast %broadcast_in_dim3A : f32 to vector<1x128xf32>
    %dot_general3A_7 = arith.constant dense<0.000000e+00> : vector<1x6272xf32>
    %dot_general3A_8 = tpu.matmul %broadcast_in_dim3A_6, %mul3A, %dot_general3A_7 {dimension_numbers = #tpu.dot_dimension_numbers<[1], [1], [0], [0], [0, 0, 1, 0], [], []>, transpose_lhs_hint = false} : vector<1x128xf32>, vector<6272x128xf32>, vector<1x6272xf32> -> vector<1x6272xf32>
    %mul3A_9 = arith.constant 6272 : i32
    %mul3A_10 = arith.muli %arg0, %mul3A_9 : i32
    %iota3A = tpu.iota {dimensions = array<i32: 1>} : vector<8x6272xi32>
    %add3A = vector.broadcast %mul3A_10 : i32 to vector<8x6272xi32>
    %add3A_11 = arith.addi %add3A, %iota3A : vector<8x6272xi32>
    %lt3A = arith.constant 100000 : i32
    %lt3A_12 = vector.broadcast %lt3A : i32 to vector<8x6272xi32>
    %lt3A_13 = arith.cmpi slt, %add3A_11, %lt3A_12 : vector<8x6272xi32>
    %slice3A = vector.extract_strided_slice %lt3A_13 {offsets = [0, 0], sizes = [1, 6272], strides = [1, 1]} : vector<8x6272xi1> to vector<1x6272xi1>
    %jit3A = arith.constant 0x7F800000 : f32
    %broadcast_in_dim3A_14 = vector.broadcast %jit3A : f32 to vector<1x6272xf32>
    %select_n3A = arith.select %slice3A, %dot_general3A_8, %broadcast_in_dim3A_14 : vector<1x6272xi1>, vector<1x6272xf32>
    %swap3A = arith.constant 0 : index
    %swap3A_15 = arith.constant 0 : index
    %swap3A_16 = vector.load %arg7[%swap3A, %swap3A_15] : memref<1x6272xf32, #tpu.memory_space<vmem>>, vector<1x6272xf32>
    tpu.vector_store %arg7[%swap3A, %swap3A_15], %select_n3A {strides = array<i32>} : memref<1x6272xf32, #tpu.memory_space<vmem>>, vector<1x6272xf32>,
    %jit3A_17 = arith.constant 0.000000e+00 : f32
    %broadcast_in_dim3A_18 = vector.broadcast %jit3A_17 : f32 to vector<8x6272xf32>
    %select_n3A_19 = arith.select %lt3A_13, %dot_general3A_5, %broadcast_in_dim3A_18 : vector<8x6272xi1>, vector<8x6272xf32>
    %swap3A_20 = arith.constant 0 : index
    %swap3A_21 = arith.constant 0 : index
    %swap3A_22 = vector.load %arg8[%swap3A_20, %swap3A_21] : memref<8x6272xf32, #tpu.memory_space<vmem>>, vector<8x6272xf32>
    tpu.vector_store %arg8[%swap3A_20, %swap3A_21], %select_n3A_19 {strides = array<i32>} : memref<8x6272xf32, #tpu.memory_space<vmem>>, vector<8x6272xf32>,
    %eq3A = arith.constant 0 : i32
    %eq3A_23 = arith.cmpi eq, %arg0, %eq3A : i32
    %convert_element_type3A = arith.extui %eq3A_23 : i1 to i32
    %cond3A = arith.constant 0 : i32
    %cond3A_24 = arith.cmpi ne, %convert_element_type3A, %cond3A : i32
    scf.if %cond3A_24 {
      %get3A_25 = arith.constant 0 : index
      %get3A_26 = arith.constant 0 : index
      %get3A_27 = vector.load %arg2[%get3A_25, %get3A_26] : memref<128x8xf32, #tpu.memory_space<vmem>>, vector<128x8xf32>
      %dot_general3A_28 = arith.constant dense<0.000000e+00> : vector<8x8xf32>
      %dot_general3A_29 = tpu.matmul %get3A_27, %get3A_27, %dot_general3A_28 {dimension_numbers = #tpu.dot_dimension_numbers<[0], [0], [1], [1], [0, 1, 1, 1], [], []>, precision = #tpu.contract_precision<fp32>, transpose_lhs_hint = false} : vector<128x8xf32>, vector<128x8xf32>, vector<8x8xf32> -> vector<8x8xf32>
      %iota3A_30 = tpu.iota {dimensions = array<i32: 0>} : vector<8x8xi32>
      %iota3A_31 = tpu.iota {dimensions = array<i32: 1>} : vector<8x8xi32>
      %add3A_32 = arith.constant 0 : i32
      %add3A_33 = vector.broadcast %add3A_32 : i32 to vector<8x8xi32>
      %add3A_34 = arith.addi %iota3A_30, %add3A_33 : vector<8x8xi32>
      %eq3A_35 = arith.cmpi eq, %add3A_34, %iota3A_31 : vector<8x8xi32>
      %convert_element_type3A_36 = arith.extui %eq3A_35 : vector<8x8xi1> to vector<8x8xi32>
      %convert_element_type3A_37 = arith.sitofp %convert_element_type3A_36 : vector<8x8xi32> to vector<8x8xf32>
      %concatenate3A = tpu.concatenate %dot_general3A_29, %convert_element_type3A_37 in 1 : vector<8x8xf32>, vector<8x8xf32> -> vector<8x16xf32>
      %iota3A_38 = tpu.iota {dimensions = array<i32: 0>} : vector<8x16xi32>
      %slice3A_39 = vector.extract_strided_slice %concatenate3A {offsets = [0, 0], sizes = [1, 1], strides = [1, 1]} : vector<8x16xf32> to vector<1x1xf32>
      %reduce_sum3A = vector.shape_cast %slice3A_39 : vector<1x1xf32> to vector<1x1x1xf32>
      %reduce_sum3A_40 = arith.constant dense<0.000000e+00> : vector<1xf32>
      %reduce_sum3A_41 = vector.multi_reduction <add>, %reduce_sum3A, %reduce_sum3A_40 [1, 2] : vector<1x1x1xf32> to vector<1xf32>
      %reduce_sum3A_42 = vector.shape_cast %reduce_sum3A_41 : vector<1xf32> to vector<1x1x1xf32>
      %reduce_sum3A_43 = vector.extract %reduce_sum3A_42[0, 0, 0] : f32 from vector<1x1x1xf32>
      %slice3A_44 = vector.extract_strided_slice %concatenate3A {offsets = [0, 0], sizes = [1, 16], strides = [1, 1]} : vector<8x16xf32> to vector<1x16xf32>
      %div3A = vector.broadcast %reduce_sum3A_43 : f32 to vector<1x16xf32>
      %div3A_45 = arith.divf %slice3A_44, %div3A : vector<1x16xf32>
      %slice3A_46 = vector.extract_strided_slice %concatenate3A {offsets = [0, 0], sizes = [8, 1], strides = [1, 1]} : vector<8x16xf32> to vector<8x1xf32>
      %eq3A_47 = arith.constant 0 : i32
      %eq3A_48 = vector.broadcast %eq3A_47 : i32 to vector<8x16xi32>
      %eq3A_49 = arith.cmpi eq, %iota3A_38, %eq3A_48 : vector<8x16xi32>
      %mul3A_50 = vector.broadcast %slice3A_46 : vector<8x1xf32> to vector<8x16xf32>
      %mul3A_51 = vector.broadcast %div3A_45 : vector<1x16xf32> to vector<8x16xf32>
      %mul3A_52 = arith.mulf %mul3A_50, %mul3A_51 : vector<8x16xf32>
      %sub3A = arith.subf %concatenate3A, %mul3A_52 : vector<8x16xf32>
      %broadcast_in_dim3A_53 = vector.shape_cast %div3A_45 : vector<1x16xf32> to vector<1x16xf32>
      %broadcast_in_dim3A_54 = vector.broadcast %broadcast_in_dim3A_53 : vector<1x16xf32> to vector<8x16xf32>
      %select_n3A_55 = arith.select %eq3A_49, %broadcast_in_dim3A_54, %sub3A : vector<8x16xi1>, vector<8x16xf32>
      %slice3A_56 = vector.extract_strided_slice %select_n3A_55 {offsets = [1, 1], sizes = [1, 1], strides = [1, 1]} : vector<8x16xf32> to vector<1x1xf32>
      %reduce_sum3A_57 = vector.shape_cast %slice3A_56 : vector<1x1xf32> to vector<1x1x1xf32>
      %reduce_sum3A_58 = arith.constant dense<0.000000e+00> : vector<1xf32>
      %reduce_sum3A_59 = vector.multi_reduction <add>, %reduce_sum3A_57, %reduce_sum3A_58 [1, 2] : vector<1x1x1xf32> to vector<1xf32>
      %reduce_sum3A_60 = vector.shape_cast %reduce_sum3A_59 : vector<1xf32> to vector<1x1x1xf32>
      %reduce_sum3A_61 = vector.extract %reduce_sum3A_60[0, 0, 0] : f32 from vector<1x1x1xf32>
      %slice3A_62 = vector.extract_strided_slice %select_n3A_55 {offsets = [1, 0], sizes = [1, 16], strides = [1, 1]} : vector<8x16xf32> to vector<1x16xf32>
      %div3A_63 = vector.broadcast %reduce_sum3A_61 : f32 to vector<1x16xf32>
      %div3A_64 = arith.divf %slice3A_62, %div3A_63 : vector<1x16xf32>
      %slice3A_65 = vector.extract_strided_slice %select_n3A_55 {offsets = [0, 1], sizes = [8, 1], strides = [1, 1]} : vector<8x16xf32> to vector<8x1xf32>
      %eq3A_66 = arith.constant 1 : i32
      %eq3A_67 = vector.broadcast %eq3A_66 : i32 to vector<8x16xi32>
      %eq3A_68 = arith.cmpi eq, %iota3A_38, %eq3A_67 : vector<8x16xi32>
      %mul3A_69 = vector.broadcast %slice3A_65 : vector<8x1xf32> to vector<8x16xf32>
      %mul3A_70 = vector.broadcast %div3A_64 : vector<1x16xf32> to vector<8x16xf32>
      %mul3A_71 = arith.mulf %mul3A_69, %mul3A_70 : vector<8x16xf32>
      %sub3A_72 = arith.subf %select_n3A_55, %mul3A_71 : vector<8x16xf32>
      %broadcast_in_dim3A_73 = vector.shape_cast %div3A_64 : vector<1x16xf32> to vector<1x16xf32>
      %broadcast_in_dim3A_74 = vector.broadcast %broadcast_in_dim3A_73 : vector<1x16xf32> to vector<8x16xf32>
      %select_n3A_75 = arith.select %eq3A_68, %broadcast_in_dim3A_74, %sub3A_72 : vector<8x16xi1>, vector<8x16xf32>
      %slice3A_76 = vector.extract_strided_slice %select_n3A_75 {offsets = [2, 2], sizes = [1, 1], strides = [1, 1]} : vector<8x16xf32> to vector<1x1xf32>
      %reduce_sum3A_77 = vector.shape_cast %slice3A_76 : vector<1x1xf32> to vector<1x1x1xf32>
      %reduce_sum3A_78 = arith.constant dense<0.000000e+00> : vector<1xf32>
      %reduce_sum3A_79 = vector.multi_reduction <add>, %reduce_sum3A_77, %reduce_sum3A_78 [1, 2] : vector<1x1x1xf32> to vector<1xf32>
      %reduce_sum3A_80 = vector.shape_cast %reduce_sum3A_79 : vector<1xf32> to vector<1x1x1xf32>
      %reduce_sum3A_81 = vector.extract %reduce_sum3A_80[0, 0, 0] : f32 from vector<1x1x1xf32>
      %slice3A_82 = vector.extract_strided_slice %select_n3A_75 {offsets = [2, 0], sizes = [1, 16], strides = [1, 1]} : vector<8x16xf32> to vector<1x16xf32>
      %div3A_83 = vector.broadcast %reduce_sum3A_81 : f32 to vector<1x16xf32>
      %div3A_84 = arith.divf %slice3A_82, %div3A_83 : vector<1x16xf32>
      %slice3A_85 = vector.extract_strided_slice %select_n3A_75 {offsets = [0, 2], sizes = [8, 1], strides = [1, 1]} : vector<8x16xf32> to vector<8x1xf32>
      %eq3A_86 = arith.constant 2 : i32
      %eq3A_87 = vector.broadcast %eq3A_86 : i32 to vector<8x16xi32>
      %eq3A_88 = arith.cmpi eq, %iota3A_38, %eq3A_87 : vector<8x16xi32>
      %mul3A_89 = vector.broadcast %slice3A_85 : vector<8x1xf32> to vector<8x16xf32>
      %mul3A_90 = vector.broadcast %div3A_84 : vector<1x16xf32> to vector<8x16xf32>
      %mul3A_91 = arith.mulf %mul3A_89, %mul3A_90 : vector<8x16xf32>
      %sub3A_92 = arith.subf %select_n3A_75, %mul3A_91 : vector<8x16xf32>
      %broadcast_in_dim3A_93 = vector.shape_cast %div3A_84 : vector<1x16xf32> to vector<1x16xf32>
      %broadcast_in_dim3A_94 = vector.broadcast %broadcast_in_dim3A_93 : vector<1x16xf32> to vector<8x16xf32>
      %select_n3A_95 = arith.select %eq3A_88, %broadcast_in_dim3A_94, %sub3A_92 : vector<8x16xi1>, vector<8x16xf32>
      %slice3A_96 = vector.extract_strided_slice %select_n3A_95 {offsets = [3, 3], sizes = [1, 1], strides = [1, 1]} : vector<8x16xf32> to vector<1x1xf32>
      %reduce_sum3A_97 = vector.shape_cast %slice3A_96 : vector<1x1xf32> to vector<1x1x1xf32>
      %reduce_sum3A_98 = arith.constant dense<0.000000e+00> : vector<1xf32>
      %reduce_sum3A_99 = vector.multi_reduction <add>, %reduce_sum3A_97, %reduce_sum3A_98 [1, 2] : vector<1x1x1xf32> to vector<1xf32>
      %reduce_sum3A_100 = vector.shape_cast %reduce_sum3A_99 : vector<1xf32> to vector<1x1x1xf32>
      %reduce_sum3A_101 = vector.extract %reduce_sum3A_100[0, 0, 0] : f32 from vector<1x1x1xf32>
      %slice3A_102 = vector.extract_strided_slice %select_n3A_95 {offsets = [3, 0], sizes = [1, 16], strides = [1, 1]} : vector<8x16xf32> to vector<1x16xf32>
      %div3A_103 = vector.broadcast %reduce_sum3A_101 : f32 to vector<1x16xf32>
      %div3A_104 = arith.divf %slice3A_102, %div3A_103 : vector<1x16xf32>
      %slice3A_105 = vector.extract_strided_slice %select_n3A_95 {offsets = [0, 3], sizes = [8, 1], strides = [1, 1]} : vector<8x16xf32> to vector<8x1xf32>
      %eq3A_106 = arith.constant 3 : i32
      %eq3A_107 = vector.broadcast %eq3A_106 : i32 to vector<8x16xi32>
      %eq3A_108 = arith.cmpi eq, %iota3A_38, %eq3A_107 : vector<8x16xi32>
      %mul3A_109 = vector.broadcast %slice3A_105 : vector<8x1xf32> to vector<8x16xf32>
      %mul3A_110 = vector.broadcast %div3A_104 : vector<1x16xf32> to vector<8x16xf32>
      %mul3A_111 = arith.mulf %mul3A_109, %mul3A_110 : vector<8x16xf32>
      %sub3A_112 = arith.subf %select_n3A_95, %mul3A_111 : vector<8x16xf32>
      %broadcast_in_dim3A_113 = vector.shape_cast %div3A_104 : vector<1x16xf32> to vector<1x16xf32>
      %broadcast_in_dim3A_114 = vector.broadcast %broadcast_in_dim3A_113 : vector<1x16xf32> to vector<8x16xf32>
      %select_n3A_115 = arith.select %eq3A_108, %broadcast_in_dim3A_114, %sub3A_112 : vector<8x16xi1>, vector<8x16xf32>
      %slice3A_116 = vector.extract_strided_slice %select_n3A_115 {offsets = [4, 4], sizes = [1, 1], strides = [1, 1]} : vector<8x16xf32> to vector<1x1xf32>
      %reduce_sum3A_117 = vector.shape_cast %slice3A_116 : vector<1x1xf32> to vector<1x1x1xf32>
      %reduce_sum3A_118 = arith.constant dense<0.000000e+00> : vector<1xf32>
      %reduce_sum3A_119 = vector.multi_reduction <add>, %reduce_sum3A_117, %reduce_sum3A_118 [1, 2] : vector<1x1x1xf32> to vector<1xf32>
      %reduce_sum3A_120 = vector.shape_cast %reduce_sum3A_119 : vector<1xf32> to vector<1x1x1xf32>
      %reduce_sum3A_121 = vector.extract %reduce_sum3A_120[0, 0, 0] : f32 from vector<1x1x1xf32>
      %slice3A_122 = vector.extract_strided_slice %select_n3A_115 {offsets = [4, 0], sizes = [1, 16], strides = [1, 1]} : vector<8x16xf32> to vector<1x16xf32>
      %div3A_123 = vector.broadcast %reduce_sum3A_121 : f32 to vector<1x16xf32>
      %div3A_124 = arith.divf %slice3A_122, %div3A_123 : vector<1x16xf32>
      %slice3A_125 = vector.extract_strided_slice %select_n3A_115 {offsets = [0, 4], sizes = [8, 1], strides = [1, 1]} : vector<8x16xf32> to vector<8x1xf32>
      %eq3A_126 = arith.constant 4 : i32
      %eq3A_127 = vector.broadcast %eq3A_126 : i32 to vector<8x16xi32>
      %eq3A_128 = arith.cmpi eq, %iota3A_38, %eq3A_127 : vector<8x16xi32>
      %mul3A_129 = vector.broadcast %slice3A_125 : vector<8x1xf32> to vector<8x16xf32>
      %mul3A_130 = vector.broadcast %div3A_124 : vector<1x16xf32> to vector<8x16xf32>
      %mul3A_131 = arith.mulf %mul3A_129, %mul3A_130 : vector<8x16xf32>
      %sub3A_132 = arith.subf %select_n3A_115, %mul3A_131 : vector<8x16xf32>
      %broadcast_in_dim3A_133 = vector.shape_cast %div3A_124 : vector<1x16xf32> to vector<1x16xf32>
      %broadcast_in_dim3A_134 = vector.broadcast %broadcast_in_dim3A_133 : vector<1x16xf32> to vector<8x16xf32>
      %select_n3A_135 = arith.select %eq3A_128, %broadcast_in_dim3A_134, %sub3A_132 : vector<8x16xi1>, vector<8x16xf32>
      %slice3A_136 = vector.extract_strided_slice %select_n3A_135 {offsets = [5, 5], sizes = [1, 1], strides = [1, 1]} : vector<8x16xf32> to vector<1x1xf32>
      %reduce_sum3A_137 = vector.shape_cast %slice3A_136 : vector<1x1xf32> to vector<1x1x1xf32>
      %reduce_sum3A_138 = arith.constant dense<0.000000e+00> : vector<1xf32>
      %reduce_sum3A_139 = vector.multi_reduction <add>, %reduce_sum3A_137, %reduce_sum3A_138 [1, 2] : vector<1x1x1xf32> to vector<1xf32>
      %reduce_sum3A_140 = vector.shape_cast %reduce_sum3A_139 : vector<1xf32> to vector<1x1x1xf32>
      %reduce_sum3A_141 = vector.extract %reduce_sum3A_140[0, 0, 0] : f32 from vector<1x1x1xf32>
      %slice3A_142 = vector.extract_strided_slice %select_n3A_135 {offsets = [5, 0], sizes = [1, 16], strides = [1, 1]} : vector<8x16xf32> to vector<1x16xf32>
      %div3A_143 = vector.broadcast %reduce_sum3A_141 : f32 to vector<1x16xf32>
      %div3A_144 = arith.divf %slice3A_142, %div3A_143 : vector<1x16xf32>
      %slice3A_145 = vector.extract_strided_slice %select_n3A_135 {offsets = [0, 5], sizes = [8, 1], strides = [1, 1]} : vector<8x16xf32> to vector<8x1xf32>
      %eq3A_146 = arith.constant 5 : i32
      %eq3A_147 = vector.broadcast %eq3A_146 : i32 to vector<8x16xi32>
      %eq3A_148 = arith.cmpi eq, %iota3A_38, %eq3A_147 : vector<8x16xi32>
      %mul3A_149 = vector.broadcast %slice3A_145 : vector<8x1xf32> to vector<8x16xf32>
      %mul3A_150 = vector.broadcast %div3A_144 : vector<1x16xf32> to vector<8x16xf32>
      %mul3A_151 = arith.mulf %mul3A_149, %mul3A_150 : vector<8x16xf32>
      %sub3A_152 = arith.subf %select_n3A_135, %mul3A_151 : vector<8x16xf32>
      %broadcast_in_dim3A_153 = vector.shape_cast %div3A_144 : vector<1x16xf32> to vector<1x16xf32>
      %broadcast_in_dim3A_154 = vector.broadcast %broadcast_in_dim3A_153 : vector<1x16xf32> to vector<8x16xf32>
      %select_n3A_155 = arith.select %eq3A_148, %broadcast_in_dim3A_154, %sub3A_152 : vector<8x16xi1>, vector<8x16xf32>
      %slice3A_156 = vector.extract_strided_slice %select_n3A_155 {offsets = [6, 6], sizes = [1, 1], strides = [1, 1]} : vector<8x16xf32> to vector<1x1xf32>
      %reduce_sum3A_157 = vector.shape_cast %slice3A_156 : vector<1x1xf32> to vector<1x1x1xf32>
      %reduce_sum3A_158 = arith.constant dense<0.000000e+00> : vector<1xf32>
      %reduce_sum3A_159 = vector.multi_reduction <add>, %reduce_sum3A_157, %reduce_sum3A_158 [1, 2] : vector<1x1x1xf32> to vector<1xf32>
      %reduce_sum3A_160 = vector.shape_cast %reduce_sum3A_159 : vector<1xf32> to vector<1x1x1xf32>
      %reduce_sum3A_161 = vector.extract %reduce_sum3A_160[0, 0, 0] : f32 from vector<1x1x1xf32>
      %slice3A_162 = vector.extract_strided_slice %select_n3A_155 {offsets = [6, 0], sizes = [1, 16], strides = [1, 1]} : vector<8x16xf32> to vector<1x16xf32>
      %div3A_163 = vector.broadcast %reduce_sum3A_161 : f32 to vector<1x16xf32>
      %div3A_164 = arith.divf %slice3A_162, %div3A_163 : vector<1x16xf32>
      %slice3A_165 = vector.extract_strided_slice %select_n3A_155 {offsets = [0, 6], sizes = [8, 1], strides = [1, 1]} : vector<8x16xf32> to vector<8x1xf32>
      %eq3A_166 = arith.constant 6 : i32
      %eq3A_167 = vector.broadcast %eq3A_166 : i32 to vector<8x16xi32>
      %eq3A_168 = arith.cmpi eq, %iota3A_38, %eq3A_167 : vector<8x16xi32>
      %mul3A_169 = vector.broadcast %slice3A_165 : vector<8x1xf32> to vector<8x16xf32>
      %mul3A_170 = vector.broadcast %div3A_164 : vector<1x16xf32> to vector<8x16xf32>
      %mul3A_171 = arith.mulf %mul3A_169, %mul3A_170 : vector<8x16xf32>
      %sub3A_172 = arith.subf %select_n3A_155, %mul3A_171 : vector<8x16xf32>
      %broadcast_in_dim3A_173 = vector.shape_cast %div3A_164 : vector<1x16xf32> to vector<1x16xf32>
      %broadcast_in_dim3A_174 = vector.broadcast %broadcast_in_dim3A_173 : vector<1x16xf32> to vector<8x16xf32>
      %select_n3A_175 = arith.select %eq3A_168, %broadcast_in_dim3A_174, %sub3A_172 : vector<8x16xi1>, vector<8x16xf32>
      %slice3A_176 = vector.extract_strided_slice %select_n3A_175 {offsets = [7, 7], sizes = [1, 1], strides = [1, 1]} : vector<8x16xf32> to vector<1x1xf32>
      %reduce_sum3A_177 = vector.shape_cast %slice3A_176 : vector<1x1xf32> to vector<1x1x1xf32>
      %reduce_sum3A_178 = arith.constant dense<0.000000e+00> : vector<1xf32>
      %reduce_sum3A_179 = vector.multi_reduction <add>, %reduce_sum3A_177, %reduce_sum3A_178 [1, 2] : vector<1x1x1xf32> to vector<1xf32>
      %reduce_sum3A_180 = vector.shape_cast %reduce_sum3A_179 : vector<1xf32> to vector<1x1x1xf32>
      %reduce_sum3A_181 = vector.extract %reduce_sum3A_180[0, 0, 0] : f32 from vector<1x1x1xf32>
      %slice3A_182 = vector.extract_strided_slice %select_n3A_175 {offsets = [7, 0], sizes = [1, 16], strides = [1, 1]} : vector<8x16xf32> to vector<1x16xf32>
      %div3A_183 = vector.broadcast %reduce_sum3A_181 : f32 to vector<1x16xf32>
      %div3A_184 = arith.divf %slice3A_182, %div3A_183 : vector<1x16xf32>
      %slice3A_185 = vector.extract_strided_slice %select_n3A_175 {offsets = [0, 7], sizes = [8, 1], strides = [1, 1]} : vector<8x16xf32> to vector<8x1xf32>
      %eq3A_186 = arith.constant 7 : i32
      %eq3A_187 = vector.broadcast %eq3A_186 : i32 to vector<8x16xi32>
      %eq3A_188 = arith.cmpi eq, %iota3A_38, %eq3A_187 : vector<8x16xi32>
      %mul3A_189 = vector.broadcast %slice3A_185 : vector<8x1xf32> to vector<8x16xf32>
      %mul3A_190 = vector.broadcast %div3A_184 : vector<1x16xf32> to vector<8x16xf32>
      %mul3A_191 = arith.mulf %mul3A_189, %mul3A_190 : vector<8x16xf32>
      %sub3A_192 = arith.subf %select_n3A_175, %mul3A_191 : vector<8x16xf32>
      %broadcast_in_dim3A_193 = vector.shape_cast %div3A_184 : vector<1x16xf32> to vector<1x16xf32>
      %broadcast_in_dim3A_194 = vector.broadcast %broadcast_in_dim3A_193 : vector<1x16xf32> to vector<8x16xf32>
      %select_n3A_195 = arith.select %eq3A_188, %broadcast_in_dim3A_194, %sub3A_192 : vector<8x16xi1>, vector<8x16xf32>
      %slice3A_196 = vector.extract_strided_slice %select_n3A_195 {offsets = [0, 8], sizes = [8, 8], strides = [1, 1]} : vector<8x16xf32> to vector<8x8xf32>
      %dot_general3A_197 = arith.constant dense<0.000000e+00> : vector<8x8xf32>
      %dot_general3A_198 = tpu.matmul %dot_general3A_29, %slice3A_196, %dot_general3A_197 {dimension_numbers = #tpu.dot_dimension_numbers<[1], [0], [0], [1], [0, 0, 1, 1], [], []>, precision = #tpu.contract_precision<fp32>, transpose_lhs_hint = false} : vector<8x8xf32>, vector<8x8xf32>, vector<8x8xf32> -> vector<8x8xf32>
      %mul3A_199 = arith.constant 2.000000e+00 : f32
      %mul3A_200 = vector.broadcast %mul3A_199 : f32 to vector<8x8xf32>
      %mul3A_201 = arith.mulf %mul3A_200, %convert_element_type3A_37 : vector<8x8xf32>
      %sub3A_202 = arith.subf %mul3A_201, %dot_general3A_198 : vector<8x8xf32>
      %dot_general3A_203 = arith.constant dense<0.000000e+00> : vector<8x8xf32>
      %dot_general3A_204 = tpu.matmul %slice3A_196, %sub3A_202, %dot_general3A_203 {dimension_numbers = #tpu.dot_dimension_numbers<[1], [0], [0], [1], [0, 0, 1, 1], [], []>, precision = #tpu.contract_precision<fp32>, transpose_lhs_hint = false} : vector<8x8xf32>, vector<8x8xf32>, vector<8x8xf32> -> vector<8x8xf32>
      %get3A_205 = arith.constant 0 : index
      %get3A_206 = arith.constant 0 : index
      %get3A_207 = vector.load %arg3[%get3A_205, %get3A_206] : memref<1024x128xf32, #tpu.memory_space<vmem>>, vector<1024x128xf32>
      %dot_general3A_208 = arith.constant dense<0.000000e+00> : vector<1024x8xf32>
      %dot_general3A_209 = tpu.matmul %get3A_207, %get3A_27, %dot_general3A_208 {dimension_numbers = #tpu.dot_dimension_numbers<[1], [0], [0], [1], [0, 0, 1, 1], [], []>, precision = #tpu.contract_precision<fp32>, transpose_lhs_hint = false} : vector<1024x128xf32>, vector<128x8xf32>, vector<1024x8xf32> -> vector<1024x8xf32>
      %get3A_210 = arith.constant 0 : index
      %get3A_211 = arith.constant 0 : index
      %get3A_212 = vector.load %arg5[%get3A_210, %get3A_211] : memref<128x10xf32, #tpu.memory_space<vmem>>, vector<128x10xf32>
      %dot_general3A_213 = arith.constant dense<0.000000e+00> : vector<8x10xf32>
      %dot_general3A_214 = tpu.matmul %get3A_27, %get3A_212, %dot_general3A_213 {dimension_numbers = #tpu.dot_dimension_numbers<[0], [0], [1], [1], [0, 1, 1, 1], [], []>, precision = #tpu.contract_precision<fp32>, transpose_lhs_hint = false} : vector<128x8xf32>, vector<128x10xf32>, vector<8x10xf32> -> vector<8x10xf32>
      %dot_general3A_215 = arith.constant dense<0.000000e+00> : vector<1024x8xf32>
      %dot_general3A_216 = tpu.matmul %dot_general3A_209, %dot_general3A_204, %dot_general3A_215 {dimension_numbers = #tpu.dot_dimension_numbers<[1], [0], [0], [1], [0, 0, 1, 1], [], []>, precision = #tpu.contract_precision<fp32>, transpose_lhs_hint = false} : vector<1024x8xf32>, vector<8x8xf32>, vector<1024x8xf32> -> vector<1024x8xf32>
      %dot_general3A_217 = arith.constant dense<0.000000e+00> : vector<1024x10xf32>
      %dot_general3A_218 = tpu.matmul %dot_general3A_216, %dot_general3A_214, %dot_general3A_217 {dimension_numbers = #tpu.dot_dimension_numbers<[1], [0], [0], [1], [0, 0, 1, 1], [], []>, precision = #tpu.contract_precision<fp32>, transpose_lhs_hint = false} : vector<1024x8xf32>, vector<8x10xf32>, vector<1024x10xf32> -> vector<1024x10xf32>
      %get3A_219 = arith.constant 0 : index
      %get3A_220 = arith.constant 0 : index
      %get3A_221 = vector.load %arg6[%get3A_219, %get3A_220] : memref<1x10xf32, #tpu.memory_space<vmem>>, vector<1x10xf32>
      %add3A_222 = vector.broadcast %get3A_221 : vector<1x10xf32> to vector<1024x10xf32>
      %add3A_223 = arith.addf %dot_general3A_218, %add3A_222 : vector<1024x10xf32>
      %swap3A_224 = arith.constant 0 : index
      %swap3A_225 = arith.constant 0 : index
      %swap3A_226 = vector.load %arg9[%swap3A_224, %swap3A_225] : memref<1024x10xf32, #tpu.memory_space<vmem>>, vector<1024x10xf32>
      tpu.vector_store %arg9[%swap3A_224, %swap3A_225], %add3A_223 {strides = array<i32>} : memref<1024x10xf32, #tpu.memory_space<vmem>>, vector<1024x10xf32>,
      %get3A_227 = arith.constant 0 : index
      %get3A_228 = arith.constant 0 : index
      %get3A_229 = arith.constant 0 : index
      %get3A_230 = vector.load %arg4[%get3A_227, %get3A_228, %get3A_229] : memref<100x50x128xf32, #tpu.memory_space<vmem>>, vector<100x1x128xf32>
      %get3A_231 = vector.shape_cast %get3A_230 : vector<100x1x128xf32> to vector<100x128xf32>
      %get3A_232 = arith.constant 0 : index
      %get3A_233 = arith.constant 1 : index
      %get3A_234 = arith.constant 0 : index
      %get3A_235 = vector.load %arg4[%get3A_232, %get3A_233, %get3A_234] : memref<100x50x128xf32, #tpu.memory_space<vmem>>, vector<100x1x128xf32>
      %get3A_236 = vector.shape_cast %get3A_235 : vector<100x1x128xf32> to vector<100x128xf32>
      %add3A_237 = arith.addf %get3A_231, %get3A_236 : vector<100x128xf32>
      %get3A_238 = arith.constant 0 : index
      %get3A_239 = arith.constant 2 : index
      %get3A_240 = arith.constant 0 : index
      %get3A_241 = vector.load %arg4[%get3A_238, %get3A_239, %get3A_240] : memref<100x50x128xf32, #tpu.memory_space<vmem>>, vector<100x1x128xf32>
      %get3A_242 = vector.shape_cast %get3A_241 : vector<100x1x128xf32> to vector<100x128xf32>
      %add3A_243 = arith.addf %add3A_237, %get3A_242 : vector<100x128xf32>
      %get3A_244 = arith.constant 0 : index
      %get3A_245 = arith.constant 3 : index
      %get3A_246 = arith.constant 0 : index
      %get3A_247 = vector.load %arg4[%get3A_244, %get3A_245, %get3A_246] : memref<100x50x128xf32, #tpu.memory_space<vmem>>, vector<100x1x128xf32>
      %get3A_248 = vector.shape_cast %get3A_247 : vector<100x1x128xf32> to vector<100x128xf32>
      %add3A_249 = arith.addf %add3A_243, %get3A_248 : vector<100x128xf32>
      %get3A_250 = arith.constant 0 : index
      %get3A_251 = arith.constant 4 : index
      %get3A_252 = arith.constant 0 : index
      %get3A_253 = vector.load %arg4[%get3A_250, %get3A_251, %get3A_252] : memref<100x50x128xf32, #tpu.memory_space<vmem>>, vector<100x1x128xf32>
      %get3A_254 = vector.shape_cast %get3A_253 : vector<100x1x128xf32> to vector<100x128xf32>
      %add3A_255 = arith.addf %add3A_249, %get3A_254 : vector<100x128xf32>
      %get3A_256 = arith.constant 0 : index
      %get3A_257 = arith.constant 5 : index
      %get3A_258 = arith.constant 0 : index
      %get3A_259 = vector.load %arg4[%get3A_256, %get3A_257, %get3A_258] : memref<100x50x128xf32, #tpu.memory_space<vmem>>, vector<100x1x128xf32>
      %get3A_260 = vector.shape_cast %get3A_259 : vector<100x1x128xf32> to vector<100x128xf32>
      %add3A_261 = arith.addf %add3A_255, %get3A_260 : vector<100x128xf32>
      %get3A_262 = arith.constant 0 : index
      %get3A_263 = arith.constant 6 : index
      %get3A_264 = arith.constant 0 : index
      %get3A_265 = vector.load %arg4[%get3A_262, %get3A_263, %get3A_264] : memref<100x50x128xf32, #tpu.memory_space<vmem>>, vector<100x1x128xf32>
      %get3A_266 = vector.shape_cast %get3A_265 : vector<100x1x128xf32> to vector<100x128xf32>
      %add3A_267 = arith.addf %add3A_261, %get3A_266 : vector<100x128xf32>
      %get3A_268 = arith.constant 0 : index
      %get3A_269 = arith.constant 7 : index
      %get3A_270 = arith.constant 0 : index
      %get3A_271 = vector.load %arg4[%get3A_268, %get3A_269, %get3A_270] : memref<100x50x128xf32, #tpu.memory_space<vmem>>, vector<100x1x128xf32>
      %get3A_272 = vector.shape_cast %get3A_271 : vector<100x1x128xf32> to vector<100x128xf32>
      %add3A_273 = arith.addf %add3A_267, %get3A_272 : vector<100x128xf32>
      %get3A_274 = arith.constant 0 : index
      %get3A_275 = arith.constant 8 : index
      %get3A_276 = arith.constant 0 : index
      %get3A_277 = vector.load %arg4[%get3A_274, %get3A_275, %get3A_276] : memref<100x50x128xf32, #tpu.memory_space<vmem>>, vector<100x1x128xf32>
      %get3A_278 = vector.shape_cast %get3A_277 : vector<100x1x128xf32> to vector<100x128xf32>
      %add3A_279 = arith.addf %add3A_273, %get3A_278 : vector<100x128xf32>
      %get3A_280 = arith.constant 0 : index
      %get3A_281 = arith.constant 9 : index
      %get3A_282 = arith.constant 0 : index
      %get3A_283 = vector.load %arg4[%get3A_280, %get3A_281, %get3A_282] : memref<100x50x128xf32, #tpu.memory_space<vmem>>, vector<100x1x128xf32>
      %get3A_284 = vector.shape_cast %get3A_283 : vector<100x1x128xf32> to vector<100x128xf32>
      %add3A_285 = arith.addf %add3A_279, %get3A_284 : vector<100x128xf32>
      %get3A_286 = arith.constant 0 : index
      %get3A_287 = arith.constant 10 : index
      %get3A_288 = arith.constant 0 : index
      %get3A_289 = vector.load %arg4[%get3A_286, %get3A_287, %get3A_288] : memref<100x50x128xf32, #tpu.memory_space<vmem>>, vector<100x1x128xf32>
      %get3A_290 = vector.shape_cast %get3A_289 : vector<100x1x128xf32> to vector<100x128xf32>
      %add3A_291 = arith.addf %add3A_285, %get3A_290 : vector<100x128xf32>
      %get3A_292 = arith.constant 0 : index
      %get3A_293 = arith.constant 11 : index
      %get3A_294 = arith.constant 0 : index
      %get3A_295 = vector.load %arg4[%get3A_292, %get3A_293, %get3A_294] : memref<100x50x128xf32, #tpu.memory_space<vmem>>, vector<100x1x128xf32>
      %get3A_296 = vector.shape_cast %get3A_295 : vector<100x1x128xf32> to vector<100x128xf32>
      %add3A_297 = arith.addf %add3A_291, %get3A_296 : vector<100x128xf32>
      %get3A_298 = arith.constant 0 : index
      %get3A_299 = arith.constant 12 : index
      %get3A_300 = arith.constant 0 : index
      %get3A_301 = vector.load %arg4[%get3A_298, %get3A_299, %get3A_300] : memref<100x50x128xf32, #tpu.memory_space<vmem>>, vector<100x1x128xf32>
      %get3A_302 = vector.shape_cast %get3A_301 : vector<100x1x128xf32> to vector<100x128xf32>
      %add3A_303 = arith.addf %add3A_297, %get3A_302 : vector<100x128xf32>
      %get3A_304 = arith.constant 0 : index
      %get3A_305 = arith.constant 13 : index
      %get3A_306 = arith.constant 0 : index
      %get3A_307 = vector.load %arg4[%get3A_304, %get3A_305, %get3A_306] : memref<100x50x128xf32, #tpu.memory_space<vmem>>, vector<100x1x128xf32>
      %get3A_308 = vector.shape_cast %get3A_307 : vector<100x1x128xf32> to vector<100x128xf32>
      %add3A_309 = arith.addf %add3A_303, %get3A_308 : vector<100x128xf32>
      %get3A_310 = arith.constant 0 : index
      %get3A_311 = arith.constant 14 : index
      %get3A_312 = arith.constant 0 : index
      %get3A_313 = vector.load %arg4[%get3A_310, %get3A_311, %get3A_312] : memref<100x50x128xf32, #tpu.memory_space<vmem>>, vector<100x1x128xf32>
      %get3A_314 = vector.shape_cast %get3A_313 : vector<100x1x128xf32> to vector<100x128xf32>
      %add3A_315 = arith.addf %add3A_309, %get3A_314 : vector<100x128xf32>
      %get3A_316 = arith.constant 0 : index
      %get3A_317 = arith.constant 15 : index
      %get3A_318 = arith.constant 0 : index
      %get3A_319 = vector.load %arg4[%get3A_316, %get3A_317, %get3A_318] : memref<100x50x128xf32, #tpu.memory_space<vmem>>, vector<100x1x128xf32>
      %get3A_320 = vector.shape_cast %get3A_319 : vector<100x1x128xf32> to vector<100x128xf32>
      %add3A_321 = arith.addf %add3A_315, %get3A_320 : vector<100x128xf32>
      %get3A_322 = arith.constant 0 : index
      %get3A_323 = arith.constant 16 : index
      %get3A_324 = arith.constant 0 : index
      %get3A_325 = vector.load %arg4[%get3A_322, %get3A_323, %get3A_324] : memref<100x50x128xf32, #tpu.memory_space<vmem>>, vector<100x1x128xf32>
      %get3A_326 = vector.shape_cast %get3A_325 : vector<100x1x128xf32> to vector<100x128xf32>
      %add3A_327 = arith.addf %add3A_321, %get3A_326 : vector<100x128xf32>
      %get3A_328 = arith.constant 0 : index
      %get3A_329 = arith.constant 17 : index
      %get3A_330 = arith.constant 0 : index
      %get3A_331 = vector.load %arg4[%get3A_328, %get3A_329, %get3A_330] : memref<100x50x128xf32, #tpu.memory_space<vmem>>, vector<100x1x128xf32>
      %get3A_332 = vector.shape_cast %get3A_331 : vector<100x1x128xf32> to vector<100x128xf32>
      %add3A_333 = arith.addf %add3A_327, %get3A_332 : vector<100x128xf32>
      %get3A_334 = arith.constant 0 : index
      %get3A_335 = arith.constant 18 : index
      %get3A_336 = arith.constant 0 : index
      %get3A_337 = vector.load %arg4[%get3A_334, %get3A_335, %get3A_336] : memref<100x50x128xf32, #tpu.memory_space<vmem>>, vector<100x1x128xf32>
      %get3A_338 = vector.shape_cast %get3A_337 : vector<100x1x128xf32> to vector<100x128xf32>
      %add3A_339 = arith.addf %add3A_333, %get3A_338 : vector<100x128xf32>
      %get3A_340 = arith.constant 0 : index
      %get3A_341 = arith.constant 19 : index
      %get3A_342 = arith.constant 0 : index
      %get3A_343 = vector.load %arg4[%get3A_340, %get3A_341, %get3A_342] : memref<100x50x128xf32, #tpu.memory_space<vmem>>, vector<100x1x128xf32>
      %get3A_344 = vector.shape_cast %get3A_343 : vector<100x1x128xf32> to vector<100x128xf32>
      %add3A_345 = arith.addf %add3A_339, %get3A_344 : vector<100x128xf32>
      %get3A_346 = arith.constant 0 : index
      %get3A_347 = arith.constant 20 : index
      %get3A_348 = arith.constant 0 : index
      %get3A_349 = vector.load %arg4[%get3A_346, %get3A_347, %get3A_348] : memref<100x50x128xf32, #tpu.memory_space<vmem>>, vector<100x1x128xf32>
      %get3A_350 = vector.shape_cast %get3A_349 : vector<100x1x128xf32> to vector<100x128xf32>
      %add3A_351 = arith.addf %add3A_345, %get3A_350 : vector<100x128xf32>
      %get3A_352 = arith.constant 0 : index
      %get3A_353 = arith.constant 21 : index
      %get3A_354 = arith.constant 0 : index
      %get3A_355 = vector.load %arg4[%get3A_352, %get3A_353, %get3A_354] : memref<100x50x128xf32, #tpu.memory_space<vmem>>, vector<100x1x128xf32>
      %get3A_356 = vector.shape_cast %get3A_355 : vector<100x1x128xf32> to vector<100x128xf32>
      %add3A_357 = arith.addf %add3A_351, %get3A_356 : vector<100x128xf32>
      %get3A_358 = arith.constant 0 : index
      %get3A_359 = arith.constant 22 : index
      %get3A_360 = arith.constant 0 : index
      %get3A_361 = vector.load %arg4[%get3A_358, %get3A_359, %get3A_360] : memref<100x50x128xf32, #tpu.memory_space<vmem>>, vector<100x1x128xf32>
      %get3A_362 = vector.shape_cast %get3A_361 : vector<100x1x128xf32> to vector<100x128xf32>
      %add3A_363 = arith.addf %add3A_357, %get3A_362 : vector<100x128xf32>
      %get3A_364 = arith.constant 0 : index
      %get3A_365 = arith.constant 23 : index
      %get3A_366 = arith.constant 0 : index
      %get3A_367 = vector.load %arg4[%get3A_364, %get3A_365, %get3A_366] : memref<100x50x128xf32, #tpu.memory_space<vmem>>, vector<100x1x128xf32>
      %get3A_368 = vector.shape_cast %get3A_367 : vector<100x1x128xf32> to vector<100x128xf32>
      %add3A_369 = arith.addf %add3A_363, %get3A_368 : vector<100x128xf32>
      %get3A_370 = arith.constant 0 : index
      %get3A_371 = arith.constant 24 : index
      %get3A_372 = arith.constant 0 : index
      %get3A_373 = vector.load %arg4[%get3A_370, %get3A_371, %get3A_372] : memref<100x50x128xf32, #tpu.memory_space<vmem>>, vector<100x1x128xf32>
      %get3A_374 = vector.shape_cast %get3A_373 : vector<100x1x128xf32> to vector<100x128xf32>
      %add3A_375 = arith.addf %add3A_369, %get3A_374 : vector<100x128xf32>
      %get3A_376 = arith.constant 0 : index
      %get3A_377 = arith.constant 25 : index
      %get3A_378 = arith.constant 0 : index
      %get3A_379 = vector.load %arg4[%get3A_376, %get3A_377, %get3A_378] : memref<100x50x128xf32, #tpu.memory_space<vmem>>, vector<100x1x128xf32>
      %get3A_380 = vector.shape_cast %get3A_379 : vector<100x1x128xf32> to vector<100x128xf32>
      %add3A_381 = arith.addf %add3A_375, %get3A_380 : vector<100x128xf32>
      %get3A_382 = arith.constant 0 : index
      %get3A_383 = arith.constant 26 : index
      %get3A_384 = arith.constant 0 : index
      %get3A_385 = vector.load %arg4[%get3A_382, %get3A_383, %get3A_384] : memref<100x50x128xf32, #tpu.memory_space<vmem>>, vector<100x1x128xf32>
      %get3A_386 = vector.shape_cast %get3A_385 : vector<100x1x128xf32> to vector<100x128xf32>
      %add3A_387 = arith.addf %add3A_381, %get3A_386 : vector<100x128xf32>
      %get3A_388 = arith.constant 0 : index
      %get3A_389 = arith.constant 27 : index
      %get3A_390 = arith.constant 0 : index
      %get3A_391 = vector.load %arg4[%get3A_388, %get3A_389, %get3A_390] : memref<100x50x128xf32, #tpu.memory_space<vmem>>, vector<100x1x128xf32>
      %get3A_392 = vector.shape_cast %get3A_391 : vector<100x1x128xf32> to vector<100x128xf32>
      %add3A_393 = arith.addf %add3A_387, %get3A_392 : vector<100x128xf32>
      %get3A_394 = arith.constant 0 : index
      %get3A_395 = arith.constant 28 : index
      %get3A_396 = arith.constant 0 : index
      %get3A_397 = vector.load %arg4[%get3A_394, %get3A_395, %get3A_396] : memref<100x50x128xf32, #tpu.memory_space<vmem>>, vector<100x1x128xf32>
      %get3A_398 = vector.shape_cast %get3A_397 : vector<100x1x128xf32> to vector<100x128xf32>
      %add3A_399 = arith.addf %add3A_393, %get3A_398 : vector<100x128xf32>
      %get3A_400 = arith.constant 0 : index
      %get3A_401 = arith.constant 29 : index
      %get3A_402 = arith.constant 0 : index
      %get3A_403 = vector.load %arg4[%get3A_400, %get3A_401, %get3A_402] : memref<100x50x128xf32, #tpu.memory_space<vmem>>, vector<100x1x128xf32>
      %get3A_404 = vector.shape_cast %get3A_403 : vector<100x1x128xf32> to vector<100x128xf32>
      %add3A_405 = arith.addf %add3A_399, %get3A_404 : vector<100x128xf32>
      %get3A_406 = arith.constant 0 : index
      %get3A_407 = arith.constant 30 : index
      %get3A_408 = arith.constant 0 : index
      %get3A_409 = vector.load %arg4[%get3A_406, %get3A_407, %get3A_408] : memref<100x50x128xf32, #tpu.memory_space<vmem>>, vector<100x1x128xf32>
      %get3A_410 = vector.shape_cast %get3A_409 : vector<100x1x128xf32> to vector<100x128xf32>
      %add3A_411 = arith.addf %add3A_405, %get3A_410 : vector<100x128xf32>
      %get3A_412 = arith.constant 0 : index
      %get3A_413 = arith.constant 31 : index
      %get3A_414 = arith.constant 0 : index
      %get3A_415 = vector.load %arg4[%get3A_412, %get3A_413, %get3A_414] : memref<100x50x128xf32, #tpu.memory_space<vmem>>, vector<100x1x128xf32>
      %get3A_416 = vector.shape_cast %get3A_415 : vector<100x1x128xf32> to vector<100x128xf32>
      %add3A_417 = arith.addf %add3A_411, %get3A_416 : vector<100x128xf32>
      %get3A_418 = arith.constant 0 : index
      %get3A_419 = arith.constant 32 : index
      %get3A_420 = arith.constant 0 : index
      %get3A_421 = vector.load %arg4[%get3A_418, %get3A_419, %get3A_420] : memref<100x50x128xf32, #tpu.memory_space<vmem>>, vector<100x1x128xf32>
      %get3A_422 = vector.shape_cast %get3A_421 : vector<100x1x128xf32> to vector<100x128xf32>
      %add3A_423 = arith.addf %add3A_417, %get3A_422 : vector<100x128xf32>
      %get3A_424 = arith.constant 0 : index
      %get3A_425 = arith.constant 33 : index
      %get3A_426 = arith.constant 0 : index
      %get3A_427 = vector.load %arg4[%get3A_424, %get3A_425, %get3A_426] : memref<100x50x128xf32, #tpu.memory_space<vmem>>, vector<100x1x128xf32>
      %get3A_428 = vector.shape_cast %get3A_427 : vector<100x1x128xf32> to vector<100x128xf32>
      %add3A_429 = arith.addf %add3A_423, %get3A_428 : vector<100x128xf32>
      %get3A_430 = arith.constant 0 : index
      %get3A_431 = arith.constant 34 : index
      %get3A_432 = arith.constant 0 : index
      %get3A_433 = vector.load %arg4[%get3A_430, %get3A_431, %get3A_432] : memref<100x50x128xf32, #tpu.memory_space<vmem>>, vector<100x1x128xf32>
      %get3A_434 = vector.shape_cast %get3A_433 : vector<100x1x128xf32> to vector<100x128xf32>
      %add3A_435 = arith.addf %add3A_429, %get3A_434 : vector<100x128xf32>
      %get3A_436 = arith.constant 0 : index
      %get3A_437 = arith.constant 35 : index
      %get3A_438 = arith.constant 0 : index
      %get3A_439 = vector.load %arg4[%get3A_436, %get3A_437, %get3A_438] : memref<100x50x128xf32, #tpu.memory_space<vmem>>, vector<100x1x128xf32>
      %get3A_440 = vector.shape_cast %get3A_439 : vector<100x1x128xf32> to vector<100x128xf32>
      %add3A_441 = arith.addf %add3A_435, %get3A_440 : vector<100x128xf32>
      %get3A_442 = arith.constant 0 : index
      %get3A_443 = arith.constant 36 : index
      %get3A_444 = arith.constant 0 : index
      %get3A_445 = vector.load %arg4[%get3A_442, %get3A_443, %get3A_444] : memref<100x50x128xf32, #tpu.memory_space<vmem>>, vector<100x1x128xf32>
      %get3A_446 = vector.shape_cast %get3A_445 : vector<100x1x128xf32> to vector<100x128xf32>
      %add3A_447 = arith.addf %add3A_441, %get3A_446 : vector<100x128xf32>
      %get3A_448 = arith.constant 0 : index
      %get3A_449 = arith.constant 37 : index
      %get3A_450 = arith.constant 0 : index
      %get3A_451 = vector.load %arg4[%get3A_448, %get3A_449, %get3A_450] : memref<100x50x128xf32, #tpu.memory_space<vmem>>, vector<100x1x128xf32>
      %get3A_452 = vector.shape_cast %get3A_451 : vector<100x1x128xf32> to vector<100x128xf32>
      %add3A_453 = arith.addf %add3A_447, %get3A_452 : vector<100x128xf32>
      %get3A_454 = arith.constant 0 : index
      %get3A_455 = arith.constant 38 : index
      %get3A_456 = arith.constant 0 : index
      %get3A_457 = vector.load %arg4[%get3A_454, %get3A_455, %get3A_456] : memref<100x50x128xf32, #tpu.memory_space<vmem>>, vector<100x1x128xf32>
      %get3A_458 = vector.shape_cast %get3A_457 : vector<100x1x128xf32> to vector<100x128xf32>
      %add3A_459 = arith.addf %add3A_453, %get3A_458 : vector<100x128xf32>
      %get3A_460 = arith.constant 0 : index
      %get3A_461 = arith.constant 39 : index
      %get3A_462 = arith.constant 0 : index
      %get3A_463 = vector.load %arg4[%get3A_460, %get3A_461, %get3A_462] : memref<100x50x128xf32, #tpu.memory_space<vmem>>, vector<100x1x128xf32>
      %get3A_464 = vector.shape_cast %get3A_463 : vector<100x1x128xf32> to vector<100x128xf32>
      %add3A_465 = arith.addf %add3A_459, %get3A_464 : vector<100x128xf32>
      %get3A_466 = arith.constant 0 : index
      %get3A_467 = arith.constant 40 : index
      %get3A_468 = arith.constant 0 : index
      %get3A_469 = vector.load %arg4[%get3A_466, %get3A_467, %get3A_468] : memref<100x50x128xf32, #tpu.memory_space<vmem>>, vector<100x1x128xf32>
      %get3A_470 = vector.shape_cast %get3A_469 : vector<100x1x128xf32> to vector<100x128xf32>
      %add3A_471 = arith.addf %add3A_465, %get3A_470 : vector<100x128xf32>
      %get3A_472 = arith.constant 0 : index
      %get3A_473 = arith.constant 41 : index
      %get3A_474 = arith.constant 0 : index
      %get3A_475 = vector.load %arg4[%get3A_472, %get3A_473, %get3A_474] : memref<100x50x128xf32, #tpu.memory_space<vmem>>, vector<100x1x128xf32>
      %get3A_476 = vector.shape_cast %get3A_475 : vector<100x1x128xf32> to vector<100x128xf32>
      %add3A_477 = arith.addf %add3A_471, %get3A_476 : vector<100x128xf32>
      %get3A_478 = arith.constant 0 : index
      %get3A_479 = arith.constant 42 : index
      %get3A_480 = arith.constant 0 : index
      %get3A_481 = vector.load %arg4[%get3A_478, %get3A_479, %get3A_480] : memref<100x50x128xf32, #tpu.memory_space<vmem>>, vector<100x1x128xf32>
      %get3A_482 = vector.shape_cast %get3A_481 : vector<100x1x128xf32> to vector<100x128xf32>
      %add3A_483 = arith.addf %add3A_477, %get3A_482 : vector<100x128xf32>
      %get3A_484 = arith.constant 0 : index
      %get3A_485 = arith.constant 43 : index
      %get3A_486 = arith.constant 0 : index
      %get3A_487 = vector.load %arg4[%get3A_484, %get3A_485, %get3A_486] : memref<100x50x128xf32, #tpu.memory_space<vmem>>, vector<100x1x128xf32>
      %get3A_488 = vector.shape_cast %get3A_487 : vector<100x1x128xf32> to vector<100x128xf32>
      %add3A_489 = arith.addf %add3A_483, %get3A_488 : vector<100x128xf32>
      %get3A_490 = arith.constant 0 : index
      %get3A_491 = arith.constant 44 : index
      %get3A_492 = arith.constant 0 : index
      %get3A_493 = vector.load %arg4[%get3A_490, %get3A_491, %get3A_492] : memref<100x50x128xf32, #tpu.memory_space<vmem>>, vector<100x1x128xf32>
      %get3A_494 = vector.shape_cast %get3A_493 : vector<100x1x128xf32> to vector<100x128xf32>
      %add3A_495 = arith.addf %add3A_489, %get3A_494 : vector<100x128xf32>
      %get3A_496 = arith.constant 0 : index
      %get3A_497 = arith.constant 45 : index
      %get3A_498 = arith.constant 0 : index
      %get3A_499 = vector.load %arg4[%get3A_496, %get3A_497, %get3A_498] : memref<100x50x128xf32, #tpu.memory_space<vmem>>, vector<100x1x128xf32>
      %get3A_500 = vector.shape_cast %get3A_499 : vector<100x1x128xf32> to vector<100x128xf32>
      %add3A_501 = arith.addf %add3A_495, %get3A_500 : vector<100x128xf32>
      %get3A_502 = arith.constant 0 : index
      %get3A_503 = arith.constant 46 : index
      %get3A_504 = arith.constant 0 : index
      %get3A_505 = vector.load %arg4[%get3A_502, %get3A_503, %get3A_504] : memref<100x50x128xf32, #tpu.memory_space<vmem>>, vector<100x1x128xf32>
      %get3A_506 = vector.shape_cast %get3A_505 : vector<100x1x128xf32> to vector<100x128xf32>
      %add3A_507 = arith.addf %add3A_501, %get3A_506 : vector<100x128xf32>
      %get3A_508 = arith.constant 0 : index
      %get3A_509 = arith.constant 47 : index
      %get3A_510 = arith.constant 0 : index
      %get3A_511 = vector.load %arg4[%get3A_508, %get3A_509, %get3A_510] : memref<100x50x128xf32, #tpu.memory_space<vmem>>, vector<100x1x128xf32>
      %get3A_512 = vector.shape_cast %get3A_511 : vector<100x1x128xf32> to vector<100x128xf32>
      %add3A_513 = arith.addf %add3A_507, %get3A_512 : vector<100x128xf32>
      %get3A_514 = arith.constant 0 : index
      %get3A_515 = arith.constant 48 : index
      %get3A_516 = arith.constant 0 : index
      %get3A_517 = vector.load %arg4[%get3A_514, %get3A_515, %get3A_516] : memref<100x50x128xf32, #tpu.memory_space<vmem>>, vector<100x1x128xf32>
      %get3A_518 = vector.shape_cast %get3A_517 : vector<100x1x128xf32> to vector<100x128xf32>
      %add3A_519 = arith.addf %add3A_513, %get3A_518 : vector<100x128xf32>
      %get3A_520 = arith.constant 0 : index
      %get3A_521 = arith.constant 49 : index
      %get3A_522 = arith.constant 0 : index
      %get3A_523 = vector.load %arg4[%get3A_520, %get3A_521, %get3A_522] : memref<100x50x128xf32, #tpu.memory_space<vmem>>, vector<100x1x128xf32>
      %get3A_524 = vector.shape_cast %get3A_523 : vector<100x1x128xf32> to vector<100x128xf32>
      %add3A_525 = arith.addf %add3A_519, %get3A_524 : vector<100x128xf32>
      %mul3A_526 = arith.constant 2.000000e-02 : f32
      %mul3A_527 = vector.broadcast %mul3A_526 : f32 to vector<100x128xf32>
      %mul3A_528 = arith.mulf %add3A_525, %mul3A_527 : vector<100x128xf32>
      %mul3A_529 = arith.mulf %get3A_27, %get3A_27 : vector<128x8xf32>
      %reduce_sum3A_530 = arith.constant dense<0.000000e+00> : vector<8xf32>
      %reduce_sum3A_531 = vector.multi_reduction <add>, %mul3A_529, %reduce_sum3A_530 [0] : vector<128x8xf32> to vector<8xf32>
      %broadcast_in_dim3A_532 = vector.shape_cast %reduce_sum3A_531 : vector<8xf32> to vector<1x8xf32>
      %sqrt3A = math.sqrt %broadcast_in_dim3A_532 : vector<1x8xf32>
      %max3A = arith.constant 9.99999996E-13 : f32
      %max3A_533 = vector.broadcast %max3A : f32 to vector<1x8xf32>
      %max3A_534 = arith.maximumf %sqrt3A, %max3A_533 : vector<1x8xf32>
      %div3A_535 = vector.broadcast %max3A_534 : vector<1x8xf32> to vector<128x8xf32>
      %div3A_536 = arith.divf %get3A_27, %div3A_535 : vector<128x8xf32>
      %dot_general3A_537 = arith.constant dense<0.000000e+00> : vector<100x8xf32>
      %dot_general3A_538 = tpu.matmul %mul3A_528, %div3A_536, %dot_general3A_537 {dimension_numbers = #tpu.dot_dimension_numbers<[1], [0], [0], [1], [0, 0, 1, 1], [], []>, precision = #tpu.contract_precision<fp32>, transpose_lhs_hint = false} : vector<100x128xf32>, vector<128x8xf32>, vector<100x8xf32> -> vector<100x8xf32>
      %abs3A = math.absf %dot_general3A_538 : vector<100x8xf32>
      %mul3A_539 = arith.mulf %abs3A, %abs3A : vector<100x8xf32>
      %reduce_sum3A_540 = arith.constant dense<0.000000e+00> : vector<8xf32>
      %reduce_sum3A_541 = vector.multi_reduction <add>, %mul3A_539, %reduce_sum3A_540 [0] : vector<100x8xf32> to vector<8xf32>
      %broadcast_in_dim3A_542 = vector.shape_cast %reduce_sum3A_541 : vector<8xf32> to vector<1x8xf32>
      %sqrt3A_543 = math.sqrt %broadcast_in_dim3A_542 : vector<1x8xf32>
      %max3A_544 = arith.constant 9.99999996E-13 : f32
      %max3A_545 = vector.broadcast %max3A_544 : f32 to vector<1x8xf32>
      %max3A_546 = arith.maximumf %sqrt3A_543, %max3A_545 : vector<1x8xf32>
      %div3A_547 = vector.broadcast %max3A_546 : vector<1x8xf32> to vector<100x8xf32>
      %div3A_548 = arith.divf %abs3A, %div3A_547 : vector<100x8xf32>
      %reduce_sum3A_549 = vector.shape_cast %div3A_548 : vector<100x8xf32> to vector<1x100x8xf32>
      %reduce_sum3A_550 = arith.constant dense<0.000000e+00> : vector<1xf32>
      %reduce_sum3A_551 = vector.multi_reduction <add>, %reduce_sum3A_549, %reduce_sum3A_550 [1, 2] : vector<1x100x8xf32> to vector<1xf32>
      %reduce_sum3A_552 = vector.shape_cast %reduce_sum3A_551 : vector<1xf32> to vector<1x1x1xf32>
      %reduce_sum3A_553 = vector.extract %reduce_sum3A_552[0, 0, 0] : f32 from vector<1x1x1xf32>
      %dot_general3A_554 = arith.constant dense<0.000000e+00> : vector<8x8xf32>
      %dot_general3A_555 = tpu.matmul %div3A_548, %div3A_548, %dot_general3A_554 {dimension_numbers = #tpu.dot_dimension_numbers<[0], [0], [1], [1], [0, 1, 1, 1], [], []>, precision = #tpu.contract_precision<fp32>, transpose_lhs_hint = false} : vector<100x8xf32>, vector<100x8xf32>, vector<8x8xf32> -> vector<8x8xf32>
      %iota3A_556 = tpu.iota {dimensions = array<i32: 0>} : vector<8x8xi32>
      %iota3A_557 = tpu.iota {dimensions = array<i32: 1>} : vector<8x8xi32>
      %eq3A_558 = arith.cmpi eq, %iota3A_556, %iota3A_557 : vector<8x8xi32>
      %jit3A_559 = arith.constant 0.000000e+00 : f32
      %broadcast_in_dim3A_560 = vector.broadcast %jit3A_559 : f32 to vector<8x8xf32>
      %select_n3A_561 = arith.select %eq3A_558, %broadcast_in_dim3A_560, %dot_general3A_555 : vector<8x8xi1>, vector<8x8xf32>
      %reduce_sum3A_562 = vector.shape_cast %select_n3A_561 : vector<8x8xf32> to vector<1x8x8xf32>
      %reduce_sum3A_563 = arith.constant dense<0.000000e+00> : vector<1xf32>
      %reduce_sum3A_564 = vector.multi_reduction <add>, %reduce_sum3A_562, %reduce_sum3A_563 [1, 2] : vector<1x8x8xf32> to vector<1xf32>
      %reduce_sum3A_565 = vector.shape_cast %reduce_sum3A_564 : vector<1xf32> to vector<1x1x1xf32>
      %reduce_sum3A_566 = vector.extract %reduce_sum3A_565[0, 0, 0] : f32 from vector<1x1x1xf32>
      %eq3A_567 = arith.cmpi eq, %iota3A_556, %iota3A_557 : vector<8x8xi32>
      %jit3A_568 = arith.constant 0.000000e+00 : f32
      %broadcast_in_dim3A_569 = vector.broadcast %jit3A_568 : f32 to vector<8x8xf32>
      %select_n3A_570 = arith.select %eq3A_567, %broadcast_in_dim3A_569, %dot_general3A_29 : vector<8x8xi1>, vector<8x8xf32>
      %reduce_sum3A_571 = vector.shape_cast %select_n3A_570 : vector<8x8xf32> to vector<1x8x8xf32>
      %reduce_sum3A_572 = arith.constant dense<0.000000e+00> : vector<1xf32>
      %reduce_sum3A_573 = vector.multi_reduction <add>, %reduce_sum3A_571, %reduce_sum3A_572 [1, 2] : vector<1x8x8xf32> to vector<1xf32>
      %reduce_sum3A_574 = vector.shape_cast %reduce_sum3A_573 : vector<1xf32> to vector<1x1x1xf32>
      %reduce_sum3A_575 = vector.extract %reduce_sum3A_574[0, 0, 0] : f32 from vector<1x1x1xf32>
      %mul3A_576 = arith.constant 1.562500e-02 : f32
      %mul3A_577 = arith.mulf %reduce_sum3A_575, %mul3A_576 : f32
      %broadcast_in_dim3A_578 = vector.broadcast %reduce_sum3A_553 : f32 to vector<1x1xf32>
      %broadcast_in_dim3A_579 = vector.broadcast %reduce_sum3A_566 : f32 to vector<1x1xf32>
      %broadcast_in_dim3A_580 = vector.broadcast %mul3A_577 : f32 to vector<1x1xf32>
      %broadcast_in_dim3A_581 = arith.constant 0.000000e+00 : f32
      %broadcast_in_dim3A_582 = vector.broadcast %broadcast_in_dim3A_581 : f32 to vector<1x5xf32>
      %concatenate3A_583 = tpu.concatenate %broadcast_in_dim3A_578, %broadcast_in_dim3A_579, %broadcast_in_dim3A_580, %broadcast_in_dim3A_582 in 1 : vector<1x1xf32>, vector<1x1xf32>, vector<1x1xf32>, vector<1x5xf32> -> vector<1x8xf32>
      %swap3A_584 = arith.constant 0 : index
      %swap3A_585 = arith.constant 0 : index
      %swap3A_586 = vector.load %arg10[%swap3A_584, %swap3A_585] : memref<1x8xf32, #tpu.memory_space<vmem>>, vector<1x8xf32>
      tpu.vector_store %arg10[%swap3A_584, %swap3A_585], %concatenate3A_583 {strides = array<i32>} : memref<1x8xf32, #tpu.memory_space<vmem>>, vector<1x8xf32>,
    } else {
    }
    return
  }
  func.func @transform_0(%arg0: i32) -> (i32, i32) {
    %c0_i32 = arith.constant 0 : i32
    %c0_i32_0 = arith.constant 0 : i32
    return %arg0, %c0_i32 : i32, i32
  }
  func.func @transform_1(%arg0: i32) -> (i32, i32) {
    %c0_i32 = arith.constant 0 : i32
    %c0_i32_0 = arith.constant 0 : i32
    %c0_i32_1 = arith.constant 0 : i32
    return %c0_i32, %c0_i32_0 : i32, i32
  }
  func.func @transform_2(%arg0: i32) -> (i32, i32) {
    %c0_i32 = arith.constant 0 : i32
    %c0_i32_0 = arith.constant 0 : i32
    %c0_i32_1 = arith.constant 0 : i32
    return %c0_i32, %c0_i32_0 : i32, i32
  }
  func.func @transform_3(%arg0: i32) -> (i32, i32, i32) {
    %c0_i32 = arith.constant 0 : i32
    %c0_i32_0 = arith.constant 0 : i32
    %c0_i32_1 = arith.constant 0 : i32
    %c0_i32_2 = arith.constant 0 : i32
    return %c0_i32, %c0_i32_0, %c0_i32_1 : i32, i32, i32
  }
  func.func @transform_4(%arg0: i32) -> (i32, i32) {
    %c0_i32 = arith.constant 0 : i32
    %c0_i32_0 = arith.constant 0 : i32
    %c0_i32_1 = arith.constant 0 : i32
    return %c0_i32, %c0_i32_0 : i32, i32
  }
  func.func @transform_5(%arg0: i32) -> (i32, i32) {
    %c0_i32 = arith.constant 0 : i32
    %c0_i32_0 = arith.constant 0 : i32
    %c0_i32_1 = arith.constant 0 : i32
    return %c0_i32, %c0_i32_0 : i32, i32
  }
  func.func @transform_6(%arg0: i32) -> (i32, i32) {
    %c0_i32 = arith.constant 0 : i32
    %c0_i32_0 = arith.constant 0 : i32
    return %c0_i32, %arg0 : i32, i32
  }
  func.func @transform_7(%arg0: i32) -> (i32, i32) {
    %c0_i32 = arith.constant 0 : i32
    %c0_i32_0 = arith.constant 0 : i32
    return %c0_i32, %arg0 : i32, i32
  }
  func.func @transform_8(%arg0: i32) -> (i32, i32) {
    %c0_i32 = arith.constant 0 : i32
    %c0_i32_0 = arith.constant 0 : i32
    %c0_i32_1 = arith.constant 0 : i32
    return %c0_i32, %c0_i32_0 : i32, i32
  }
  func.func @transform_9(%arg0: i32) -> (i32, i32) {
    %c0_i32 = arith.constant 0 : i32
    %c0_i32_0 = arith.constant 0 : i32
    %c0_i32_1 = arith.constant 0 : i32
    return %c0_i32, %c0_i32_0 : i32, i32
  }
}

</mosaic_0001>

<sc_bundles>
// kernel: kernel.4.cloned.1.call-start
scs
__scs_entry_jumppad:
0x0: {  	(pc) =	sbr.rel $0x88, $3  }
0x1: {  	(tag) =	ssettag $0x0;
	lr =	simm.s32 $0x1  }
0x2: {  	[smem:$0x3F9B] =	sst lr;
	_ =	strace $0xD0000000  }
0x3: {  	_ = 	snop  }
0x4: {  	_ = 	snop  }
0x5: {  	_ = 	snop  }
0x6: {  	_ = 	snop  }
0x7: {  	_ = 	snop  }
__scs_overlays_trampoline_lowered:
0x8: {  	[smem:$0x3FAA] =	sst s0  }
0x9: {  	[smem:$0x3FAB] =	sst s1  }
0xa: {  	[smem:$0x3FAC] =	sst s2  }
0xb: {  	[smem:$0x3FAD] =	sst s3  }
0xc: {  	[smem:$0x3FAE] =	sst s4  }
0xd: {  	[smem:$0x3FAF] =	sst s5  }
0xe: {  	[smem:$0x3FB0] =	sst s6  }
0xf: {  	[smem:$0x3FB1] =	sst s7  }
0x10: {  	[smem:$0x3FB2] =	sst s8  }
0x11: {  	[smem:$0x3FB3] =	sst s9;
	s0 =	simm.s32 @!p0 $0x0  }
0x12: {  	s1 =	sld [smem:$0x3F99];
	s0 =	simm.s32 @p0 $0x1  }
0x13: {  	[smem:$0x3FB4] =	sst s0;
	s0 =	simm.s32 @!p1 $0x0  }
0x14: {  	s2 =	sld [smem:$0x3F98];
	s0 =	simm.s32 @p1 $0x1  }
0x15: {  	[smem:$0x3FB5] =	sst s0;
	s0 =	simm.s32 @!p2 $0x0  }
0x16: {  	s3 =	sld [smem:$0x3FDB];
	s0 =	simm.s32 @p2 $0x1  }
0x17: {  	s4 =	simm.s32 $0x1BF5;
	[smem:$0x3FB7] =	sst s0  }
0x18: {  	s0 =	sld [smem:$0x3F9A];
	_ =	swait.ge [sflag:s4], $0x0  }
0x19: {  	s7 =	sld [smem:$0x3F9B]  }
0x1a: {  	s8 =	sadd.s32 $0xFFFFE003, lr  }
0x1b: {  	s9 =	sadd.s32 $0xFFFFFEF7, lr;
	s5 =	simm.s32 $0xFFFFFFFF;
	p2 =	slt.u32 s8, $0xFFFFF086  }
0x1c: {  	p1 =	slt.u32 s9, $0xF7A;
	s5 =	simm.s32 @!p2 $0x0  }
0x1d: {  	s5 =	simm.s32 @p1 $0x1;
	p0 =	seq.s32 s7, s2  }
0x1e: {  	s7 =	smul.u32 @!p0 $0xF7A, s2;
	p2 =	seq.s32 @!p0 s5, $0x0  }
0x1f: {  	s9 =	smul.u32 $0xF7A, s1;
	s8 =	simm.s32 @!p0 $0x1BF5;
	p2 =	por !p2, p0  }
0x20: {  	[sflag:s8] =	ssyncset.s32 @!p0 $0xFFFFF086;
	s6 =	sadd.s32 @!p0 s3, s7;
	s7 =	simm.s32 @!p0 $0x108  }
0x21: {  	s3 =	sadd.s32 s3, s9;
	s6 =	sadd.s32 @!p0 $0x88, s6;
	s7 =	simm.s32 @p2 $0x1082  }
0x22: {  	[simem:s7], [sflag:s8] =	dma.local @!p0 [hbm:s6], $0xF7A  }
0x23: {  	s9 =	sor.u32 $0xD0000000, s2;
	s6 =	simm.s32 $0x108;
	_ =	swait.ge @!p0 [sflag:s8], $0x0  }
0x24: {  	s3 =	sadd.s32 $0x88, s3;
	s6 =	simm.s32 @!p1 $0x1082;
	[sflag:s4] =	ssyncset.s32 $0xFFFFF086  }
0x25: {  	[simem:s6], [sflag:s4] =	dma.local [hbm:s3], $0xF7A  }
0x26: {  	[smem:$0x3F9B] =	sst s1;
	(tag) =	ssettag s2;
	_ =	strace s9  }
0x27: {  	s1 =	sld [smem:$0x3FAB]  }
0x28: {  	s2 =	sld [smem:$0x3FAC]  }
0x29: {  	s4 =	sld [smem:$0x3FAE]  }
0x2a: {  	p0 =	seq.s32 s5, $0x0;
	s5 =	sld [smem:$0x3FAF]  }
0x2b: {  	s6 =	sld [smem:$0x3FB0]  }
0x2c: {  	s7 =	sld [smem:$0x3FB1]  }
0x2d: {  	s3 =	simm.s32 $0x108;
	s8 =	sld [smem:$0x3FB2]  }
0x2e: {  	s3 =	simm.s32 @!p0 $0x1082;
	s9 =	sld [smem:$0x3FB3]  }
0x2f: {  	lr =	sadd.s32 s0, s3;
	s0 =	sld [smem:$0x3FAA]  }
0x30: {  	s3 =	sld [smem:$0x3FAD]  }
0x31: {  	[smem:$0x3FB6] =	sst s10  }
0x32: {  	s10 =	sld [smem:$0x3FB4];
	_ =	sdelay $0x3  }
0x33: {  	p0 =	seq.s32 s10, $0x1;
	s10 =	sld [smem:$0x3FB6];
	_ =	sdelay $0x3  }
0x34: {  	[smem:$0x3FB6] =	sst s10  }
0x35: {  	s10 =	sld [smem:$0x3FB5];
	_ =	sdelay $0x3  }
0x36: {  	p1 =	seq.s32 s10, $0x1;
	s10 =	sld [smem:$0x3FB6];
	_ =	sdelay $0x3  }
0x37: {  	[smem:$0x3FB6] =	sst s10  }
0x38: {  	s10 =	sld [smem:$0x3FB7]  }
0x39: {  	_ = 	snop;
	(pc) =	sbr.ind lr, $3  }
0x3a: {  	_ = 	snop  }
0x3b: {  	_ = 	snop  }
0x3c: {  	p2 =	seq.s32 s10, $0x1;
	s10 =	sld [smem:$0x3FB6]  }
0x3d: {  	_ =	shalt  }
0x3e: {  	_ =	shalt  }
0x3f: {  	_ =	shalt  }
0x40: {  	_ =	shalt  }
0x41: {  	_ =	shalt  }
0x42: {  	_ =	shalt  }
0x43: {  	_ =	shalt  }
0x44: {  	_ =	shalt  }
0x45: {  	_ =	shalt  }
0x46: {  	_ =	shalt  }
0x47: {  	_ =	shalt  }
0x48: {  	_ =	shalt  }
0x49: {  	_ =	shalt  }
0x4a: {  	_ =	shalt  }
0x4b: {  	_ =	shalt  }
0x4c: {  	_ =	shalt  }
0x4d: {  	_ =	shalt  }
0x4e: {  	_ =	shalt  }
0x4f: {  	_ =	shalt  }
0x50: {  	_ =	shalt  }
0x51: {  	_ =	shalt  }
0x52: {  	_ =	shalt  }
0x53: {  	_ =	shalt  }
0x54: {  	_ =	shalt  }
0x55: {  	_ =	shalt  }
0x56: {  	_ =	shalt  }
0x57: {  	_ =	shalt  }
0x58: {  	_ =	shalt  }
0x59: {  	_ =	shalt  }
0x5a: {  	_ =	shalt  }
0x5b: {  	_ =	shalt  }
0x5c: {  	_ =	shalt  }
0x5d: {  	_ =	shalt  }
0x5e: {  	_ =	shalt  }
0x5f: {  	_ =	shalt  }
0x60: {  	_ =	shalt  }
0x61: {  	_ =	shalt  }
0x62: {  	_ =	shalt  }
0x63: {  	_ =	shalt  }
0x64: {  	_ =	shalt  }
0x65: {  	_ =	shalt  }
0x66: {  	_ =	shalt  }
0x67: {  	_ =	shalt  }
0x68: {  	_ =	shalt  }
0x69: {  	_ =	shalt  }
0x6a: {  	_ =	shalt  }
0x6b: {  	_ =	shalt  }
0x6c: {  	_ =	shalt  }
0x6d: {  	_ =	shalt  }
0x6e: {  	_ =	shalt  }
0x6f: {  	_ =	shalt  }
0x70: {  	_ =	shalt  }
0x71: {  	_ =	shalt  }
0x72: {  	_ =	shalt  }
0x73: {  	_ =	shalt  }
0x74: {  	_ =	shalt  }
0x75: {  	_ =	shalt  }
0x76: {  	_ =	shalt  }
0x77: {  	_ =	shalt  }
0x78: {  	_ =	shalt  }
0x79: {  	_ =	shalt  }
0x7a: {  	_ =	shalt  }
0x7b: {  	_ =	shalt  }
0x7c: {  	_ =	shalt  }
0x7d: {  	_ =	shalt  }
0x7e: {  	_ =	shalt  }
0x7f: {  	_ =	shalt  }
0x80: {  	_ =	shalt  }
0x81: {  	_ =	shalt  }
0x82: {  	_ =	shalt  }
0x83: {  	_ =	shalt  }
0x84: {  	_ =	shalt  }
0x85: {  	_ =	shalt  }
0x86: {  	_ =	shalt  }
0x87: {  	_ =	shalt  }
.Lfunc_end0:
.L_simem_size_0:
called_computation_lowered:
.L_overlay_start_0:
0x88: {  	s2 =	sld [smem:$0x3FD9]  }
0x89: {  	s3 =	sld [smem:$0x3FFE];
	_ =	sdelay $0x1  }
0x8a: {  	s1 =	srdreg.scid  }
0x8b: {  	s0 =	sand.u32 $0x1, s1  }
0x8c: {  	s16 =	sshll.u32 s0, $0xA;
	s2 =	sadd.s32 s3, s2  }
0x8d: {  	s2 =	sadd.s32 s2, s16  }
0x8e: {  	[smem:$0x3FC2] =	sst s2  }
0x8f: {  	_ = 	snop  }
0x90: {  	(tm) =	ssettm $0x1  }
0x91: {  	s17 =	sld [smem:$0x3FFB];
	_ =	sdelay $0x3  }
0x92: {  	_ =	strace s17  }
0x93: {  	s2 =	sld [smem:$0x3FFC];
	_ =	sdelay $0x3  }
0x94: {  	_ =	strace s2  }
0x95: {  	s2 =	sld [smem:$0x3FFD];
	_ =	sdelay $0x3  }
0x96: {  	_ =	strace s2  }
0x97: {  	_ =	strace $0x8FFFFFFF  }
0x98: {  	s18 =	sld [smem:$0x3FDB];
	_ =	sdelay $0x1  }
0x99: {  	s19 =	simm.s32 $_scs_section_size  }
0x9a: {  	s4 =	simm.s32 $_size__tile_overlayer_lowered;
	s5 =	simm.s32 $_tile_overlayer_lowered  }
0x9b: {  	s22 =	simm.s32 $0x1BFF;
	s21 =	sshll.u32 s5, $0x1;
	s2 =	sadd.s32 s19, s18  }
0x9c: {  	s6 =	simm.s32 $0x0;
	s20 =	sshll.u32 s4, $0x1;
	s4 =	sadd.s32 s21, s2  }
0x9d: {  	[timem:s6], [sflag:s22] =	dma.local [hbm:s4], s20  }
0x9e: {  	_ =	swait.ge [sflag:s22], s20  }
0x9f: {  	s3 =	ssub.s32 $0x0, s20;
	[sflag:s22] =	ssyncset.done $0x0  }
0xa0: {  	[sflag:s22] =	ssyncadd.s32 s3;
	_ =	sdelay $0x1  }
0xa1: {  	s23 =	simm.s32 $0x1B8B  }
0xa2: {  	_ =	swait.ge [sflag:s23], $0x1  }
0xa3: {  	[sflag:s23] =	ssyncset.done $0x0  }
0xa4: {  	s25 =	simm.s32 $0x1B8E;
	s24 =	sld [smem:$0x3FFE];
	[sflag:s23] =	ssyncadd.s32 $0xFFFFFFFF  }
0xa5: {  	s26 =	simm.s32 $execute0_lowered;
	[smem:$0x3FD2] =	sst s25  }
0xa6: {  	s4 =	sshll.u32 s26, $0x1;
	_ =	strace $0x80000046;
	[dreg:$0x1] =	wrdreg $0xFFFFFFFF  }
0xa7: {  	s28 =	simm.s32 $_size_execute0_lowered;
	s2 =	sadd.s32 s2, s4;
	[dreg:$0x0] =	wrdreg $0x0  }
0xa8: {  	s4 =	sshll.u32 s28, $0x1;
	[dreg:$0x2] =	wrdreg s2  }
0xa9: {  	[dreg:$0x3] =	wrdreg s4  }
0xaa: {  	[dreg:$0x4] =	wrdreg $0xC0  }
0xab: {  	_ =	task [dreg:s6], $0x5FFFF  }
0xac: {  	[dreg:$0x1] =	wrdreg $0xFFFFFFFF  }
0xad: {  	[dreg:$0x0] =	wrdreg $0x60  }
0xae: {  	[dreg:$0x2] =	wrdreg s24  }
0xaf: {  	[dreg:$0x3] =	wrdreg $0x9  }
0xb0: {  	_ =	task.clear_ibuf [dreg:s6], $0x4FFFF;
	_ =	strace $0x90000046  }
0xb1: {  	s29 =	simm.s32 $0x9;
	_ =	strace $0x80000048  }
0xb2: {  	_ =	swait.ge [sflag:s29], $0x1  }
0xb3: {  	[sflag:s29] =	ssyncadd.s32 $0xFFFFFFFF  }
0xb4: {  	_ =	strace $0x90000048  }
0xb5: {  	_ =	sfence  }
0xb6: {  	s30 =	sld [smem:$0x0];
	_ =	sdelay $0x2  }
0xb7: {  	s31 =	sshll.u32 s1, $0xD;
	s1 =	sshrl.u32 s1, $0x2  }
0xb8: {  	s3 =	sand.u32 $0x4000, s31;
	s1 =	sadd.s32 s1, s30  }
0xb9: {  	s0 =	sor.u32 s3, s0;
	s1 =	sshll.u32 s1, $0x11  }
0xba: {  	s0 =	sor.u32 s1, s0  }
0xbb: {  	s0 =	sadd.s32 $0x8F2B, s0  }
0xbc: {  	[sflag:s0] =	ssyncadd.remote.s32 $0x1  }
0xbd: {  	_ =	sfence.sel $0xFFFF  }
0xbe: {  	[dreg:$0x0] =	wrdreg $0xFFFFFFFF;
	(pc) =	sbr.abs _section_cstart, $3  }
0xbf: {  	[dreg:$0x1] =	wrdreg $0xFFFFFFFF  }
0xc0: {  	_ =	task.clear_ibuf [dreg:s6], $0x2FFFF;
	_ =	strace $0x9FFFFFFF  }
0xc1: {  	(tm) =	ssettm $0x7FFFFFFF  }
tec
execute0_lowered:
.L_overlay_start_1:
0x0: {  	(tag) =	ssettag $0x1  }
0x1: {  	s0 =	rddreg [dreg:$0x0]  }
0x2: {  	s21 =	stileid.u32;
	s1 =	srdreg.scid  }
0x3: {  	s2 =	simm.s32 $0x0;
	s20 =	simm.s32 $0x1;
	s22 =	simm.s32 $0x7C80  }
0x4: {  	s23 =	simm.s32 $0x7B00;
	s24 =	simm.s32 $0x7D00;
	s25 =	simm.s32 $0x7B80  }
0x5: {  	s28 =	simm.s32 $0x7C00;
	s29 =	simm.s32 $0x7E00;
	s3 =	smul.u32 $0xC400, s21  }
0x6: {  	s1 =	sand.u32 $0x1, s1;
	[smem:$0x7FF] =	sst s2;
	s4 =	smul.u32 $0x310, s21  }
0x7: {  	s6 =	sshll.u32 s21, $0x7;
	s16 =	sadd.s32 $0x1CA00, s0;
	s15 =	sshll.u32 s21, $0xB  }
0x8: {  	p0 =	sgt.u32 s21, $0x3;
	s5 =	sshll.u32 s1, $0x9;
	_ =	strace $0x80000047  }
0x9: {  	s30 =	ssub.s32 $0x2, s1;
	s1 =	sshll.u32 s1, $0xD;
	s3 =	sor.u32 s5, s3  }
0xa: {  	s4 =	sadd.s32 s4, s0;
	s5 =	sor.u32 s6, s5;
	s31 =	sshrl.u32 s30, $0x1  }
0xb: {  	s8 =	sor.u32 s1, s6;
	s1 =	sadd.s32 s15, s1;
	s3 =	sshrl.u32 s3, $0x3  }
0xc: {  	s26 =	sshrl.u32 s5, $0x3;
	s19 =	ssub.s32 s30, s31;
	s14 =	sshrl.u32 s8, $0x3  }
0xd: {  	s1 =	sshrl.u32 s1, $0x3;
	s7 =	sadd.s32 s3, s0;
	s18 =	sadd.s32 s26, s0  }
0xe: {  	s0 =	sadd.s32 $0x1D200, s0;
	s3 =	sadd.s32 $0x19800, s4;
	s8 =	sadd.s32 s16, s14  }
0xf: {  	s11 =	sor.u32 $0x100, s14;
	s13 =	sor.u32 $0x200, s14;
	s17 =	sor.u32 $0x300, s14  }
0x10: {  	s19 =	smax.u32 s19, $0x1;
	s26 =	simm.s32 $0x7D80;
	s4 =	sadd.s32 $0x1000, s7  }
.Ltmp0:
0x11: {  	s5 =	sadd.s32 $0x1010, s7;
	s6 =	sadd.s32 $0x1020, s7;
	(pc) =	sbr.rel .LBB2_1-.Ltmp0, $4  }
0x12: {  	v0 =	vlaneseq.u32;
	s7 =	sadd.s32 $0x1030, s7;
	s9 =	sadd.s32 s0, s14;
	s10 =	sadd.s32 s16, s11  }
0x13: {  	v0 =	vmul.u32 $0xFFFFFFFF, v0;
	s11 =	sadd.s32 s0, s11;
	s12 =	sadd.s32 s16, s13;
	s13 =	sadd.s32 s0, s13  }
0x14: {  	s14 =	sadd.s32 s16, s17;
	s15 =	sadd.s32 s0, s17;
	s16 =	sadd.s32 s16, s1  }
0x15: {  	v0 =	vadd.s32 $0xF, v0;
	s17 =	sadd.s32 s0, s1;
	s18 =	sadd.s32 $0x1DA00, s18;
	s1 =	simm.s32 $0x0  }
.LBB2_19:
0x16: {  	s1 =	sadd.s32 $0x1, s1  }
0x17: {  	p1 =	sne.s32 s1, s19  }
.Ltmp1:
0x18: {  	_ = 	snop;
	(pc) =	sbr.rel @!p1 .LBB2_20-.Ltmp1, $1  }
0x19: {  	_ =	sdelay $0x3  }
.LBB2_1:
0x1a: {  	[tilespmem:s2], [sflag:$0x1] =	stream.linear.gather [hbm4b:s3+s2], $0x1880, $0x38;
	[tilespmem:$0x8F00] =	vst v63  }
0x1b: {  	_ =	swait.ge [sflag:s20], $0x1880  }
0x1c: {  	s0 =	simm.s32 $0x1880;
	s21 =	simm.s32 $0x80;
	[sflag:s20] =	ssyncset.done $0x0  }
0x1d: {  	s31 =	sadd.s32 $0x0, s4;
	s30 =	simm.s32 $0x1A80;
	[sflag:s20] =	ssyncadd.s32 $0xFFFFE780  }
.LBB2_2:
0x1e: {  	[tilespmem:s0], [sflag:$0x1] =	stream.linear.gather [hbm4b:s31+s2], $0x80, $0x38;
	[tilespmem:$0x8F00] =	vst v63  }
0x1f: {  	s31 =	smov.u32 s21;
	s0 =	smov.u32 s30;
	p1 =	sne.s32 s21, $0x1800  }
.Ltmp2:
0x20: {  	s21 =	sadd.s32 $0x80, s21;
	(pc) =	sbr.rel @p1 .LBB2_2-.Ltmp2, $2  }
0x21: {  	_ =	sdelay $0x2  }
0x22: {  	s30 =	sadd.s32 $0x200, s30;
	s31 =	sadd.s32 s31, s4  }
0x23: {  	[tilespmem:s0], [sflag:$0x1] =	stream.linear.gather [hbm4b:s31+s2], $0x80, $0x38;
	[tilespmem:$0x8F00] =	vst v63  }
0x24: {  	_ =	swait.ge [sflag:s20], $0x1880  }
0x25: {  	s0 =	simm.s32 $0x1900;
	s21 =	simm.s32 $0x80;
	[sflag:s20] =	ssyncset.done $0x0  }
0x26: {  	s31 =	sadd.s32 $0x0, s5;
	s30 =	simm.s32 $0x1B00;
	[sflag:s20] =	ssyncadd.s32 $0xFFFFE780  }
.LBB2_4:
0x27: {  	[tilespmem:s0], [sflag:$0x1] =	stream.linear.gather [hbm4b:s31+s2], $0x80, $0x38;
	[tilespmem:$0x8F00] =	vst v63  }
0x28: {  	s31 =	smov.u32 s21;
	s0 =	smov.u32 s30;
	p1 =	sne.s32 s21, $0x1800  }
.Ltmp3:
0x29: {  	s21 =	sadd.s32 $0x80, s21;
	(pc) =	sbr.rel @p1 .LBB2_4-.Ltmp3, $2  }
0x2a: {  	_ =	sdelay $0x2  }
0x2b: {  	s30 =	sadd.s32 $0x200, s30;
	s31 =	sadd.s32 s31, s5  }
0x2c: {  	[tilespmem:s0], [sflag:$0x1] =	stream.linear.gather [hbm4b:s31+s2], $0x80, $0x38;
	[tilespmem:$0x8F00] =	vst v63  }
0x2d: {  	_ =	swait.ge [sflag:s20], $0x1880  }
0x2e: {  	s0 =	simm.s32 $0x1980;
	s21 =	simm.s32 $0x80;
	[sflag:s20] =	ssyncset.done $0x0  }
0x2f: {  	s31 =	sadd.s32 $0x0, s6;
	s30 =	simm.s32 $0x1B80;
	[sflag:s20] =	ssyncadd.s32 $0xFFFFE780  }
.LBB2_6:
0x30: {  	[tilespmem:s0], [sflag:$0x1] =	stream.linear.gather [hbm4b:s31+s2], $0x80, $0x38;
	[tilespmem:$0x8F00] =	vst v63  }
0x31: {  	s31 =	smov.u32 s21;
	s0 =	smov.u32 s30;
	p1 =	sne.s32 s21, $0x1800  }
.Ltmp4:
0x32: {  	s21 =	sadd.s32 $0x80, s21;
	(pc) =	sbr.rel @p1 .LBB2_6-.Ltmp4, $2  }
0x33: {  	_ =	sdelay $0x2  }
0x34: {  	s30 =	sadd.s32 $0x200, s30;
	s31 =	sadd.s32 s31, s6  }
0x35: {  	[tilespmem:s0], [sflag:$0x1] =	stream.linear.gather [hbm4b:s31+s2], $0x80, $0x38;
	[tilespmem:$0x8F00] =	vst v63  }
0x36: {  	_ =	swait.ge [sflag:s20], $0x1880  }
0x37: {  	s0 =	simm.s32 $0x1A00;
	s21 =	simm.s32 $0x80;
	[sflag:s20] =	ssyncset.done $0x0  }
0x38: {  	s31 =	sadd.s32 $0x0, s7;
	s30 =	simm.s32 $0x1C00;
	[sflag:s20] =	ssyncadd.s32 $0xFFFFE780  }
.LBB2_8:
0x39: {  	[tilespmem:s0], [sflag:$0x1] =	stream.linear.gather [hbm4b:s31+s2], $0x80, $0x38;
	[tilespmem:$0x8F00] =	vst v63  }
0x3a: {  	s31 =	smov.u32 s21;
	s0 =	smov.u32 s30;
	p1 =	sne.s32 s21, $0x1800  }
.Ltmp5:
0x3b: {  	s21 =	sadd.s32 $0x80, s21;
	(pc) =	sbr.rel @p1 .LBB2_8-.Ltmp5, $2  }
0x3c: {  	_ =	sdelay $0x2  }
0x3d: {  	s30 =	sadd.s32 $0x200, s30;
	s31 =	sadd.s32 s31, s7  }
0x3e: {  	[tilespmem:s0], [sflag:$0x1] =	stream.linear.gather [hbm4b:s31+s2], $0x80, $0x38;
	[tilespmem:$0x8F00] =	vst v63  }
0x3f: {  	_ =	swait.ge [sflag:s20], $0x1880  }
0x40: {  	[sflag:s20] =	ssyncset.done $0x0  }
0x41: {  	s0 =	simm.s32 $0x18C0;
	[sflag:s20] =	ssyncadd.s32 $0xFFFFE780  }
0x42: {  	v1 =	vld [tilespmem:s0+$0xFFFFFFC0]  }
0x43: {  	v2 =	vld [tilespmem:s0+$0xFFFFFFE0]  }
0x44: {  	v3 =	vld [tilespmem:s0+$0xFFFFFFD0]  }
0x45: {  	v4 =	vld [tilespmem:s0+$0x30]  }
0x46: {  	s21 =	simm.s32 $0x0;
	v5 =	vld [tilespmem:s0+$0x0]  }
0x47: {  	v6 =	vld [tilespmem:s21+$0x70]  }
0x48: {  	v7 =	vld [tilespmem:s21+$0x40]  }
0x49: {  	v9 =	vld [tilespmem:s0+$0x10]  }
0x4a: {  	v11 =	vld [tilespmem:s21+$0x10];
	v10 =	vadd.f32 v4, v4  }
0x4b: {  	v13 =	vld [tilespmem:s21+$0x50];
	v12 =	vadd.f32 v5, v5  }
0x4c: {  	v8 =	vld [tilespmem:s0+$0x20];
	v6 =	vsub.f32 v6, v10  }
0x4d: {  	v14 =	vadd.f32 v3, v3;
	v10 =	vld [tilespmem:s21+$0x20];
	v7 =	vsub.f32 v7, v12  }
0x4e: {  	v12 =	vld [tilespmem:s21+$0x0];
	(xrf1) =	vsort.ascd.msk.f32 $0xffff, v6, v4;
	v6 =	vadd.f32 v9, v9  }
0x4f: {  	v4 =	vld [tilespmem:s21+$0x60];
	(xrf1) =	vsort.ascd.msk.f32 $0xffff, v7, v5;
	v7 =	vsub.f32 v11, v14  }
0x50: {  	v6 =	vsub.f32 v13, v6;
	v13 =	vld [tilespmem:s0+$0xFFFFFFF0]  }
0x51: {  	v5 =	vadd.f32 v2, v2;
	s0 =	simm.s32 $0x1AC0;
	(xrf1) =	vsort.ascd.msk.f32 $0xffff, v7, v3;
	v3 =	vld [tilespmem:s21+$0x30]  }
0x52: {  	v11 =	vadd.f32 v1, v1;
	(xrf1) =	vsort.ascd.msk.f32 $0xffff, v6, v9;
	v6 =	vld [tilespmem:s0+$0xFFFFFFC0]  }
0x53: {  	v5 =	vsub.f32 v10, v5;
	s21 =	simm.s32 $0x80;
	v9 =	vld [tilespmem:s0+$0x0]  }
0x54: {  	v7 =	vsub.f32 v12, v11;
	v11 =	vld [tilespmem:s21+$0x10]  }
0x55: {  	v21 =	vld [tilespmem:s21+$0x40];
	(xrf1) =	vsort.ascd.msk.f32 $0xffff, v5, v2  }
0x56: {  	v14 =	vadd.f32 v8, v8;
	v32 =	vld [tilespmem:s21+$0x0];
	(xrf1) =	vsort.ascd.msk.f32 $0xffff, v7, v1  }
0x57: {  	v5 =	vld [tilespmem:s0+$0xFFFFFFE0]  }
0x58: {  	v4 =	vsub.f32 v4, v14;
	v1 =	vld [tilespmem:s0+$0xFFFFFFD0];
	v2 =	vadd.f32 v13, v13  }
0x59: {  	v7 =	vld [tilespmem:s0+$0x30]  }
0x5a: {  	(xrf1) =	vsort.ascd.msk.f32 $0xffff, v4, v8;
	v4 =	vld [tilespmem:s0+$0xFFFFFFF0];
	v2 =	vsub.f32 v3, v2  }
0x5b: {  	v8 =	vld [tilespmem:s0+$0x20]  }
0x5c: {  	v20 =	vld [tilespmem:s21+$0x70];
	v14 =	vadd.f32 v6, v6  }
0x5d: {  	v3 =	vld [tilespmem:s0+$0x10];
	v25 =	vadd.f32 v9, v9;
	v18 =	vadd.f32 v5, v5  }
0x5e: {  	v12 =	vimm.f32 $+Inf;
	v17 =	vld [tilespmem:s21+$0x60];
	(xrf1) =	vsort.ascd.msk.f32 $0xffff, v2, v13;
	v27 =	vadd.f32 v7, v7;
	v35 =	vadd.f32 v1, v1;
	v2, v10, _ =	vpop (xrf1)  }
0x5f: {  	v13 =	vimm.f32 $0.0e+00;
	v21 =	vsub.f32 v21, v25;
	v14 =	vsub.f32 v32, v14;
	v15, v16, _ =	vpop (xrf1)  }
0x60: {  	v19 =	vadd.f32 v8, v8;
	v29 =	vadd.f32 v4, v4;
	v15 =	vperm.xlane v15, v0  }
0x61: {  	v28 =	vld [tilespmem:s21+$0x30];
	v20 =	vsub.f32 v20, v27;
	v23 =	vperm.xlane v2, v0;
	v16 =	vperm.xlane v16, v0;
	v2, v24, _ =	vpop (xrf1)  }
0x62: {  	v26 =	vld [tilespmem:s21+$0x50];
	v11 =	vsub.f32 v11, v35;
	v22 =	vadd.f32 v3, v3;
	vm0 =	vle.f32 v12, v15;
	v30, v31, _ =	vpop (xrf1)  }
0x63: {  	v17 =	vsub.f32 v17, v19;
	v15 =	vsel vm0, v12, v15;
	v16 =	vsel vm0, v13, v16;
	v33, v34, _ =	vpop (xrf1)  }
0x64: {  	v36 =	vld [tilespmem:s21+$0x20];
	v10 =	vperm.xlane v10, v0;
	v27 =	vperm.xlane v31, v0;
	v31, v37, _ =	vpop (xrf1);
	(xrf1) =	vsort.ascd.msk.f32 $0xffff, v15, v16  }
0x65: {  	vm1 =	vle.f32 v12, v23;
	v30 =	vperm.xlane v30, v0;
	(xrf1) =	vsort.ascd.msk.f32 $0xffff, v20, v7  }
0x66: {  	v24 =	vperm.xlane v24, v0;
	v7 =	vsub.f32 v28, v29;
	(xrf1) =	vsort.ascd.msk.f32 $0xffff, v21, v9  }
0x67: {  	vm0 =	vle.f32 v12, v30;
	v9 =	vsub.f32 v26, v22;
	v21 =	vperm.xlane v31, v0  }
0x68: {  	v22 =	vperm.xlane v37, v0;
	v15, v16, _ =	vpop (xrf1);
	(xrf1) =	vsort.ascd.msk.f32 $0xffff, v11, v1;
	v1 =	vsel vm0, v12, v30  }
0x69: {  	v19 =	vperm.xlane v15, v0;
	v15 =	vsub.f32 v36, v18;
	v18 =	vsel vm0, v13, v27  }
0x6a: {  	v26 =	vperm.xlane v34, v0;
	v11 =	vperm.xlane v2, v0;
	(xrf1) =	vsort.ascd.msk.f32 $0xffff, v1, v18  }
0x6b: {  	s30 =	simm.s32 $0x1CC0;
	v16 =	vperm.xlane v16, v0;
	vm2 =	vle.f32 v12, v21;
	(xrf1) =	vsort.ascd.msk.f32 $0xffff, v9, v3  }
0x6c: {  	v20, v2, _ =	vpop (xrf1);
	v1 =	vld [tilespmem:s30+$0xFFFFFFE0];
	vm3 =	vle.f32 v12, v11;
	v18 =	vperm.xlane v33, v0;
	(xrf1) =	vsort.ascd.msk.f32 $0xffff, v15, v5  }
0x6d: {  	v25 =	vperm.xlane v2, v0;
	vm0 =	vle.f32 v12, v19;
	v2 =	vld [tilespmem:s30+$0xFFFFFFC0];
	(xrf1) =	vsort.ascd.msk.f32 $0xffff, v14, v6  }
0x6e: {  	v3 =	vld [tilespmem:s30+$0xFFFFFFF0];
	v6 =	vsel vm1, v12, v23;
	(xrf1) =	vsort.ascd.msk.f32 $0xffff, v17, v8;
	v8 =	vsel vm1, v13, v10  }
0x6f: {  	v9 =	vld [tilespmem:s30+$0x30];
	v19 =	vsel vm0, v12, v19;
	v16 =	vsel vm0, v13, v16;
	(xrf1) =	vsort.ascd.msk.f32 $0xffff, v6, v8  }
0x70: {  	s0 =	simm.s32 $0x100;
	v5 =	vld [tilespmem:s30+$0xFFFFFFD0];
	v14 =	vsel vm2, v12, v21;
	v10 =	vsel vm3, v12, v11;
	(xrf1) =	vsort.ascd.msk.f32 $0xffff, v7, v4  }
0x71: {  	v23 =	vld [tilespmem:s0+$0x70];
	v17 =	vperm.xlane v20, v0;
	v11 =	vsel vm3, v13, v24;
	v20 =	vsel vm2, v13, v22  }
0x72: {  	vm3 =	vle.f32 v12, v18;
	v8 =	vadd.f32 v1, v1;
	v4 =	vld [tilespmem:s30+$0x20];
	(xrf1) =	vsort.ascd.msk.f32 $0xffff, v10, v11;
	v29, v15, _ =	vpop (xrf1)  }
0x73: {  	v6 =	vld [tilespmem:s30+$0x10];
	v24 =	vsel vm3, v12, v18;
	vm1 =	vle.f32 v12, v17;
	v10, v31, _ =	vpop (xrf1);
	(xrf1) =	vsort.ascd.msk.f32 $0xffff, v14, v20  }
0x74: {  	v7 =	vadd.f32 v2, v2;
	v28 =	vadd.f32 v9, v9;
	v11 =	vld [tilespmem:s30+$0x0];
	v20, v22, _ =	vpop (xrf1);
	(xrf1) =	vsort.ascd.msk.f32 $0xffff, v19, v16  }
0x75: {  	v18 =	vld [tilespmem:s0+$0x60];
	v12 =	vsel vm1, v12, v17;
	v17 =	vsel vm1, v13, v25;
	v16 =	vsel vm3, v13, v26  }
0x76: {  	v25 =	vadd.f32 v3, v3;
	v14 =	vld [tilespmem:s0+$0x10];
	v63 =	vperm.xlane v20, v0;
	(xrf1) =	vsort.ascd.msk.f32 $0xffff, v24, v16  }
0x77: {  	v21 =	vadd.f32 v4, v4;
	v27 =	vperm.xlane v22, v0;
	v22 =	vld [tilespmem:s0+$0x40];
	v13, v30, _ =	vpop (xrf1);
	(xrf1) =	vsort.ascd.msk.f32 $0xffff, v12, v17  }
0x78: {  	v10 =	vperm.xlane v10, v0;
	v16 =	vadd.f32 v6, v6;
	v20 =	vld [tilespmem:s0+$0x50];
	vm0 =	vle.f32 v29, v63;
	v17, v19, _ =	vpop (xrf1)  }
0x79: {  	s31 =	simm.s32 $0x600;
	v26 =	vadd.f32 v11, v11;
	v24 =	vld [tilespmem:s0+$0x30];
	v12 =	vperm.xlane v31, v0;
	v29 =	vsel vm0, v29, v63;
	v32, v31, _ =	vpop (xrf1)  }
.LBB2_10:
0x7a: {  	p1 =	sne.s32 s31, $0x6000;
	v33 =	vld [tilespmem:s0+$0x0];
	v30 =	vperm.xlane v30, v0;
	v39 =	vsel vm0, v15, v27;
	v27 =	vperm.xlane v32, v0;
	v32, v34, _ =	vpop (xrf1);
	s21 =	smov.u32 s31;
	s31 =	sadd.s32 $0x200, s31  }
0x7b: {  	v35 =	vadd.f32 v5, v5;
	v36 =	vld [tilespmem:s0+$0x20];
	v23 =	vsub.f32 v23, v28;
	v28 =	vperm.xlane v31, v0;
	v31, v37, _ =	vpop (xrf1)  }
0x7c: {  	v18 =	vsub.f32 v18, v21;
	v38 =	vsub.f32 v22, v26;
	(xrf1) =	vsort.ascd.msk.f32 $0xffff, v29, v39;
	v26, v21, _ =	vpop (xrf1)  }
0x7d: {  	v14 =	vsub.f32 v14, v35;
	(xrf1) =	vsort.ascd.msk.f32 $0xffff, v23, v9;
	v23 =	vperm.xlane v26, v0;
	v9, v15, _ =	vpop (xrf1)  }
0x7e: {  	v24 =	vsub.f32 v24, v25;
	(xrf1) =	vsort.ascd.msk.f32 $0xffff, v38, v11;
	vm1 =	vle.f32 v9, v10;
	v11, v22, _ =	vpop (xrf1)  }
0x7f: {  	vm0 =	vle.f32 v17, v27;
	v16 =	vsub.f32 v20, v16;
	v20 =	vperm.xlane v21, v0  }
0x80: {  	v29 =	vsel vm0, v19, v28;
	v7 =	vsub.f32 v33, v7;
	v8 =	vsub.f32 v36, v8;
	v21, v25, _ =	vpop (xrf1)  }
0x81: {  	v13 =	vperm.xlane v13, v0;
	(xrf1) =	vsort.ascd.msk.f32 $0xffff, v14, v5;
	v5 =	vsel vm0, v17, v27;
	v14, v17, _ =	vpop (xrf1)  }
0x82: {  	v26 =	vperm.xlane v31, v0;
	v27 =	vperm.xlane v37, v0;
	(xrf1) =	vsort.ascd.msk.f32 $0xffff, v5, v29;
	v19, v28, _ =	vpop (xrf1)  }
0x83: {  	s30 =	sadd.s32 $0x200, s30;
	(xrf1) =	vsort.ascd.msk.f32 $0xffff, v16, v6;
	v16 =	vperm.xlane v22, v0;
	vm0 =	vle.f32 v19, v23  }
0x84: {  	vm2 =	vle.f32 v14, v26;
	v22 =	vperm.xlane v34, v0;
	v6 =	vld [tilespmem:s30+$0xFFFFFFC0];
	(xrf1) =	vsort.ascd.msk.f32 $0xffff, v8, v1;
	v29, v31, _ =	vpop (xrf1)  }
0x85: {  	vm3 =	vle.f32 v21, v13;
	v1 =	vld [tilespmem:s30+$0xFFFFFFE0];
	(xrf1) =	vsort.ascd.msk.f32 $0xffff, v7, v2;
	v2 =	vsel vm1, v9, v10;
	v10, v33, _ =	vpop (xrf1)  }
0x86: {  	v5 =	vld [tilespmem:s30+$0xFFFFFFD0];
	(xrf1) =	vsort.ascd.msk.f32 $0xffff, v18, v4;
	v18 =	vperm.xlane v11, v0;
	v4 =	vsel vm1, v15, v12  }
0x87: {  	v11 =	vsel vm3, v21, v13;
	v13 =	vperm.xlane v32, v0;
	v12 =	vld [tilespmem:s30+$0xFFFFFFF0];
	(xrf1) =	vsort.ascd.msk.f32 $0xffff, v2, v4  }
0x88: {  	v9 =	vld [tilespmem:s30+$0x30];
	(xrf1) =	vsort.ascd.msk.f32 $0xffff, v24, v3;
	v3 =	vsel vm2, v14, v26;
	vm1 =	vle.f32 v10, v18  }
0x89: {  	v14 =	vsel vm3, v25, v30;
	vm3 =	vle.f32 v29, v13;
	v7 =	vadd.f32 v6, v6;
	v4 =	vld [tilespmem:s30+$0x20];
	v2 =	vmovc v6  }
0x8a: {  	v21 =	vsel vm2, v17, v27;
	v8 =	vadd.f32 v1, v1;
	v6 =	vld [tilespmem:s30+$0x10];
	(xrf1) =	vsort.ascd.msk.f32 $0xffff, v11, v14;
	v32, v15, _ =	vpop (xrf1)  }
0x8b: {  	s0 =	sshra.s32 s21, $0x2;
	v19 =	vsel vm0, v19, v23;
	v20 =	vsel vm0, v28, v20;
	v11 =	vld [tilespmem:s30+$0x0];
	v24, v34, _ =	vpop (xrf1);
	(xrf1) =	vsort.ascd.msk.f32 $0xffff, v3, v21  }
0x8c: {  	v13 =	vsel vm3, v29, v13;
	v26 =	vsel vm1, v10, v18;
	v14 =	vld [tilespmem:s0+$0x10];
	v17, v25, _ =	vpop (xrf1);
	(xrf1) =	vsort.ascd.msk.f32 $0xffff, v19, v20;
	v3 =	vmov v12  }
.Ltmp6:
0x8d: {  	v10 =	vsel vm3, v31, v22;
	v18 =	vld [tilespmem:s0+$0x60];
	v29 =	vperm.xlane v17, v0;
	v17 =	vsel vm1, v33, v16;
	(pc) =	sbr.rel @p1 .LBB2_10-.Ltmp6, $4  }
0x8e: {  	v27 =	vperm.xlane v25, v0;
	v21 =	vadd.f32 v4, v4;
	v23 =	vld [tilespmem:s0+$0x70];
	(xrf1) =	vsort.ascd.msk.f32 $0xffff, v13, v10  }
0x8f: {  	v10 =	vperm.xlane v24, v0;
	v22 =	vld [tilespmem:s0+$0x40];
	v16 =	vadd.f32 v6, v6;
	v13, v30, _ =	vpop (xrf1);
	(xrf1) =	vsort.ascd.msk.f32 $0xffff, v26, v17  }
0x90: {  	v28 =	vadd.f32 v9, v9;
	vm0 =	vle.f32 v32, v29;
	v26 =	vadd.f32 v11, v11;
	v20 =	vld [tilespmem:s0+$0x50];
	v17, v19, _ =	vpop (xrf1)  }
0x91: {  	v25 =	vadd.f32 v12, v3;
	v12 =	vperm.xlane v34, v0;
	v29 =	vsel vm0, v32, v29;
	v24 =	vld [tilespmem:s0+$0x30];
	v32, v31, _ =	vpop (xrf1)  }
0x92: {  	_ = 	snop  }
0x93: {  	v23 =	vsub.f32 v23, v28  }
0x94: {  	v30 =	vperm.xlane v30, v0;
	v15 =	vsel vm0, v15, v27;
	v57, v33, _ =	vpop (xrf1);
	v34 =	vadd.f32 v5, v5;
	v28 =	vld [tilespmem:s0+$0x20]  }
0x95: {  	v27 =	vperm.xlane v32, v0;
	v31 =	vperm.xlane v31, v0;
	v18 =	vsub.f32 v18, v21;
	v35, v36, _ =	vpop (xrf1)  }
0x96: {  	(xrf1) =	vsort.ascd.msk.f32 $0xffff, v29, v15;
	v15 =	vld [tilespmem:s0+$0x0];
	v22 =	vsub.f32 v22, v26;
	v21, v26, _ =	vpop (xrf1);
	v14 =	vsub.f32 v14, v34  }
0x97: {  	vm1 =	vle.f32 v17, v27;
	(xrf1) =	vsort.ascd.msk.f32 $0xffff, v23, v9;
	v9 =	vperm.xlane v21, v0  }
0x98: {  	v19 =	vsel vm1, v19, v31;
	v24 =	vsub.f32 v24, v25;
	(xrf1) =	vsort.ascd.msk.f32 $0xffff, v22, v11;
	v21, v23, _ =	vpop (xrf1)  }
0x99: {  	v11 =	vsub.f32 v20, v16;
	v8 =	vsub.f32 v28, v8;
	vm0 =	vle.f32 v21, v10  }
0x9a: {  	v16, v20, _ =	vpop (xrf1);
	(xrf1) =	vsort.ascd.msk.f32 $0xffff, v14, v5;
	v5 =	vsel vm1, v17, v27;
	v14 =	vperm.xlane v26, v0  }
0x9b: {  	v17, v22, _ =	vpop (xrf1);
	(xrf1) =	vsort.ascd.msk.f32 $0xffff, v5, v19;
	v5 =	vsub.f32 v15, v7;
	v7 =	vperm.xlane v13, v0  }
0x9c: {  	v13, v15, _ =	vpop (xrf1);
	(xrf1) =	vsort.ascd.msk.f32 $0xffff, v11, v6;
	v6 =	vperm.xlane v35, v0;
	v11 =	vperm.xlane v36, v0  }
0x9d: {  	v19, v25, _ =	vpop (xrf1);
	(xrf1) =	vsort.ascd.msk.f32 $0xffff, v8, v1;
	vm2 =	vle.f32 v17, v7;
	v1 =	vsel vm0, v21, v10  }
0x9e: {  	vm1 =	vle.f32 v19, v9;
	(xrf1) =	vsort.ascd.msk.f32 $0xffff, v5, v2;
	v2 =	vsel vm0, v23, v12  }
0x9f: {  	vm0 =	vle.f32 v13, v6;
	(xrf1) =	vsort.ascd.msk.f32 $0xffff, v18, v4;
	v4 =	vsel vm2, v17, v7  }
0xa0: {  	v5 =	vsel vm0, v15, v11;
	(xrf1) =	vsort.ascd.msk.f32 $0xffff, v1, v2;
	v2 =	vsel vm2, v22, v30  }
0xa1: {  	v7 =	vsel vm1, v25, v14;
	v1 =	vperm.xlane v57, v0;
	(xrf1) =	vsort.ascd.msk.f32 $0xffff, v24, v3  }
0xa2: {  	v3 =	vsel vm0, v13, v6;
	v6 =	vsel vm1, v19, v9;
	(xrf1) =	vsort.ascd.msk.f32 $0xffff, v4, v2  }
0xa3: {  	v9 =	vperm.xlane v16, v0;
	v2, v4, _ =	vpop (xrf1);
	(xrf1) =	vsort.ascd.msk.f32 $0xffff, v3, v5;
	v3 =	vperm.xlane v33, v0  }
0xa4: {  	v10 =	vperm.xlane v20, v0;
	v5, v8, _ =	vpop (xrf1);
	vm0 =	vle.f32 v2, v1  }
0xa5: {  	vm1 =	vle.f32 v5, v9;
	v1 =	vsel vm0, v2, v1;
	v2 =	vsel vm0, v4, v3  }
0xa6: {  	(xrf1) =	vsort.ascd.msk.f32 $0xffff, v6, v7;
	v6, v7, _ =	vpop (xrf1);
	v8 =	vsel vm1, v8, v10  }
0xa7: {  	v11, v12, _ =	vpop (xrf1);
	v5 =	vsel vm1, v5, v9  }
0xa8: {  	(xrf1) =	vsort.ascd.msk.f32 $0xffff, v1, v2;
	v3, v4, _ =	vpop (xrf1)  }
0xa9: {  	(xrf1) =	vsort.ascd.msk.f32 $0xffff, v5, v8;
	v1, v2, _ =	vpop (xrf1)  }
0xaa: {  	v3 =	vperm.xlane v3, v0;
	v5, v8, _ =	vpop (xrf1)  }
0xab: {  	v4 =	vperm.xlane v4, v0;
	v9, v10, _ =	vpop (xrf1)  }
0xac: {  	v11 =	vperm.xlane v11, v0;
	v12 =	vperm.xlane v12, v0;
	vm0 =	vle.f32 v6, v3;
	v13, v14, _ =	vpop (xrf1)  }
0xad: {  	v2 =	vperm.xlane v2, v0;
	v4 =	vsel vm0, v7, v4;
	v7 =	vperm.xlane v9, v0;
	v15, v16, _ =	vpop (xrf1)  }
0xae: {  	v1 =	vperm.xlane v1, v0;
	v3 =	vsel vm0, v6, v3;
	v10 =	vperm.xlane v10, v0;
	v6, v17, _ =	vpop (xrf1)  }
0xaf: {  	v13 =	vperm.xlane v13, v0;
	vm1 =	vle.f32 v5, v7;
	v9, v18, _ =	vpop (xrf1);
	(xrf1) =	vsort.ascd.msk.f32 $0xffff, v3, v4  }
0xb0: {  	v6 =	vperm.xlane v6, v0;
	v17 =	vperm.xlane v17, v0;
	v8 =	vsel vm1, v8, v10  }
0xb1: {  	v5 =	vsel vm1, v5, v7;
	v7 =	vperm.xlane v15, v0;
	v15 =	vperm.xlane v16, v0  }
0xb2: {  	v3, v4, _ =	vpop (xrf1);
	vm0 =	vle.f32 v9, v11;
	(xrf1) =	vsort.ascd.msk.f32 $0xffff, v5, v8;
	v5 =	vperm.xlane v14, v0  }
0xb3: {  	v19, v20, _ =	vpop (xrf1);
	v4 =	vperm.xlane v4, v0;
	v9 =	vsel vm0, v9, v11;
	v11 =	vsel vm0, v18, v12  }
0xb4: {  	v3 =	vperm.xlane v3, v0;
	v10, v21, _ =	vpop (xrf1);
	vm3 =	vle.f32 v19, v1;
	(xrf1) =	vsort.ascd.msk.f32 $0xffff, v9, v11  }
0xb5: {  	v16, v22, _ =	vpop (xrf1);
	vm2 =	vle.f32 v10, v7;
	v1 =	vsel vm3, v19, v1;
	v2 =	vsel vm3, v20, v2  }
0xb6: {  	vm1 =	vle.f32 v16, v6;
	v8, v14, _ =	vpop (xrf1);
	v7 =	vsel vm2, v10, v7;
	v9 =	vsel vm2, v21, v15  }
0xb7: {  	(xrf1) =	vsort.ascd.msk.f32 $0xffff, v1, v2;
	v12, v18, _ =	vpop (xrf1);
	vm3 =	vle.f32 v8, v13;
	v1 =	vsel vm1, v16, v6  }
0xb8: {  	v2 =	vsel vm1, v22, v17;
	(xrf1) =	vsort.ascd.msk.f32 $0xffff, v7, v9;
	vm0 =	vle.f32 v12, v3  }
0xb9: {  	v6 =	vsel vm3, v8, v13;
	(xrf1) =	vsort.ascd.msk.f32 $0xffff, v1, v2;
	v1 =	vsel vm3, v14, v5  }
0xba: {  	v2 =	vsel vm0, v12, v3;
	v3 =	vsel vm0, v18, v4;
	(xrf1) =	vsort.ascd.msk.f32 $0xffff, v6, v1  }
0xbb: {  	(xrf1) =	vsort.ascd.msk.f32 $0xffff, v2, v3;
	_ =	sdelay $0x6  }
0xbc: {  	v1, v2, _ =	vpop (xrf1)  }
0xbd: {  	v3, v4, _ =	vpop (xrf1)  }
0xbe: {  	v5, v6, _ =	vpop (xrf1)  }
0xbf: {  	v7, v8, _ =	vpop (xrf1)  }
0xc0: {  	v9, v10, _ =	vpop (xrf1)  }
0xc1: {  	v11, v12, _ =	vpop (xrf1)  }
0xc2: {  	v7 =	vperm.xlane v7, v0;
	v13, v14, _ =	vpop (xrf1)  }
0xc3: {  	v3 =	vperm.xlane v3, v0;
	v15, v16, _ =	vpop (xrf1)  }
0xc4: {  	v8 =	vperm.xlane v8, v0;
	vm0 =	vle.f32 v9, v7;
	v15 =	vperm.xlane v15, v0  }
0xc5: {  	v4 =	vperm.xlane v4, v0;
	v7 =	vsel vm0, v9, v7;
	v9 =	vperm.xlane v16, v0  }
0xc6: {  	v5 =	vperm.xlane v5, v0;
	v8 =	vsel vm0, v10, v8;
	vm0 =	vle.f32 v13, v15  }
0xc7: {  	(xrf1) =	vsort.ascd.msk.f32 $0xffff, v7, v8;
	v7 =	vsel vm0, v13, v15;
	v8 =	vsel vm0, v14, v9  }
0xc8: {  	v6 =	vperm.xlane v6, v0;
	vm0 =	vle.f32 v1, v3;
	(xrf1) =	vsort.ascd.msk.f32 $0xffff, v7, v8  }
0xc9: {  	v1 =	vsel vm0, v1, v3;
	v2 =	vsel vm0, v2, v4;
	vm0 =	vle.f32 v11, v5  }
0xca: {  	(xrf1) =	vsort.ascd.msk.f32 $0xffff, v1, v2;
	v1 =	vsel vm0, v11, v5;
	v2 =	vsel vm0, v12, v6  }
0xcb: {  	(xrf1) =	vsort.ascd.msk.f32 $0xffff, v1, v2;
	_ =	sdelay $0xa  }
0xcc: {  	v1, v2, _ =	vpop (xrf1)  }
0xcd: {  	v3, v4, _ =	vpop (xrf1)  }
0xce: {  	v5, v6, _ =	vpop (xrf1)  }
0xcf: {  	v3 =	vperm.xlane v3, v0;
	v7, v8, _ =	vpop (xrf1)  }
0xd0: {  	v4 =	vperm.xlane v4, v0;
	v7 =	vperm.xlane v7, v0  }
0xd1: {  	vm0 =	vle.f32 v1, v3;
	v8 =	vperm.xlane v8, v0  }
0xd2: {  	v1 =	vsel vm0, v1, v3;
	v2 =	vsel vm0, v2, v4;
	vm0 =	vle.f32 v5, v7  }
0xd3: {  	(xrf1) =	vsort.ascd.msk.f32 $0xffff, v1, v2;
	v1 =	vsel vm0, v5, v7;
	v2 =	vsel vm0, v6, v8  }
0xd4: {  	(xrf1) =	vsort.ascd.msk.f32 $0xffff, v1, v2;
	_ =	sdelay $0xc  }
0xd5: {  	v1, v2, _ =	vpop (xrf1)  }
0xd6: {  	v3, v4, _ =	vpop (xrf1)  }
0xd7: {  	v3 =	vperm.xlane v3, v0  }
0xd8: {  	v4 =	vperm.xlane v4, v0  }
0xd9: {  	vm0 =	vle.f32 v1, v3  }
0xda: {  	v1 =	vsel vm0, v1, v3;
	v2 =	vsel vm0, v2, v4  }
0xdb: {  	(xrf1) =	vsort.ascd.msk.f32 $0xffff, v1, v2;
	_ =	sdelay $0xd  }
0xdc: {  	v1, v2, _ =	vpop (xrf1)  }
0xdd: {  	[tilespmem:$0x7A80] =	vst v1  }
0xde: {  	s0 =	simm.s32 $0x1970;
	[tilespmem:$0x7C80] =	vst v2  }
0xdf: {  	v1 =	vld [tilespmem:s0+$0xFFFFFF90]  }
0xe0: {  	v2 =	vld [tilespmem:s0+$0xFFFFFFB0]  }
0xe1: {  	v3 =	vld [tilespmem:s0+$0xFFFFFFA0]  }
0xe2: {  	v4 =	vld [tilespmem:s0+$0x0]  }
0xe3: {  	s21 =	simm.s32 $0x0;
	v5 =	vld [tilespmem:s0+$0xFFFFFFD0]  }
0xe4: {  	v6 =	vld [tilespmem:s21+$0x70]  }
0xe5: {  	v7 =	vld [tilespmem:s21+$0x40]  }
0xe6: {  	v9 =	vld [tilespmem:s0+$0xFFFFFFE0]  }
0xe7: {  	v11 =	vld [tilespmem:s21+$0x10];
	v10 =	vadd.f32 v4, v4  }
0xe8: {  	v13 =	vld [tilespmem:s21+$0x50];
	v12 =	vadd.f32 v5, v5  }
0xe9: {  	v8 =	vld [tilespmem:s0+$0xFFFFFFF0];
	v6 =	vsub.f32 v6, v10  }
0xea: {  	v14 =	vadd.f32 v3, v3;
	v10 =	vld [tilespmem:s21+$0x20];
	v7 =	vsub.f32 v7, v12  }
0xeb: {  	v12 =	vld [tilespmem:s21+$0x0];
	(xrf1) =	vsort.ascd.msk.f32 $0xffff, v6, v4;
	v6 =	vadd.f32 v9, v9  }
0xec: {  	v4 =	vld [tilespmem:s21+$0x60];
	(xrf1) =	vsort.ascd.msk.f32 $0xffff, v7, v5;
	v7 =	vsub.f32 v11, v14  }
0xed: {  	v6 =	vsub.f32 v13, v6;
	v13 =	vld [tilespmem:s0+$0xFFFFFFC0]  }
0xee: {  	s0 =	simm.s32 $0x1B70;
	(xrf1) =	vsort.ascd.msk.f32 $0xffff, v7, v3;
	v3 =	vld [tilespmem:s21+$0x30]  }
0xef: {  	v11 =	vadd.f32 v1, v1;
	(xrf1) =	vsort.ascd.msk.f32 $0xffff, v6, v9;
	v6 =	vld [tilespmem:s0+$0xFFFFFF90]  }
0xf0: {  	v5 =	vadd.f32 v2, v2;
	s21 =	simm.s32 $0x80;
	v9 =	vld [tilespmem:s0+$0xFFFFFFD0]  }
0xf1: {  	v7 =	vsub.f32 v12, v11;
	v11 =	vld [tilespmem:s21+$0x10]  }
0xf2: {  	v5 =	vsub.f32 v10, v5;
	v21 =	vld [tilespmem:s21+$0x40]  }
0xf3: {  	v14 =	vadd.f32 v8, v8;
	v58 =	vld [tilespmem:s21+$0x0]  }
0xf4: {  	(xrf1) =	vsort.ascd.msk.f32 $0xffff, v5, v2;
	v5 =	vld [tilespmem:s0+$0xFFFFFFB0]  }
0xf5: {  	v4 =	vsub.f32 v4, v14;
	(xrf1) =	vsort.ascd.msk.f32 $0xffff, v7, v1;
	v1 =	vld [tilespmem:s0+$0xFFFFFFA0];
	v2 =	vadd.f32 v13, v13  }
0xf6: {  	v7 =	vld [tilespmem:s0+$0x0]  }
0xf7: {  	(xrf1) =	vsort.ascd.msk.f32 $0xffff, v4, v8;
	v4 =	vld [tilespmem:s0+$0xFFFFFFC0];
	v2 =	vsub.f32 v3, v2  }
0xf8: {  	v8 =	vld [tilespmem:s0+$0xFFFFFFF0]  }
0xf9: {  	v20 =	vld [tilespmem:s21+$0x70];
	v14 =	vadd.f32 v6, v6  }
0xfa: {  	v3 =	vld [tilespmem:s0+$0xFFFFFFE0];
	v25 =	vadd.f32 v9, v9;
	v18 =	vadd.f32 v5, v5;
	(xrf1) =	vsort.ascd.msk.f32 $0xffff, v2, v13  }
0xfb: {  	v12 =	vimm.f32 $+Inf;
	v17 =	vld [tilespmem:s21+$0x60];
	v27 =	vadd.f32 v7, v7;
	v61 =	vadd.f32 v1, v1;
	v2, v10, _ =	vpop (xrf1)  }
0xfc: {  	v13 =	vimm.f32 $0.0e+00;
	v21 =	vsub.f32 v21, v25;
	v14 =	vsub.f32 v58, v14;
	v15, v16, _ =	vpop (xrf1)  }
0xfd: {  	v19 =	vadd.f32 v8, v8;
	v29 =	vadd.f32 v4, v4;
	v15 =	vperm.xlane v15, v0  }
0xfe: {  	v28 =	vld [tilespmem:s21+$0x30];
	v20 =	vsub.f32 v20, v27;
	v11 =	vsub.f32 v11, v61;
	v16 =	vperm.xlane v16, v0  }
0xff: {  	v26 =	vld [tilespmem:s21+$0x50];
	v22 =	vadd.f32 v3, v3;
	v23 =	vperm.xlane v2, v0;
	vm0 =	vle.f32 v12, v15  }
0x100: {  	v17 =	vsub.f32 v17, v19;
	v2, v24, _ =	vpop (xrf1);
	v15 =	vsel vm0, v12, v15;
	v16 =	vsel vm0, v13, v16  }
0x101: {  	v62 =	vld [tilespmem:s21+$0x20];
	v10 =	vperm.xlane v10, v0;
	vm1 =	vle.f32 v12, v23;
	v30, v31, _ =	vpop (xrf1);
	(xrf1) =	vsort.ascd.msk.f32 $0xffff, v15, v16  }
0x102: {  	v24 =	vperm.xlane v24, v0;
	v30 =	vperm.xlane v30, v0;
	v60, v59, _ =	vpop (xrf1);
	(xrf1) =	vsort.ascd.msk.f32 $0xffff, v20, v7  }
0x103: {  	v27 =	vperm.xlane v31, v0;
	v31, v37, _ =	vpop (xrf1);
	v7 =	vsub.f32 v28, v29;
	(xrf1) =	vsort.ascd.msk.f32 $0xffff, v21, v9  }
0x104: {  	vm0 =	vle.f32 v12, v30;
	v9 =	vsub.f32 v26, v22;
	v21 =	vperm.xlane v31, v0  }
0x105: {  	v22 =	vperm.xlane v37, v0;
	v15, v16, _ =	vpop (xrf1);
	(xrf1) =	vsort.ascd.msk.f32 $0xffff, v11, v1;
	v1 =	vsel vm0, v12, v30  }
0x106: {  	v19 =	vperm.xlane v15, v0;
	v15 =	vsub.f32 v62, v18;
	v18 =	vsel vm0, v13, v27  }
0x107: {  	v26 =	vperm.xlane v59, v0;
	v11 =	vperm.xlane v2, v0;
	(xrf1) =	vsort.ascd.msk.f32 $0xffff, v1, v18  }
0x108: {  	s30 =	simm.s32 $0x1D70;
	v16 =	vperm.xlane v16, v0;
	vm2 =	vle.f32 v12, v21;
	v20, v2, _ =	vpop (xrf1);
	(xrf1) =	vsort.ascd.msk.f32 $0xffff, v9, v3  }
0x109: {  	v1 =	vld [tilespmem:s30+$0xFFFFFFB0];
	vm3 =	vle.f32 v12, v11;
	v18 =	vperm.xlane v60, v0;
	(xrf1) =	vsort.ascd.msk.f32 $0xffff, v15, v5  }
0x10a: {  	v25 =	vperm.xlane v2, v0;
	vm0 =	vle.f32 v12, v19;
	v2 =	vld [tilespmem:s30+$0xFFFFFF90];
	(xrf1) =	vsort.ascd.msk.f32 $0xffff, v14, v6  }
0x10b: {  	v3 =	vld [tilespmem:s30+$0xFFFFFFC0];
	v6 =	vsel vm1, v12, v23;
	(xrf1) =	vsort.ascd.msk.f32 $0xffff, v17, v8;
	v8 =	vsel vm1, v13, v10  }
0x10c: {  	v9 =	vld [tilespmem:s30+$0x0];
	v19 =	vsel vm0, v12, v19;
	v16 =	vsel vm0, v13, v16;
	(xrf1) =	vsort.ascd.msk.f32 $0xffff, v6, v8  }
0x10d: {  	s0 =	simm.s32 $0x100;
	v5 =	vld [tilespmem:s30+$0xFFFFFFA0];
	v14 =	vsel vm2, v12, v21;
	v10 =	vsel vm3, v12, v11;
	(xrf1) =	vsort.ascd.msk.f32 $0xffff, v7, v4  }
0x10e: {  	v23 =	vld [tilespmem:s0+$0x70];
	v17 =	vperm.xlane v20, v0;
	v11 =	vsel vm3, v13, v24;
	v20 =	vsel vm2, v13, v22  }
0x10f: {  	vm3 =	vle.f32 v12, v18;
	v8 =	vadd.f32 v1, v1;
	v4 =	vld [tilespmem:s30+$0xFFFFFFF0];
	(xrf1) =	vsort.ascd.msk.f32 $0xffff, v10, v11;
	v29, v15, _ =	vpop (xrf1)  }
0x110: {  	v6 =	vld [tilespmem:s30+$0xFFFFFFE0];
	v24 =	vsel vm3, v12, v18;
	vm1 =	vle.f32 v12, v17;
	v10, v31, _ =	vpop (xrf1);
	(xrf1) =	vsort.ascd.msk.f32 $0xffff, v14, v20  }
0x111: {  	v7 =	vadd.f32 v2, v2;
	v28 =	vadd.f32 v9, v9;
	v11 =	vld [tilespmem:s30+$0xFFFFFFD0];
	v20, v22, _ =	vpop (xrf1);
	(xrf1) =	vsort.ascd.msk.f32 $0xffff, v19, v16  }
0x112: {  	v18 =	vld [tilespmem:s0+$0x60];
	v12 =	vsel vm1, v12, v17;
	v17 =	vsel vm1, v13, v25;
	v16 =	vsel vm3, v13, v26  }
0x113: {  	v25 =	vadd.f32 v3, v3;
	v14 =	vld [tilespmem:s0+$0x10];
	v63 =	vperm.xlane v20, v0;
	(xrf1) =	vsort.ascd.msk.f32 $0xffff, v24, v16  }
0x114: {  	v21 =	vadd.f32 v4, v4;
	v27 =	vperm.xlane v22, v0;
	v22 =	vld [tilespmem:s0+$0x40];
	v13, v30, _ =	vpop (xrf1);
	(xrf1) =	vsort.ascd.msk.f32 $0xffff, v12, v17  }
0x115: {  	v10 =	vperm.xlane v10, v0;
	v16 =	vadd.f32 v6, v6;
	v20 =	vld [tilespmem:s0+$0x50];
	vm0 =	vle.f32 v29, v63;
	v17, v19, _ =	vpop (xrf1)  }
0x116: {  	s31 =	simm.s32 $0x600;
	v26 =	vadd.f32 v11, v11;
	v24 =	vld [tilespmem:s0+$0x30];
	v12 =	vperm.xlane v31, v0;
	v29 =	vsel vm0, v29, v63;
	v32, v31, _ =	vpop (xrf1)  }
.LBB2_12:
0x117: {  	p1 =	sne.s32 s31, $0x6000;
	v33 =	vld [tilespmem:s0+$0x0];
	v30 =	vperm.xlane v30, v0;
	v39 =	vsel vm0, v15, v27;
	v27 =	vperm.xlane v32, v0;
	v32, v34, _ =	vpop (xrf1);
	s21 =	smov.u32 s31;
	s31 =	sadd.s32 $0x200, s31  }
0x118: {  	v35 =	vadd.f32 v5, v5;
	v36 =	vld [tilespmem:s0+$0x20];
	v23 =	vsub.f32 v23, v28;
	v28 =	vperm.xlane v31, v0;
	v31, v37, _ =	vpop (xrf1)  }
0x119: {  	v18 =	vsub.f32 v18, v21;
	v38 =	vsub.f32 v22, v26;
	(xrf1) =	vsort.ascd.msk.f32 $0xffff, v29, v39;
	v26, v21, _ =	vpop (xrf1)  }
0x11a: {  	v14 =	vsub.f32 v14, v35;
	(xrf1) =	vsort.ascd.msk.f32 $0xffff, v23, v9;
	v23 =	vperm.xlane v26, v0;
	v9, v15, _ =	vpop (xrf1)  }
0x11b: {  	v24 =	vsub.f32 v24, v25;
	(xrf1) =	vsort.ascd.msk.f32 $0xffff, v38, v11;
	vm1 =	vle.f32 v9, v10;
	v11, v22, _ =	vpop (xrf1)  }
0x11c: {  	vm0 =	vle.f32 v17, v27;
	v16 =	vsub.f32 v20, v16;
	v20 =	vperm.xlane v21, v0  }
0x11d: {  	v29 =	vsel vm0, v19, v28;
	v7 =	vsub.f32 v33, v7;
	v8 =	vsub.f32 v36, v8;
	v21, v25, _ =	vpop (xrf1)  }
0x11e: {  	v13 =	vperm.xlane v13, v0;
	(xrf1) =	vsort.ascd.msk.f32 $0xffff, v14, v5;
	v5 =	vsel vm0, v17, v27;
	v14, v17, _ =	vpop (xrf1)  }
0x11f: {  	v26 =	vperm.xlane v31, v0;
	v27 =	vperm.xlane v37, v0;
	(xrf1) =	vsort.ascd.msk.f32 $0xffff, v5, v29;
	v19, v28, _ =	vpop (xrf1)  }
0x120: {  	s30 =	sadd.s32 $0x200, s30;
	(xrf1) =	vsort.ascd.msk.f32 $0xffff, v16, v6;
	v16 =	vperm.xlane v22, v0;
	vm0 =	vle.f32 v19, v23  }
0x121: {  	vm2 =	vle.f32 v14, v26;
	v22 =	vperm.xlane v34, v0;
	v6 =	vld [tilespmem:s30+$0xFFFFFF90];
	(xrf1) =	vsort.ascd.msk.f32 $0xffff, v8, v1;
	v29, v31, _ =	vpop (xrf1)  }
0x122: {  	vm3 =	vle.f32 v21, v13;
	v1 =	vld [tilespmem:s30+$0xFFFFFFB0];
	(xrf1) =	vsort.ascd.msk.f32 $0xffff, v7, v2;
	v2 =	vsel vm1, v9, v10;
	v10, v33, _ =	vpop (xrf1)  }
0x123: {  	v5 =	vld [tilespmem:s30+$0xFFFFFFA0];
	(xrf1) =	vsort.ascd.msk.f32 $0xffff, v18, v4;
	v18 =	vperm.xlane v11, v0;
	v4 =	vsel vm1, v15, v12  }
0x124: {  	v11 =	vsel vm3, v21, v13;
	v13 =	vperm.xlane v32, v0;
	v12 =	vld [tilespmem:s30+$0xFFFFFFC0];
	(xrf1) =	vsort.ascd.msk.f32 $0xffff, v2, v4  }
0x125: {  	v9 =	vld [tilespmem:s30+$0x0];
	(xrf1) =	vsort.ascd.msk.f32 $0xffff, v24, v3;
	v3 =	vsel vm2, v14, v26;
	vm1 =	vle.f32 v10, v18  }
0x126: {  	v14 =	vsel vm3, v25, v30;
	vm3 =	vle.f32 v29, v13;
	v7 =	vadd.f32 v6, v6;
	v4 =	vld [tilespmem:s30+$0xFFFFFFF0];
	v2 =	vmovc v6  }
0x127: {  	v21 =	vsel vm2, v17, v27;
	v8 =	vadd.f32 v1, v1;
	v6 =	vld [tilespmem:s30+$0xFFFFFFE0];
	(xrf1) =	vsort.ascd.msk.f32 $0xffff, v11, v14;
	v32, v15, _ =	vpop (xrf1)  }
0x128: {  	s0 =	sshra.s32 s21, $0x2;
	v19 =	vsel vm0, v19, v23;
	v20 =	vsel vm0, v28, v20;
	v11 =	vld [tilespmem:s30+$0xFFFFFFD0];
	v24, v34, _ =	vpop (xrf1);
	(xrf1) =	vsort.ascd.msk.f32 $0xffff, v3, v21  }
0x129: {  	v13 =	vsel vm3, v29, v13;
	v26 =	vsel vm1, v10, v18;
	v14 =	vld [tilespmem:s0+$0x10];
	v17, v25, _ =	vpop (xrf1);
	(xrf1) =	vsort.ascd.msk.f32 $0xffff, v19, v20;
	v3 =	vmov v12  }
.Ltmp7:
0x12a: {  	v10 =	vsel vm3, v31, v22;
	v18 =	vld [tilespmem:s0+$0x60];
	v29 =	vperm.xlane v17, v0;
	v17 =	vsel vm1, v33, v16;
	(pc) =	sbr.rel @p1 .LBB2_12-.Ltmp7, $4  }
0x12b: {  	v27 =	vperm.xlane v25, v0;
	v21 =	vadd.f32 v4, v4;
	v23 =	vld [tilespmem:s0+$0x70];
	(xrf1) =	vsort.ascd.msk.f32 $0xffff, v13, v10  }
0x12c: {  	v10 =	vperm.xlane v24, v0;
	v22 =	vld [tilespmem:s0+$0x40];
	v16 =	vadd.f32 v6, v6;
	v13, v30, _ =	vpop (xrf1);
	(xrf1) =	vsort.ascd.msk.f32 $0xffff, v26, v17  }
0x12d: {  	v28 =	vadd.f32 v9, v9;
	vm0 =	vle.f32 v32, v29;
	v26 =	vadd.f32 v11, v11;
	v20 =	vld [tilespmem:s0+$0x50];
	v17, v19, _ =	vpop (xrf1)  }
0x12e: {  	v25 =	vadd.f32 v12, v3;
	v12 =	vperm.xlane v34, v0;
	v29 =	vsel vm0, v32, v29;
	v24 =	vld [tilespmem:s0+$0x30];
	v32, v31, _ =	vpop (xrf1)  }
0x12f: {  	_ = 	snop  }
0x130: {  	v23 =	vsub.f32 v23, v28  }
0x131: {  	v30 =	vperm.xlane v30, v0;
	v15 =	vsel vm0, v15, v27;
	v57, v33, _ =	vpop (xrf1);
	v34 =	vadd.f32 v5, v5;
	v28 =	vld [tilespmem:s0+$0x20]  }
0x132: {  	v27 =	vperm.xlane v32, v0;
	v31 =	vperm.xlane v31, v0;
	v18 =	vsub.f32 v18, v21;
	v35, v36, _ =	vpop (xrf1)  }
0x133: {  	(xrf1) =	vsort.ascd.msk.f32 $0xffff, v29, v15;
	v15 =	vld [tilespmem:s0+$0x0];
	v22 =	vsub.f32 v22, v26;
	v21, v26, _ =	vpop (xrf1);
	v14 =	vsub.f32 v14, v34  }
0x134: {  	vm1 =	vle.f32 v17, v27;
	(xrf1) =	vsort.ascd.msk.f32 $0xffff, v23, v9;
	v9 =	vperm.xlane v21, v0  }
0x135: {  	v19 =	vsel vm1, v19, v31;
	v24 =	vsub.f32 v24, v25;
	(xrf1) =	vsort.ascd.msk.f32 $0xffff, v22, v11;
	v21, v23, _ =	vpop (xrf1)  }
0x136: {  	v11 =	vsub.f32 v20, v16;
	v8 =	vsub.f32 v28, v8;
	vm0 =	vle.f32 v21, v10  }
0x137: {  	v16, v20, _ =	vpop (xrf1);
	(xrf1) =	vsort.ascd.msk.f32 $0xffff, v14, v5;
	v5 =	vsel vm1, v17, v27;
	v14 =	vperm.xlane v26, v0  }
0x138: {  	v17, v22, _ =	vpop (xrf1);
	(xrf1) =	vsort.ascd.msk.f32 $0xffff, v5, v19;
	v5 =	vsub.f32 v15, v7;
	v7 =	vperm.xlane v13, v0  }
0x139: {  	v13, v15, _ =	vpop (xrf1);
	(xrf1) =	vsort.ascd.msk.f32 $0xffff, v11, v6;
	v6 =	vperm.xlane v35, v0;
	v11 =	vperm.xlane v36, v0  }
0x13a: {  	v19, v25, _ =	vpop (xrf1);
	(xrf1) =	vsort.ascd.msk.f32 $0xffff, v8, v1;
	vm2 =	vle.f32 v17, v7;
	v1 =	vsel vm0, v21, v10  }
0x13b: {  	vm1 =	vle.f32 v19, v9;
	(xrf1) =	vsort.ascd.msk.f32 $0xffff, v5, v2;
	v2 =	vsel vm0, v23, v12  }
0x13c: {  	vm0 =	vle.f32 v13, v6;
	(xrf1) =	vsort.ascd.msk.f32 $0xffff, v18, v4;
	v4 =	vsel vm2, v17, v7  }
0x13d: {  	v5 =	vsel vm0, v15, v11;
	(xrf1) =	vsort.ascd.msk.f32 $0xffff, v1, v2;
	v2 =	vsel vm2, v22, v30  }
0x13e: {  	v7 =	vsel vm1, v25, v14;
	v1 =	vperm.xlane v57, v0;
	(xrf1) =	vsort.ascd.msk.f32 $0xffff, v24, v3  }
0x13f: {  	v3 =	vsel vm0, v13, v6;
	v6 =	vsel vm1, v19, v9;
	(xrf1) =	vsort.ascd.msk.f32 $0xffff, v4, v2  }
0x140: {  	v9 =	vperm.xlane v16, v0;
	v2, v4, _ =	vpop (xrf1);
	(xrf1) =	vsort.ascd.msk.f32 $0xffff, v3, v5;
	v3 =	vperm.xlane v33, v0  }
0x141: {  	v10 =	vperm.xlane v20, v0;
	v5, v8, _ =	vpop (xrf1);
	vm0 =	vle.f32 v2, v1  }
0x142: {  	vm1 =	vle.f32 v5, v9;
	v1 =	vsel vm0, v2, v1;
	v2 =	vsel vm0, v4, v3  }
0x143: {  	(xrf1) =	vsort.ascd.msk.f32 $0xffff, v6, v7;
	v6, v7, _ =	vpop (xrf1);
	v8 =	vsel vm1, v8, v10  }
0x144: {  	v11, v12, _ =	vpop (xrf1);
	v5 =	vsel vm1, v5, v9  }
0x145: {  	(xrf1) =	vsort.ascd.msk.f32 $0xffff, v1, v2;
	v3, v4, _ =	vpop (xrf1)  }
0x146: {  	(xrf1) =	vsort.ascd.msk.f32 $0xffff, v5, v8;
	v1, v2, _ =	vpop (xrf1)  }
0x147: {  	v3 =	vperm.xlane v3, v0;
	v5, v8, _ =	vpop (xrf1)  }
0x148: {  	v4 =	vperm.xlane v4, v0;
	v9, v10, _ =	vpop (xrf1)  }
0x149: {  	v11 =	vperm.xlane v11, v0;
	v12 =	vperm.xlane v12, v0;
	vm0 =	vle.f32 v6, v3;
	v13, v14, _ =	vpop (xrf1)  }
0x14a: {  	v2 =	vperm.xlane v2, v0;
	v4 =	vsel vm0, v7, v4;
	v7 =	vperm.xlane v9, v0;
	v15, v16, _ =	vpop (xrf1)  }
0x14b: {  	v1 =	vperm.xlane v1, v0;
	v3 =	vsel vm0, v6, v3;
	v10 =	vperm.xlane v10, v0;
	v6, v17, _ =	vpop (xrf1)  }
0x14c: {  	v13 =	vperm.xlane v13, v0;
	vm1 =	vle.f32 v5, v7;
	v9, v18, _ =	vpop (xrf1);
	(xrf1) =	vsort.ascd.msk.f32 $0xffff, v3, v4  }
0x14d: {  	v6 =	vperm.xlane v6, v0;
	v17 =	vperm.xlane v17, v0;
	v8 =	vsel vm1, v8, v10  }
0x14e: {  	v5 =	vsel vm1, v5, v7;
	v7 =	vperm.xlane v15, v0;
	v15 =	vperm.xlane v16, v0  }
0x14f: {  	v3, v4, _ =	vpop (xrf1);
	vm0 =	vle.f32 v9, v11;
	(xrf1) =	vsort.ascd.msk.f32 $0xffff, v5, v8;
	v5 =	vperm.xlane v14, v0  }
0x150: {  	v19, v20, _ =	vpop (xrf1);
	v4 =	vperm.xlane v4, v0;
	v9 =	vsel vm0, v9, v11;
	v11 =	vsel vm0, v18, v12  }
0x151: {  	v3 =	vperm.xlane v3, v0;
	v10, v21, _ =	vpop (xrf1);
	vm3 =	vle.f32 v19, v1;
	(xrf1) =	vsort.ascd.msk.f32 $0xffff, v9, v11  }
0x152: {  	v16, v22, _ =	vpop (xrf1);
	vm2 =	vle.f32 v10, v7;
	v1 =	vsel vm3, v19, v1;
	v2 =	vsel vm3, v20, v2  }
0x153: {  	vm1 =	vle.f32 v16, v6;
	v8, v14, _ =	vpop (xrf1);
	v7 =	vsel vm2, v10, v7;
	v9 =	vsel vm2, v21, v15  }
0x154: {  	(xrf1) =	vsort.ascd.msk.f32 $0xffff, v1, v2;
	v12, v18, _ =	vpop (xrf1);
	vm3 =	vle.f32 v8, v13;
	v1 =	vsel vm1, v16, v6  }
0x155: {  	v2 =	vsel vm1, v22, v17;
	(xrf1) =	vsort.ascd.msk.f32 $0xffff, v7, v9;
	vm0 =	vle.f32 v12, v3  }
0x156: {  	v6 =	vsel vm3, v8, v13;
	(xrf1) =	vsort.ascd.msk.f32 $0xffff, v1, v2;
	v1 =	vsel vm3, v14, v5  }
0x157: {  	v2 =	vsel vm0, v12, v3;
	v3 =	vsel vm0, v18, v4;
	(xrf1) =	vsort.ascd.msk.f32 $0xffff, v6, v1  }
0x158: {  	(xrf1) =	vsort.ascd.msk.f32 $0xffff, v2, v3;
	_ =	sdelay $0x6  }
0x159: {  	v1, v2, _ =	vpop (xrf1)  }
0x15a: {  	v3, v4, _ =	vpop (xrf1)  }
0x15b: {  	v5, v6, _ =	vpop (xrf1)  }
0x15c: {  	v7, v8, _ =	vpop (xrf1)  }
0x15d: {  	v9, v10, _ =	vpop (xrf1)  }
0x15e: {  	v11, v12, _ =	vpop (xrf1)  }
0x15f: {  	v7 =	vperm.xlane v7, v0;
	v13, v14, _ =	vpop (xrf1)  }
0x160: {  	v3 =	vperm.xlane v3, v0;
	v15, v16, _ =	vpop (xrf1)  }
0x161: {  	v8 =	vperm.xlane v8, v0;
	vm0 =	vle.f32 v9, v7;
	v15 =	vperm.xlane v15, v0  }
0x162: {  	v4 =	vperm.xlane v4, v0;
	v7 =	vsel vm0, v9, v7;
	v9 =	vperm.xlane v16, v0  }
0x163: {  	v5 =	vperm.xlane v5, v0;
	v8 =	vsel vm0, v10, v8;
	vm0 =	vle.f32 v13, v15  }
0x164: {  	(xrf1) =	vsort.ascd.msk.f32 $0xffff, v7, v8;
	v7 =	vsel vm0, v13, v15;
	v8 =	vsel vm0, v14, v9  }
0x165: {  	v6 =	vperm.xlane v6, v0;
	vm0 =	vle.f32 v1, v3;
	(xrf1) =	vsort.ascd.msk.f32 $0xffff, v7, v8  }
0x166: {  	v1 =	vsel vm0, v1, v3;
	v2 =	vsel vm0, v2, v4;
	vm0 =	vle.f32 v11, v5  }
0x167: {  	(xrf1) =	vsort.ascd.msk.f32 $0xffff, v1, v2;
	v1 =	vsel vm0, v11, v5;
	v2 =	vsel vm0, v12, v6  }
0x168: {  	(xrf1) =	vsort.ascd.msk.f32 $0xffff, v1, v2;
	_ =	sdelay $0xa  }
0x169: {  	v1, v2, _ =	vpop (xrf1)  }
0x16a: {  	v3, v4, _ =	vpop (xrf1)  }
0x16b: {  	v5, v6, _ =	vpop (xrf1)  }
0x16c: {  	v3 =	vperm.xlane v3, v0;
	v7, v8, _ =	vpop (xrf1)  }
0x16d: {  	v4 =	vperm.xlane v4, v0;
	v7 =	vperm.xlane v7, v0  }
0x16e: {  	vm0 =	vle.f32 v1, v3;
	v8 =	vperm.xlane v8, v0  }
0x16f: {  	v1 =	vsel vm0, v1, v3;
	v2 =	vsel vm0, v2, v4;
	vm0 =	vle.f32 v5, v7  }
0x170: {  	(xrf1) =	vsort.ascd.msk.f32 $0xffff, v1, v2;
	v1 =	vsel vm0, v5, v7;
	v2 =	vsel vm0, v6, v8  }
0x171: {  	(xrf1) =	vsort.ascd.msk.f32 $0xffff, v1, v2;
	_ =	sdelay $0xc  }
0x172: {  	v1, v2, _ =	vpop (xrf1)  }
0x173: {  	v3, v4, _ =	vpop (xrf1)  }
0x174: {  	v3 =	vperm.xlane v3, v0  }
0x175: {  	v4 =	vperm.xlane v4, v0  }
0x176: {  	vm0 =	vle.f32 v1, v3  }
0x177: {  	v1 =	vsel vm0, v1, v3;
	v2 =	vsel vm0, v2, v4  }
0x178: {  	(xrf1) =	vsort.ascd.msk.f32 $0xffff, v1, v2;
	_ =	sdelay $0xd  }
0x179: {  	v1, v2, _ =	vpop (xrf1)  }
0x17a: {  	[tilespmem:$0x7B00] =	vst v1  }
0x17b: {  	s0 =	simm.s32 $0x19F0;
	[tilespmem:$0x7D00] =	vst v2  }
0x17c: {  	v1 =	vld [tilespmem:s0+$0xFFFFFF90]  }
0x17d: {  	v2 =	vld [tilespmem:s0+$0xFFFFFFB0]  }
0x17e: {  	v3 =	vld [tilespmem:s0+$0xFFFFFFA0]  }
0x17f: {  	v4 =	vld [tilespmem:s0+$0x0]  }
0x180: {  	s21 =	simm.s32 $0x0;
	v5 =	vld [tilespmem:s0+$0xFFFFFFD0]  }
0x181: {  	v6 =	vld [tilespmem:s21+$0x70]  }
0x182: {  	v7 =	vld [tilespmem:s21+$0x40]  }
0x183: {  	v9 =	vld [tilespmem:s0+$0xFFFFFFE0]  }
0x184: {  	v11 =	vld [tilespmem:s21+$0x10];
	v10 =	vadd.f32 v4, v4  }
0x185: {  	v13 =	vld [tilespmem:s21+$0x50];
	v12 =	vadd.f32 v5, v5  }
0x186: {  	v8 =	vld [tilespmem:s0+$0xFFFFFFF0];
	v6 =	vsub.f32 v6, v10  }
0x187: {  	v14 =	vadd.f32 v3, v3;
	v10 =	vld [tilespmem:s21+$0x20];
	v7 =	vsub.f32 v7, v12  }
0x188: {  	v12 =	vld [tilespmem:s21+$0x0];
	(xrf1) =	vsort.ascd.msk.f32 $0xffff, v6, v4;
	v6 =	vadd.f32 v9, v9  }
0x189: {  	v4 =	vld [tilespmem:s21+$0x60];
	(xrf1) =	vsort.ascd.msk.f32 $0xffff, v7, v5;
	v7 =	vsub.f32 v11, v14  }
0x18a: {  	v6 =	vsub.f32 v13, v6;
	v13 =	vld [tilespmem:s0+$0xFFFFFFC0]  }
0x18b: {  	s0 =	simm.s32 $0x1BF0;
	(xrf1) =	vsort.ascd.msk.f32 $0xffff, v7, v3;
	v3 =	vld [tilespmem:s21+$0x30]  }
0x18c: {  	v11 =	vadd.f32 v1, v1;
	(xrf1) =	vsort.ascd.msk.f32 $0xffff, v6, v9;
	v6 =	vld [tilespmem:s0+$0xFFFFFF90]  }
0x18d: {  	v5 =	vadd.f32 v2, v2;
	s21 =	simm.s32 $0x80;
	v9 =	vld [tilespmem:s0+$0xFFFFFFD0]  }
0x18e: {  	v7 =	vsub.f32 v12, v11;
	v11 =	vld [tilespmem:s21+$0x10]  }
0x18f: {  	v5 =	vsub.f32 v10, v5;
	v21 =	vld [tilespmem:s21+$0x40]  }
0x190: {  	v14 =	vadd.f32 v8, v8;
	v58 =	vld [tilespmem:s21+$0x0]  }
0x191: {  	(xrf1) =	vsort.ascd.msk.f32 $0xffff, v5, v2;
	v5 =	vld [tilespmem:s0+$0xFFFFFFB0]  }
0x192: {  	v4 =	vsub.f32 v4, v14;
	(xrf1) =	vsort.ascd.msk.f32 $0xffff, v7, v1;
	v1 =	vld [tilespmem:s0+$0xFFFFFFA0];
	v2 =	vadd.f32 v13, v13  }
0x193: {  	v7 =	vld [tilespmem:s0+$0x0]  }
0x194: {  	(xrf1) =	vsort.ascd.msk.f32 $0xffff, v4, v8;
	v4 =	vld [tilespmem:s0+$0xFFFFFFC0];
	v2 =	vsub.f32 v3, v2  }
0x195: {  	v8 =	vld [tilespmem:s0+$0xFFFFFFF0]  }
0x196: {  	v20 =	vld [tilespmem:s21+$0x70];
	v14 =	vadd.f32 v6, v6  }
0x197: {  	v3 =	vld [tilespmem:s0+$0xFFFFFFE0];
	v25 =	vadd.f32 v9, v9;
	v18 =	vadd.f32 v5, v5;
	(xrf1) =	vsort.ascd.msk.f32 $0xffff, v2, v13  }
0x198: {  	v12 =	vimm.f32 $+Inf;
	v17 =	vld [tilespmem:s21+$0x60];
	v27 =	vadd.f32 v7, v7;
	v61 =	vadd.f32 v1, v1;
	v2, v10, _ =	vpop (xrf1)  }
0x199: {  	v13 =	vimm.f32 $0.0e+00;
	v21 =	vsub.f32 v21, v25;
	v14 =	vsub.f32 v58, v14;
	v15, v16, _ =	vpop (xrf1)  }
0x19a: {  	v19 =	vadd.f32 v8, v8;
	v29 =	vadd.f32 v4, v4;
	v15 =	vperm.xlane v15, v0  }
0x19b: {  	v28 =	vld [tilespmem:s21+$0x30];
	v20 =	vsub.f32 v20, v27;
	v11 =	vsub.f32 v11, v61;
	v16 =	vperm.xlane v16, v0  }
0x19c: {  	v26 =	vld [tilespmem:s21+$0x50];
	v22 =	vadd.f32 v3, v3;
	v23 =	vperm.xlane v2, v0;
	vm0 =	vle.f32 v12, v15  }
0x19d: {  	v17 =	vsub.f32 v17, v19;
	v2, v24, _ =	vpop (xrf1);
	v15 =	vsel vm0, v12, v15;
	v16 =	vsel vm0, v13, v16  }
0x19e: {  	v62 =	vld [tilespmem:s21+$0x20];
	v10 =	vperm.xlane v10, v0;
	vm1 =	vle.f32 v12, v23;
	v30, v31, _ =	vpop (xrf1);
	(xrf1) =	vsort.ascd.msk.f32 $0xffff, v15, v16  }
0x19f: {  	v24 =	vperm.xlane v24, v0;
	v30 =	vperm.xlane v30, v0;
	v60, v59, _ =	vpop (xrf1);
	(xrf1) =	vsort.ascd.msk.f32 $0xffff, v20, v7  }
0x1a0: {  	v27 =	vperm.xlane v31, v0;
	v31, v37, _ =	vpop (xrf1);
	v7 =	vsub.f32 v28, v29;
	(xrf1) =	vsort.ascd.msk.f32 $0xffff, v21, v9  }
0x1a1: {  	vm0 =	vle.f32 v12, v30;
	v9 =	vsub.f32 v26, v22;
	v21 =	vperm.xlane v31, v0  }
0x1a2: {  	v22 =	vperm.xlane v37, v0;
	v15, v16, _ =	vpop (xrf1);
	(xrf1) =	vsort.ascd.msk.f32 $0xffff, v11, v1;
	v1 =	vsel vm0, v12, v30  }
0x1a3: {  	v19 =	vperm.xlane v15, v0;
	v15 =	vsub.f32 v62, v18;
	v18 =	vsel vm0, v13, v27  }
0x1a4: {  	v26 =	vperm.xlane v59, v0;
	v11 =	vperm.xlane v2, v0;
	(xrf1) =	vsort.ascd.msk.f32 $0xffff, v1, v18  }
0x1a5: {  	s30 =	simm.s32 $0x1DF0;
	v16 =	vperm.xlane v16, v0;
	vm2 =	vle.f32 v12, v21;
	v20, v2, _ =	vpop (xrf1);
	(xrf1) =	vsort.ascd.msk.f32 $0xffff, v9, v3  }
0x1a6: {  	v1 =	vld [tilespmem:s30+$0xFFFFFFB0];
	vm3 =	vle.f32 v12, v11;
	v18 =	vperm.xlane v60, v0;
	(xrf1) =	vsort.ascd.msk.f32 $0xffff, v15, v5  }
0x1a7: {  	v25 =	vperm.xlane v2, v0;
	vm0 =	vle.f32 v12, v19;
	v2 =	vld [tilespmem:s30+$0xFFFFFF90];
	(xrf1) =	vsort.ascd.msk.f32 $0xffff, v14, v6  }
0x1a8: {  	v3 =	vld [tilespmem:s30+$0xFFFFFFC0];
	v6 =	vsel vm1, v12, v23;
	(xrf1) =	vsort.ascd.msk.f32 $0xffff, v17, v8;
	v8 =	vsel vm1, v13, v10  }
0x1a9: {  	v9 =	vld [tilespmem:s30+$0x0];
	v19 =	vsel vm0, v12, v19;
	v16 =	vsel vm0, v13, v16;
	(xrf1) =	vsort.ascd.msk.f32 $0xffff, v6, v8  }
0x1aa: {  	s0 =	simm.s32 $0x100;
	v5 =	vld [tilespmem:s30+$0xFFFFFFA0];
	v14 =	vsel vm2, v12, v21;
	v10 =	vsel vm3, v12, v11;
	(xrf1) =	vsort.ascd.msk.f32 $0xffff, v7, v4  }
0x1ab: {  	v23 =	vld [tilespmem:s0+$0x70];
	v17 =	vperm.xlane v20, v0;
	v11 =	vsel vm3, v13, v24;
	v20 =	vsel vm2, v13, v22  }
0x1ac: {  	vm3 =	vle.f32 v12, v18;
	v8 =	vadd.f32 v1, v1;
	v4 =	vld [tilespmem:s30+$0xFFFFFFF0];
	(xrf1) =	vsort.ascd.msk.f32 $0xffff, v10, v11;
	v29, v15, _ =	vpop (xrf1)  }
0x1ad: {  	v6 =	vld [tilespmem:s30+$0xFFFFFFE0];
	v24 =	vsel vm3, v12, v18;
	vm1 =	vle.f32 v12, v17;
	v10, v31, _ =	vpop (xrf1);
	(xrf1) =	vsort.ascd.msk.f32 $0xffff, v14, v20  }
0x1ae: {  	v7 =	vadd.f32 v2, v2;
	v28 =	vadd.f32 v9, v9;
	v11 =	vld [tilespmem:s30+$0xFFFFFFD0];
	v20, v22, _ =	vpop (xrf1);
	(xrf1) =	vsort.ascd.msk.f32 $0xffff, v19, v16  }
0x1af: {  	v18 =	vld [tilespmem:s0+$0x60];
	v12 =	vsel vm1, v12, v17;
	v17 =	vsel vm1, v13, v25;
	v16 =	vsel vm3, v13, v26  }
0x1b0: {  	v25 =	vadd.f32 v3, v3;
	v14 =	vld [tilespmem:s0+$0x10];
	v63 =	vperm.xlane v20, v0;
	(xrf1) =	vsort.ascd.msk.f32 $0xffff, v24, v16  }
0x1b1: {  	v21 =	vadd.f32 v4, v4;
	v27 =	vperm.xlane v22, v0;
	v22 =	vld [tilespmem:s0+$0x40];
	v13, v30, _ =	vpop (xrf1);
	(xrf1) =	vsort.ascd.msk.f32 $0xffff, v12, v17  }
0x1b2: {  	v10 =	vperm.xlane v10, v0;
	v16 =	vadd.f32 v6, v6;
	v20 =	vld [tilespmem:s0+$0x50];
	vm0 =	vle.f32 v29, v63;
	v17, v19, _ =	vpop (xrf1)  }
0x1b3: {  	s31 =	simm.s32 $0x600;
	v26 =	vadd.f32 v11, v11;
	v24 =	vld [tilespmem:s0+$0x30];
	v12 =	vperm.xlane v31, v0;
	v29 =	vsel vm0, v29, v63;
	v32, v31, _ =	vpop (xrf1)  }
.LBB2_14:
0x1b4: {  	p1 =	sne.s32 s31, $0x6000;
	v33 =	vld [tilespmem:s0+$0x0];
	v30 =	vperm.xlane v30, v0;
	v39 =	vsel vm0, v15, v27;
	v27 =	vperm.xlane v32, v0;
	v32, v34, _ =	vpop (xrf1);
	s21 =	smov.u32 s31;
	s31 =	sadd.s32 $0x200, s31  }
0x1b5: {  	v35 =	vadd.f32 v5, v5;
	v36 =	vld [tilespmem:s0+$0x20];
	v23 =	vsub.f32 v23, v28;
	v28 =	vperm.xlane v31, v0;
	v31, v37, _ =	vpop (xrf1)  }
0x1b6: {  	v18 =	vsub.f32 v18, v21;
	v38 =	vsub.f32 v22, v26;
	(xrf1) =	vsort.ascd.msk.f32 $0xffff, v29, v39;
	v26, v21, _ =	vpop (xrf1)  }
0x1b7: {  	v14 =	vsub.f32 v14, v35;
	(xrf1) =	vsort.ascd.msk.f32 $0xffff, v23, v9;
	v23 =	vperm.xlane v26, v0;
	v9, v15, _ =	vpop (xrf1)  }
0x1b8: {  	v24 =	vsub.f32 v24, v25;
	(xrf1) =	vsort.ascd.msk.f32 $0xffff, v38, v11;
	vm1 =	vle.f32 v9, v10;
	v11, v22, _ =	vpop (xrf1)  }
0x1b9: {  	vm0 =	vle.f32 v17, v27;
	v16 =	vsub.f32 v20, v16;
	v20 =	vperm.xlane v21, v0  }
0x1ba: {  	v29 =	vsel vm0, v19, v28;
	v7 =	vsub.f32 v33, v7;
	v8 =	vsub.f32 v36, v8;
	v21, v25, _ =	vpop (xrf1)  }
0x1bb: {  	v13 =	vperm.xlane v13, v0;
	(xrf1) =	vsort.ascd.msk.f32 $0xffff, v14, v5;
	v5 =	vsel vm0, v17, v27;
	v14, v17, _ =	vpop (xrf1)  }
0x1bc: {  	v26 =	vperm.xlane v31, v0;
	v27 =	vperm.xlane v37, v0;
	(xrf1) =	vsort.ascd.msk.f32 $0xffff, v5, v29;
	v19, v28, _ =	vpop (xrf1)  }
0x1bd: {  	s30 =	sadd.s32 $0x200, s30;
	(xrf1) =	vsort.ascd.msk.f32 $0xffff, v16, v6;
	v16 =	vperm.xlane v22, v0;
	vm0 =	vle.f32 v19, v23  }
0x1be: {  	vm2 =	vle.f32 v14, v26;
	v22 =	vperm.xlane v34, v0;
	v6 =	vld [tilespmem:s30+$0xFFFFFF90];
	(xrf1) =	vsort.ascd.msk.f32 $0xffff, v8, v1;
	v29, v31, _ =	vpop (xrf1)  }
0x1bf: {  	vm3 =	vle.f32 v21, v13;
	v1 =	vld [tilespmem:s30+$0xFFFFFFB0];
	(xrf1) =	vsort.ascd.msk.f32 $0xffff, v7, v2;
	v2 =	vsel vm1, v9, v10;
	v10, v33, _ =	vpop (xrf1)  }
0x1c0: {  	v5 =	vld [tilespmem:s30+$0xFFFFFFA0];
	(xrf1) =	vsort.ascd.msk.f32 $0xffff, v18, v4;
	v18 =	vperm.xlane v11, v0;
	v4 =	vsel vm1, v15, v12  }
0x1c1: {  	v11 =	vsel vm3, v21, v13;
	v13 =	vperm.xlane v32, v0;
	v12 =	vld [tilespmem:s30+$0xFFFFFFC0];
	(xrf1) =	vsort.ascd.msk.f32 $0xffff, v2, v4  }
0x1c2: {  	v9 =	vld [tilespmem:s30+$0x0];
	(xrf1) =	vsort.ascd.msk.f32 $0xffff, v24, v3;
	v3 =	vsel vm2, v14, v26;
	vm1 =	vle.f32 v10, v18  }
0x1c3: {  	v14 =	vsel vm3, v25, v30;
	vm3 =	vle.f32 v29, v13;
	v7 =	vadd.f32 v6, v6;
	v4 =	vld [tilespmem:s30+$0xFFFFFFF0];
	v2 =	vmovc v6  }
0x1c4: {  	v21 =	vsel vm2, v17, v27;
	v8 =	vadd.f32 v1, v1;
	v6 =	vld [tilespmem:s30+$0xFFFFFFE0];
	(xrf1) =	vsort.ascd.msk.f32 $0xffff, v11, v14;
	v32, v15, _ =	vpop (xrf1)  }
0x1c5: {  	s0 =	sshra.s32 s21, $0x2;
	v19 =	vsel vm0, v19, v23;
	v20 =	vsel vm0, v28, v20;
	v11 =	vld [tilespmem:s30+$0xFFFFFFD0];
	v24, v34, _ =	vpop (xrf1);
	(xrf1) =	vsort.ascd.msk.f32 $0xffff, v3, v21  }
0x1c6: {  	v13 =	vsel vm3, v29, v13;
	v26 =	vsel vm1, v10, v18;
	v14 =	vld [tilespmem:s0+$0x10];
	v17, v25, _ =	vpop (xrf1);
	(xrf1) =	vsort.ascd.msk.f32 $0xffff, v19, v20;
	v3 =	vmov v12  }
.Ltmp8:
0x1c7: {  	v10 =	vsel vm3, v31, v22;
	v18 =	vld [tilespmem:s0+$0x60];
	v29 =	vperm.xlane v17, v0;
	v17 =	vsel vm1, v33, v16;
	(pc) =	sbr.rel @p1 .LBB2_14-.Ltmp8, $4  }
0x1c8: {  	v27 =	vperm.xlane v25, v0;
	v21 =	vadd.f32 v4, v4;
	v23 =	vld [tilespmem:s0+$0x70];
	(xrf1) =	vsort.ascd.msk.f32 $0xffff, v13, v10  }
0x1c9: {  	v10 =	vperm.xlane v24, v0;
	v22 =	vld [tilespmem:s0+$0x40];
	v16 =	vadd.f32 v6, v6;
	v13, v30, _ =	vpop (xrf1);
	(xrf1) =	vsort.ascd.msk.f32 $0xffff, v26, v17  }
0x1ca: {  	v28 =	vadd.f32 v9, v9;
	vm0 =	vle.f32 v32, v29;
	v26 =	vadd.f32 v11, v11;
	v20 =	vld [tilespmem:s0+$0x50];
	v17, v19, _ =	vpop (xrf1)  }
0x1cb: {  	v25 =	vadd.f32 v12, v3;
	v12 =	vperm.xlane v34, v0;
	v29 =	vsel vm0, v32, v29;
	v24 =	vld [tilespmem:s0+$0x30];
	v32, v31, _ =	vpop (xrf1)  }
0x1cc: {  	_ = 	snop  }
0x1cd: {  	v23 =	vsub.f32 v23, v28  }
0x1ce: {  	v30 =	vperm.xlane v30, v0;
	v15 =	vsel vm0, v15, v27;
	v57, v33, _ =	vpop (xrf1);
	v34 =	vadd.f32 v5, v5;
	v28 =	vld [tilespmem:s0+$0x20]  }
0x1cf: {  	v27 =	vperm.xlane v32, v0;
	v31 =	vperm.xlane v31, v0;
	v18 =	vsub.f32 v18, v21;
	v35, v36, _ =	vpop (xrf1)  }
0x1d0: {  	(xrf1) =	vsort.ascd.msk.f32 $0xffff, v29, v15;
	v15 =	vld [tilespmem:s0+$0x0];
	v22 =	vsub.f32 v22, v26;
	v21, v26, _ =	vpop (xrf1);
	v14 =	vsub.f32 v14, v34  }
0x1d1: {  	vm1 =	vle.f32 v17, v27;
	(xrf1) =	vsort.ascd.msk.f32 $0xffff, v23, v9;
	v9 =	vperm.xlane v21, v0  }
0x1d2: {  	v19 =	vsel vm1, v19, v31;
	v24 =	vsub.f32 v24, v25;
	(xrf1) =	vsort.ascd.msk.f32 $0xffff, v22, v11;
	v21, v23, _ =	vpop (xrf1)  }
0x1d3: {  	v11 =	vsub.f32 v20, v16;
	v8 =	vsub.f32 v28, v8;
	vm0 =	vle.f32 v21, v10  }
0x1d4: {  	v16, v20, _ =	vpop (xrf1);
	(xrf1) =	vsort.ascd.msk.f32 $0xffff, v14, v5;
	v5 =	vsel vm1, v17, v27;
	v14 =	vperm.xlane v26, v0  }
0x1d5: {  	v17, v22, _ =	vpop (xrf1);
	(xrf1) =	vsort.ascd.msk.f32 $0xffff, v5, v19;
	v5 =	vsub.f32 v15, v7;
	v7 =	vperm.xlane v13, v0  }
0x1d6: {  	v13, v15, _ =	vpop (xrf1);
	(xrf1) =	vsort.ascd.msk.f32 $0xffff, v11, v6;
	v6 =	vperm.xlane v35, v0;
	v11 =	vperm.xlane v36, v0  }
0x1d7: {  	v19, v25, _ =	vpop (xrf1);
	(xrf1) =	vsort.ascd.msk.f32 $0xffff, v8, v1;
	vm2 =	vle.f32 v17, v7;
	v1 =	vsel vm0, v21, v10  }
0x1d8: {  	vm1 =	vle.f32 v19, v9;
	(xrf1) =	vsort.ascd.msk.f32 $0xffff, v5, v2;
	v2 =	vsel vm0, v23, v12  }
0x1d9: {  	vm0 =	vle.f32 v13, v6;
	(xrf1) =	vsort.ascd.msk.f32 $0xffff, v18, v4;
	v4 =	vsel vm2, v17, v7  }
0x1da: {  	v5 =	vsel vm0, v15, v11;
	(xrf1) =	vsort.ascd.msk.f32 $0xffff, v1, v2;
	v2 =	vsel vm2, v22, v30  }
0x1db: {  	v7 =	vsel vm1, v25, v14;
	v1 =	vperm.xlane v57, v0;
	(xrf1) =	vsort.ascd.msk.f32 $0xffff, v24, v3  }
0x1dc: {  	v3 =	vsel vm0, v13, v6;
	v6 =	vsel vm1, v19, v9;
	(xrf1) =	vsort.ascd.msk.f32 $0xffff, v4, v2  }
0x1dd: {  	v9 =	vperm.xlane v16, v0;
	v2, v4, _ =	vpop (xrf1);
	(xrf1) =	vsort.ascd.msk.f32 $0xffff, v3, v5;
	v3 =	vperm.xlane v33, v0  }
0x1de: {  	v10 =	vperm.xlane v20, v0;
	v5, v8, _ =	vpop (xrf1);
	vm0 =	vle.f32 v2, v1  }
0x1df: {  	vm1 =	vle.f32 v5, v9;
	v1 =	vsel vm0, v2, v1;
	v2 =	vsel vm0, v4, v3  }
0x1e0: {  	(xrf1) =	vsort.ascd.msk.f32 $0xffff, v6, v7;
	v6, v7, _ =	vpop (xrf1);
	v8 =	vsel vm1, v8, v10  }
0x1e1: {  	v11, v12, _ =	vpop (xrf1);
	v5 =	vsel vm1, v5, v9  }
0x1e2: {  	(xrf1) =	vsort.ascd.msk.f32 $0xffff, v1, v2;
	v3, v4, _ =	vpop (xrf1)  }
0x1e3: {  	(xrf1) =	vsort.ascd.msk.f32 $0xffff, v5, v8;
	v1, v2, _ =	vpop (xrf1)  }
0x1e4: {  	v3 =	vperm.xlane v3, v0;
	v5, v8, _ =	vpop (xrf1)  }
0x1e5: {  	v4 =	vperm.xlane v4, v0;
	v9, v10, _ =	vpop (xrf1)  }
0x1e6: {  	v11 =	vperm.xlane v11, v0;
	v12 =	vperm.xlane v12, v0;
	vm0 =	vle.f32 v6, v3;
	v13, v14, _ =	vpop (xrf1)  }
0x1e7: {  	v2 =	vperm.xlane v2, v0;
	v4 =	vsel vm0, v7, v4;
	v7 =	vperm.xlane v9, v0;
	v15, v16, _ =	vpop (xrf1)  }
0x1e8: {  	v1 =	vperm.xlane v1, v0;
	v3 =	vsel vm0, v6, v3;
	v10 =	vperm.xlane v10, v0;
	v6, v17, _ =	vpop (xrf1)  }
0x1e9: {  	v13 =	vperm.xlane v13, v0;
	vm1 =	vle.f32 v5, v7;
	v9, v18, _ =	vpop (xrf1);
	(xrf1) =	vsort.ascd.msk.f32 $0xffff, v3, v4  }
0x1ea: {  	v6 =	vperm.xlane v6, v0;
	v17 =	vperm.xlane v17, v0;
	v8 =	vsel vm1, v8, v10  }
0x1eb: {  	v5 =	vsel vm1, v5, v7;
	v7 =	vperm.xlane v15, v0;
	v15 =	vperm.xlane v16, v0  }
0x1ec: {  	v3, v4, _ =	vpop (xrf1);
	vm0 =	vle.f32 v9, v11;
	(xrf1) =	vsort.ascd.msk.f32 $0xffff, v5, v8;
	v5 =	vperm.xlane v14, v0  }
0x1ed: {  	v19, v20, _ =	vpop (xrf1);
	v4 =	vperm.xlane v4, v0;
	v9 =	vsel vm0, v9, v11;
	v11 =	vsel vm0, v18, v12  }
0x1ee: {  	v3 =	vperm.xlane v3, v0;
	v10, v21, _ =	vpop (xrf1);
	vm3 =	vle.f32 v19, v1;
	(xrf1) =	vsort.ascd.msk.f32 $0xffff, v9, v11  }
0x1ef: {  	v16, v22, _ =	vpop (xrf1);
	vm2 =	vle.f32 v10, v7;
	v1 =	vsel vm3, v19, v1;
	v2 =	vsel vm3, v20, v2  }
0x1f0: {  	vm1 =	vle.f32 v16, v6;
	v8, v14, _ =	vpop (xrf1);
	v7 =	vsel vm2, v10, v7;
	v9 =	vsel vm2, v21, v15  }
0x1f1: {  	(xrf1) =	vsort.ascd.msk.f32 $0xffff, v1, v2;
	v12, v18, _ =	vpop (xrf1);
	vm3 =	vle.f32 v8, v13;
	v1 =	vsel vm1, v16, v6  }
0x1f2: {  	v2 =	vsel vm1, v22, v17;
	(xrf1) =	vsort.ascd.msk.f32 $0xffff, v7, v9;
	vm0 =	vle.f32 v12, v3  }
0x1f3: {  	v6 =	vsel vm3, v8, v13;
	(xrf1) =	vsort.ascd.msk.f32 $0xffff, v1, v2;
	v1 =	vsel vm3, v14, v5  }
0x1f4: {  	v2 =	vsel vm0, v12, v3;
	v3 =	vsel vm0, v18, v4;
	(xrf1) =	vsort.ascd.msk.f32 $0xffff, v6, v1  }
0x1f5: {  	(xrf1) =	vsort.ascd.msk.f32 $0xffff, v2, v3;
	_ =	sdelay $0x6  }
0x1f6: {  	v1, v2, _ =	vpop (xrf1)  }
0x1f7: {  	v3, v4, _ =	vpop (xrf1)  }
0x1f8: {  	v5, v6, _ =	vpop (xrf1)  }
0x1f9: {  	v7, v8, _ =	vpop (xrf1)  }
0x1fa: {  	v9, v10, _ =	vpop (xrf1)  }
0x1fb: {  	v11, v12, _ =	vpop (xrf1)  }
0x1fc: {  	v7 =	vperm.xlane v7, v0;
	v13, v14, _ =	vpop (xrf1)  }
0x1fd: {  	v3 =	vperm.xlane v3, v0;
	v15, v16, _ =	vpop (xrf1)  }
0x1fe: {  	v8 =	vperm.xlane v8, v0;
	vm0 =	vle.f32 v9, v7;
	v15 =	vperm.xlane v15, v0  }
0x1ff: {  	v4 =	vperm.xlane v4, v0;
	v7 =	vsel vm0, v9, v7;
	v9 =	vperm.xlane v16, v0  }
0x200: {  	v5 =	vperm.xlane v5, v0;
	v8 =	vsel vm0, v10, v8;
	vm0 =	vle.f32 v13, v15  }
0x201: {  	(xrf1) =	vsort.ascd.msk.f32 $0xffff, v7, v8;
	v7 =	vsel vm0, v13, v15;
	v8 =	vsel vm0, v14, v9  }
0x202: {  	v6 =	vperm.xlane v6, v0;
	vm0 =	vle.f32 v1, v3;
	(xrf1) =	vsort.ascd.msk.f32 $0xffff, v7, v8  }
0x203: {  	v1 =	vsel vm0, v1, v3;
	v2 =	vsel vm0, v2, v4;
	vm0 =	vle.f32 v11, v5  }
0x204: {  	(xrf1) =	vsort.ascd.msk.f32 $0xffff, v1, v2;
	v1 =	vsel vm0, v11, v5;
	v2 =	vsel vm0, v12, v6  }
0x205: {  	(xrf1) =	vsort.ascd.msk.f32 $0xffff, v1, v2;
	_ =	sdelay $0xa  }
0x206: {  	v1, v2, _ =	vpop (xrf1)  }
0x207: {  	v3, v4, _ =	vpop (xrf1)  }
0x208: {  	v5, v6, _ =	vpop (xrf1)  }
0x209: {  	v3 =	vperm.xlane v3, v0;
	v7, v8, _ =	vpop (xrf1)  }
0x20a: {  	v4 =	vperm.xlane v4, v0;
	v7 =	vperm.xlane v7, v0  }
0x20b: {  	vm0 =	vle.f32 v1, v3;
	v8 =	vperm.xlane v8, v0  }
0x20c: {  	v1 =	vsel vm0, v1, v3;
	v2 =	vsel vm0, v2, v4;
	vm0 =	vle.f32 v5, v7  }
0x20d: {  	(xrf1) =	vsort.ascd.msk.f32 $0xffff, v1, v2;
	v1 =	vsel vm0, v5, v7;
	v2 =	vsel vm0, v6, v8  }
0x20e: {  	(xrf1) =	vsort.ascd.msk.f32 $0xffff, v1, v2;
	_ =	sdelay $0xc  }
0x20f: {  	v1, v2, _ =	vpop (xrf1)  }
0x210: {  	v3, v4, _ =	vpop (xrf1)  }
0x211: {  	v3 =	vperm.xlane v3, v0  }
0x212: {  	v4 =	vperm.xlane v4, v0  }
0x213: {  	vm0 =	vle.f32 v1, v3  }
0x214: {  	v1 =	vsel vm0, v1, v3;
	v2 =	vsel vm0, v2, v4  }
0x215: {  	(xrf1) =	vsort.ascd.msk.f32 $0xffff, v1, v2;
	_ =	sdelay $0xd  }
0x216: {  	v1, v2, _ =	vpop (xrf1)  }
0x217: {  	[tilespmem:$0x7B80] =	vst v1  }
0x218: {  	s0 =	simm.s32 $0x1A70;
	[tilespmem:$0x7D80] =	vst v2  }
0x219: {  	v1 =	vld [tilespmem:s0+$0xFFFFFF90]  }
0x21a: {  	v2 =	vld [tilespmem:s0+$0xFFFFFFB0]  }
0x21b: {  	v3 =	vld [tilespmem:s0+$0xFFFFFFA0]  }
0x21c: {  	v4 =	vld [tilespmem:s0+$0x0]  }
0x21d: {  	s21 =	simm.s32 $0x0;
	v5 =	vld [tilespmem:s0+$0xFFFFFFD0]  }
0x21e: {  	v6 =	vld [tilespmem:s21+$0x70]  }
0x21f: {  	v7 =	vld [tilespmem:s21+$0x40]  }
0x220: {  	v9 =	vld [tilespmem:s0+$0xFFFFFFE0]  }
0x221: {  	v11 =	vld [tilespmem:s21+$0x10];
	v10 =	vadd.f32 v4, v4  }
0x222: {  	v13 =	vld [tilespmem:s21+$0x50];
	v12 =	vadd.f32 v5, v5  }
0x223: {  	v8 =	vld [tilespmem:s0+$0xFFFFFFF0];
	v6 =	vsub.f32 v6, v10  }
0x224: {  	v14 =	vadd.f32 v3, v3;
	v10 =	vld [tilespmem:s21+$0x20];
	v7 =	vsub.f32 v7, v12  }
0x225: {  	v12 =	vld [tilespmem:s21+$0x0];
	(xrf1) =	vsort.ascd.msk.f32 $0xffff, v6, v4;
	v6 =	vadd.f32 v9, v9  }
0x226: {  	v4 =	vld [tilespmem:s21+$0x60];
	(xrf1) =	vsort.ascd.msk.f32 $0xffff, v7, v5;
	v7 =	vsub.f32 v11, v14  }
0x227: {  	v6 =	vsub.f32 v13, v6;
	v13 =	vld [tilespmem:s0+$0xFFFFFFC0]  }
0x228: {  	s0 =	simm.s32 $0x1C70;
	(xrf1) =	vsort.ascd.msk.f32 $0xffff, v7, v3;
	v3 =	vld [tilespmem:s21+$0x30]  }
0x229: {  	v11 =	vadd.f32 v1, v1;
	(xrf1) =	vsort.ascd.msk.f32 $0xffff, v6, v9;
	v6 =	vld [tilespmem:s0+$0xFFFFFF90]  }
0x22a: {  	v5 =	vadd.f32 v2, v2;
	s21 =	simm.s32 $0x80;
	v9 =	vld [tilespmem:s0+$0xFFFFFFD0]  }
0x22b: {  	v7 =	vsub.f32 v12, v11;
	v11 =	vld [tilespmem:s21+$0x10]  }
0x22c: {  	v5 =	vsub.f32 v10, v5;
	v21 =	vld [tilespmem:s21+$0x40]  }
0x22d: {  	v14 =	vadd.f32 v8, v8;
	v58 =	vld [tilespmem:s21+$0x0]  }
0x22e: {  	(xrf1) =	vsort.ascd.msk.f32 $0xffff, v5, v2;
	v5 =	vld [tilespmem:s0+$0xFFFFFFB0]  }
0x22f: {  	v4 =	vsub.f32 v4, v14;
	(xrf1) =	vsort.ascd.msk.f32 $0xffff, v7, v1;
	v1 =	vld [tilespmem:s0+$0xFFFFFFA0];
	v2 =	vadd.f32 v13, v13  }
0x230: {  	v7 =	vld [tilespmem:s0+$0x0]  }
0x231: {  	(xrf1) =	vsort.ascd.msk.f32 $0xffff, v4, v8;
	v4 =	vld [tilespmem:s0+$0xFFFFFFC0];
	v2 =	vsub.f32 v3, v2  }
0x232: {  	v8 =	vld [tilespmem:s0+$0xFFFFFFF0]  }
0x233: {  	v20 =	vld [tilespmem:s21+$0x70];
	v14 =	vadd.f32 v6, v6  }
0x234: {  	v3 =	vld [tilespmem:s0+$0xFFFFFFE0];
	v25 =	vadd.f32 v9, v9;
	v18 =	vadd.f32 v5, v5;
	(xrf1) =	vsort.ascd.msk.f32 $0xffff, v2, v13  }
0x235: {  	v12 =	vimm.f32 $+Inf;
	v17 =	vld [tilespmem:s21+$0x60];
	v27 =	vadd.f32 v7, v7;
	v61 =	vadd.f32 v1, v1;
	v2, v10, _ =	vpop (xrf1)  }
0x236: {  	v13 =	vimm.f32 $0.0e+00;
	v21 =	vsub.f32 v21, v25;
	v14 =	vsub.f32 v58, v14;
	v15, v16, _ =	vpop (xrf1)  }
0x237: {  	v19 =	vadd.f32 v8, v8;
	v29 =	vadd.f32 v4, v4;
	v15 =	vperm.xlane v15, v0  }
0x238: {  	v28 =	vld [tilespmem:s21+$0x30];
	v20 =	vsub.f32 v20, v27;
	v11 =	vsub.f32 v11, v61;
	v16 =	vperm.xlane v16, v0  }
0x239: {  	v26 =	vld [tilespmem:s21+$0x50];
	v22 =	vadd.f32 v3, v3;
	v23 =	vperm.xlane v2, v0;
	vm0 =	vle.f32 v12, v15  }
0x23a: {  	v17 =	vsub.f32 v17, v19;
	v2, v24, _ =	vpop (xrf1);
	v15 =	vsel vm0, v12, v15;
	v16 =	vsel vm0, v13, v16  }
0x23b: {  	v62 =	vld [tilespmem:s21+$0x20];
	v10 =	vperm.xlane v10, v0;
	vm1 =	vle.f32 v12, v23;
	v30, v31, _ =	vpop (xrf1);
	(xrf1) =	vsort.ascd.msk.f32 $0xffff, v15, v16  }
0x23c: {  	v24 =	vperm.xlane v24, v0;
	v30 =	vperm.xlane v30, v0;
	v60, v59, _ =	vpop (xrf1);
	(xrf1) =	vsort.ascd.msk.f32 $0xffff, v20, v7  }
0x23d: {  	v27 =	vperm.xlane v31, v0;
	v31, v37, _ =	vpop (xrf1);
	v7 =	vsub.f32 v28, v29;
	(xrf1) =	vsort.ascd.msk.f32 $0xffff, v21, v9  }
0x23e: {  	vm0 =	vle.f32 v12, v30;
	v9 =	vsub.f32 v26, v22;
	v21 =	vperm.xlane v31, v0  }
0x23f: {  	v22 =	vperm.xlane v37, v0;
	v15, v16, _ =	vpop (xrf1);
	(xrf1) =	vsort.ascd.msk.f32 $0xffff, v11, v1;
	v1 =	vsel vm0, v12, v30  }
0x240: {  	v19 =	vperm.xlane v15, v0;
	v15 =	vsub.f32 v62, v18;
	v18 =	vsel vm0, v13, v27  }
0x241: {  	v26 =	vperm.xlane v59, v0;
	v11 =	vperm.xlane v2, v0;
	(xrf1) =	vsort.ascd.msk.f32 $0xffff, v1, v18  }
0x242: {  	s30 =	simm.s32 $0x1E70;
	v16 =	vperm.xlane v16, v0;
	vm2 =	vle.f32 v12, v21;
	v20, v2, _ =	vpop (xrf1);
	(xrf1) =	vsort.ascd.msk.f32 $0xffff, v9, v3  }
0x243: {  	v1 =	vld [tilespmem:s30+$0xFFFFFFB0];
	vm3 =	vle.f32 v12, v11;
	v18 =	vperm.xlane v60, v0;
	(xrf1) =	vsort.ascd.msk.f32 $0xffff, v15, v5  }
0x244: {  	v25 =	vperm.xlane v2, v0;
	vm0 =	vle.f32 v12, v19;
	v2 =	vld [tilespmem:s30+$0xFFFFFF90];
	(xrf1) =	vsort.ascd.msk.f32 $0xffff, v14, v6  }
0x245: {  	v3 =	vld [tilespmem:s30+$0xFFFFFFC0];
	v6 =	vsel vm1, v12, v23;
	(xrf1) =	vsort.ascd.msk.f32 $0xffff, v17, v8;
	v8 =	vsel vm1, v13, v10  }
0x246: {  	v9 =	vld [tilespmem:s30+$0x0];
	v19 =	vsel vm0, v12, v19;
	v16 =	vsel vm0, v13, v16;
	(xrf1) =	vsort.ascd.msk.f32 $0xffff, v6, v8  }
0x247: {  	s0 =	simm.s32 $0x100;
	v5 =	vld [tilespmem:s30+$0xFFFFFFA0];
	v14 =	vsel vm2, v12, v21;
	v10 =	vsel vm3, v12, v11;
	(xrf1) =	vsort.ascd.msk.f32 $0xffff, v7, v4  }
0x248: {  	v23 =	vld [tilespmem:s0+$0x70];
	v17 =	vperm.xlane v20, v0;
	v11 =	vsel vm3, v13, v24;
	v20 =	vsel vm2, v13, v22  }
0x249: {  	vm3 =	vle.f32 v12, v18;
	v8 =	vadd.f32 v1, v1;
	v4 =	vld [tilespmem:s30+$0xFFFFFFF0];
	(xrf1) =	vsort.ascd.msk.f32 $0xffff, v10, v11;
	v29, v15, _ =	vpop (xrf1)  }
0x24a: {  	v6 =	vld [tilespmem:s30+$0xFFFFFFE0];
	v24 =	vsel vm3, v12, v18;
	vm1 =	vle.f32 v12, v17;
	v10, v31, _ =	vpop (xrf1);
	(xrf1) =	vsort.ascd.msk.f32 $0xffff, v14, v20  }
0x24b: {  	v7 =	vadd.f32 v2, v2;
	v28 =	vadd.f32 v9, v9;
	v11 =	vld [tilespmem:s30+$0xFFFFFFD0];
	v20, v22, _ =	vpop (xrf1);
	(xrf1) =	vsort.ascd.msk.f32 $0xffff, v19, v16  }
0x24c: {  	v18 =	vld [tilespmem:s0+$0x60];
	v12 =	vsel vm1, v12, v17;
	v17 =	vsel vm1, v13, v25;
	v16 =	vsel vm3, v13, v26  }
0x24d: {  	v25 =	vadd.f32 v3, v3;
	v14 =	vld [tilespmem:s0+$0x10];
	v63 =	vperm.xlane v20, v0;
	(xrf1) =	vsort.ascd.msk.f32 $0xffff, v24, v16  }
0x24e: {  	v21 =	vadd.f32 v4, v4;
	v27 =	vperm.xlane v22, v0;
	v22 =	vld [tilespmem:s0+$0x40];
	v13, v30, _ =	vpop (xrf1);
	(xrf1) =	vsort.ascd.msk.f32 $0xffff, v12, v17  }
0x24f: {  	v10 =	vperm.xlane v10, v0;
	v16 =	vadd.f32 v6, v6;
	v20 =	vld [tilespmem:s0+$0x50];
	vm0 =	vle.f32 v29, v63;
	v17, v19, _ =	vpop (xrf1)  }
0x250: {  	s31 =	simm.s32 $0x600;
	v26 =	vadd.f32 v11, v11;
	v24 =	vld [tilespmem:s0+$0x30];
	v12 =	vperm.xlane v31, v0;
	v29 =	vsel vm0, v29, v63;
	v32, v31, _ =	vpop (xrf1)  }
.LBB2_16:
0x251: {  	p1 =	sne.s32 s31, $0x6000;
	v33 =	vld [tilespmem:s0+$0x0];
	v30 =	vperm.xlane v30, v0;
	v39 =	vsel vm0, v15, v27;
	v27 =	vperm.xlane v32, v0;
	v32, v34, _ =	vpop (xrf1);
	s21 =	smov.u32 s31;
	s31 =	sadd.s32 $0x200, s31  }
0x252: {  	v35 =	vadd.f32 v5, v5;
	v36 =	vld [tilespmem:s0+$0x20];
	v23 =	vsub.f32 v23, v28;
	v28 =	vperm.xlane v31, v0;
	v31, v37, _ =	vpop (xrf1)  }
0x253: {  	v18 =	vsub.f32 v18, v21;
	v38 =	vsub.f32 v22, v26;
	(xrf1) =	vsort.ascd.msk.f32 $0xffff, v29, v39;
	v26, v21, _ =	vpop (xrf1)  }
0x254: {  	v14 =	vsub.f32 v14, v35;
	(xrf1) =	vsort.ascd.msk.f32 $0xffff, v23, v9;
	v23 =	vperm.xlane v26, v0;
	v9, v15, _ =	vpop (xrf1)  }
0x255: {  	v24 =	vsub.f32 v24, v25;
	(xrf1) =	vsort.ascd.msk.f32 $0xffff, v38, v11;
	vm1 =	vle.f32 v9, v10;
	v11, v22, _ =	vpop (xrf1)  }
0x256: {  	vm0 =	vle.f32 v17, v27;
	v16 =	vsub.f32 v20, v16;
	v20 =	vperm.xlane v21, v0  }
0x257: {  	v29 =	vsel vm0, v19, v28;
	v7 =	vsub.f32 v33, v7;
	v8 =	vsub.f32 v36, v8;
	v21, v25, _ =	vpop (xrf1)  }
0x258: {  	v13 =	vperm.xlane v13, v0;
	(xrf1) =	vsort.ascd.msk.f32 $0xffff, v14, v5;
	v5 =	vsel vm0, v17, v27;
	v14, v17, _ =	vpop (xrf1)  }
0x259: {  	v26 =	vperm.xlane v31, v0;
	v27 =	vperm.xlane v37, v0;
	(xrf1) =	vsort.ascd.msk.f32 $0xffff, v5, v29;
	v19, v28, _ =	vpop (xrf1)  }
0x25a: {  	s30 =	sadd.s32 $0x200, s30;
	(xrf1) =	vsort.ascd.msk.f32 $0xffff, v16, v6;
	v16 =	vperm.xlane v22, v0;
	vm0 =	vle.f32 v19, v23  }
0x25b: {  	vm2 =	vle.f32 v14, v26;
	v22 =	vperm.xlane v34, v0;
	v6 =	vld [tilespmem:s30+$0xFFFFFF90];
	(xrf1) =	vsort.ascd.msk.f32 $0xffff, v8, v1;
	v29, v31, _ =	vpop (xrf1)  }
0x25c: {  	vm3 =	vle.f32 v21, v13;
	v1 =	vld [tilespmem:s30+$0xFFFFFFB0];
	(xrf1) =	vsort.ascd.msk.f32 $0xffff, v7, v2;
	v2 =	vsel vm1, v9, v10;
	v10, v33, _ =	vpop (xrf1)  }
0x25d: {  	v5 =	vld [tilespmem:s30+$0xFFFFFFA0];
	(xrf1) =	vsort.ascd.msk.f32 $0xffff, v18, v4;
	v18 =	vperm.xlane v11, v0;
	v4 =	vsel vm1, v15, v12  }
0x25e: {  	v11 =	vsel vm3, v21, v13;
	v13 =	vperm.xlane v32, v0;
	v12 =	vld [tilespmem:s30+$0xFFFFFFC0];
	(xrf1) =	vsort.ascd.msk.f32 $0xffff, v2, v4  }
0x25f: {  	v9 =	vld [tilespmem:s30+$0x0];
	(xrf1) =	vsort.ascd.msk.f32 $0xffff, v24, v3;
	v3 =	vsel vm2, v14, v26;
	vm1 =	vle.f32 v10, v18  }
0x260: {  	v14 =	vsel vm3, v25, v30;
	vm3 =	vle.f32 v29, v13;
	v7 =	vadd.f32 v6, v6;
	v4 =	vld [tilespmem:s30+$0xFFFFFFF0];
	v2 =	vmovc v6  }
0x261: {  	v21 =	vsel vm2, v17, v27;
	v8 =	vadd.f32 v1, v1;
	v6 =	vld [tilespmem:s30+$0xFFFFFFE0];
	(xrf1) =	vsort.ascd.msk.f32 $0xffff, v11, v14;
	v32, v15, _ =	vpop (xrf1)  }
0x262: {  	s0 =	sshra.s32 s21, $0x2;
	v19 =	vsel vm0, v19, v23;
	v20 =	vsel vm0, v28, v20;
	v11 =	vld [tilespmem:s30+$0xFFFFFFD0];
	v24, v34, _ =	vpop (xrf1);
	(xrf1) =	vsort.ascd.msk.f32 $0xffff, v3, v21  }
0x263: {  	v13 =	vsel vm3, v29, v13;
	v26 =	vsel vm1, v10, v18;
	v14 =	vld [tilespmem:s0+$0x10];
	v17, v25, _ =	vpop (xrf1);
	(xrf1) =	vsort.ascd.msk.f32 $0xffff, v19, v20;
	v3 =	vmov v12  }
.Ltmp9:
0x264: {  	v10 =	vsel vm3, v31, v22;
	v18 =	vld [tilespmem:s0+$0x60];
	v29 =	vperm.xlane v17, v0;
	v17 =	vsel vm1, v33, v16;
	(pc) =	sbr.rel @p1 .LBB2_16-.Ltmp9, $4  }
0x265: {  	v27 =	vperm.xlane v25, v0;
	v21 =	vadd.f32 v4, v4;
	v23 =	vld [tilespmem:s0+$0x70];
	(xrf1) =	vsort.ascd.msk.f32 $0xffff, v13, v10  }
0x266: {  	v10 =	vperm.xlane v24, v0;
	v22 =	vld [tilespmem:s0+$0x40];
	v16 =	vadd.f32 v6, v6;
	v13, v30, _ =	vpop (xrf1);
	(xrf1) =	vsort.ascd.msk.f32 $0xffff, v26, v17  }
0x267: {  	v28 =	vadd.f32 v9, v9;
	vm0 =	vle.f32 v32, v29;
	v26 =	vadd.f32 v11, v11;
	v20 =	vld [tilespmem:s0+$0x50];
	v17, v19, _ =	vpop (xrf1)  }
0x268: {  	v25 =	vadd.f32 v12, v3;
	v12 =	vperm.xlane v34, v0;
	v29 =	vsel vm0, v32, v29;
	v24 =	vld [tilespmem:s0+$0x30];
	v32, v31, _ =	vpop (xrf1)  }
0x269: {  	v34 =	vadd.f32 v5, v5  }
0x26a: {  	v30 =	vperm.xlane v30, v0  }
0x26b: {  	v15 =	vsel vm0, v15, v27;
	v58 =	vperm.xlane v32, v0;
	v59, v33, _ =	vpop (xrf1);
	v60 =	vld [tilespmem:s0+$0x20];
	v23 =	vsub.f32 v23, v28  }
0x26c: {  	v31 =	vperm.xlane v31, v0;
	v61 =	vld [tilespmem:s0+$0x0];
	v35, v36, _ =	vpop (xrf1);
	(xrf1) =	vsort.ascd.msk.f32 $0xffff, v29, v15;
	v22 =	vsub.f32 v22, v26  }
0x26d: {  	v18 =	vsub.f32 v18, v21;
	v63, v62, _ =	vpop (xrf1);
	v14 =	vsub.f32 v14, v34;
	(xrf1) =	vsort.ascd.msk.f32 $0xffff, v23, v9  }
0x26e: {  	vm1 =	vle.f32 v17, v58;
	v38 =	vsub.f32 v20, v16;
	(xrf1) =	vsort.ascd.msk.f32 $0xffff, v22, v11;
	v37, v34, _ =	vpop (xrf1)  }
0x26f: {  	v19 =	vsel vm1, v19, v31;
	v39 =	vsel vm1, v17, v58;
	v16, v20, _ =	vpop (xrf1);
	(xrf1) =	vsort.ascd.msk.f32 $0xffff, v14, v5  }
0x270: {  	v44 =	vperm.xlane v13, v0;
	v8 =	vsub.f32 v60, v8;
	(xrf1) =	vsort.ascd.msk.f32 $0xffff, v39, v19  }
0x271: {  	v47 =	vperm.xlane v35, v0;
	v43 =	vsub.f32 v61, v7;
	v42, v41, _ =	vpop (xrf1);
	(xrf1) =	vsort.ascd.msk.f32 $0xffff, v38, v6  }
0x272: {  	v48 =	vperm.xlane v36, v0;
	v24 =	vsub.f32 v24, v25;
	v46, v45, _ =	vpop (xrf1);
	(xrf1) =	vsort.ascd.msk.f32 $0xffff, v8, v1  }
0x273: {  	vm7 =	vle.f32 v37, v10;
	vm2 =	vle.f32 v42, v44;
	v50, v49, _ =	vpop (xrf1);
	(xrf1) =	vsort.ascd.msk.f32 $0xffff, v43, v2  }
0x274: {  	v1 =	vsel vm7, v37, v10;
	v2 =	vsel vm7, v34, v12;
	(xrf1) =	vsort.ascd.msk.f32 $0xffff, v18, v4  }
0x275: {  	vm9 =	vle.f32 v46, v47;
	(xrf1) =	vsort.ascd.msk.f32 $0xffff, v1, v2;
	v2 =	vsel vm2, v41, v30  }
0x276: {  	v51 =	vsel vm2, v42, v44;
	v52 =	vsel vm9, v45, v48;
	(xrf1) =	vsort.ascd.msk.f32 $0xffff, v24, v3  }
0x277: {  	v1 =	vperm.xlane v59, v0;
	v3 =	vsel vm9, v46, v47;
	(xrf1) =	vsort.ascd.msk.f32 $0xffff, v51, v2  }
0x278: {  	v29 =	vperm.xlane v63, v0;
	v2, v4, _ =	vpop (xrf1);
	(xrf1) =	vsort.ascd.msk.f32 $0xffff, v3, v52;
	v3 =	vperm.xlane v33, v0  }
0x279: {  	v40 =	vperm.xlane v62, v0;
	v57 =	vperm.xlane v16, v0;
	vm10 =	vle.f32 v2, v1  }
0x27a: {  	vm8 =	vle.f32 v50, v29;
	v56, v55, _ =	vpop (xrf1);
	v1 =	vsel vm10, v2, v1;
	v2 =	vsel vm10, v4, v3  }
0x27b: {  	v58 =	vperm.xlane v20, v0;
	v53 =	vsel vm8, v50, v29;
	v54 =	vsel vm8, v49, v40;
	v6, v7, _ =	vpop (xrf1)  }
0x27c: {  	(xrf1) =	vsort.ascd.msk.f32 $0xffff, v53, v54;
	vm11 =	vle.f32 v56, v57;
	v60, v59, _ =	vpop (xrf1)  }
0x27d: {  	v5 =	vsel vm11, v56, v57;
	v8 =	vsel vm11, v55, v58;
	(xrf1) =	vsort.ascd.msk.f32 $0xffff, v1, v2;
	v3, v4, _ =	vpop (xrf1)  }
0x27e: {  	v1, v2, _ =	vpop (xrf1);
	(xrf1) =	vsort.ascd.msk.f32 $0xffff, v5, v8;
	_ =	sdelay $0x1  }
0x27f: {  	v3 =	vperm.xlane v3, v0  }
0x280: {  	v4 =	vperm.xlane v4, v0;
	v5, v8, _ =	vpop (xrf1)  }
0x281: {  	v11 =	vperm.xlane v60, v0;
	v12 =	vperm.xlane v59, v0;
	vm12 =	vle.f32 v6, v3;
	v61, v62, _ =	vpop (xrf1)  }
0x282: {  	v2 =	vperm.xlane v2, v0;
	v1 =	vperm.xlane v1, v0;
	v4 =	vsel vm12, v7, v4;
	v63, v24, _ =	vpop (xrf1)  }
0x283: {  	v3 =	vsel vm12, v6, v3;
	v29 =	vperm.xlane v61, v0;
	v10 =	vperm.xlane v62, v0;
	v25, v26, _ =	vpop (xrf1)  }
0x284: {  	(xrf1) =	vsort.ascd.msk.f32 $0xffff, v3, v4;
	v40 =	vperm.xlane v24, v0;
	v13 =	vperm.xlane v63, v0;
	v28, v27, _ =	vpop (xrf1)  }
0x285: {  	vm14 =	vle.f32 v5, v29;
	v36 =	vperm.xlane v25, v0;
	v37 =	vperm.xlane v26, v0;
	v31, v30, _ =	vpop (xrf1)  }
0x286: {  	v6 =	vperm.xlane v28, v0;
	v8 =	vsel vm14, v8, v10;
	v5 =	vsel vm14, v5, v29;
	v3, v4, _ =	vpop (xrf1)  }
0x287: {  	v17 =	vperm.xlane v27, v0;
	vm13 =	vle.f32 v31, v11;
	(xrf1) =	vsort.ascd.msk.f32 $0xffff, v5, v8;
	v32, v33, _ =	vpop (xrf1)  }
0x288: {  	v4 =	vperm.xlane v4, v0;
	v9 =	vsel vm13, v31, v11;
	v3 =	vperm.xlane v3, v0;
	v35, v34, _ =	vpop (xrf1)  }
0x289: {  	v43 =	vsel vm13, v30, v12;
	vm3 =	vle.f32 v32, v1;
	v39, v38, _ =	vpop (xrf1);
	vm6 =	vle.f32 v35, v36  }
0x28a: {  	v1 =	vsel vm3, v32, v1;
	v2 =	vsel vm3, v33, v2;
	vm15 =	vle.f32 v39, v6;
	v41, v42, _ =	vpop (xrf1)  }
0x28b: {  	v7 =	vsel vm6, v35, v36;
	vm8 =	vle.f32 v41, v13;
	v12, v18, _ =	vpop (xrf1);
	(xrf1) =	vsort.ascd.msk.f32 $0xffff, v9, v43  }
0x28c: {  	v44 =	vsel vm6, v34, v37;
	v45 =	vsel vm8, v41, v13;
	(xrf1) =	vsort.ascd.msk.f32 $0xffff, v1, v2  }
0x28d: {  	v1 =	vsel vm15, v39, v6;
	v2 =	vsel vm15, v38, v17;
	(xrf1) =	vsort.ascd.msk.f32 $0xffff, v7, v44  }
0x28e: {  	vm7 =	vle.f32 v12, v3;
	(xrf1) =	vsort.ascd.msk.f32 $0xffff, v1, v2;
	v1 =	vsel vm8, v42, v40  }
0x28f: {  	v2 =	vsel vm7, v12, v3;
	v3 =	vsel vm7, v18, v4;
	(xrf1) =	vsort.ascd.msk.f32 $0xffff, v45, v1  }
0x290: {  	(xrf1) =	vsort.ascd.msk.f32 $0xffff, v2, v3;
	_ =	sdelay $0x6  }
0x291: {  	v1, v2, _ =	vpop (xrf1)  }
0x292: {  	v3, v4, _ =	vpop (xrf1)  }
0x293: {  	v46, v47, _ =	vpop (xrf1)  }
0x294: {  	v48, v49, _ =	vpop (xrf1)  }
0x295: {  	v9, v50, _ =	vpop (xrf1)  }
0x296: {  	v3 =	vperm.xlane v3, v0;
	v51, v52, _ =	vpop (xrf1)  }
0x297: {  	v4 =	vperm.xlane v4, v0;
	v53, v54, _ =	vpop (xrf1)  }
0x298: {  	vm11 =	vle.f32 v1, v3;
	v5 =	vperm.xlane v46, v0;
	v7 =	vperm.xlane v48, v0;
	v55, v56, _ =	vpop (xrf1)  }
0x299: {  	v1 =	vsel vm11, v1, v3;
	v8 =	vperm.xlane v49, v0;
	v15 =	vperm.xlane v55, v0  }
0x29a: {  	v6 =	vperm.xlane v47, v0;
	vm9 =	vle.f32 v9, v7;
	v57 =	vperm.xlane v56, v0  }
0x29b: {  	v7 =	vsel vm9, v9, v7;
	v8 =	vsel vm9, v50, v8;
	vm10 =	vle.f32 v53, v15  }
0x29c: {  	(xrf1) =	vsort.ascd.msk.f32 $0xffff, v7, v8;
	v58 =	vsel vm10, v53, v15;
	v59 =	vsel vm10, v54, v57  }
0x29d: {  	v2 =	vsel vm11, v2, v4;
	vm12 =	vle.f32 v51, v5;
	(xrf1) =	vsort.ascd.msk.f32 $0xffff, v58, v59  }
0x29e: {  	(xrf1) =	vsort.ascd.msk.f32 $0xffff, v1, v2;
	v1 =	vsel vm12, v51, v5;
	v2 =	vsel vm12, v52, v6  }
0x29f: {  	(xrf1) =	vsort.ascd.msk.f32 $0xffff, v1, v2;
	_ =	sdelay $0xa  }
0x2a0: {  	v1, v2, _ =	vpop (xrf1)  }
0x2a1: {  	v3, v60, _ =	vpop (xrf1)  }
0x2a2: {  	v61, v62, _ =	vpop (xrf1)  }
0x2a3: {  	v3 =	vperm.xlane v3, v0;
	v7, v8, _ =	vpop (xrf1)  }
0x2a4: {  	v4 =	vperm.xlane v60, v0;
	v7 =	vperm.xlane v7, v0  }
0x2a5: {  	vm13 =	vle.f32 v1, v3;
	v8 =	vperm.xlane v8, v0  }
0x2a6: {  	v1 =	vsel vm13, v1, v3;
	v2 =	vsel vm13, v2, v4;
	vm14 =	vle.f32 v61, v7  }
0x2a7: {  	(xrf1) =	vsort.ascd.msk.f32 $0xffff, v1, v2;
	v1 =	vsel vm14, v61, v7;
	v2 =	vsel vm14, v62, v8  }
0x2a8: {  	(xrf1) =	vsort.ascd.msk.f32 $0xffff, v1, v2;
	_ =	sdelay $0xc  }
0x2a9: {  	v1, v2, _ =	vpop (xrf1)  }
0x2aa: {  	v3, v63, _ =	vpop (xrf1)  }
0x2ab: {  	v3 =	vperm.xlane v3, v0  }
0x2ac: {  	v4 =	vperm.xlane v63, v0  }
0x2ad: {  	vm15 =	vle.f32 v1, v3  }
0x2ae: {  	v1 =	vsel vm15, v1, v3;
	v2 =	vsel vm15, v2, v4  }
0x2af: {  	(xrf1) =	vsort.ascd.msk.f32 $0xffff, v1, v2;
	_ =	sdelay $0xd  }
0x2b0: {  	v1, v2, _ =	vpop (xrf1)  }
0x2b1: {  	[tilespmem:$0x7C00] =	vst v1  }
0x2b2: {  	s31 =	simm.s32 $0x7A80;
	[tilespmem:$0x7E00] =	vst v2  }
0x2b3: {  	[hbm4b:s8+s2] =	stream.linear.scatter [tilespmem:s31], [sflag:$0x1], $0x80, $0x38;
	[tilespmem:$0x8F00] =	vst v63  }
0x2b4: {  	_ =	swait.ge [sflag:s20], $0x80  }
0x2b5: {  	[sflag:s20] =	ssyncset.done $0x0  }
0x2b6: {  	[sflag:s20] =	ssyncadd.s32 $0xFFFFFF80  }
0x2b7: {  	[hbm4b:s9+s2] =	stream.linear.scatter [tilespmem:s22], [sflag:$0x1], $0x80, $0x38;
	[tilespmem:$0x8F00] =	vst v63  }
0x2b8: {  	_ =	swait.ge [sflag:s20], $0x80  }
0x2b9: {  	[sflag:s20] =	ssyncset.done $0x0  }
0x2ba: {  	[sflag:s20] =	ssyncadd.s32 $0xFFFFFF80  }
0x2bb: {  	[hbm4b:s10+s2] =	stream.linear.scatter [tilespmem:s23], [sflag:$0x1], $0x80, $0x38;
	[tilespmem:$0x8F00] =	vst v63  }
0x2bc: {  	_ =	swait.ge [sflag:s20], $0x80  }
0x2bd: {  	[sflag:s20] =	ssyncset.done $0x0  }
0x2be: {  	[sflag:s20] =	ssyncadd.s32 $0xFFFFFF80  }
0x2bf: {  	[hbm4b:s11+s2] =	stream.linear.scatter [tilespmem:s24], [sflag:$0x1], $0x80, $0x38;
	[tilespmem:$0x8F00] =	vst v63  }
0x2c0: {  	_ =	swait.ge [sflag:s20], $0x80  }
0x2c1: {  	[sflag:s20] =	ssyncset.done $0x0  }
0x2c2: {  	[sflag:s20] =	ssyncadd.s32 $0xFFFFFF80  }
0x2c3: {  	[hbm4b:s12+s2] =	stream.linear.scatter [tilespmem:s25], [sflag:$0x1], $0x80, $0x38;
	[tilespmem:$0x8F00] =	vst v63  }
0x2c4: {  	_ =	swait.ge [sflag:s20], $0x80  }
0x2c5: {  	[sflag:s20] =	ssyncset.done $0x0  }
0x2c6: {  	[sflag:s20] =	ssyncadd.s32 $0xFFFFFF80  }
0x2c7: {  	[hbm4b:s13+s2] =	stream.linear.scatter [tilespmem:s26], [sflag:$0x1], $0x80, $0x38;
	[tilespmem:$0x8F00] =	vst v63  }
0x2c8: {  	_ =	swait.ge [sflag:s20], $0x80  }
0x2c9: {  	[sflag:s20] =	ssyncset.done $0x0  }
0x2ca: {  	[sflag:s20] =	ssyncadd.s32 $0xFFFFFF80  }
0x2cb: {  	[hbm4b:s14+s2] =	stream.linear.scatter [tilespmem:s28], [sflag:$0x1], $0x80, $0x38;
	[tilespmem:$0x8F00] =	vst v63  }
0x2cc: {  	_ =	swait.ge [sflag:s20], $0x80  }
0x2cd: {  	[sflag:s20] =	ssyncset.done $0x0  }
0x2ce: {  	[sflag:s20] =	ssyncadd.s32 $0xFFFFFF80  }
0x2cf: {  	[hbm4b:s15+s2] =	stream.linear.scatter [tilespmem:s29], [sflag:$0x1], $0x80, $0x38;
	[tilespmem:$0x8F00] =	vst v63  }
.Ltmp10:
0x2d0: {  	_ =	swait.ge [sflag:s20], $0x80;
	(pc) =	sbr.rel @p0 .LBB2_19-.Ltmp10, $3  }
0x2d1: {  	[sflag:s20] =	ssyncset.done $0x0  }
0x2d2: {  	[sflag:s20] =	ssyncadd.s32 $0xFFFFFF80  }
0x2d3: {  	[bflag:$0x0] =	sbarrier.arrive $0xFFFF;
	_ =	sdelay $0x1  }
0x2d4: {  	s0 =	simm.s32 $0x7E80  }
0x2d5: {  	[tilespmem:s0], [sflag:$0x1] =	stream.linear.gather [hbm4b:s16+s2], $0x800, $0x38;
	[tilespmem:$0x8F00] =	vst v63  }
0x2d6: {  	_ =	swait.ge [sflag:s20], $0x800  }
0x2d7: {  	[sflag:s20] =	ssyncset.done $0x0  }
0x2d8: {  	s30 =	simm.s32 $0x8680;
	[sflag:s20] =	ssyncadd.s32 $0xFFFFF800  }
0x2d9: {  	[tilespmem:s30], [sflag:$0x1] =	stream.linear.gather [hbm4b:s17+s2], $0x800, $0x38;
	[tilespmem:$0x8F00] =	vst v63  }
0x2da: {  	_ =	swait.ge [sflag:s20], $0x800  }
0x2db: {  	[sflag:s20] =	ssyncset.done $0x0  }
0x2dc: {  	[sflag:s20] =	ssyncadd.s32 $0xFFFFF800  }
0x2dd: {  	v1 =	vld [tilespmem:$0x7E80]  }
0x2de: {  	v2 =	vld [tilespmem:$0x8680];
	_ =	sdelay $0x3  }
0x2df: {  	v1 =	vperm.xlane v1, v0  }
0x2e0: {  	v2 =	vperm.xlane v2, v0  }
0x2e1: {  	vm0 =	veq.f32 v1, $+Inf  }
0x2e2: {  	v2 =	vsel vm0, $0x0, v2  }
0x2e3: {  	(xrf1) =	vsort.ascd.msk.f32 $0xffff, v1, v2;
	_ =	sdelay $0x7  }
0x2e4: {  	v1 =	vld [tilespmem:$0x7F00]  }
0x2e5: {  	v2 =	vld [tilespmem:$0x8700];
	_ =	sdelay $0x3  }
0x2e6: {  	v1 =	vperm.xlane v1, v0  }
0x2e7: {  	v2 =	vperm.xlane v2, v0;
	v3, v4, _ =	vpop (xrf1)  }
0x2e8: {  	vm12 =	vle.f32 v3, v1  }
0x2e9: {  	v1 =	vsel vm12, v3, v1;
	v2 =	vsel vm12, v4, v2  }
0x2ea: {  	(xrf1) =	vsort.ascd.msk.f32 $0xffff, v1, v2;
	_ =	sdelay $0x7  }
0x2eb: {  	v1 =	vld [tilespmem:$0x7F80]  }
0x2ec: {  	v2 =	vld [tilespmem:$0x8780];
	_ =	sdelay $0x3  }
0x2ed: {  	v1 =	vperm.xlane v1, v0  }
0x2ee: {  	v2 =	vperm.xlane v2, v0;
	v3, v50, _ =	vpop (xrf1)  }
0x2ef: {  	vm13 =	vle.f32 v3, v1  }
0x2f0: {  	v1 =	vsel vm13, v3, v1;
	v2 =	vsel vm13, v50, v2  }
0x2f1: {  	(xrf1) =	vsort.ascd.msk.f32 $0xffff, v1, v2;
	_ =	sdelay $0x7  }
0x2f2: {  	v1 =	vld [tilespmem:$0x8000]  }
0x2f3: {  	v2 =	vld [tilespmem:$0x8800];
	_ =	sdelay $0x3  }
0x2f4: {  	v1 =	vperm.xlane v1, v0  }
0x2f5: {  	v2 =	vperm.xlane v2, v0;
	v3, v51, _ =	vpop (xrf1)  }
0x2f6: {  	vm14 =	vle.f32 v3, v1  }
0x2f7: {  	v1 =	vsel vm14, v3, v1;
	v2 =	vsel vm14, v51, v2  }
0x2f8: {  	(xrf1) =	vsort.ascd.msk.f32 $0xffff, v1, v2;
	_ =	sdelay $0x7  }
0x2f9: {  	v1 =	vld [tilespmem:$0x8080]  }
0x2fa: {  	v2 =	vld [tilespmem:$0x8880];
	_ =	sdelay $0x3  }
0x2fb: {  	v1 =	vperm.xlane v1, v0  }
0x2fc: {  	v2 =	vperm.xlane v2, v0;
	v3, v52, _ =	vpop (xrf1)  }
0x2fd: {  	vm15 =	vle.f32 v3, v1  }
0x2fe: {  	v1 =	vsel vm15, v3, v1;
	v2 =	vsel vm15, v52, v2  }
0x2ff: {  	(xrf1) =	vsort.ascd.msk.f32 $0xffff, v1, v2;
	_ =	sdelay $0x7  }
0x300: {  	v1 =	vld [tilespmem:$0x8100]  }
0x301: {  	v2 =	vld [tilespmem:$0x8900];
	_ =	sdelay $0x3  }
0x302: {  	v1 =	vperm.xlane v1, v0  }
0x303: {  	v2 =	vperm.xlane v2, v0;
	v3, v53, _ =	vpop (xrf1)  }
0x304: {  	vm4 =	vle.f32 v3, v1  }
0x305: {  	v1 =	vsel vm4, v3, v1;
	v2 =	vsel vm4, v53, v2  }
0x306: {  	(xrf1) =	vsort.ascd.msk.f32 $0xffff, v1, v2;
	_ =	sdelay $0x7  }
0x307: {  	v1 =	vld [tilespmem:$0x8180]  }
0x308: {  	v2 =	vld [tilespmem:$0x8980];
	_ =	sdelay $0x3  }
0x309: {  	v1 =	vperm.xlane v1, v0  }
0x30a: {  	v2 =	vperm.xlane v2, v0;
	v3, v54, _ =	vpop (xrf1)  }
0x30b: {  	vm5 =	vle.f32 v3, v1  }
0x30c: {  	v1 =	vsel vm5, v3, v1;
	v2 =	vsel vm5, v54, v2  }
0x30d: {  	(xrf1) =	vsort.ascd.msk.f32 $0xffff, v1, v2;
	_ =	sdelay $0x7  }
0x30e: {  	v1 =	vld [tilespmem:$0x8200]  }
0x30f: {  	v2 =	vld [tilespmem:$0x8A00];
	_ =	sdelay $0x3  }
0x310: {  	v1 =	vperm.xlane v1, v0  }
0x311: {  	v2 =	vperm.xlane v2, v0;
	v3, v55, _ =	vpop (xrf1)  }
0x312: {  	vm6 =	vle.f32 v3, v1  }
0x313: {  	v1 =	vsel vm6, v3, v1;
	v2 =	vsel vm6, v55, v2  }
0x314: {  	(xrf1) =	vsort.ascd.msk.f32 $0xffff, v1, v2;
	_ =	sdelay $0x7  }
0x315: {  	v1 =	vld [tilespmem:$0x8280]  }
0x316: {  	v2 =	vld [tilespmem:$0x8A80];
	_ =	sdelay $0x3  }
0x317: {  	v1 =	vperm.xlane v1, v0  }
0x318: {  	v2 =	vperm.xlane v2, v0;
	v3, v56, _ =	vpop (xrf1)  }
0x319: {  	vm7 =	vle.f32 v3, v1  }
0x31a: {  	v1 =	vsel vm7, v3, v1;
	v2 =	vsel vm7, v56, v2  }
0x31b: {  	(xrf1) =	vsort.ascd.msk.f32 $0xffff, v1, v2;
	_ =	sdelay $0x7  }
0x31c: {  	v1 =	vld [tilespmem:$0x8300]  }
0x31d: {  	v2 =	vld [tilespmem:$0x8B00];
	_ =	sdelay $0x3  }
0x31e: {  	v1 =	vperm.xlane v1, v0  }
0x31f: {  	v2 =	vperm.xlane v2, v0;
	v3, v57, _ =	vpop (xrf1)  }
0x320: {  	vm8 =	vle.f32 v3, v1  }
0x321: {  	v1 =	vsel vm8, v3, v1;
	v2 =	vsel vm8, v57, v2  }
0x322: {  	(xrf1) =	vsort.ascd.msk.f32 $0xffff, v1, v2;
	_ =	sdelay $0x7  }
0x323: {  	v1 =	vld [tilespmem:$0x8380]  }
0x324: {  	v2 =	vld [tilespmem:$0x8B80];
	_ =	sdelay $0x3  }
0x325: {  	v1 =	vperm.xlane v1, v0  }
0x326: {  	v2 =	vperm.xlane v2, v0;
	v3, v58, _ =	vpop (xrf1)  }
0x327: {  	vm9 =	vle.f32 v3, v1  }
0x328: {  	v1 =	vsel vm9, v3, v1;
	v2 =	vsel vm9, v58, v2  }
0x329: {  	(xrf1) =	vsort.ascd.msk.f32 $0xffff, v1, v2;
	_ =	sdelay $0x7  }
0x32a: {  	v1 =	vld [tilespmem:$0x8400]  }
0x32b: {  	v2 =	vld [tilespmem:$0x8C00];
	_ =	sdelay $0x3  }
0x32c: {  	v1 =	vperm.xlane v1, v0  }
0x32d: {  	v2 =	vperm.xlane v2, v0;
	v3, v59, _ =	vpop (xrf1)  }
0x32e: {  	vm10 =	vle.f32 v3, v1  }
0x32f: {  	v1 =	vsel vm10, v3, v1;
	v2 =	vsel vm10, v59, v2  }
0x330: {  	(xrf1) =	vsort.ascd.msk.f32 $0xffff, v1, v2;
	_ =	sdelay $0x7  }
0x331: {  	v1 =	vld [tilespmem:$0x8480]  }
0x332: {  	v2 =	vld [tilespmem:$0x8C80];
	_ =	sdelay $0x3  }
0x333: {  	v1 =	vperm.xlane v1, v0  }
0x334: {  	v2 =	vperm.xlane v2, v0;
	v3, v60, _ =	vpop (xrf1)  }
0x335: {  	vm11 =	vle.f32 v3, v1  }
0x336: {  	v1 =	vsel vm11, v3, v1;
	v2 =	vsel vm11, v60, v2  }
0x337: {  	(xrf1) =	vsort.ascd.msk.f32 $0xffff, v1, v2;
	_ =	sdelay $0x7  }
0x338: {  	v1 =	vld [tilespmem:$0x8500]  }
0x339: {  	v2 =	vld [tilespmem:$0x8D00];
	_ =	sdelay $0x3  }
0x33a: {  	v1 =	vperm.xlane v1, v0  }
0x33b: {  	v2 =	vperm.xlane v2, v0;
	v3, v61, _ =	vpop (xrf1)  }
0x33c: {  	vm12 =	vle.f32 v3, v1  }
0x33d: {  	v1 =	vsel vm12, v3, v1;
	v2 =	vsel vm12, v61, v2  }
0x33e: {  	(xrf1) =	vsort.ascd.msk.f32 $0xffff, v1, v2;
	_ =	sdelay $0x7  }
0x33f: {  	v1 =	vld [tilespmem:$0x8580]  }
0x340: {  	v2 =	vld [tilespmem:$0x8D80];
	_ =	sdelay $0x3  }
0x341: {  	v1 =	vperm.xlane v1, v0  }
0x342: {  	v2 =	vperm.xlane v2, v0;
	v3, v62, _ =	vpop (xrf1)  }
0x343: {  	vm13 =	vle.f32 v3, v1  }
0x344: {  	v1 =	vsel vm13, v3, v1;
	v2 =	vsel vm13, v62, v2  }
0x345: {  	(xrf1) =	vsort.ascd.msk.f32 $0xffff, v1, v2;
	_ =	sdelay $0x7  }
0x346: {  	v1 =	vld [tilespmem:$0x8600]  }
0x347: {  	v2 =	vld [tilespmem:$0x8E00];
	_ =	sdelay $0x3  }
0x348: {  	v1 =	vperm.xlane v1, v0  }
0x349: {  	v2 =	vperm.xlane v2, v0;
	v3, v63, _ =	vpop (xrf1)  }
0x34a: {  	vm14 =	vle.f32 v3, v1  }
0x34b: {  	v1 =	vsel vm14, v3, v1;
	v2 =	vsel vm14, v63, v2  }
0x34c: {  	(xrf1) =	vsort.ascd.msk.f32 $0xffff, v1, v2;
	_ =	sdelay $0xd  }
0x34d: {  	vm15 =	vmmov $0x3ff;
	_, v1, _ =	vpop (xrf1)  }
0x34e: {  	v1 =	vnsel vm15, $0x0, v1  }
0x34f: {  	(xrf2) =	vadd.scan.msk.f32 $0xffff, v1;
	_ =	sdelay $0x9  }
0x350: {  	v1, _, _ =	vpop (xrf2)  }
0x351: {  	v1 =	vbroadcast v1, $0xF;
	_ =	sdelay $0x1  }
.Ltmp11:
0x352: {  	s31 =	simm.s32 $0x8E80;
	[tilespmem:$0x8E80] =	vst v1;
	(pc) =	sbr.rel .LBB2_19-.Ltmp11, $4  }
0x353: {  	[hbm4b:s18+s2] =	stream.linear.scatter [tilespmem:s31], [sflag:$0x1], $0x80, $0x38;
	[tilespmem:$0x8F00] =	vst v63  }
0x354: {  	_ =	swait.ge [sflag:s20], $0x80  }
0x355: {  	[sflag:s20] =	ssyncset.done $0x0  }
0x356: {  	[sflag:s20] =	ssyncadd.s32 $0xFFFFFF80  }
.LBB2_20:
0x357: {  	_ =	sfence.sel $0x180000  }
0x358: {  	[bflag:$0x0] =	sbarrier.arrive $0xFFFF  }
0x359: {  	_ =	strace $0x90000047  }
0x35a: {  	s0 =	stileid.u32;
	[bflag:$0x2] =	sbarrier.arrive $0xFFFF  }
0x35b: {  	p0 =	sne.s32 s0, $0x0;
	s0 =	rddreg [dreg:$0x1]  }
0x35c: {  	s0 =	sadd.s32 @!p0 $0x100000, s0  }
0x35d: {  	[sflag:s0] =	ssyncadd.tile.s32 @!p0 $0x1;
	_ =	shalt  }
.Lfunc_end2:
_tile_overlayer_lowered:
.L_overlay_start_2:
0x35e: {  	(tag) =	ssettag $0x2  }
0x35f: {  	s0 =	rddreg [dreg:$0x0];
	s2 =	stileid.u32  }
0x360: {  	s1 =	rddreg [dreg:$0x1];
	p0 =	sne.s32 s2, $0x0  }
0x361: {  	s3 =	rddreg [dreg:$0x2];
	[bflag:$0x3] =	sbarrier.arrive $0xFFFF;
	s2 =	simm.s32 @!p0 $0x1C01  }
0x362: {  	[timem:s3], [sflag:s2] =	dma.local @!p0 [hbm:s0], s1  }
0x363: {  	s0 =	simm.s32 @!p0 $0x1  }
0x364: {  	_ =	swait.ge @!p0 [sflag:s0], s1  }
0x365: {  	s1 =	ssub.s32 @!p0 $0x0, s1;
	[sflag:s0] =	ssyncset.done @!p0 $0x0  }
0x366: {  	[sflag:s0] =	ssyncadd.s32 @!p0 s1  }
0x367: {  	[bflag:$0x3] =	sbarrier.arrive $0xFFFF  }
0x368: {  	_ =	shalt  }

</sc_bundles>
